<compile_context>
chip_gen: v7x
topology: tpu7x:2x2x1
jax: 0.10.2.dev20260603
libtpu: 0.0.44.dev20260713+nightly
codegen_flags: <defaults>
</compile_context>

<pallas_src>
import jax
import jax.numpy as jnp
from jax import lax
from jax.experimental import pallas as pl
from jax.experimental.pallas import tpu as pltpu
from jax.experimental.pallas import tpu_sc as plsc

_NC = 2
_NS = 16
_G = 64


def _pick_chunk(ept):
    for ch in range(128, 0, -1):
        nch = ept // ch
        if ept % ch == 0 and nch % 4 == 0 and nch >= 8:
            return ch
    raise ValueError(f"no legal chunk size for {ept} edges per tile")


def _edge_pass(feats, edge_index, with_count):
    n, h = feats.shape
    e = edge_index.shape[1]
    nw = _NC * _NS
    assert e % nw == 0 and n % _NS == 0
    ept = e // nw
    ch = _pick_chunk(ept)
    nch = ept // ch
    rp = (n // 8 // _NS) * 8
    rl = n - rp * (_NS - 1)

    mesh = plsc.VectorSubcoreMesh(core_axis_name="c", subcore_axis_name="s",
                                  num_cores=_NC, num_subcores=_NS)

    _NB = 8
    assert nch % _NB == 0 and nch >= 2 * _NB

    out_type = [jax.ShapeDtypeStruct((_NC * n, h), jnp.float32)]
    scratch = [
        pltpu.VMEM_SHARED((n, h), jnp.float32),
        pltpu.VMEM((nch, ch), jnp.int32),
        pltpu.VMEM((nch, ch), jnp.int32),
        pltpu.VMEM((_NB, ch, h), jnp.float32),
        pltpu.VMEM((rl, h), jnp.float32),
    ]
    scratch += [pltpu.SemaphoreType.DMA] * _NB
    scratch += [pltpu.SemaphoreType.DMA] * _NB
    if with_count:
        out_type.append(jax.ShapeDtypeStruct((_NC * n,), jnp.float32))
        scratch += [
            pltpu.VMEM_SHARED((n,), jnp.float32),
            pltpu.VMEM((ch,), jnp.float32),
            pltpu.VMEM((rl,), jnp.float32),
        ]
        scratch += [pltpu.SemaphoreType.DMA] * _NB

    def body(feats_hbm, zrows_hbm, zcnt_hbm, ones_hbm, edges_hbm, *rest):
        if with_count:
            (agg_out, cnt_out, agg_sh, src_v, dst_v, rows_v, zb_v,
             *sems) = rest
            gsems = sems[:_NB]
            ssems = sems[_NB:2 * _NB]
            cnt_sh, ones_v, zc_v = sems[2 * _NB:2 * _NB + 3]
            csems = sems[2 * _NB + 3:]
        else:
            (agg_out, agg_sh, src_v, dst_v, rows_v, zb_v, *sems) = rest
            gsems = sems[:_NB]
            ssems = sems[_NB:]
            csems = (None,) * _NB
        c = lax.axis_index("c")
        s = lax.axis_index("s")
        wid = c * _NS + s

        pltpu.sync_copy(edges_hbm.at[0, pl.ds(wid * nch, nch)], src_v)
        pltpu.sync_copy(edges_hbm.at[1, pl.ds(wid * nch, nch)], dst_v)

        pltpu.sync_copy(zrows_hbm, zb_v)
        if with_count:
            pltpu.sync_copy(zcnt_hbm, zc_v)
            pltpu.sync_copy(ones_hbm, ones_v)

        @pl.when(s < _NS - 1)
        def _():
            pltpu.sync_copy(zb_v.at[pl.ds(0, rp)],
                            agg_sh.at[pl.ds(s * rp, rp)])
            if with_count:
                pltpu.sync_copy(zc_v.at[pl.ds(0, rp)],
                                cnt_sh.at[pl.ds(s * rp, rp)])

        @pl.when(s == _NS - 1)
        def _():
            pltpu.sync_copy(zb_v, agg_sh.at[pl.ds((_NS - 1) * rp, rl)])
            if with_count:
                pltpu.sync_copy(zc_v, cnt_sh.at[pl.ds((_NS - 1) * rp, rl)])

        plsc.subcore_barrier()

        def fire_gather(j, b):
            pltpu.async_copy(feats_hbm.at[src_v.at[j]],
                             rows_v.at[b], gsems[b])

        def wait_gather(j, b):
            pltpu.make_async_copy(feats_hbm.at[src_v.at[j]],
                                  rows_v.at[b], gsems[b]).wait()

        def fire_scatter(j, b):
            pltpu.async_copy(rows_v.at[b], agg_sh.at[dst_v.at[j]],
                             ssems[b], add=True)
            if with_count:
                pltpu.async_copy(ones_v, cnt_sh.at[dst_v.at[j]],
                                 csems[b], add=True)

        def wait_scatter(j, b):
            pltpu.make_async_copy(rows_v.at[b], agg_sh.at[dst_v.at[j]],
                                  ssems[b]).wait()
            if with_count:
                pltpu.make_async_copy(ones_v, cnt_sh.at[dst_v.at[j]],
                                      csems[b]).wait()

        def step(j, u, fire_next=True, wait_prev=True):
            wait_gather(j, u)
            fire_scatter(j, u)
            if wait_prev:
                wait_scatter(j - 1, (u + _NB - 1) % _NB)
            if fire_next:
                fire_gather(j + _NB - 1, (u + _NB - 1) % _NB)

        for b in range(_NB - 1):
            fire_gather(b, b)
        step(0, 0, wait_prev=False)
        for j in range(1, _NB):
            step(j, j % _NB)

        def quad(g, carry):
            j0 = _NB * g
            for u in range(_NB):
                j = j0 + u

                @pl.when(j + _NB - 1 < nch)
                def _():
                    step(j, u)

                @pl.when(j + _NB - 1 >= nch)
                def _():
                    step(j, u, fire_next=False)
            return carry

        lax.fori_loop(1, nch // _NB, quad, 0)
        wait_scatter(nch - 1, (_NB - 1) % _NB)
        plsc.subcore_barrier()

        @pl.when(s < _NS - 1)
        def _():
            pltpu.sync_copy(agg_sh.at[pl.ds(s * rp, rp)],
                            zb_v.at[pl.ds(0, rp)])
            pltpu.sync_copy(zb_v.at[pl.ds(0, rp)],
                            agg_out.at[pl.ds(c * n + s * rp, rp)])
            if with_count:
                pltpu.sync_copy(cnt_sh.at[pl.ds(s * rp, rp)],
                                zc_v.at[pl.ds(0, rp)])
                pltpu.sync_copy(zc_v.at[pl.ds(0, rp)],
                                cnt_out.at[pl.ds(c * n + s * rp, rp)])

        @pl.when(s == _NS - 1)
        def _():
            pltpu.sync_copy(agg_sh.at[pl.ds((_NS - 1) * rp, rl)], zb_v)
            pltpu.sync_copy(zb_v,
                            agg_out.at[pl.ds(c * n + (_NS - 1) * rp, rl)])
            if with_count:
                pltpu.sync_copy(cnt_sh.at[pl.ds((_NS - 1) * rp, rl)], zc_v)
                pltpu.sync_copy(
                    zc_v, cnt_out.at[pl.ds(c * n + (_NS - 1) * rp, rl)])

    run = pl.kernel(
        body, out_type=tuple(out_type), mesh=mesh,
        scratch_types=tuple(scratch),
        compiler_params=pltpu.CompilerParams(use_tc_tiling_on_sc=False))
    zrows = jnp.zeros((rl, h), jnp.float32)
    zcnt = jnp.zeros((rl,), jnp.float32)
    ones = jnp.ones((ch,), jnp.float32)
    return run(feats, zrows, zcnt, ones, edge_index.reshape(2, -1, ch))


def _proj_tc(x, m1l, m1r):
    n = x.shape[0]
    p = n // 8

    def body(x_ref, wl_ref, wr_ref, xl_ref, xr_ref):
        xf = x_ref[...].reshape(p, 8 * x_ref.shape[1])
        xl_ref[...] = jnp.dot(xf, wl_ref[...],
                              preferred_element_type=jnp.float32)
        xr_ref[...] = jnp.dot(xf, wr_ref[...],
                              preferred_element_type=jnp.float32)

    return pl.pallas_call(
        body,
        out_shape=(jax.ShapeDtypeStruct((p, 128), jnp.float32),
                   jax.ShapeDtypeStruct((p, 128), jnp.float32)),
    )(x, m1l, m1r)


def _mid_tc(agg1p, cnt8, xr_p, bl1_8, m2l, m2r, rmat):
    p = xr_p.shape[0]

    def body(agg_ref, cnt_ref, xr_ref, b_ref, wl_ref, wr_ref, r_ref,
             hl_ref, hr_ref, sc_ref):
        a = agg_ref[...]
        agg = a[:p] + a[p:]
        cv = cnt_ref[...]
        inv8 = 1.0 / jnp.maximum(cv[:p] + cv[p:], 1.0)
        inv = jnp.dot(inv8, r_ref[...], preferred_element_type=jnp.float32)
        hh = jnp.maximum(agg * inv + b_ref[...] + xr_ref[...], 0.0)
        hl_ref[...] = jnp.dot(hh, wl_ref[...],
                              preferred_element_type=jnp.float32)
        hr_ref[...] = jnp.dot(hh, wr_ref[...],
                              preferred_element_type=jnp.float32)
        sc_ref[...] = inv

    return pl.pallas_call(
        body,
        out_shape=(jax.ShapeDtypeStruct((p, 128), jnp.float32),
                   jax.ShapeDtypeStruct((p, 128), jnp.float32),
                   jax.ShapeDtypeStruct((p, 128), jnp.float32)),
    )(agg1p, cnt8, xr_p, bl1_8, m2l, m2r, rmat)


def _final_tc(agg2p, inv_p, hr_p, bl2_8, batch8t, wfct, bfc):
    p = hr_p.shape[0]
    h = 16
    co = wfct.shape[1]

    def body(agg_ref, sc_ref, hr_ref, b_ref, bt_ref, wf_ref, bf_ref, o_ref):
        a = agg_ref[...]
        h2 = (a[:p] + a[p:]) * sc_ref[...] + b_ref[...] + hr_ref[...]
        bt = bt_ref[...]
        iot = lax.broadcasted_iota(jnp.int32, (_G, p), 0)
        pooled = jnp.zeros((_G, h), jnp.float32)
        gcnt = jnp.zeros((_G, 1), jnp.float32)
        for sub in range(8):
            oh = jnp.where(iot == bt[sub][None, :], 1.0, 0.0)
            pa = jnp.dot(oh, h2, preferred_element_type=jnp.float32)
            pooled = pooled + pa[:, h * sub:h * (sub + 1)]
            gcnt = gcnt + jnp.sum(oh, axis=1, keepdims=True)
        pooled = pooled / jnp.maximum(gcnt, 1.0)
        logits = jnp.dot(pooled, wf_ref[...],
                         preferred_element_type=jnp.float32) + bf_ref[...]
        m = jnp.max(logits, axis=1, keepdims=True)
        sh = logits - m
        o_ref[...] = sh - jnp.log(jnp.sum(jnp.exp(sh), axis=1, keepdims=True))

    return pl.pallas_call(
        body,
        out_shape=jax.ShapeDtypeStruct((_G, co), jnp.float32),
    )(agg2p, inv_p, hr_p, bl2_8, batch8t, wfct, bfc.reshape(1, co))


def kernel(x, edge_index, batch, Wl1, bl1, Wr1, Wl2, bl2, Wr2, Wfc, bfc):
    n, _ = x.shape
    h = Wl1.shape[0]
    p = n // 8
    eye8 = jnp.eye(8, dtype=jnp.float32)
    m1l = jnp.kron(eye8, Wl1.T)
    m1r = jnp.kron(eye8, Wr1.T)
    m2l = jnp.kron(eye8, Wl2.T)
    m2r = jnp.kron(eye8, Wr2.T)
    rmat = jnp.kron(eye8, jnp.ones((1, h), jnp.float32))
    bl1_8 = jnp.tile(bl1, 8).reshape(1, 128)
    bl2_8 = jnp.tile(bl2, 8).reshape(1, 128)

    xl_p, xr_p = _proj_tc(x, m1l, m1r)
    agg1p, cntp = _edge_pass(xl_p.reshape(n, h), edge_index, with_count=True)
    hl_p, hr_p, inv_p = _mid_tc(agg1p.reshape(2 * p, 128),
                                cntp.reshape(2 * p, 8), xr_p, bl1_8,
                                m2l, m2r, rmat)
    (agg2p,) = _edge_pass(hl_p.reshape(n, h), edge_index, with_count=False)
    return _final_tc(agg2p.reshape(2 * p, 128), inv_p, hr_p, bl2_8,
                     batch.reshape(p, 8).T, Wfc.T, bfc)

# --- scband reference (transcript-rebuilt; emitter-appended) ---
"""Pipeline reference for scband-graph-sage-4312147165749 (READ-ONLY COPY).

The authoritative reference and input builder live on the scoring server;
editing this copy changes nothing except your own understanding.
"""

import jax, jax.numpy as jnp
import numpy as np

N = 10000
E = 320000
D = 128
H = 16
C = 16
G = 64


def setup_inputs(seed: int = 0) -> dict:
    key = jax.random.key(seed)
    ks = jax.random.split(key, 12)
    x = jax.random.normal(ks[0], (N, D), dtype=jnp.float32)
    edge_index = jax.random.randint(ks[1], (2, E), 0, N)
    batch = jnp.sort(jax.random.randint(ks[2], (N,), 0, G))
    s1 = 1.0 / np.sqrt(D)
    s2 = 1.0 / np.sqrt(H)
    Wl1 = jax.random.normal(ks[3], (H, D), dtype=jnp.float32) * s1
    bl1 = jnp.zeros((H,), dtype=jnp.float32)
    Wr1 = jax.random.normal(ks[4], (H, D), dtype=jnp.float32) * s1
    Wl2 = jax.random.normal(ks[5], (H, H), dtype=jnp.float32) * s2
    bl2 = jnp.zeros((H,), dtype=jnp.float32)
    Wr2 = jax.random.normal(ks[6], (H, H), dtype=jnp.float32) * s2
    Wfc = jax.random.normal(ks[7], (C, H), dtype=jnp.float32) * s2
    bfc = jnp.zeros((C,), dtype=jnp.float32)
    return {"x": x, "edge_index": edge_index, "batch": batch,
            "Wl1": Wl1, "bl1": bl1, "Wr1": Wr1,
            "Wl2": Wl2, "bl2": bl2, "Wr2": Wr2,
            "Wfc": Wfc, "bfc": bfc}


def _sage_conv(x, edge_index, Wl, bl, Wr):
    # PyG SAGEConv (mean aggr): out = lin_l(mean_j x_j) + lin_r(x); lin_l has bias
    src = edge_index[0]
    dst = edge_index[1]
    msgs = jnp.take(x, src, axis=0)                      # gather from source nodes
    agg = jax.ops.segment_sum(msgs, dst, num_segments=N)  # scatter-add at dst
    cnt = jax.ops.segment_sum(jnp.ones((E,), dtype=x.dtype), dst, num_segments=N)
    mean = agg / jnp.maximum(cnt, 1.0)[:, None]
    return mean @ Wl.T + bl + x @ Wr.T


def reference(x, edge_index, batch, Wl1, bl1, Wr1, Wl2, bl2, Wr2, Wfc, bfc):
    h = jax.nn.relu(_sage_conv(x, edge_index, Wl1, bl1, Wr1))
    # dropout p=0.5 is identity in eval mode (training=False)
    h = _sage_conv(h, edge_index, Wl2, bl2, Wr2)
    # global_mean_pool over graph ids
    pooled = jax.ops.segment_sum(h, batch, num_segments=G)
    gcnt = jax.ops.segment_sum(jnp.ones((N,), dtype=h.dtype), batch, num_segments=G)
    pooled = pooled / jnp.maximum(gcnt, 1.0)[:, None]
    logits = pooled @ Wfc.T + bfc
    return jax.nn.log_softmax(logits, axis=1)

if __name__ == "__main__":
    import jax
    _d = setup_inputs()
    print(jax.jit(kernel)(*tuple(_d.values())))

</pallas_src>

<mosaic_0001>
#map = affine_map<(d0, d1) -> (0, 0)>
#map1 = affine_map<(d0, d1) -> (0)>
#map2 = affine_map<(d0, d1) -> (0, 0, 0)>
module attributes {stable_mosaic.version = 14 : i64} {
  func.func @body(%arg0: i32, %arg1: i32, %arg2: memref<10000x16xf32, #tpu.memory_space<hbm>>, %arg3: memref<640x16xf32, #tpu.memory_space<hbm>>, %arg4: memref<640xf32, #tpu.memory_space<hbm>>, %arg5: memref<125xf32, #tpu.memory_space<hbm>>, %arg6: memref<2x2560x125xi32, #tpu.memory_space<hbm>>, %arg7: memref<20000x16xf32, #tpu.memory_space<hbm>>, %arg8: memref<20000xf32, #tpu.memory_space<hbm>>, %arg9: memref<10000x16xf32, #tpu.memory_space<vmem_shared>>, %arg10: memref<80x125xi32, #tpu.memory_space<vmem>>, %arg11: memref<80x125xi32, #tpu.memory_space<vmem>>, %arg12: memref<8x125x16xf32, #tpu.memory_space<vmem>>, %arg13: memref<640x16xf32, #tpu.memory_space<vmem>>, %arg14: memref<!tpu.dma_semaphore, #tpu.memory_space<semaphore_mem>>, %arg15: memref<!tpu.dma_semaphore, #tpu.memory_space<semaphore_mem>>, %arg16: memref<!tpu.dma_semaphore, #tpu.memory_space<semaphore_mem>>, %arg17: memref<!tpu.dma_semaphore, #tpu.memory_space<semaphore_mem>>, %arg18: memref<!tpu.dma_semaphore, #tpu.memory_space<semaphore_mem>>, %arg19: memref<!tpu.dma_semaphore, #tpu.memory_space<semaphore_mem>>, %arg20: memref<!tpu.dma_semaphore, #tpu.memory_space<semaphore_mem>>, %arg21: memref<!tpu.dma_semaphore, #tpu.memory_space<semaphore_mem>>, %arg22: memref<!tpu.dma_semaphore, #tpu.memory_space<semaphore_mem>>, %arg23: memref<!tpu.dma_semaphore, #tpu.memory_space<semaphore_mem>>, %arg24: memref<!tpu.dma_semaphore, #tpu.memory_space<semaphore_mem>>, %arg25: memref<!tpu.dma_semaphore, #tpu.memory_space<semaphore_mem>>, %arg26: memref<!tpu.dma_semaphore, #tpu.memory_space<semaphore_mem>>, %arg27: memref<!tpu.dma_semaphore, #tpu.memory_space<semaphore_mem>>, %arg28: memref<!tpu.dma_semaphore, #tpu.memory_space<semaphore_mem>>, %arg29: memref<!tpu.dma_semaphore, #tpu.memory_space<semaphore_mem>>, %arg30: memref<10000xf32, #tpu.memory_space<vmem_shared>>, %arg31: memref<125xf32, #tpu.memory_space<vmem>>, %arg32: memref<640xf32, #tpu.memory_space<vmem>>, %arg33: memref<!tpu.dma_semaphore, #tpu.memory_space<semaphore_mem>>, %arg34: memref<!tpu.dma_semaphore, #tpu.memory_space<semaphore_mem>>, %arg35: memref<!tpu.dma_semaphore, #tpu.memory_space<semaphore_mem>>, %arg36: memref<!tpu.dma_semaphore, #tpu.memory_space<semaphore_mem>>, %arg37: memref<!tpu.dma_semaphore, #tpu.memory_space<semaphore_mem>>, %arg38: memref<!tpu.dma_semaphore, #tpu.memory_space<semaphore_mem>>, %arg39: memref<!tpu.dma_semaphore, #tpu.memory_space<semaphore_mem>>, %arg40: memref<!tpu.dma_semaphore, #tpu.memory_space<semaphore_mem>>) attributes {dimension_semantics = [#tpu.dimension_semantics<core_parallel>, #tpu.dimension_semantics<subcore_parallel>], iteration_bounds = array<i64: 2, 16>, scalar_prefetch = 0 : i64, scratch_operands = 32 : i64, tpu.core_type = #tpu.core_type<sc_vector_subcore>, window_params = [{transform_indices = #map}, {transform_indices = #map}, {transform_indices = #map1}, {transform_indices = #map1}, {transform_indices = #map2}, {transform_indices = #map}, {transform_indices = #map1}]} {
    %mul3A = arith.constant 16 : i32
    %mul3A_0 = arith.muli %arg0, %mul3A : i32
    %add3A = arith.addi %mul3A_0, %arg1 : i32
    %mul3A_1 = arith.constant 80 : i32
    %mul3A_2 = arith.muli %add3A, %mul3A_1 : i32
    %run_scoped3A = arith.constant 0 : i32
    "tpu.region"() ({
      %run_scoped3A_590 = tpu.sem_alloc : memref<!tpu.dma_semaphore, #tpu.memory_space<semaphore_mem>>
      %dma_start3A_591 = arith.constant 0 : i32
      %dma_start3A_592 = tpu.memref_slice %arg6[%run_scoped3A, %mul3A_2, %dma_start3A_591] : memref<2x2560x125xi32, #tpu.memory_space<hbm>> -> memref<1x80x125xi32, #tpu.memory_space<hbm>>
      %dma_start3A_593 = tpu.memref_squeeze %dma_start3A_592 : memref<1x80x125xi32, #tpu.memory_space<hbm>> -> memref<80x125xi32, #tpu.memory_space<hbm>>
      %dma_start3A_594 = arith.constant 0 : i32
      %dma_start3A_595 = tpu.memref_slice %arg6[%run_scoped3A, %mul3A_2, %dma_start3A_594] : memref<2x2560x125xi32, #tpu.memory_space<hbm>> -> memref<1x80x125xi32, #tpu.memory_space<hbm>>
      %dma_start3A_596 = tpu.memref_squeeze %dma_start3A_595 : memref<1x80x125xi32, #tpu.memory_space<hbm>> -> memref<80x125xi32, #tpu.memory_space<hbm>>
      tpu.enqueue_dma source(%dma_start3A_596 : memref<80x125xi32, #tpu.memory_space<hbm>>) target(%arg10 : memref<80x125xi32, #tpu.memory_space<vmem>>) target_semaphore(%run_scoped3A_590 : memref<!tpu.dma_semaphore, #tpu.memory_space<semaphore_mem>>)
      %dma_wait3A_597 = arith.constant 0 : i32
      %dma_wait3A_598 = tpu.memref_slice %arg6[%run_scoped3A, %mul3A_2, %dma_wait3A_597] : memref<2x2560x125xi32, #tpu.memory_space<hbm>> -> memref<1x80x125xi32, #tpu.memory_space<hbm>>
      %dma_wait3A_599 = tpu.memref_squeeze %dma_wait3A_598 : memref<1x80x125xi32, #tpu.memory_space<hbm>> -> memref<80x125xi32, #tpu.memory_space<hbm>>
      %dma_wait3A_600 = arith.constant 0 : i32
      %dma_wait3A_601 = tpu.memref_slice %arg6[%run_scoped3A, %mul3A_2, %dma_wait3A_600] : memref<2x2560x125xi32, #tpu.memory_space<hbm>> -> memref<1x80x125xi32, #tpu.memory_space<hbm>>
      %dma_wait3A_602 = tpu.memref_squeeze %dma_wait3A_601 : memref<1x80x125xi32, #tpu.memory_space<hbm>> -> memref<80x125xi32, #tpu.memory_space<hbm>>
      tpu.wait_dma2 semaphore(%run_scoped3A_590 : memref<!tpu.dma_semaphore, #tpu.memory_space<semaphore_mem>>) src(%dma_wait3A_602 : memref<80x125xi32, #tpu.memory_space<hbm>>) dst(%arg10 : memref<80x125xi32, #tpu.memory_space<vmem>>)
      tpu.yield
    }) : () -> ()
    %mul3A_3 = arith.constant 80 : i32
    %mul3A_4 = arith.muli %add3A, %mul3A_3 : i32
    %run_scoped3A_5 = arith.constant 1 : i32
    "tpu.region"() ({
      %run_scoped3A_590 = tpu.sem_alloc : memref<!tpu.dma_semaphore, #tpu.memory_space<semaphore_mem>>
      %dma_start3A_591 = arith.constant 0 : i32
      %dma_start3A_592 = tpu.memref_slice %arg6[%run_scoped3A_5, %mul3A_4, %dma_start3A_591] : memref<2x2560x125xi32, #tpu.memory_space<hbm>> -> memref<1x80x125xi32, #tpu.memory_space<hbm>>
      %dma_start3A_593 = tpu.memref_squeeze %dma_start3A_592 : memref<1x80x125xi32, #tpu.memory_space<hbm>> -> memref<80x125xi32, #tpu.memory_space<hbm>>
      %dma_start3A_594 = arith.constant 0 : i32
      %dma_start3A_595 = tpu.memref_slice %arg6[%run_scoped3A_5, %mul3A_4, %dma_start3A_594] : memref<2x2560x125xi32, #tpu.memory_space<hbm>> -> memref<1x80x125xi32, #tpu.memory_space<hbm>>
      %dma_start3A_596 = tpu.memref_squeeze %dma_start3A_595 : memref<1x80x125xi32, #tpu.memory_space<hbm>> -> memref<80x125xi32, #tpu.memory_space<hbm>>
      tpu.enqueue_dma source(%dma_start3A_596 : memref<80x125xi32, #tpu.memory_space<hbm>>) target(%arg11 : memref<80x125xi32, #tpu.memory_space<vmem>>) target_semaphore(%run_scoped3A_590 : memref<!tpu.dma_semaphore, #tpu.memory_space<semaphore_mem>>)
      %dma_wait3A_597 = arith.constant 0 : i32
      %dma_wait3A_598 = tpu.memref_slice %arg6[%run_scoped3A_5, %mul3A_4, %dma_wait3A_597] : memref<2x2560x125xi32, #tpu.memory_space<hbm>> -> memref<1x80x125xi32, #tpu.memory_space<hbm>>
      %dma_wait3A_599 = tpu.memref_squeeze %dma_wait3A_598 : memref<1x80x125xi32, #tpu.memory_space<hbm>> -> memref<80x125xi32, #tpu.memory_space<hbm>>
      %dma_wait3A_600 = arith.constant 0 : i32
      %dma_wait3A_601 = tpu.memref_slice %arg6[%run_scoped3A_5, %mul3A_4, %dma_wait3A_600] : memref<2x2560x125xi32, #tpu.memory_space<hbm>> -> memref<1x80x125xi32, #tpu.memory_space<hbm>>
      %dma_wait3A_602 = tpu.memref_squeeze %dma_wait3A_601 : memref<1x80x125xi32, #tpu.memory_space<hbm>> -> memref<80x125xi32, #tpu.memory_space<hbm>>
      tpu.wait_dma2 semaphore(%run_scoped3A_590 : memref<!tpu.dma_semaphore, #tpu.memory_space<semaphore_mem>>) src(%dma_wait3A_602 : memref<80x125xi32, #tpu.memory_space<hbm>>) dst(%arg11 : memref<80x125xi32, #tpu.memory_space<vmem>>)
      tpu.yield
    }) : () -> ()
    "tpu.region"() ({
      %run_scoped3A_590 = tpu.sem_alloc : memref<!tpu.dma_semaphore, #tpu.memory_space<semaphore_mem>>
      tpu.enqueue_dma source(%arg3 : memref<640x16xf32, #tpu.memory_space<hbm>>) target(%arg13 : memref<640x16xf32, #tpu.memory_space<vmem>>) target_semaphore(%run_scoped3A_590 : memref<!tpu.dma_semaphore, #tpu.memory_space<semaphore_mem>>)
      tpu.wait_dma2 semaphore(%run_scoped3A_590 : memref<!tpu.dma_semaphore, #tpu.memory_space<semaphore_mem>>) src(%arg3 : memref<640x16xf32, #tpu.memory_space<hbm>>) dst(%arg13 : memref<640x16xf32, #tpu.memory_space<vmem>>)
      tpu.yield
    }) : () -> ()
    "tpu.region"() ({
      %run_scoped3A_590 = tpu.sem_alloc : memref<!tpu.dma_semaphore, #tpu.memory_space<semaphore_mem>>
      tpu.enqueue_dma source(%arg4 : memref<640xf32, #tpu.memory_space<hbm>>) target(%arg32 : memref<640xf32, #tpu.memory_space<vmem>>) target_semaphore(%run_scoped3A_590 : memref<!tpu.dma_semaphore, #tpu.memory_space<semaphore_mem>>)
      tpu.wait_dma2 semaphore(%run_scoped3A_590 : memref<!tpu.dma_semaphore, #tpu.memory_space<semaphore_mem>>) src(%arg4 : memref<640xf32, #tpu.memory_space<hbm>>) dst(%arg32 : memref<640xf32, #tpu.memory_space<vmem>>)
      tpu.yield
    }) : () -> ()
    "tpu.region"() ({
      %run_scoped3A_590 = tpu.sem_alloc : memref<!tpu.dma_semaphore, #tpu.memory_space<semaphore_mem>>
      tpu.enqueue_dma source(%arg5 : memref<125xf32, #tpu.memory_space<hbm>>) target(%arg31 : memref<125xf32, #tpu.memory_space<vmem>>) target_semaphore(%run_scoped3A_590 : memref<!tpu.dma_semaphore, #tpu.memory_space<semaphore_mem>>)
      tpu.wait_dma2 semaphore(%run_scoped3A_590 : memref<!tpu.dma_semaphore, #tpu.memory_space<semaphore_mem>>) src(%arg5 : memref<125xf32, #tpu.memory_space<hbm>>) dst(%arg31 : memref<125xf32, #tpu.memory_space<vmem>>)
      tpu.yield
    }) : () -> ()
    %lt3A = arith.constant 15 : i32
    %lt3A_6 = arith.cmpi slt, %arg1, %lt3A : i32
    %convert_element_type3A = arith.extui %lt3A_6 : i1 to i32
    %cond3A = arith.constant 0 : i32
    %cond3A_7 = arith.cmpi ne, %convert_element_type3A, %cond3A : i32
    scf.if %cond3A_7 {
      %mul3A_590 = arith.constant 624 : i32
      %mul3A_591 = arith.muli %arg1, %mul3A_590 : i32
      "tpu.region"() ({
        %run_scoped3A_594 = tpu.sem_alloc : memref<!tpu.dma_semaphore, #tpu.memory_space<semaphore_mem>>
        %dma_start3A_595 = arith.constant 0 : i32
        %dma_start3A_596 = arith.constant 0 : i32
        %dma_start3A_597 = tpu.memref_slice %arg13[%dma_start3A_595, %dma_start3A_596] : memref<640x16xf32, #tpu.memory_space<vmem>> -> memref<624x16xf32, #tpu.memory_space<vmem>>
        %dma_start3A_598 = arith.constant 0 : i32
        %dma_start3A_599 = tpu.memref_slice %arg9[%mul3A_591, %dma_start3A_598] : memref<10000x16xf32, #tpu.memory_space<vmem_shared>> -> memref<624x16xf32, #tpu.memory_space<vmem_shared>>
        %dma_start3A_600 = arith.constant 0 : i32
        %dma_start3A_601 = tpu.memref_slice %arg9[%mul3A_591, %dma_start3A_600] : memref<10000x16xf32, #tpu.memory_space<vmem_shared>> -> memref<624x16xf32, #tpu.memory_space<vmem_shared>>
        %dma_start3A_602 = arith.constant 0 : i32
        %dma_start3A_603 = arith.constant 0 : i32
        %dma_start3A_604 = tpu.memref_slice %arg13[%dma_start3A_602, %dma_start3A_603] : memref<640x16xf32, #tpu.memory_space<vmem>> -> memref<624x16xf32, #tpu.memory_space<vmem>>
        tpu.enqueue_dma source(%dma_start3A_604 : memref<624x16xf32, #tpu.memory_space<vmem>>) target(%dma_start3A_601 : memref<624x16xf32, #tpu.memory_space<vmem_shared>>) target_semaphore(%run_scoped3A_594 : memref<!tpu.dma_semaphore, #tpu.memory_space<semaphore_mem>>)
        %dma_wait3A_605 = arith.constant 0 : i32
        %dma_wait3A_606 = arith.constant 0 : i32
        %dma_wait3A_607 = tpu.memref_slice %arg13[%dma_wait3A_605, %dma_wait3A_606] : memref<640x16xf32, #tpu.memory_space<vmem>> -> memref<624x16xf32, #tpu.memory_space<vmem>>
        %dma_wait3A_608 = arith.constant 0 : i32
        %dma_wait3A_609 = tpu.memref_slice %arg9[%mul3A_591, %dma_wait3A_608] : memref<10000x16xf32, #tpu.memory_space<vmem_shared>> -> memref<624x16xf32, #tpu.memory_space<vmem_shared>>
        %dma_wait3A_610 = arith.constant 0 : i32
        %dma_wait3A_611 = tpu.memref_slice %arg9[%mul3A_591, %dma_wait3A_610] : memref<10000x16xf32, #tpu.memory_space<vmem_shared>> -> memref<624x16xf32, #tpu.memory_space<vmem_shared>>
        %dma_wait3A_612 = arith.constant 0 : i32
        %dma_wait3A_613 = arith.constant 0 : i32
        %dma_wait3A_614 = tpu.memref_slice %arg13[%dma_wait3A_612, %dma_wait3A_613] : memref<640x16xf32, #tpu.memory_space<vmem>> -> memref<624x16xf32, #tpu.memory_space<vmem>>
        tpu.wait_dma2 semaphore(%run_scoped3A_594 : memref<!tpu.dma_semaphore, #tpu.memory_space<semaphore_mem>>) src(%dma_wait3A_614 : memref<624x16xf32, #tpu.memory_space<vmem>>) dst(%dma_wait3A_611 : memref<624x16xf32, #tpu.memory_space<vmem_shared>>)
        tpu.yield
      }) : () -> ()
      %mul3A_592 = arith.constant 624 : i32
      %mul3A_593 = arith.muli %arg1, %mul3A_592 : i32
      "tpu.region"() ({
        %run_scoped3A_594 = tpu.sem_alloc : memref<!tpu.dma_semaphore, #tpu.memory_space<semaphore_mem>>
        %dma_start3A_595 = arith.constant 0 : i32
        %dma_start3A_596 = tpu.memref_slice %arg32[%dma_start3A_595] : memref<640xf32, #tpu.memory_space<vmem>> -> memref<624xf32, #tpu.memory_space<vmem>>
        %dma_start3A_597 = tpu.memref_slice %arg30[%mul3A_593] : memref<10000xf32, #tpu.memory_space<vmem_shared>> -> memref<624xf32, #tpu.memory_space<vmem_shared>>
        %dma_start3A_598 = tpu.memref_slice %arg30[%mul3A_593] : memref<10000xf32, #tpu.memory_space<vmem_shared>> -> memref<624xf32, #tpu.memory_space<vmem_shared>>
        %dma_start3A_599 = arith.constant 0 : i32
        %dma_start3A_600 = tpu.memref_slice %arg32[%dma_start3A_599] : memref<640xf32, #tpu.memory_space<vmem>> -> memref<624xf32, #tpu.memory_space<vmem>>
        tpu.enqueue_dma source(%dma_start3A_600 : memref<624xf32, #tpu.memory_space<vmem>>) target(%dma_start3A_598 : memref<624xf32, #tpu.memory_space<vmem_shared>>) target_semaphore(%run_scoped3A_594 : memref<!tpu.dma_semaphore, #tpu.memory_space<semaphore_mem>>)
        %dma_wait3A_601 = arith.constant 0 : i32
        %dma_wait3A_602 = tpu.memref_slice %arg32[%dma_wait3A_601] : memref<640xf32, #tpu.memory_space<vmem>> -> memref<624xf32, #tpu.memory_space<vmem>>
        %dma_wait3A_603 = tpu.memref_slice %arg30[%mul3A_593] : memref<10000xf32, #tpu.memory_space<vmem_shared>> -> memref<624xf32, #tpu.memory_space<vmem_shared>>
        %dma_wait3A_604 = tpu.memref_slice %arg30[%mul3A_593] : memref<10000xf32, #tpu.memory_space<vmem_shared>> -> memref<624xf32, #tpu.memory_space<vmem_shared>>
        %dma_wait3A_605 = arith.constant 0 : i32
        %dma_wait3A_606 = tpu.memref_slice %arg32[%dma_wait3A_605] : memref<640xf32, #tpu.memory_space<vmem>> -> memref<624xf32, #tpu.memory_space<vmem>>
        tpu.wait_dma2 semaphore(%run_scoped3A_594 : memref<!tpu.dma_semaphore, #tpu.memory_space<semaphore_mem>>) src(%dma_wait3A_606 : memref<624xf32, #tpu.memory_space<vmem>>) dst(%dma_wait3A_604 : memref<624xf32, #tpu.memory_space<vmem_shared>>)
        tpu.yield
      }) : () -> ()
    } else {
    }
    %eq3A = arith.constant 15 : i32
    %eq3A_8 = arith.cmpi eq, %arg1, %eq3A : i32
    %convert_element_type3A_9 = arith.extui %eq3A_8 : i1 to i32
    %cond3A_10 = arith.constant 0 : i32
    %cond3A_11 = arith.cmpi ne, %convert_element_type3A_9, %cond3A_10 : i32
    scf.if %cond3A_11 {
      "tpu.region"() ({
        %run_scoped3A_590 = tpu.sem_alloc : memref<!tpu.dma_semaphore, #tpu.memory_space<semaphore_mem>>
        %dma_start3A_591 = arith.constant 9360 : i32
        %dma_start3A_592 = arith.constant 0 : i32
        %dma_start3A_593 = tpu.memref_slice %arg9[%dma_start3A_591, %dma_start3A_592] : memref<10000x16xf32, #tpu.memory_space<vmem_shared>> -> memref<640x16xf32, #tpu.memory_space<vmem_shared>>
        %dma_start3A_594 = arith.constant 9360 : i32
        %dma_start3A_595 = arith.constant 0 : i32
        %dma_start3A_596 = tpu.memref_slice %arg9[%dma_start3A_594, %dma_start3A_595] : memref<10000x16xf32, #tpu.memory_space<vmem_shared>> -> memref<640x16xf32, #tpu.memory_space<vmem_shared>>
        tpu.enqueue_dma source(%arg13 : memref<640x16xf32, #tpu.memory_space<vmem>>) target(%dma_start3A_596 : memref<640x16xf32, #tpu.memory_space<vmem_shared>>) target_semaphore(%run_scoped3A_590 : memref<!tpu.dma_semaphore, #tpu.memory_space<semaphore_mem>>)
        %dma_wait3A_597 = arith.constant 9360 : i32
        %dma_wait3A_598 = arith.constant 0 : i32
        %dma_wait3A_599 = tpu.memref_slice %arg9[%dma_wait3A_597, %dma_wait3A_598] : memref<10000x16xf32, #tpu.memory_space<vmem_shared>> -> memref<640x16xf32, #tpu.memory_space<vmem_shared>>
        %dma_wait3A_600 = arith.constant 9360 : i32
        %dma_wait3A_601 = arith.constant 0 : i32
        %dma_wait3A_602 = tpu.memref_slice %arg9[%dma_wait3A_600, %dma_wait3A_601] : memref<10000x16xf32, #tpu.memory_space<vmem_shared>> -> memref<640x16xf32, #tpu.memory_space<vmem_shared>>
        tpu.wait_dma2 semaphore(%run_scoped3A_590 : memref<!tpu.dma_semaphore, #tpu.memory_space<semaphore_mem>>) src(%arg13 : memref<640x16xf32, #tpu.memory_space<vmem>>) dst(%dma_wait3A_602 : memref<640x16xf32, #tpu.memory_space<vmem_shared>>)
        tpu.yield
      }) : () -> ()
      "tpu.region"() ({
        %run_scoped3A_590 = tpu.sem_alloc : memref<!tpu.dma_semaphore, #tpu.memory_space<semaphore_mem>>
        %dma_start3A_591 = arith.constant 9360 : i32
        %dma_start3A_592 = tpu.memref_slice %arg30[%dma_start3A_591] : memref<10000xf32, #tpu.memory_space<vmem_shared>> -> memref<640xf32, #tpu.memory_space<vmem_shared>>
        %dma_start3A_593 = arith.constant 9360 : i32
        %dma_start3A_594 = tpu.memref_slice %arg30[%dma_start3A_593] : memref<10000xf32, #tpu.memory_space<vmem_shared>> -> memref<640xf32, #tpu.memory_space<vmem_shared>>
        tpu.enqueue_dma source(%arg32 : memref<640xf32, #tpu.memory_space<vmem>>) target(%dma_start3A_594 : memref<640xf32, #tpu.memory_space<vmem_shared>>) target_semaphore(%run_scoped3A_590 : memref<!tpu.dma_semaphore, #tpu.memory_space<semaphore_mem>>)
        %dma_wait3A_595 = arith.constant 9360 : i32
        %dma_wait3A_596 = tpu.memref_slice %arg30[%dma_wait3A_595] : memref<10000xf32, #tpu.memory_space<vmem_shared>> -> memref<640xf32, #tpu.memory_space<vmem_shared>>
        %dma_wait3A_597 = arith.constant 9360 : i32
        %dma_wait3A_598 = tpu.memref_slice %arg30[%dma_wait3A_597] : memref<10000xf32, #tpu.memory_space<vmem_shared>> -> memref<640xf32, #tpu.memory_space<vmem_shared>>
        tpu.wait_dma2 semaphore(%run_scoped3A_590 : memref<!tpu.dma_semaphore, #tpu.memory_space<semaphore_mem>>) src(%arg32 : memref<640xf32, #tpu.memory_space<vmem>>) dst(%dma_wait3A_598 : memref<640xf32, #tpu.memory_space<vmem_shared>>)
        tpu.yield
      }) : () -> ()
    } else {
    }
    %barrier3A = arith.constant 0 : index
    tpu.barrier barrier_id(%barrier3A)
    %dma_start3A = arith.constant 0 : i32
    %dma_start3A_12 = arith.constant 0 : i32
    %dma_start3A_13 = arith.constant 0 : i32
    %dma_start3A_14 = arith.constant 0 : i32
    %dma_start3A_15 = tpu.memref_slice %arg12[%dma_start3A_12, %dma_start3A_13, %dma_start3A_14] : memref<8x125x16xf32, #tpu.memory_space<vmem>> -> memref<1x125x16xf32, #tpu.memory_space<vmem>>
    %dma_start3A_16 = tpu.memref_squeeze %dma_start3A_15 : memref<1x125x16xf32, #tpu.memory_space<vmem>> -> memref<125x16xf32, #tpu.memory_space<vmem>>
    %dma_start3A_17 = arith.constant 0 : i32
    %dma_start3A_18 = tpu.memref_slice %arg10[%dma_start3A, %dma_start3A_17] : memref<80x125xi32, #tpu.memory_space<vmem>> -> memref<1x125xi32, #tpu.memory_space<vmem>>
    %dma_start3A_19 = tpu.memref_squeeze %dma_start3A_18 : memref<1x125xi32, #tpu.memory_space<vmem>> -> memref<125xi32, #tpu.memory_space<vmem>>
    %dma_start3A_20 = arith.constant 0 : i32
    %dma_start3A_21 = arith.constant 0 : i32
    %dma_start3A_22 = tpu.memref_slice %arg2[%dma_start3A_20, %dma_start3A_21] : memref<10000x16xf32, #tpu.memory_space<hbm>> -> memref<10000x16xf32, #tpu.memory_space<hbm>>
    tpu.enqueue_indirect_dma source(%dma_start3A_22 : memref<10000x16xf32, #tpu.memory_space<hbm>>) target(%dma_start3A_16 : memref<125x16xf32, #tpu.memory_space<vmem>>) offsets(%dma_start3A_19 : memref<125xi32, #tpu.memory_space<vmem>>) semaphore(%arg14 : memref<!tpu.dma_semaphore, #tpu.memory_space<semaphore_mem>>)
    %dma_start3A_23 = arith.constant 1 : i32
    %dma_start3A_24 = arith.constant 1 : i32
    %dma_start3A_25 = arith.constant 0 : i32
    %dma_start3A_26 = arith.constant 0 : i32
    %dma_start3A_27 = tpu.memref_slice %arg12[%dma_start3A_24, %dma_start3A_25, %dma_start3A_26] : memref<8x125x16xf32, #tpu.memory_space<vmem>> -> memref<1x125x16xf32, #tpu.memory_space<vmem>>
    %dma_start3A_28 = tpu.memref_squeeze %dma_start3A_27 : memref<1x125x16xf32, #tpu.memory_space<vmem>> -> memref<125x16xf32, #tpu.memory_space<vmem>>
    %dma_start3A_29 = arith.constant 0 : i32
    %dma_start3A_30 = tpu.memref_slice %arg10[%dma_start3A_23, %dma_start3A_29] : memref<80x125xi32, #tpu.memory_space<vmem>> -> memref<1x125xi32, #tpu.memory_space<vmem>>
    %dma_start3A_31 = tpu.memref_squeeze %dma_start3A_30 : memref<1x125xi32, #tpu.memory_space<vmem>> -> memref<125xi32, #tpu.memory_space<vmem>>
    %dma_start3A_32 = arith.constant 0 : i32
    %dma_start3A_33 = arith.constant 0 : i32
    %dma_start3A_34 = tpu.memref_slice %arg2[%dma_start3A_32, %dma_start3A_33] : memref<10000x16xf32, #tpu.memory_space<hbm>> -> memref<10000x16xf32, #tpu.memory_space<hbm>>
    tpu.enqueue_indirect_dma source(%dma_start3A_34 : memref<10000x16xf32, #tpu.memory_space<hbm>>) target(%dma_start3A_28 : memref<125x16xf32, #tpu.memory_space<vmem>>) offsets(%dma_start3A_31 : memref<125xi32, #tpu.memory_space<vmem>>) semaphore(%arg15 : memref<!tpu.dma_semaphore, #tpu.memory_space<semaphore_mem>>)
    %dma_start3A_35 = arith.constant 2 : i32
    %dma_start3A_36 = arith.constant 2 : i32
    %dma_start3A_37 = arith.constant 0 : i32
    %dma_start3A_38 = arith.constant 0 : i32
    %dma_start3A_39 = tpu.memref_slice %arg12[%dma_start3A_36, %dma_start3A_37, %dma_start3A_38] : memref<8x125x16xf32, #tpu.memory_space<vmem>> -> memref<1x125x16xf32, #tpu.memory_space<vmem>>
    %dma_start3A_40 = tpu.memref_squeeze %dma_start3A_39 : memref<1x125x16xf32, #tpu.memory_space<vmem>> -> memref<125x16xf32, #tpu.memory_space<vmem>>
    %dma_start3A_41 = arith.constant 0 : i32
    %dma_start3A_42 = tpu.memref_slice %arg10[%dma_start3A_35, %dma_start3A_41] : memref<80x125xi32, #tpu.memory_space<vmem>> -> memref<1x125xi32, #tpu.memory_space<vmem>>
    %dma_start3A_43 = tpu.memref_squeeze %dma_start3A_42 : memref<1x125xi32, #tpu.memory_space<vmem>> -> memref<125xi32, #tpu.memory_space<vmem>>
    %dma_start3A_44 = arith.constant 0 : i32
    %dma_start3A_45 = arith.constant 0 : i32
    %dma_start3A_46 = tpu.memref_slice %arg2[%dma_start3A_44, %dma_start3A_45] : memref<10000x16xf32, #tpu.memory_space<hbm>> -> memref<10000x16xf32, #tpu.memory_space<hbm>>
    tpu.enqueue_indirect_dma source(%dma_start3A_46 : memref<10000x16xf32, #tpu.memory_space<hbm>>) target(%dma_start3A_40 : memref<125x16xf32, #tpu.memory_space<vmem>>) offsets(%dma_start3A_43 : memref<125xi32, #tpu.memory_space<vmem>>) semaphore(%arg16 : memref<!tpu.dma_semaphore, #tpu.memory_space<semaphore_mem>>)
    %dma_start3A_47 = arith.constant 3 : i32
    %dma_start3A_48 = arith.constant 3 : i32
    %dma_start3A_49 = arith.constant 0 : i32
    %dma_start3A_50 = arith.constant 0 : i32
    %dma_start3A_51 = tpu.memref_slice %arg12[%dma_start3A_48, %dma_start3A_49, %dma_start3A_50] : memref<8x125x16xf32, #tpu.memory_space<vmem>> -> memref<1x125x16xf32, #tpu.memory_space<vmem>>
    %dma_start3A_52 = tpu.memref_squeeze %dma_start3A_51 : memref<1x125x16xf32, #tpu.memory_space<vmem>> -> memref<125x16xf32, #tpu.memory_space<vmem>>
    %dma_start3A_53 = arith.constant 0 : i32
    %dma_start3A_54 = tpu.memref_slice %arg10[%dma_start3A_47, %dma_start3A_53] : memref<80x125xi32, #tpu.memory_space<vmem>> -> memref<1x125xi32, #tpu.memory_space<vmem>>
    %dma_start3A_55 = tpu.memref_squeeze %dma_start3A_54 : memref<1x125xi32, #tpu.memory_space<vmem>> -> memref<125xi32, #tpu.memory_space<vmem>>
    %dma_start3A_56 = arith.constant 0 : i32
    %dma_start3A_57 = arith.constant 0 : i32
    %dma_start3A_58 = tpu.memref_slice %arg2[%dma_start3A_56, %dma_start3A_57] : memref<10000x16xf32, #tpu.memory_space<hbm>> -> memref<10000x16xf32, #tpu.memory_space<hbm>>
    tpu.enqueue_indirect_dma source(%dma_start3A_58 : memref<10000x16xf32, #tpu.memory_space<hbm>>) target(%dma_start3A_52 : memref<125x16xf32, #tpu.memory_space<vmem>>) offsets(%dma_start3A_55 : memref<125xi32, #tpu.memory_space<vmem>>) semaphore(%arg17 : memref<!tpu.dma_semaphore, #tpu.memory_space<semaphore_mem>>)
    %dma_start3A_59 = arith.constant 4 : i32
    %dma_start3A_60 = arith.constant 4 : i32
    %dma_start3A_61 = arith.constant 0 : i32
    %dma_start3A_62 = arith.constant 0 : i32
    %dma_start3A_63 = tpu.memref_slice %arg12[%dma_start3A_60, %dma_start3A_61, %dma_start3A_62] : memref<8x125x16xf32, #tpu.memory_space<vmem>> -> memref<1x125x16xf32, #tpu.memory_space<vmem>>
    %dma_start3A_64 = tpu.memref_squeeze %dma_start3A_63 : memref<1x125x16xf32, #tpu.memory_space<vmem>> -> memref<125x16xf32, #tpu.memory_space<vmem>>
    %dma_start3A_65 = arith.constant 0 : i32
    %dma_start3A_66 = tpu.memref_slice %arg10[%dma_start3A_59, %dma_start3A_65] : memref<80x125xi32, #tpu.memory_space<vmem>> -> memref<1x125xi32, #tpu.memory_space<vmem>>
    %dma_start3A_67 = tpu.memref_squeeze %dma_start3A_66 : memref<1x125xi32, #tpu.memory_space<vmem>> -> memref<125xi32, #tpu.memory_space<vmem>>
    %dma_start3A_68 = arith.constant 0 : i32
    %dma_start3A_69 = arith.constant 0 : i32
    %dma_start3A_70 = tpu.memref_slice %arg2[%dma_start3A_68, %dma_start3A_69] : memref<10000x16xf32, #tpu.memory_space<hbm>> -> memref<10000x16xf32, #tpu.memory_space<hbm>>
    tpu.enqueue_indirect_dma source(%dma_start3A_70 : memref<10000x16xf32, #tpu.memory_space<hbm>>) target(%dma_start3A_64 : memref<125x16xf32, #tpu.memory_space<vmem>>) offsets(%dma_start3A_67 : memref<125xi32, #tpu.memory_space<vmem>>) semaphore(%arg18 : memref<!tpu.dma_semaphore, #tpu.memory_space<semaphore_mem>>)
    %dma_start3A_71 = arith.constant 5 : i32
    %dma_start3A_72 = arith.constant 5 : i32
    %dma_start3A_73 = arith.constant 0 : i32
    %dma_start3A_74 = arith.constant 0 : i32
    %dma_start3A_75 = tpu.memref_slice %arg12[%dma_start3A_72, %dma_start3A_73, %dma_start3A_74] : memref<8x125x16xf32, #tpu.memory_space<vmem>> -> memref<1x125x16xf32, #tpu.memory_space<vmem>>
    %dma_start3A_76 = tpu.memref_squeeze %dma_start3A_75 : memref<1x125x16xf32, #tpu.memory_space<vmem>> -> memref<125x16xf32, #tpu.memory_space<vmem>>
    %dma_start3A_77 = arith.constant 0 : i32
    %dma_start3A_78 = tpu.memref_slice %arg10[%dma_start3A_71, %dma_start3A_77] : memref<80x125xi32, #tpu.memory_space<vmem>> -> memref<1x125xi32, #tpu.memory_space<vmem>>
    %dma_start3A_79 = tpu.memref_squeeze %dma_start3A_78 : memref<1x125xi32, #tpu.memory_space<vmem>> -> memref<125xi32, #tpu.memory_space<vmem>>
    %dma_start3A_80 = arith.constant 0 : i32
    %dma_start3A_81 = arith.constant 0 : i32
    %dma_start3A_82 = tpu.memref_slice %arg2[%dma_start3A_80, %dma_start3A_81] : memref<10000x16xf32, #tpu.memory_space<hbm>> -> memref<10000x16xf32, #tpu.memory_space<hbm>>
    tpu.enqueue_indirect_dma source(%dma_start3A_82 : memref<10000x16xf32, #tpu.memory_space<hbm>>) target(%dma_start3A_76 : memref<125x16xf32, #tpu.memory_space<vmem>>) offsets(%dma_start3A_79 : memref<125xi32, #tpu.memory_space<vmem>>) semaphore(%arg19 : memref<!tpu.dma_semaphore, #tpu.memory_space<semaphore_mem>>)
    %dma_start3A_83 = arith.constant 6 : i32
    %dma_start3A_84 = arith.constant 6 : i32
    %dma_start3A_85 = arith.constant 0 : i32
    %dma_start3A_86 = arith.constant 0 : i32
    %dma_start3A_87 = tpu.memref_slice %arg12[%dma_start3A_84, %dma_start3A_85, %dma_start3A_86] : memref<8x125x16xf32, #tpu.memory_space<vmem>> -> memref<1x125x16xf32, #tpu.memory_space<vmem>>
    %dma_start3A_88 = tpu.memref_squeeze %dma_start3A_87 : memref<1x125x16xf32, #tpu.memory_space<vmem>> -> memref<125x16xf32, #tpu.memory_space<vmem>>
    %dma_start3A_89 = arith.constant 0 : i32
    %dma_start3A_90 = tpu.memref_slice %arg10[%dma_start3A_83, %dma_start3A_89] : memref<80x125xi32, #tpu.memory_space<vmem>> -> memref<1x125xi32, #tpu.memory_space<vmem>>
    %dma_start3A_91 = tpu.memref_squeeze %dma_start3A_90 : memref<1x125xi32, #tpu.memory_space<vmem>> -> memref<125xi32, #tpu.memory_space<vmem>>
    %dma_start3A_92 = arith.constant 0 : i32
    %dma_start3A_93 = arith.constant 0 : i32
    %dma_start3A_94 = tpu.memref_slice %arg2[%dma_start3A_92, %dma_start3A_93] : memref<10000x16xf32, #tpu.memory_space<hbm>> -> memref<10000x16xf32, #tpu.memory_space<hbm>>
    tpu.enqueue_indirect_dma source(%dma_start3A_94 : memref<10000x16xf32, #tpu.memory_space<hbm>>) target(%dma_start3A_88 : memref<125x16xf32, #tpu.memory_space<vmem>>) offsets(%dma_start3A_91 : memref<125xi32, #tpu.memory_space<vmem>>) semaphore(%arg20 : memref<!tpu.dma_semaphore, #tpu.memory_space<semaphore_mem>>)
    %dma_wait3A = arith.constant 0 : i32
    %dma_wait3A_95 = arith.constant 0 : i32
    %dma_wait3A_96 = arith.constant 0 : i32
    %dma_wait3A_97 = arith.constant 0 : i32
    %dma_wait3A_98 = tpu.memref_slice %arg12[%dma_wait3A_95, %dma_wait3A_96, %dma_wait3A_97] : memref<8x125x16xf32, #tpu.memory_space<vmem>> -> memref<1x125x16xf32, #tpu.memory_space<vmem>>
    %dma_wait3A_99 = tpu.memref_squeeze %dma_wait3A_98 : memref<1x125x16xf32, #tpu.memory_space<vmem>> -> memref<125x16xf32, #tpu.memory_space<vmem>>
    %dma_wait3A_100 = arith.constant 0 : i32
    %dma_wait3A_101 = tpu.memref_slice %arg10[%dma_wait3A, %dma_wait3A_100] : memref<80x125xi32, #tpu.memory_space<vmem>> -> memref<1x125xi32, #tpu.memory_space<vmem>>
    %dma_wait3A_102 = tpu.memref_squeeze %dma_wait3A_101 : memref<1x125xi32, #tpu.memory_space<vmem>> -> memref<125xi32, #tpu.memory_space<vmem>>
    %dma_wait3A_103 = arith.constant 0 : i32
    %dma_wait3A_104 = arith.constant 0 : i32
    %dma_wait3A_105 = tpu.memref_slice %arg2[%dma_wait3A_103, %dma_wait3A_104] : memref<10000x16xf32, #tpu.memory_space<hbm>> -> memref<10000x16xf32, #tpu.memory_space<hbm>>
    tpu.wait_indirect_dma semaphore(%arg14 : memref<!tpu.dma_semaphore, #tpu.memory_space<semaphore_mem>>) src(%dma_wait3A_105 : memref<10000x16xf32, #tpu.memory_space<hbm>>) dst(%dma_wait3A_99 : memref<125x16xf32, #tpu.memory_space<vmem>>)
    %dma_start3A_106 = arith.constant 0 : i32
    %dma_start3A_107 = arith.constant 0 : i32
    %dma_start3A_108 = arith.constant 0 : i32
    %dma_start3A_109 = arith.constant 0 : i32
    %dma_start3A_110 = tpu.memref_slice %arg12[%dma_start3A_106, %dma_start3A_108, %dma_start3A_109] : memref<8x125x16xf32, #tpu.memory_space<vmem>> -> memref<1x125x16xf32, #tpu.memory_space<vmem>>
    %dma_start3A_111 = tpu.memref_squeeze %dma_start3A_110 : memref<1x125x16xf32, #tpu.memory_space<vmem>> -> memref<125x16xf32, #tpu.memory_space<vmem>>
    %dma_start3A_112 = arith.constant 0 : i32
    %dma_start3A_113 = tpu.memref_slice %arg11[%dma_start3A_107, %dma_start3A_112] : memref<80x125xi32, #tpu.memory_space<vmem>> -> memref<1x125xi32, #tpu.memory_space<vmem>>
    %dma_start3A_114 = tpu.memref_squeeze %dma_start3A_113 : memref<1x125xi32, #tpu.memory_space<vmem>> -> memref<125xi32, #tpu.memory_space<vmem>>
    %dma_start3A_115 = arith.constant 0 : i32
    %dma_start3A_116 = arith.constant 0 : i32
    %dma_start3A_117 = tpu.memref_slice %arg9[%dma_start3A_115, %dma_start3A_116] : memref<10000x16xf32, #tpu.memory_space<vmem_shared>> -> memref<10000x16xf32, #tpu.memory_space<vmem_shared>>
    tpu.enqueue_indirect_dma source(%dma_start3A_111 : memref<125x16xf32, #tpu.memory_space<vmem>>) target(%dma_start3A_117 : memref<10000x16xf32, #tpu.memory_space<vmem_shared>>) offsets(%dma_start3A_114 : memref<125xi32, #tpu.memory_space<vmem>>) semaphore(%arg22 : memref<!tpu.dma_semaphore, #tpu.memory_space<semaphore_mem>>) {add = true}
    %dma_start3A_118 = arith.constant 0 : i32
    %dma_start3A_119 = arith.constant 0 : i32
    %dma_start3A_120 = tpu.memref_slice %arg11[%dma_start3A_118, %dma_start3A_119] : memref<80x125xi32, #tpu.memory_space<vmem>> -> memref<1x125xi32, #tpu.memory_space<vmem>>
    %dma_start3A_121 = tpu.memref_squeeze %dma_start3A_120 : memref<1x125xi32, #tpu.memory_space<vmem>> -> memref<125xi32, #tpu.memory_space<vmem>>
    %dma_start3A_122 = arith.constant 0 : i32
    %dma_start3A_123 = tpu.memref_slice %arg30[%dma_start3A_122] : memref<10000xf32, #tpu.memory_space<vmem_shared>> -> memref<10000xf32, #tpu.memory_space<vmem_shared>>
    tpu.enqueue_indirect_dma source(%arg31 : memref<125xf32, #tpu.memory_space<vmem>>) target(%dma_start3A_123 : memref<10000xf32, #tpu.memory_space<vmem_shared>>) offsets(%dma_start3A_121 : memref<125xi32, #tpu.memory_space<vmem>>) semaphore(%arg33 : memref<!tpu.dma_semaphore, #tpu.memory_space<semaphore_mem>>) {add = true}
    %dma_start3A_124 = arith.constant 7 : i32
    %dma_start3A_125 = arith.constant 7 : i32
    %dma_start3A_126 = arith.constant 0 : i32
    %dma_start3A_127 = arith.constant 0 : i32
    %dma_start3A_128 = tpu.memref_slice %arg12[%dma_start3A_125, %dma_start3A_126, %dma_start3A_127] : memref<8x125x16xf32, #tpu.memory_space<vmem>> -> memref<1x125x16xf32, #tpu.memory_space<vmem>>
    %dma_start3A_129 = tpu.memref_squeeze %dma_start3A_128 : memref<1x125x16xf32, #tpu.memory_space<vmem>> -> memref<125x16xf32, #tpu.memory_space<vmem>>
    %dma_start3A_130 = arith.constant 0 : i32
    %dma_start3A_131 = tpu.memref_slice %arg10[%dma_start3A_124, %dma_start3A_130] : memref<80x125xi32, #tpu.memory_space<vmem>> -> memref<1x125xi32, #tpu.memory_space<vmem>>
    %dma_start3A_132 = tpu.memref_squeeze %dma_start3A_131 : memref<1x125xi32, #tpu.memory_space<vmem>> -> memref<125xi32, #tpu.memory_space<vmem>>
    %dma_start3A_133 = arith.constant 0 : i32
    %dma_start3A_134 = arith.constant 0 : i32
    %dma_start3A_135 = tpu.memref_slice %arg2[%dma_start3A_133, %dma_start3A_134] : memref<10000x16xf32, #tpu.memory_space<hbm>> -> memref<10000x16xf32, #tpu.memory_space<hbm>>
    tpu.enqueue_indirect_dma source(%dma_start3A_135 : memref<10000x16xf32, #tpu.memory_space<hbm>>) target(%dma_start3A_129 : memref<125x16xf32, #tpu.memory_space<vmem>>) offsets(%dma_start3A_132 : memref<125xi32, #tpu.memory_space<vmem>>) semaphore(%arg21 : memref<!tpu.dma_semaphore, #tpu.memory_space<semaphore_mem>>)
    %dma_wait3A_136 = arith.constant 1 : i32
    %dma_wait3A_137 = arith.constant 1 : i32
    %dma_wait3A_138 = arith.constant 0 : i32
    %dma_wait3A_139 = arith.constant 0 : i32
    %dma_wait3A_140 = tpu.memref_slice %arg12[%dma_wait3A_137, %dma_wait3A_138, %dma_wait3A_139] : memref<8x125x16xf32, #tpu.memory_space<vmem>> -> memref<1x125x16xf32, #tpu.memory_space<vmem>>
    %dma_wait3A_141 = tpu.memref_squeeze %dma_wait3A_140 : memref<1x125x16xf32, #tpu.memory_space<vmem>> -> memref<125x16xf32, #tpu.memory_space<vmem>>
    %dma_wait3A_142 = arith.constant 0 : i32
    %dma_wait3A_143 = tpu.memref_slice %arg10[%dma_wait3A_136, %dma_wait3A_142] : memref<80x125xi32, #tpu.memory_space<vmem>> -> memref<1x125xi32, #tpu.memory_space<vmem>>
    %dma_wait3A_144 = tpu.memref_squeeze %dma_wait3A_143 : memref<1x125xi32, #tpu.memory_space<vmem>> -> memref<125xi32, #tpu.memory_space<vmem>>
    %dma_wait3A_145 = arith.constant 0 : i32
    %dma_wait3A_146 = arith.constant 0 : i32
    %dma_wait3A_147 = tpu.memref_slice %arg2[%dma_wait3A_145, %dma_wait3A_146] : memref<10000x16xf32, #tpu.memory_space<hbm>> -> memref<10000x16xf32, #tpu.memory_space<hbm>>
    tpu.wait_indirect_dma semaphore(%arg15 : memref<!tpu.dma_semaphore, #tpu.memory_space<semaphore_mem>>) src(%dma_wait3A_147 : memref<10000x16xf32, #tpu.memory_space<hbm>>) dst(%dma_wait3A_141 : memref<125x16xf32, #tpu.memory_space<vmem>>)
    %dma_start3A_148 = arith.constant 1 : i32
    %dma_start3A_149 = arith.constant 1 : i32
    %dma_start3A_150 = arith.constant 0 : i32
    %dma_start3A_151 = arith.constant 0 : i32
    %dma_start3A_152 = tpu.memref_slice %arg12[%dma_start3A_148, %dma_start3A_150, %dma_start3A_151] : memref<8x125x16xf32, #tpu.memory_space<vmem>> -> memref<1x125x16xf32, #tpu.memory_space<vmem>>
    %dma_start3A_153 = tpu.memref_squeeze %dma_start3A_152 : memref<1x125x16xf32, #tpu.memory_space<vmem>> -> memref<125x16xf32, #tpu.memory_space<vmem>>
    %dma_start3A_154 = arith.constant 0 : i32
    %dma_start3A_155 = tpu.memref_slice %arg11[%dma_start3A_149, %dma_start3A_154] : memref<80x125xi32, #tpu.memory_space<vmem>> -> memref<1x125xi32, #tpu.memory_space<vmem>>
    %dma_start3A_156 = tpu.memref_squeeze %dma_start3A_155 : memref<1x125xi32, #tpu.memory_space<vmem>> -> memref<125xi32, #tpu.memory_space<vmem>>
    %dma_start3A_157 = arith.constant 0 : i32
    %dma_start3A_158 = arith.constant 0 : i32
    %dma_start3A_159 = tpu.memref_slice %arg9[%dma_start3A_157, %dma_start3A_158] : memref<10000x16xf32, #tpu.memory_space<vmem_shared>> -> memref<10000x16xf32, #tpu.memory_space<vmem_shared>>
    tpu.enqueue_indirect_dma source(%dma_start3A_153 : memref<125x16xf32, #tpu.memory_space<vmem>>) target(%dma_start3A_159 : memref<10000x16xf32, #tpu.memory_space<vmem_shared>>) offsets(%dma_start3A_156 : memref<125xi32, #tpu.memory_space<vmem>>) semaphore(%arg23 : memref<!tpu.dma_semaphore, #tpu.memory_space<semaphore_mem>>) {add = true}
    %dma_start3A_160 = arith.constant 1 : i32
    %dma_start3A_161 = arith.constant 0 : i32
    %dma_start3A_162 = tpu.memref_slice %arg11[%dma_start3A_160, %dma_start3A_161] : memref<80x125xi32, #tpu.memory_space<vmem>> -> memref<1x125xi32, #tpu.memory_space<vmem>>
    %dma_start3A_163 = tpu.memref_squeeze %dma_start3A_162 : memref<1x125xi32, #tpu.memory_space<vmem>> -> memref<125xi32, #tpu.memory_space<vmem>>
    %dma_start3A_164 = arith.constant 0 : i32
    %dma_start3A_165 = tpu.memref_slice %arg30[%dma_start3A_164] : memref<10000xf32, #tpu.memory_space<vmem_shared>> -> memref<10000xf32, #tpu.memory_space<vmem_shared>>
    tpu.enqueue_indirect_dma source(%arg31 : memref<125xf32, #tpu.memory_space<vmem>>) target(%dma_start3A_165 : memref<10000xf32, #tpu.memory_space<vmem_shared>>) offsets(%dma_start3A_163 : memref<125xi32, #tpu.memory_space<vmem>>) semaphore(%arg34 : memref<!tpu.dma_semaphore, #tpu.memory_space<semaphore_mem>>) {add = true}
    %dma_wait3A_166 = arith.constant 0 : i32
    %dma_wait3A_167 = arith.constant 0 : i32
    %dma_wait3A_168 = arith.constant 0 : i32
    %dma_wait3A_169 = arith.constant 0 : i32
    %dma_wait3A_170 = tpu.memref_slice %arg12[%dma_wait3A_166, %dma_wait3A_168, %dma_wait3A_169] : memref<8x125x16xf32, #tpu.memory_space<vmem>> -> memref<1x125x16xf32, #tpu.memory_space<vmem>>
    %dma_wait3A_171 = tpu.memref_squeeze %dma_wait3A_170 : memref<1x125x16xf32, #tpu.memory_space<vmem>> -> memref<125x16xf32, #tpu.memory_space<vmem>>
    %dma_wait3A_172 = arith.constant 0 : i32
    %dma_wait3A_173 = tpu.memref_slice %arg11[%dma_wait3A_167, %dma_wait3A_172] : memref<80x125xi32, #tpu.memory_space<vmem>> -> memref<1x125xi32, #tpu.memory_space<vmem>>
    %dma_wait3A_174 = tpu.memref_squeeze %dma_wait3A_173 : memref<1x125xi32, #tpu.memory_space<vmem>> -> memref<125xi32, #tpu.memory_space<vmem>>
    %dma_wait3A_175 = arith.constant 0 : i32
    %dma_wait3A_176 = arith.constant 0 : i32
    %dma_wait3A_177 = tpu.memref_slice %arg9[%dma_wait3A_175, %dma_wait3A_176] : memref<10000x16xf32, #tpu.memory_space<vmem_shared>> -> memref<10000x16xf32, #tpu.memory_space<vmem_shared>>
    tpu.wait_indirect_dma semaphore(%arg22 : memref<!tpu.dma_semaphore, #tpu.memory_space<semaphore_mem>>) src(%dma_wait3A_171 : memref<125x16xf32, #tpu.memory_space<vmem>>) dst(%dma_wait3A_177 : memref<10000x16xf32, #tpu.memory_space<vmem_shared>>)
    %dma_wait3A_178 = arith.constant 0 : i32
    %dma_wait3A_179 = arith.constant 0 : i32
    %dma_wait3A_180 = tpu.memref_slice %arg11[%dma_wait3A_178, %dma_wait3A_179] : memref<80x125xi32, #tpu.memory_space<vmem>> -> memref<1x125xi32, #tpu.memory_space<vmem>>
    %dma_wait3A_181 = tpu.memref_squeeze %dma_wait3A_180 : memref<1x125xi32, #tpu.memory_space<vmem>> -> memref<125xi32, #tpu.memory_space<vmem>>
    %dma_wait3A_182 = arith.constant 0 : i32
    %dma_wait3A_183 = tpu.memref_slice %arg30[%dma_wait3A_182] : memref<10000xf32, #tpu.memory_space<vmem_shared>> -> memref<10000xf32, #tpu.memory_space<vmem_shared>>
    tpu.wait_indirect_dma semaphore(%arg33 : memref<!tpu.dma_semaphore, #tpu.memory_space<semaphore_mem>>) src(%arg31 : memref<125xf32, #tpu.memory_space<vmem>>) dst(%dma_wait3A_183 : memref<10000xf32, #tpu.memory_space<vmem_shared>>)
    %dma_start3A_184 = arith.constant 8 : i32
    %dma_start3A_185 = arith.constant 0 : i32
    %dma_start3A_186 = arith.constant 0 : i32
    %dma_start3A_187 = arith.constant 0 : i32
    %dma_start3A_188 = tpu.memref_slice %arg12[%dma_start3A_185, %dma_start3A_186, %dma_start3A_187] : memref<8x125x16xf32, #tpu.memory_space<vmem>> -> memref<1x125x16xf32, #tpu.memory_space<vmem>>
    %dma_start3A_189 = tpu.memref_squeeze %dma_start3A_188 : memref<1x125x16xf32, #tpu.memory_space<vmem>> -> memref<125x16xf32, #tpu.memory_space<vmem>>
    %dma_start3A_190 = arith.constant 0 : i32
    %dma_start3A_191 = tpu.memref_slice %arg10[%dma_start3A_184, %dma_start3A_190] : memref<80x125xi32, #tpu.memory_space<vmem>> -> memref<1x125xi32, #tpu.memory_space<vmem>>
    %dma_start3A_192 = tpu.memref_squeeze %dma_start3A_191 : memref<1x125xi32, #tpu.memory_space<vmem>> -> memref<125xi32, #tpu.memory_space<vmem>>
    %dma_start3A_193 = arith.constant 0 : i32
    %dma_start3A_194 = arith.constant 0 : i32
    %dma_start3A_195 = tpu.memref_slice %arg2[%dma_start3A_193, %dma_start3A_194] : memref<10000x16xf32, #tpu.memory_space<hbm>> -> memref<10000x16xf32, #tpu.memory_space<hbm>>
    tpu.enqueue_indirect_dma source(%dma_start3A_195 : memref<10000x16xf32, #tpu.memory_space<hbm>>) target(%dma_start3A_189 : memref<125x16xf32, #tpu.memory_space<vmem>>) offsets(%dma_start3A_192 : memref<125xi32, #tpu.memory_space<vmem>>) semaphore(%arg14 : memref<!tpu.dma_semaphore, #tpu.memory_space<semaphore_mem>>)
    %dma_wait3A_196 = arith.constant 2 : i32
    %dma_wait3A_197 = arith.constant 2 : i32
    %dma_wait3A_198 = arith.constant 0 : i32
    %dma_wait3A_199 = arith.constant 0 : i32
    %dma_wait3A_200 = tpu.memref_slice %arg12[%dma_wait3A_197, %dma_wait3A_198, %dma_wait3A_199] : memref<8x125x16xf32, #tpu.memory_space<vmem>> -> memref<1x125x16xf32, #tpu.memory_space<vmem>>
    %dma_wait3A_201 = tpu.memref_squeeze %dma_wait3A_200 : memref<1x125x16xf32, #tpu.memory_space<vmem>> -> memref<125x16xf32, #tpu.memory_space<vmem>>
    %dma_wait3A_202 = arith.constant 0 : i32
    %dma_wait3A_203 = tpu.memref_slice %arg10[%dma_wait3A_196, %dma_wait3A_202] : memref<80x125xi32, #tpu.memory_space<vmem>> -> memref<1x125xi32, #tpu.memory_space<vmem>>
    %dma_wait3A_204 = tpu.memref_squeeze %dma_wait3A_203 : memref<1x125xi32, #tpu.memory_space<vmem>> -> memref<125xi32, #tpu.memory_space<vmem>>
    %dma_wait3A_205 = arith.constant 0 : i32
    %dma_wait3A_206 = arith.constant 0 : i32
    %dma_wait3A_207 = tpu.memref_slice %arg2[%dma_wait3A_205, %dma_wait3A_206] : memref<10000x16xf32, #tpu.memory_space<hbm>> -> memref<10000x16xf32, #tpu.memory_space<hbm>>
    tpu.wait_indirect_dma semaphore(%arg16 : memref<!tpu.dma_semaphore, #tpu.memory_space<semaphore_mem>>) src(%dma_wait3A_207 : memref<10000x16xf32, #tpu.memory_space<hbm>>) dst(%dma_wait3A_201 : memref<125x16xf32, #tpu.memory_space<vmem>>)
    %dma_start3A_208 = arith.constant 2 : i32
    %dma_start3A_209 = arith.constant 2 : i32
    %dma_start3A_210 = arith.constant 0 : i32
    %dma_start3A_211 = arith.constant 0 : i32
    %dma_start3A_212 = tpu.memref_slice %arg12[%dma_start3A_208, %dma_start3A_210, %dma_start3A_211] : memref<8x125x16xf32, #tpu.memory_space<vmem>> -> memref<1x125x16xf32, #tpu.memory_space<vmem>>
    %dma_start3A_213 = tpu.memref_squeeze %dma_start3A_212 : memref<1x125x16xf32, #tpu.memory_space<vmem>> -> memref<125x16xf32, #tpu.memory_space<vmem>>
    %dma_start3A_214 = arith.constant 0 : i32
    %dma_start3A_215 = tpu.memref_slice %arg11[%dma_start3A_209, %dma_start3A_214] : memref<80x125xi32, #tpu.memory_space<vmem>> -> memref<1x125xi32, #tpu.memory_space<vmem>>
    %dma_start3A_216 = tpu.memref_squeeze %dma_start3A_215 : memref<1x125xi32, #tpu.memory_space<vmem>> -> memref<125xi32, #tpu.memory_space<vmem>>
    %dma_start3A_217 = arith.constant 0 : i32
    %dma_start3A_218 = arith.constant 0 : i32
    %dma_start3A_219 = tpu.memref_slice %arg9[%dma_start3A_217, %dma_start3A_218] : memref<10000x16xf32, #tpu.memory_space<vmem_shared>> -> memref<10000x16xf32, #tpu.memory_space<vmem_shared>>
    tpu.enqueue_indirect_dma source(%dma_start3A_213 : memref<125x16xf32, #tpu.memory_space<vmem>>) target(%dma_start3A_219 : memref<10000x16xf32, #tpu.memory_space<vmem_shared>>) offsets(%dma_start3A_216 : memref<125xi32, #tpu.memory_space<vmem>>) semaphore(%arg24 : memref<!tpu.dma_semaphore, #tpu.memory_space<semaphore_mem>>) {add = true}
    %dma_start3A_220 = arith.constant 2 : i32
    %dma_start3A_221 = arith.constant 0 : i32
    %dma_start3A_222 = tpu.memref_slice %arg11[%dma_start3A_220, %dma_start3A_221] : memref<80x125xi32, #tpu.memory_space<vmem>> -> memref<1x125xi32, #tpu.memory_space<vmem>>
    %dma_start3A_223 = tpu.memref_squeeze %dma_start3A_222 : memref<1x125xi32, #tpu.memory_space<vmem>> -> memref<125xi32, #tpu.memory_space<vmem>>
    %dma_start3A_224 = arith.constant 0 : i32
    %dma_start3A_225 = tpu.memref_slice %arg30[%dma_start3A_224] : memref<10000xf32, #tpu.memory_space<vmem_shared>> -> memref<10000xf32, #tpu.memory_space<vmem_shared>>
    tpu.enqueue_indirect_dma source(%arg31 : memref<125xf32, #tpu.memory_space<vmem>>) target(%dma_start3A_225 : memref<10000xf32, #tpu.memory_space<vmem_shared>>) offsets(%dma_start3A_223 : memref<125xi32, #tpu.memory_space<vmem>>) semaphore(%arg35 : memref<!tpu.dma_semaphore, #tpu.memory_space<semaphore_mem>>) {add = true}
    %dma_wait3A_226 = arith.constant 1 : i32
    %dma_wait3A_227 = arith.constant 1 : i32
    %dma_wait3A_228 = arith.constant 0 : i32
    %dma_wait3A_229 = arith.constant 0 : i32
    %dma_wait3A_230 = tpu.memref_slice %arg12[%dma_wait3A_226, %dma_wait3A_228, %dma_wait3A_229] : memref<8x125x16xf32, #tpu.memory_space<vmem>> -> memref<1x125x16xf32, #tpu.memory_space<vmem>>
    %dma_wait3A_231 = tpu.memref_squeeze %dma_wait3A_230 : memref<1x125x16xf32, #tpu.memory_space<vmem>> -> memref<125x16xf32, #tpu.memory_space<vmem>>
    %dma_wait3A_232 = arith.constant 0 : i32
    %dma_wait3A_233 = tpu.memref_slice %arg11[%dma_wait3A_227, %dma_wait3A_232] : memref<80x125xi32, #tpu.memory_space<vmem>> -> memref<1x125xi32, #tpu.memory_space<vmem>>
    %dma_wait3A_234 = tpu.memref_squeeze %dma_wait3A_233 : memref<1x125xi32, #tpu.memory_space<vmem>> -> memref<125xi32, #tpu.memory_space<vmem>>
    %dma_wait3A_235 = arith.constant 0 : i32
    %dma_wait3A_236 = arith.constant 0 : i32
    %dma_wait3A_237 = tpu.memref_slice %arg9[%dma_wait3A_235, %dma_wait3A_236] : memref<10000x16xf32, #tpu.memory_space<vmem_shared>> -> memref<10000x16xf32, #tpu.memory_space<vmem_shared>>
    tpu.wait_indirect_dma semaphore(%arg23 : memref<!tpu.dma_semaphore, #tpu.memory_space<semaphore_mem>>) src(%dma_wait3A_231 : memref<125x16xf32, #tpu.memory_space<vmem>>) dst(%dma_wait3A_237 : memref<10000x16xf32, #tpu.memory_space<vmem_shared>>)
    %dma_wait3A_238 = arith.constant 1 : i32
    %dma_wait3A_239 = arith.constant 0 : i32
    %dma_wait3A_240 = tpu.memref_slice %arg11[%dma_wait3A_238, %dma_wait3A_239] : memref<80x125xi32, #tpu.memory_space<vmem>> -> memref<1x125xi32, #tpu.memory_space<vmem>>
    %dma_wait3A_241 = tpu.memref_squeeze %dma_wait3A_240 : memref<1x125xi32, #tpu.memory_space<vmem>> -> memref<125xi32, #tpu.memory_space<vmem>>
    %dma_wait3A_242 = arith.constant 0 : i32
    %dma_wait3A_243 = tpu.memref_slice %arg30[%dma_wait3A_242] : memref<10000xf32, #tpu.memory_space<vmem_shared>> -> memref<10000xf32, #tpu.memory_space<vmem_shared>>
    tpu.wait_indirect_dma semaphore(%arg34 : memref<!tpu.dma_semaphore, #tpu.memory_space<semaphore_mem>>) src(%arg31 : memref<125xf32, #tpu.memory_space<vmem>>) dst(%dma_wait3A_243 : memref<10000xf32, #tpu.memory_space<vmem_shared>>)
    %dma_start3A_244 = arith.constant 9 : i32
    %dma_start3A_245 = arith.constant 1 : i32
    %dma_start3A_246 = arith.constant 0 : i32
    %dma_start3A_247 = arith.constant 0 : i32
    %dma_start3A_248 = tpu.memref_slice %arg12[%dma_start3A_245, %dma_start3A_246, %dma_start3A_247] : memref<8x125x16xf32, #tpu.memory_space<vmem>> -> memref<1x125x16xf32, #tpu.memory_space<vmem>>
    %dma_start3A_249 = tpu.memref_squeeze %dma_start3A_248 : memref<1x125x16xf32, #tpu.memory_space<vmem>> -> memref<125x16xf32, #tpu.memory_space<vmem>>
    %dma_start3A_250 = arith.constant 0 : i32
    %dma_start3A_251 = tpu.memref_slice %arg10[%dma_start3A_244, %dma_start3A_250] : memref<80x125xi32, #tpu.memory_space<vmem>> -> memref<1x125xi32, #tpu.memory_space<vmem>>
    %dma_start3A_252 = tpu.memref_squeeze %dma_start3A_251 : memref<1x125xi32, #tpu.memory_space<vmem>> -> memref<125xi32, #tpu.memory_space<vmem>>
    %dma_start3A_253 = arith.constant 0 : i32
    %dma_start3A_254 = arith.constant 0 : i32
    %dma_start3A_255 = tpu.memref_slice %arg2[%dma_start3A_253, %dma_start3A_254] : memref<10000x16xf32, #tpu.memory_space<hbm>> -> memref<10000x16xf32, #tpu.memory_space<hbm>>
    tpu.enqueue_indirect_dma source(%dma_start3A_255 : memref<10000x16xf32, #tpu.memory_space<hbm>>) target(%dma_start3A_249 : memref<125x16xf32, #tpu.memory_space<vmem>>) offsets(%dma_start3A_252 : memref<125xi32, #tpu.memory_space<vmem>>) semaphore(%arg15 : memref<!tpu.dma_semaphore, #tpu.memory_space<semaphore_mem>>)
    %dma_wait3A_256 = arith.constant 3 : i32
    %dma_wait3A_257 = arith.constant 3 : i32
    %dma_wait3A_258 = arith.constant 0 : i32
    %dma_wait3A_259 = arith.constant 0 : i32
    %dma_wait3A_260 = tpu.memref_slice %arg12[%dma_wait3A_257, %dma_wait3A_258, %dma_wait3A_259] : memref<8x125x16xf32, #tpu.memory_space<vmem>> -> memref<1x125x16xf32, #tpu.memory_space<vmem>>
    %dma_wait3A_261 = tpu.memref_squeeze %dma_wait3A_260 : memref<1x125x16xf32, #tpu.memory_space<vmem>> -> memref<125x16xf32, #tpu.memory_space<vmem>>
    %dma_wait3A_262 = arith.constant 0 : i32
    %dma_wait3A_263 = tpu.memref_slice %arg10[%dma_wait3A_256, %dma_wait3A_262] : memref<80x125xi32, #tpu.memory_space<vmem>> -> memref<1x125xi32, #tpu.memory_space<vmem>>
    %dma_wait3A_264 = tpu.memref_squeeze %dma_wait3A_263 : memref<1x125xi32, #tpu.memory_space<vmem>> -> memref<125xi32, #tpu.memory_space<vmem>>
    %dma_wait3A_265 = arith.constant 0 : i32
    %dma_wait3A_266 = arith.constant 0 : i32
    %dma_wait3A_267 = tpu.memref_slice %arg2[%dma_wait3A_265, %dma_wait3A_266] : memref<10000x16xf32, #tpu.memory_space<hbm>> -> memref<10000x16xf32, #tpu.memory_space<hbm>>
    tpu.wait_indirect_dma semaphore(%arg17 : memref<!tpu.dma_semaphore, #tpu.memory_space<semaphore_mem>>) src(%dma_wait3A_267 : memref<10000x16xf32, #tpu.memory_space<hbm>>) dst(%dma_wait3A_261 : memref<125x16xf32, #tpu.memory_space<vmem>>)
    %dma_start3A_268 = arith.constant 3 : i32
    %dma_start3A_269 = arith.constant 3 : i32
    %dma_start3A_270 = arith.constant 0 : i32
    %dma_start3A_271 = arith.constant 0 : i32
    %dma_start3A_272 = tpu.memref_slice %arg12[%dma_start3A_268, %dma_start3A_270, %dma_start3A_271] : memref<8x125x16xf32, #tpu.memory_space<vmem>> -> memref<1x125x16xf32, #tpu.memory_space<vmem>>
    %dma_start3A_273 = tpu.memref_squeeze %dma_start3A_272 : memref<1x125x16xf32, #tpu.memory_space<vmem>> -> memref<125x16xf32, #tpu.memory_space<vmem>>
    %dma_start3A_274 = arith.constant 0 : i32
    %dma_start3A_275 = tpu.memref_slice %arg11[%dma_start3A_269, %dma_start3A_274] : memref<80x125xi32, #tpu.memory_space<vmem>> -> memref<1x125xi32, #tpu.memory_space<vmem>>
    %dma_start3A_276 = tpu.memref_squeeze %dma_start3A_275 : memref<1x125xi32, #tpu.memory_space<vmem>> -> memref<125xi32, #tpu.memory_space<vmem>>
    %dma_start3A_277 = arith.constant 0 : i32
    %dma_start3A_278 = arith.constant 0 : i32
    %dma_start3A_279 = tpu.memref_slice %arg9[%dma_start3A_277, %dma_start3A_278] : memref<10000x16xf32, #tpu.memory_space<vmem_shared>> -> memref<10000x16xf32, #tpu.memory_space<vmem_shared>>
    tpu.enqueue_indirect_dma source(%dma_start3A_273 : memref<125x16xf32, #tpu.memory_space<vmem>>) target(%dma_start3A_279 : memref<10000x16xf32, #tpu.memory_space<vmem_shared>>) offsets(%dma_start3A_276 : memref<125xi32, #tpu.memory_space<vmem>>) semaphore(%arg25 : memref<!tpu.dma_semaphore, #tpu.memory_space<semaphore_mem>>) {add = true}
    %dma_start3A_280 = arith.constant 3 : i32
    %dma_start3A_281 = arith.constant 0 : i32
    %dma_start3A_282 = tpu.memref_slice %arg11[%dma_start3A_280, %dma_start3A_281] : memref<80x125xi32, #tpu.memory_space<vmem>> -> memref<1x125xi32, #tpu.memory_space<vmem>>
    %dma_start3A_283 = tpu.memref_squeeze %dma_start3A_282 : memref<1x125xi32, #tpu.memory_space<vmem>> -> memref<125xi32, #tpu.memory_space<vmem>>
    %dma_start3A_284 = arith.constant 0 : i32
    %dma_start3A_285 = tpu.memref_slice %arg30[%dma_start3A_284] : memref<10000xf32, #tpu.memory_space<vmem_shared>> -> memref<10000xf32, #tpu.memory_space<vmem_shared>>
    tpu.enqueue_indirect_dma source(%arg31 : memref<125xf32, #tpu.memory_space<vmem>>) target(%dma_start3A_285 : memref<10000xf32, #tpu.memory_space<vmem_shared>>) offsets(%dma_start3A_283 : memref<125xi32, #tpu.memory_space<vmem>>) semaphore(%arg36 : memref<!tpu.dma_semaphore, #tpu.memory_space<semaphore_mem>>) {add = true}
    %dma_wait3A_286 = arith.constant 2 : i32
    %dma_wait3A_287 = arith.constant 2 : i32
    %dma_wait3A_288 = arith.constant 0 : i32
    %dma_wait3A_289 = arith.constant 0 : i32
    %dma_wait3A_290 = tpu.memref_slice %arg12[%dma_wait3A_286, %dma_wait3A_288, %dma_wait3A_289] : memref<8x125x16xf32, #tpu.memory_space<vmem>> -> memref<1x125x16xf32, #tpu.memory_space<vmem>>
    %dma_wait3A_291 = tpu.memref_squeeze %dma_wait3A_290 : memref<1x125x16xf32, #tpu.memory_space<vmem>> -> memref<125x16xf32, #tpu.memory_space<vmem>>
    %dma_wait3A_292 = arith.constant 0 : i32
    %dma_wait3A_293 = tpu.memref_slice %arg11[%dma_wait3A_287, %dma_wait3A_292] : memref<80x125xi32, #tpu.memory_space<vmem>> -> memref<1x125xi32, #tpu.memory_space<vmem>>
    %dma_wait3A_294 = tpu.memref_squeeze %dma_wait3A_293 : memref<1x125xi32, #tpu.memory_space<vmem>> -> memref<125xi32, #tpu.memory_space<vmem>>
    %dma_wait3A_295 = arith.constant 0 : i32
    %dma_wait3A_296 = arith.constant 0 : i32
    %dma_wait3A_297 = tpu.memref_slice %arg9[%dma_wait3A_295, %dma_wait3A_296] : memref<10000x16xf32, #tpu.memory_space<vmem_shared>> -> memref<10000x16xf32, #tpu.memory_space<vmem_shared>>
    tpu.wait_indirect_dma semaphore(%arg24 : memref<!tpu.dma_semaphore, #tpu.memory_space<semaphore_mem>>) src(%dma_wait3A_291 : memref<125x16xf32, #tpu.memory_space<vmem>>) dst(%dma_wait3A_297 : memref<10000x16xf32, #tpu.memory_space<vmem_shared>>)
    %dma_wait3A_298 = arith.constant 2 : i32
    %dma_wait3A_299 = arith.constant 0 : i32
    %dma_wait3A_300 = tpu.memref_slice %arg11[%dma_wait3A_298, %dma_wait3A_299] : memref<80x125xi32, #tpu.memory_space<vmem>> -> memref<1x125xi32, #tpu.memory_space<vmem>>
    %dma_wait3A_301 = tpu.memref_squeeze %dma_wait3A_300 : memref<1x125xi32, #tpu.memory_space<vmem>> -> memref<125xi32, #tpu.memory_space<vmem>>
    %dma_wait3A_302 = arith.constant 0 : i32
    %dma_wait3A_303 = tpu.memref_slice %arg30[%dma_wait3A_302] : memref<10000xf32, #tpu.memory_space<vmem_shared>> -> memref<10000xf32, #tpu.memory_space<vmem_shared>>
    tpu.wait_indirect_dma semaphore(%arg35 : memref<!tpu.dma_semaphore, #tpu.memory_space<semaphore_mem>>) src(%arg31 : memref<125xf32, #tpu.memory_space<vmem>>) dst(%dma_wait3A_303 : memref<10000xf32, #tpu.memory_space<vmem_shared>>)
    %dma_start3A_304 = arith.constant 10 : i32
    %dma_start3A_305 = arith.constant 2 : i32
    %dma_start3A_306 = arith.constant 0 : i32
    %dma_start3A_307 = arith.constant 0 : i32
    %dma_start3A_308 = tpu.memref_slice %arg12[%dma_start3A_305, %dma_start3A_306, %dma_start3A_307] : memref<8x125x16xf32, #tpu.memory_space<vmem>> -> memref<1x125x16xf32, #tpu.memory_space<vmem>>
    %dma_start3A_309 = tpu.memref_squeeze %dma_start3A_308 : memref<1x125x16xf32, #tpu.memory_space<vmem>> -> memref<125x16xf32, #tpu.memory_space<vmem>>
    %dma_start3A_310 = arith.constant 0 : i32
    %dma_start3A_311 = tpu.memref_slice %arg10[%dma_start3A_304, %dma_start3A_310] : memref<80x125xi32, #tpu.memory_space<vmem>> -> memref<1x125xi32, #tpu.memory_space<vmem>>
    %dma_start3A_312 = tpu.memref_squeeze %dma_start3A_311 : memref<1x125xi32, #tpu.memory_space<vmem>> -> memref<125xi32, #tpu.memory_space<vmem>>
    %dma_start3A_313 = arith.constant 0 : i32
    %dma_start3A_314 = arith.constant 0 : i32
    %dma_start3A_315 = tpu.memref_slice %arg2[%dma_start3A_313, %dma_start3A_314] : memref<10000x16xf32, #tpu.memory_space<hbm>> -> memref<10000x16xf32, #tpu.memory_space<hbm>>
    tpu.enqueue_indirect_dma source(%dma_start3A_315 : memref<10000x16xf32, #tpu.memory_space<hbm>>) target(%dma_start3A_309 : memref<125x16xf32, #tpu.memory_space<vmem>>) offsets(%dma_start3A_312 : memref<125xi32, #tpu.memory_space<vmem>>) semaphore(%arg16 : memref<!tpu.dma_semaphore, #tpu.memory_space<semaphore_mem>>)
    %dma_wait3A_316 = arith.constant 4 : i32
    %dma_wait3A_317 = arith.constant 4 : i32
    %dma_wait3A_318 = arith.constant 0 : i32
    %dma_wait3A_319 = arith.constant 0 : i32
    %dma_wait3A_320 = tpu.memref_slice %arg12[%dma_wait3A_317, %dma_wait3A_318, %dma_wait3A_319] : memref<8x125x16xf32, #tpu.memory_space<vmem>> -> memref<1x125x16xf32, #tpu.memory_space<vmem>>
    %dma_wait3A_321 = tpu.memref_squeeze %dma_wait3A_320 : memref<1x125x16xf32, #tpu.memory_space<vmem>> -> memref<125x16xf32, #tpu.memory_space<vmem>>
    %dma_wait3A_322 = arith.constant 0 : i32
    %dma_wait3A_323 = tpu.memref_slice %arg10[%dma_wait3A_316, %dma_wait3A_322] : memref<80x125xi32, #tpu.memory_space<vmem>> -> memref<1x125xi32, #tpu.memory_space<vmem>>
    %dma_wait3A_324 = tpu.memref_squeeze %dma_wait3A_323 : memref<1x125xi32, #tpu.memory_space<vmem>> -> memref<125xi32, #tpu.memory_space<vmem>>
    %dma_wait3A_325 = arith.constant 0 : i32
    %dma_wait3A_326 = arith.constant 0 : i32
    %dma_wait3A_327 = tpu.memref_slice %arg2[%dma_wait3A_325, %dma_wait3A_326] : memref<10000x16xf32, #tpu.memory_space<hbm>> -> memref<10000x16xf32, #tpu.memory_space<hbm>>
    tpu.wait_indirect_dma semaphore(%arg18 : memref<!tpu.dma_semaphore, #tpu.memory_space<semaphore_mem>>) src(%dma_wait3A_327 : memref<10000x16xf32, #tpu.memory_space<hbm>>) dst(%dma_wait3A_321 : memref<125x16xf32, #tpu.memory_space<vmem>>)
    %dma_start3A_328 = arith.constant 4 : i32
    %dma_start3A_329 = arith.constant 4 : i32
    %dma_start3A_330 = arith.constant 0 : i32
    %dma_start3A_331 = arith.constant 0 : i32
    %dma_start3A_332 = tpu.memref_slice %arg12[%dma_start3A_328, %dma_start3A_330, %dma_start3A_331] : memref<8x125x16xf32, #tpu.memory_space<vmem>> -> memref<1x125x16xf32, #tpu.memory_space<vmem>>
    %dma_start3A_333 = tpu.memref_squeeze %dma_start3A_332 : memref<1x125x16xf32, #tpu.memory_space<vmem>> -> memref<125x16xf32, #tpu.memory_space<vmem>>
    %dma_start3A_334 = arith.constant 0 : i32
    %dma_start3A_335 = tpu.memref_slice %arg11[%dma_start3A_329, %dma_start3A_334] : memref<80x125xi32, #tpu.memory_space<vmem>> -> memref<1x125xi32, #tpu.memory_space<vmem>>
    %dma_start3A_336 = tpu.memref_squeeze %dma_start3A_335 : memref<1x125xi32, #tpu.memory_space<vmem>> -> memref<125xi32, #tpu.memory_space<vmem>>
    %dma_start3A_337 = arith.constant 0 : i32
    %dma_start3A_338 = arith.constant 0 : i32
    %dma_start3A_339 = tpu.memref_slice %arg9[%dma_start3A_337, %dma_start3A_338] : memref<10000x16xf32, #tpu.memory_space<vmem_shared>> -> memref<10000x16xf32, #tpu.memory_space<vmem_shared>>
    tpu.enqueue_indirect_dma source(%dma_start3A_333 : memref<125x16xf32, #tpu.memory_space<vmem>>) target(%dma_start3A_339 : memref<10000x16xf32, #tpu.memory_space<vmem_shared>>) offsets(%dma_start3A_336 : memref<125xi32, #tpu.memory_space<vmem>>) semaphore(%arg26 : memref<!tpu.dma_semaphore, #tpu.memory_space<semaphore_mem>>) {add = true}
    %dma_start3A_340 = arith.constant 4 : i32
    %dma_start3A_341 = arith.constant 0 : i32
    %dma_start3A_342 = tpu.memref_slice %arg11[%dma_start3A_340, %dma_start3A_341] : memref<80x125xi32, #tpu.memory_space<vmem>> -> memref<1x125xi32, #tpu.memory_space<vmem>>
    %dma_start3A_343 = tpu.memref_squeeze %dma_start3A_342 : memref<1x125xi32, #tpu.memory_space<vmem>> -> memref<125xi32, #tpu.memory_space<vmem>>
    %dma_start3A_344 = arith.constant 0 : i32
    %dma_start3A_345 = tpu.memref_slice %arg30[%dma_start3A_344] : memref<10000xf32, #tpu.memory_space<vmem_shared>> -> memref<10000xf32, #tpu.memory_space<vmem_shared>>
    tpu.enqueue_indirect_dma source(%arg31 : memref<125xf32, #tpu.memory_space<vmem>>) target(%dma_start3A_345 : memref<10000xf32, #tpu.memory_space<vmem_shared>>) offsets(%dma_start3A_343 : memref<125xi32, #tpu.memory_space<vmem>>) semaphore(%arg37 : memref<!tpu.dma_semaphore, #tpu.memory_space<semaphore_mem>>) {add = true}
    %dma_wait3A_346 = arith.constant 3 : i32
    %dma_wait3A_347 = arith.constant 3 : i32
    %dma_wait3A_348 = arith.constant 0 : i32
    %dma_wait3A_349 = arith.constant 0 : i32
    %dma_wait3A_350 = tpu.memref_slice %arg12[%dma_wait3A_346, %dma_wait3A_348, %dma_wait3A_349] : memref<8x125x16xf32, #tpu.memory_space<vmem>> -> memref<1x125x16xf32, #tpu.memory_space<vmem>>
    %dma_wait3A_351 = tpu.memref_squeeze %dma_wait3A_350 : memref<1x125x16xf32, #tpu.memory_space<vmem>> -> memref<125x16xf32, #tpu.memory_space<vmem>>
    %dma_wait3A_352 = arith.constant 0 : i32
    %dma_wait3A_353 = tpu.memref_slice %arg11[%dma_wait3A_347, %dma_wait3A_352] : memref<80x125xi32, #tpu.memory_space<vmem>> -> memref<1x125xi32, #tpu.memory_space<vmem>>
    %dma_wait3A_354 = tpu.memref_squeeze %dma_wait3A_353 : memref<1x125xi32, #tpu.memory_space<vmem>> -> memref<125xi32, #tpu.memory_space<vmem>>
    %dma_wait3A_355 = arith.constant 0 : i32
    %dma_wait3A_356 = arith.constant 0 : i32
    %dma_wait3A_357 = tpu.memref_slice %arg9[%dma_wait3A_355, %dma_wait3A_356] : memref<10000x16xf32, #tpu.memory_space<vmem_shared>> -> memref<10000x16xf32, #tpu.memory_space<vmem_shared>>
    tpu.wait_indirect_dma semaphore(%arg25 : memref<!tpu.dma_semaphore, #tpu.memory_space<semaphore_mem>>) src(%dma_wait3A_351 : memref<125x16xf32, #tpu.memory_space<vmem>>) dst(%dma_wait3A_357 : memref<10000x16xf32, #tpu.memory_space<vmem_shared>>)
    %dma_wait3A_358 = arith.constant 3 : i32
    %dma_wait3A_359 = arith.constant 0 : i32
    %dma_wait3A_360 = tpu.memref_slice %arg11[%dma_wait3A_358, %dma_wait3A_359] : memref<80x125xi32, #tpu.memory_space<vmem>> -> memref<1x125xi32, #tpu.memory_space<vmem>>
    %dma_wait3A_361 = tpu.memref_squeeze %dma_wait3A_360 : memref<1x125xi32, #tpu.memory_space<vmem>> -> memref<125xi32, #tpu.memory_space<vmem>>
    %dma_wait3A_362 = arith.constant 0 : i32
    %dma_wait3A_363 = tpu.memref_slice %arg30[%dma_wait3A_362] : memref<10000xf32, #tpu.memory_space<vmem_shared>> -> memref<10000xf32, #tpu.memory_space<vmem_shared>>
    tpu.wait_indirect_dma semaphore(%arg36 : memref<!tpu.dma_semaphore, #tpu.memory_space<semaphore_mem>>) src(%arg31 : memref<125xf32, #tpu.memory_space<vmem>>) dst(%dma_wait3A_363 : memref<10000xf32, #tpu.memory_space<vmem_shared>>)
    %dma_start3A_364 = arith.constant 11 : i32
    %dma_start3A_365 = arith.constant 3 : i32
    %dma_start3A_366 = arith.constant 0 : i32
    %dma_start3A_367 = arith.constant 0 : i32
    %dma_start3A_368 = tpu.memref_slice %arg12[%dma_start3A_365, %dma_start3A_366, %dma_start3A_367] : memref<8x125x16xf32, #tpu.memory_space<vmem>> -> memref<1x125x16xf32, #tpu.memory_space<vmem>>
    %dma_start3A_369 = tpu.memref_squeeze %dma_start3A_368 : memref<1x125x16xf32, #tpu.memory_space<vmem>> -> memref<125x16xf32, #tpu.memory_space<vmem>>
    %dma_start3A_370 = arith.constant 0 : i32
    %dma_start3A_371 = tpu.memref_slice %arg10[%dma_start3A_364, %dma_start3A_370] : memref<80x125xi32, #tpu.memory_space<vmem>> -> memref<1x125xi32, #tpu.memory_space<vmem>>
    %dma_start3A_372 = tpu.memref_squeeze %dma_start3A_371 : memref<1x125xi32, #tpu.memory_space<vmem>> -> memref<125xi32, #tpu.memory_space<vmem>>
    %dma_start3A_373 = arith.constant 0 : i32
    %dma_start3A_374 = arith.constant 0 : i32
    %dma_start3A_375 = tpu.memref_slice %arg2[%dma_start3A_373, %dma_start3A_374] : memref<10000x16xf32, #tpu.memory_space<hbm>> -> memref<10000x16xf32, #tpu.memory_space<hbm>>
    tpu.enqueue_indirect_dma source(%dma_start3A_375 : memref<10000x16xf32, #tpu.memory_space<hbm>>) target(%dma_start3A_369 : memref<125x16xf32, #tpu.memory_space<vmem>>) offsets(%dma_start3A_372 : memref<125xi32, #tpu.memory_space<vmem>>) semaphore(%arg17 : memref<!tpu.dma_semaphore, #tpu.memory_space<semaphore_mem>>)
    %dma_wait3A_376 = arith.constant 5 : i32
    %dma_wait3A_377 = arith.constant 5 : i32
    %dma_wait3A_378 = arith.constant 0 : i32
    %dma_wait3A_379 = arith.constant 0 : i32
    %dma_wait3A_380 = tpu.memref_slice %arg12[%dma_wait3A_377, %dma_wait3A_378, %dma_wait3A_379] : memref<8x125x16xf32, #tpu.memory_space<vmem>> -> memref<1x125x16xf32, #tpu.memory_space<vmem>>
    %dma_wait3A_381 = tpu.memref_squeeze %dma_wait3A_380 : memref<1x125x16xf32, #tpu.memory_space<vmem>> -> memref<125x16xf32, #tpu.memory_space<vmem>>
    %dma_wait3A_382 = arith.constant 0 : i32
    %dma_wait3A_383 = tpu.memref_slice %arg10[%dma_wait3A_376, %dma_wait3A_382] : memref<80x125xi32, #tpu.memory_space<vmem>> -> memref<1x125xi32, #tpu.memory_space<vmem>>
    %dma_wait3A_384 = tpu.memref_squeeze %dma_wait3A_383 : memref<1x125xi32, #tpu.memory_space<vmem>> -> memref<125xi32, #tpu.memory_space<vmem>>
    %dma_wait3A_385 = arith.constant 0 : i32
    %dma_wait3A_386 = arith.constant 0 : i32
    %dma_wait3A_387 = tpu.memref_slice %arg2[%dma_wait3A_385, %dma_wait3A_386] : memref<10000x16xf32, #tpu.memory_space<hbm>> -> memref<10000x16xf32, #tpu.memory_space<hbm>>
    tpu.wait_indirect_dma semaphore(%arg19 : memref<!tpu.dma_semaphore, #tpu.memory_space<semaphore_mem>>) src(%dma_wait3A_387 : memref<10000x16xf32, #tpu.memory_space<hbm>>) dst(%dma_wait3A_381 : memref<125x16xf32, #tpu.memory_space<vmem>>)
    %dma_start3A_388 = arith.constant 5 : i32
    %dma_start3A_389 = arith.constant 5 : i32
    %dma_start3A_390 = arith.constant 0 : i32
    %dma_start3A_391 = arith.constant 0 : i32
    %dma_start3A_392 = tpu.memref_slice %arg12[%dma_start3A_388, %dma_start3A_390, %dma_start3A_391] : memref<8x125x16xf32, #tpu.memory_space<vmem>> -> memref<1x125x16xf32, #tpu.memory_space<vmem>>
    %dma_start3A_393 = tpu.memref_squeeze %dma_start3A_392 : memref<1x125x16xf32, #tpu.memory_space<vmem>> -> memref<125x16xf32, #tpu.memory_space<vmem>>
    %dma_start3A_394 = arith.constant 0 : i32
    %dma_start3A_395 = tpu.memref_slice %arg11[%dma_start3A_389, %dma_start3A_394] : memref<80x125xi32, #tpu.memory_space<vmem>> -> memref<1x125xi32, #tpu.memory_space<vmem>>
    %dma_start3A_396 = tpu.memref_squeeze %dma_start3A_395 : memref<1x125xi32, #tpu.memory_space<vmem>> -> memref<125xi32, #tpu.memory_space<vmem>>
    %dma_start3A_397 = arith.constant 0 : i32
    %dma_start3A_398 = arith.constant 0 : i32
    %dma_start3A_399 = tpu.memref_slice %arg9[%dma_start3A_397, %dma_start3A_398] : memref<10000x16xf32, #tpu.memory_space<vmem_shared>> -> memref<10000x16xf32, #tpu.memory_space<vmem_shared>>
    tpu.enqueue_indirect_dma source(%dma_start3A_393 : memref<125x16xf32, #tpu.memory_space<vmem>>) target(%dma_start3A_399 : memref<10000x16xf32, #tpu.memory_space<vmem_shared>>) offsets(%dma_start3A_396 : memref<125xi32, #tpu.memory_space<vmem>>) semaphore(%arg27 : memref<!tpu.dma_semaphore, #tpu.memory_space<semaphore_mem>>) {add = true}
    %dma_start3A_400 = arith.constant 5 : i32
    %dma_start3A_401 = arith.constant 0 : i32
    %dma_start3A_402 = tpu.memref_slice %arg11[%dma_start3A_400, %dma_start3A_401] : memref<80x125xi32, #tpu.memory_space<vmem>> -> memref<1x125xi32, #tpu.memory_space<vmem>>
    %dma_start3A_403 = tpu.memref_squeeze %dma_start3A_402 : memref<1x125xi32, #tpu.memory_space<vmem>> -> memref<125xi32, #tpu.memory_space<vmem>>
    %dma_start3A_404 = arith.constant 0 : i32
    %dma_start3A_405 = tpu.memref_slice %arg30[%dma_start3A_404] : memref<10000xf32, #tpu.memory_space<vmem_shared>> -> memref<10000xf32, #tpu.memory_space<vmem_shared>>
    tpu.enqueue_indirect_dma source(%arg31 : memref<125xf32, #tpu.memory_space<vmem>>) target(%dma_start3A_405 : memref<10000xf32, #tpu.memory_space<vmem_shared>>) offsets(%dma_start3A_403 : memref<125xi32, #tpu.memory_space<vmem>>) semaphore(%arg38 : memref<!tpu.dma_semaphore, #tpu.memory_space<semaphore_mem>>) {add = true}
    %dma_wait3A_406 = arith.constant 4 : i32
    %dma_wait3A_407 = arith.constant 4 : i32
    %dma_wait3A_408 = arith.constant 0 : i32
    %dma_wait3A_409 = arith.constant 0 : i32
    %dma_wait3A_410 = tpu.memref_slice %arg12[%dma_wait3A_406, %dma_wait3A_408, %dma_wait3A_409] : memref<8x125x16xf32, #tpu.memory_space<vmem>> -> memref<1x125x16xf32, #tpu.memory_space<vmem>>
    %dma_wait3A_411 = tpu.memref_squeeze %dma_wait3A_410 : memref<1x125x16xf32, #tpu.memory_space<vmem>> -> memref<125x16xf32, #tpu.memory_space<vmem>>
    %dma_wait3A_412 = arith.constant 0 : i32
    %dma_wait3A_413 = tpu.memref_slice %arg11[%dma_wait3A_407, %dma_wait3A_412] : memref<80x125xi32, #tpu.memory_space<vmem>> -> memref<1x125xi32, #tpu.memory_space<vmem>>
    %dma_wait3A_414 = tpu.memref_squeeze %dma_wait3A_413 : memref<1x125xi32, #tpu.memory_space<vmem>> -> memref<125xi32, #tpu.memory_space<vmem>>
    %dma_wait3A_415 = arith.constant 0 : i32
    %dma_wait3A_416 = arith.constant 0 : i32
    %dma_wait3A_417 = tpu.memref_slice %arg9[%dma_wait3A_415, %dma_wait3A_416] : memref<10000x16xf32, #tpu.memory_space<vmem_shared>> -> memref<10000x16xf32, #tpu.memory_space<vmem_shared>>
    tpu.wait_indirect_dma semaphore(%arg26 : memref<!tpu.dma_semaphore, #tpu.memory_space<semaphore_mem>>) src(%dma_wait3A_411 : memref<125x16xf32, #tpu.memory_space<vmem>>) dst(%dma_wait3A_417 : memref<10000x16xf32, #tpu.memory_space<vmem_shared>>)
    %dma_wait3A_418 = arith.constant 4 : i32
    %dma_wait3A_419 = arith.constant 0 : i32
    %dma_wait3A_420 = tpu.memref_slice %arg11[%dma_wait3A_418, %dma_wait3A_419] : memref<80x125xi32, #tpu.memory_space<vmem>> -> memref<1x125xi32, #tpu.memory_space<vmem>>
    %dma_wait3A_421 = tpu.memref_squeeze %dma_wait3A_420 : memref<1x125xi32, #tpu.memory_space<vmem>> -> memref<125xi32, #tpu.memory_space<vmem>>
    %dma_wait3A_422 = arith.constant 0 : i32
    %dma_wait3A_423 = tpu.memref_slice %arg30[%dma_wait3A_422] : memref<10000xf32, #tpu.memory_space<vmem_shared>> -> memref<10000xf32, #tpu.memory_space<vmem_shared>>
    tpu.wait_indirect_dma semaphore(%arg37 : memref<!tpu.dma_semaphore, #tpu.memory_space<semaphore_mem>>) src(%arg31 : memref<125xf32, #tpu.memory_space<vmem>>) dst(%dma_wait3A_423 : memref<10000xf32, #tpu.memory_space<vmem_shared>>)
    %dma_start3A_424 = arith.constant 12 : i32
    %dma_start3A_425 = arith.constant 4 : i32
    %dma_start3A_426 = arith.constant 0 : i32
    %dma_start3A_427 = arith.constant 0 : i32
    %dma_start3A_428 = tpu.memref_slice %arg12[%dma_start3A_425, %dma_start3A_426, %dma_start3A_427] : memref<8x125x16xf32, #tpu.memory_space<vmem>> -> memref<1x125x16xf32, #tpu.memory_space<vmem>>
    %dma_start3A_429 = tpu.memref_squeeze %dma_start3A_428 : memref<1x125x16xf32, #tpu.memory_space<vmem>> -> memref<125x16xf32, #tpu.memory_space<vmem>>
    %dma_start3A_430 = arith.constant 0 : i32
    %dma_start3A_431 = tpu.memref_slice %arg10[%dma_start3A_424, %dma_start3A_430] : memref<80x125xi32, #tpu.memory_space<vmem>> -> memref<1x125xi32, #tpu.memory_space<vmem>>
    %dma_start3A_432 = tpu.memref_squeeze %dma_start3A_431 : memref<1x125xi32, #tpu.memory_space<vmem>> -> memref<125xi32, #tpu.memory_space<vmem>>
    %dma_start3A_433 = arith.constant 0 : i32
    %dma_start3A_434 = arith.constant 0 : i32
    %dma_start3A_435 = tpu.memref_slice %arg2[%dma_start3A_433, %dma_start3A_434] : memref<10000x16xf32, #tpu.memory_space<hbm>> -> memref<10000x16xf32, #tpu.memory_space<hbm>>
    tpu.enqueue_indirect_dma source(%dma_start3A_435 : memref<10000x16xf32, #tpu.memory_space<hbm>>) target(%dma_start3A_429 : memref<125x16xf32, #tpu.memory_space<vmem>>) offsets(%dma_start3A_432 : memref<125xi32, #tpu.memory_space<vmem>>) semaphore(%arg18 : memref<!tpu.dma_semaphore, #tpu.memory_space<semaphore_mem>>)
    %dma_wait3A_436 = arith.constant 6 : i32
    %dma_wait3A_437 = arith.constant 6 : i32
    %dma_wait3A_438 = arith.constant 0 : i32
    %dma_wait3A_439 = arith.constant 0 : i32
    %dma_wait3A_440 = tpu.memref_slice %arg12[%dma_wait3A_437, %dma_wait3A_438, %dma_wait3A_439] : memref<8x125x16xf32, #tpu.memory_space<vmem>> -> memref<1x125x16xf32, #tpu.memory_space<vmem>>
    %dma_wait3A_441 = tpu.memref_squeeze %dma_wait3A_440 : memref<1x125x16xf32, #tpu.memory_space<vmem>> -> memref<125x16xf32, #tpu.memory_space<vmem>>
    %dma_wait3A_442 = arith.constant 0 : i32
    %dma_wait3A_443 = tpu.memref_slice %arg10[%dma_wait3A_436, %dma_wait3A_442] : memref<80x125xi32, #tpu.memory_space<vmem>> -> memref<1x125xi32, #tpu.memory_space<vmem>>
    %dma_wait3A_444 = tpu.memref_squeeze %dma_wait3A_443 : memref<1x125xi32, #tpu.memory_space<vmem>> -> memref<125xi32, #tpu.memory_space<vmem>>
    %dma_wait3A_445 = arith.constant 0 : i32
    %dma_wait3A_446 = arith.constant 0 : i32
    %dma_wait3A_447 = tpu.memref_slice %arg2[%dma_wait3A_445, %dma_wait3A_446] : memref<10000x16xf32, #tpu.memory_space<hbm>> -> memref<10000x16xf32, #tpu.memory_space<hbm>>
    tpu.wait_indirect_dma semaphore(%arg20 : memref<!tpu.dma_semaphore, #tpu.memory_space<semaphore_mem>>) src(%dma_wait3A_447 : memref<10000x16xf32, #tpu.memory_space<hbm>>) dst(%dma_wait3A_441 : memref<125x16xf32, #tpu.memory_space<vmem>>)
    %dma_start3A_448 = arith.constant 6 : i32
    %dma_start3A_449 = arith.constant 6 : i32
    %dma_start3A_450 = arith.constant 0 : i32
    %dma_start3A_451 = arith.constant 0 : i32
    %dma_start3A_452 = tpu.memref_slice %arg12[%dma_start3A_448, %dma_start3A_450, %dma_start3A_451] : memref<8x125x16xf32, #tpu.memory_space<vmem>> -> memref<1x125x16xf32, #tpu.memory_space<vmem>>
    %dma_start3A_453 = tpu.memref_squeeze %dma_start3A_452 : memref<1x125x16xf32, #tpu.memory_space<vmem>> -> memref<125x16xf32, #tpu.memory_space<vmem>>
    %dma_start3A_454 = arith.constant 0 : i32
    %dma_start3A_455 = tpu.memref_slice %arg11[%dma_start3A_449, %dma_start3A_454] : memref<80x125xi32, #tpu.memory_space<vmem>> -> memref<1x125xi32, #tpu.memory_space<vmem>>
    %dma_start3A_456 = tpu.memref_squeeze %dma_start3A_455 : memref<1x125xi32, #tpu.memory_space<vmem>> -> memref<125xi32, #tpu.memory_space<vmem>>
    %dma_start3A_457 = arith.constant 0 : i32
    %dma_start3A_458 = arith.constant 0 : i32
    %dma_start3A_459 = tpu.memref_slice %arg9[%dma_start3A_457, %dma_start3A_458] : memref<10000x16xf32, #tpu.memory_space<vmem_shared>> -> memref<10000x16xf32, #tpu.memory_space<vmem_shared>>
    tpu.enqueue_indirect_dma source(%dma_start3A_453 : memref<125x16xf32, #tpu.memory_space<vmem>>) target(%dma_start3A_459 : memref<10000x16xf32, #tpu.memory_space<vmem_shared>>) offsets(%dma_start3A_456 : memref<125xi32, #tpu.memory_space<vmem>>) semaphore(%arg28 : memref<!tpu.dma_semaphore, #tpu.memory_space<semaphore_mem>>) {add = true}
    %dma_start3A_460 = arith.constant 6 : i32
    %dma_start3A_461 = arith.constant 0 : i32
    %dma_start3A_462 = tpu.memref_slice %arg11[%dma_start3A_460, %dma_start3A_461] : memref<80x125xi32, #tpu.memory_space<vmem>> -> memref<1x125xi32, #tpu.memory_space<vmem>>
    %dma_start3A_463 = tpu.memref_squeeze %dma_start3A_462 : memref<1x125xi32, #tpu.memory_space<vmem>> -> memref<125xi32, #tpu.memory_space<vmem>>
    %dma_start3A_464 = arith.constant 0 : i32
    %dma_start3A_465 = tpu.memref_slice %arg30[%dma_start3A_464] : memref<10000xf32, #tpu.memory_space<vmem_shared>> -> memref<10000xf32, #tpu.memory_space<vmem_shared>>
    tpu.enqueue_indirect_dma source(%arg31 : memref<125xf32, #tpu.memory_space<vmem>>) target(%dma_start3A_465 : memref<10000xf32, #tpu.memory_space<vmem_shared>>) offsets(%dma_start3A_463 : memref<125xi32, #tpu.memory_space<vmem>>) semaphore(%arg39 : memref<!tpu.dma_semaphore, #tpu.memory_space<semaphore_mem>>) {add = true}
    %dma_wait3A_466 = arith.constant 5 : i32
    %dma_wait3A_467 = arith.constant 5 : i32
    %dma_wait3A_468 = arith.constant 0 : i32
    %dma_wait3A_469 = arith.constant 0 : i32
    %dma_wait3A_470 = tpu.memref_slice %arg12[%dma_wait3A_466, %dma_wait3A_468, %dma_wait3A_469] : memref<8x125x16xf32, #tpu.memory_space<vmem>> -> memref<1x125x16xf32, #tpu.memory_space<vmem>>
    %dma_wait3A_471 = tpu.memref_squeeze %dma_wait3A_470 : memref<1x125x16xf32, #tpu.memory_space<vmem>> -> memref<125x16xf32, #tpu.memory_space<vmem>>
    %dma_wait3A_472 = arith.constant 0 : i32
    %dma_wait3A_473 = tpu.memref_slice %arg11[%dma_wait3A_467, %dma_wait3A_472] : memref<80x125xi32, #tpu.memory_space<vmem>> -> memref<1x125xi32, #tpu.memory_space<vmem>>
    %dma_wait3A_474 = tpu.memref_squeeze %dma_wait3A_473 : memref<1x125xi32, #tpu.memory_space<vmem>> -> memref<125xi32, #tpu.memory_space<vmem>>
    %dma_wait3A_475 = arith.constant 0 : i32
    %dma_wait3A_476 = arith.constant 0 : i32
    %dma_wait3A_477 = tpu.memref_slice %arg9[%dma_wait3A_475, %dma_wait3A_476] : memref<10000x16xf32, #tpu.memory_space<vmem_shared>> -> memref<10000x16xf32, #tpu.memory_space<vmem_shared>>
    tpu.wait_indirect_dma semaphore(%arg27 : memref<!tpu.dma_semaphore, #tpu.memory_space<semaphore_mem>>) src(%dma_wait3A_471 : memref<125x16xf32, #tpu.memory_space<vmem>>) dst(%dma_wait3A_477 : memref<10000x16xf32, #tpu.memory_space<vmem_shared>>)
    %dma_wait3A_478 = arith.constant 5 : i32
    %dma_wait3A_479 = arith.constant 0 : i32
    %dma_wait3A_480 = tpu.memref_slice %arg11[%dma_wait3A_478, %dma_wait3A_479] : memref<80x125xi32, #tpu.memory_space<vmem>> -> memref<1x125xi32, #tpu.memory_space<vmem>>
    %dma_wait3A_481 = tpu.memref_squeeze %dma_wait3A_480 : memref<1x125xi32, #tpu.memory_space<vmem>> -> memref<125xi32, #tpu.memory_space<vmem>>
    %dma_wait3A_482 = arith.constant 0 : i32
    %dma_wait3A_483 = tpu.memref_slice %arg30[%dma_wait3A_482] : memref<10000xf32, #tpu.memory_space<vmem_shared>> -> memref<10000xf32, #tpu.memory_space<vmem_shared>>
    tpu.wait_indirect_dma semaphore(%arg38 : memref<!tpu.dma_semaphore, #tpu.memory_space<semaphore_mem>>) src(%arg31 : memref<125xf32, #tpu.memory_space<vmem>>) dst(%dma_wait3A_483 : memref<10000xf32, #tpu.memory_space<vmem_shared>>)
    %dma_start3A_484 = arith.constant 13 : i32
    %dma_start3A_485 = arith.constant 5 : i32
    %dma_start3A_486 = arith.constant 0 : i32
    %dma_start3A_487 = arith.constant 0 : i32
    %dma_start3A_488 = tpu.memref_slice %arg12[%dma_start3A_485, %dma_start3A_486, %dma_start3A_487] : memref<8x125x16xf32, #tpu.memory_space<vmem>> -> memref<1x125x16xf32, #tpu.memory_space<vmem>>
    %dma_start3A_489 = tpu.memref_squeeze %dma_start3A_488 : memref<1x125x16xf32, #tpu.memory_space<vmem>> -> memref<125x16xf32, #tpu.memory_space<vmem>>
    %dma_start3A_490 = arith.constant 0 : i32
    %dma_start3A_491 = tpu.memref_slice %arg10[%dma_start3A_484, %dma_start3A_490] : memref<80x125xi32, #tpu.memory_space<vmem>> -> memref<1x125xi32, #tpu.memory_space<vmem>>
    %dma_start3A_492 = tpu.memref_squeeze %dma_start3A_491 : memref<1x125xi32, #tpu.memory_space<vmem>> -> memref<125xi32, #tpu.memory_space<vmem>>
    %dma_start3A_493 = arith.constant 0 : i32
    %dma_start3A_494 = arith.constant 0 : i32
    %dma_start3A_495 = tpu.memref_slice %arg2[%dma_start3A_493, %dma_start3A_494] : memref<10000x16xf32, #tpu.memory_space<hbm>> -> memref<10000x16xf32, #tpu.memory_space<hbm>>
    tpu.enqueue_indirect_dma source(%dma_start3A_495 : memref<10000x16xf32, #tpu.memory_space<hbm>>) target(%dma_start3A_489 : memref<125x16xf32, #tpu.memory_space<vmem>>) offsets(%dma_start3A_492 : memref<125xi32, #tpu.memory_space<vmem>>) semaphore(%arg19 : memref<!tpu.dma_semaphore, #tpu.memory_space<semaphore_mem>>)
    %dma_wait3A_496 = arith.constant 7 : i32
    %dma_wait3A_497 = arith.constant 7 : i32
    %dma_wait3A_498 = arith.constant 0 : i32
    %dma_wait3A_499 = arith.constant 0 : i32
    %dma_wait3A_500 = tpu.memref_slice %arg12[%dma_wait3A_497, %dma_wait3A_498, %dma_wait3A_499] : memref<8x125x16xf32, #tpu.memory_space<vmem>> -> memref<1x125x16xf32, #tpu.memory_space<vmem>>
    %dma_wait3A_501 = tpu.memref_squeeze %dma_wait3A_500 : memref<1x125x16xf32, #tpu.memory_space<vmem>> -> memref<125x16xf32, #tpu.memory_space<vmem>>
    %dma_wait3A_502 = arith.constant 0 : i32
    %dma_wait3A_503 = tpu.memref_slice %arg10[%dma_wait3A_496, %dma_wait3A_502] : memref<80x125xi32, #tpu.memory_space<vmem>> -> memref<1x125xi32, #tpu.memory_space<vmem>>
    %dma_wait3A_504 = tpu.memref_squeeze %dma_wait3A_503 : memref<1x125xi32, #tpu.memory_space<vmem>> -> memref<125xi32, #tpu.memory_space<vmem>>
    %dma_wait3A_505 = arith.constant 0 : i32
    %dma_wait3A_506 = arith.constant 0 : i32
    %dma_wait3A_507 = tpu.memref_slice %arg2[%dma_wait3A_505, %dma_wait3A_506] : memref<10000x16xf32, #tpu.memory_space<hbm>> -> memref<10000x16xf32, #tpu.memory_space<hbm>>
    tpu.wait_indirect_dma semaphore(%arg21 : memref<!tpu.dma_semaphore, #tpu.memory_space<semaphore_mem>>) src(%dma_wait3A_507 : memref<10000x16xf32, #tpu.memory_space<hbm>>) dst(%dma_wait3A_501 : memref<125x16xf32, #tpu.memory_space<vmem>>)
    %dma_start3A_508 = arith.constant 7 : i32
    %dma_start3A_509 = arith.constant 7 : i32
    %dma_start3A_510 = arith.constant 0 : i32
    %dma_start3A_511 = arith.constant 0 : i32
    %dma_start3A_512 = tpu.memref_slice %arg12[%dma_start3A_508, %dma_start3A_510, %dma_start3A_511] : memref<8x125x16xf32, #tpu.memory_space<vmem>> -> memref<1x125x16xf32, #tpu.memory_space<vmem>>
    %dma_start3A_513 = tpu.memref_squeeze %dma_start3A_512 : memref<1x125x16xf32, #tpu.memory_space<vmem>> -> memref<125x16xf32, #tpu.memory_space<vmem>>
    %dma_start3A_514 = arith.constant 0 : i32
    %dma_start3A_515 = tpu.memref_slice %arg11[%dma_start3A_509, %dma_start3A_514] : memref<80x125xi32, #tpu.memory_space<vmem>> -> memref<1x125xi32, #tpu.memory_space<vmem>>
    %dma_start3A_516 = tpu.memref_squeeze %dma_start3A_515 : memref<1x125xi32, #tpu.memory_space<vmem>> -> memref<125xi32, #tpu.memory_space<vmem>>
    %dma_start3A_517 = arith.constant 0 : i32
    %dma_start3A_518 = arith.constant 0 : i32
    %dma_start3A_519 = tpu.memref_slice %arg9[%dma_start3A_517, %dma_start3A_518] : memref<10000x16xf32, #tpu.memory_space<vmem_shared>> -> memref<10000x16xf32, #tpu.memory_space<vmem_shared>>
    tpu.enqueue_indirect_dma source(%dma_start3A_513 : memref<125x16xf32, #tpu.memory_space<vmem>>) target(%dma_start3A_519 : memref<10000x16xf32, #tpu.memory_space<vmem_shared>>) offsets(%dma_start3A_516 : memref<125xi32, #tpu.memory_space<vmem>>) semaphore(%arg29 : memref<!tpu.dma_semaphore, #tpu.memory_space<semaphore_mem>>) {add = true}
    %dma_start3A_520 = arith.constant 7 : i32
    %dma_start3A_521 = arith.constant 0 : i32
    %dma_start3A_522 = tpu.memref_slice %arg11[%dma_start3A_520, %dma_start3A_521] : memref<80x125xi32, #tpu.memory_space<vmem>> -> memref<1x125xi32, #tpu.memory_space<vmem>>
    %dma_start3A_523 = tpu.memref_squeeze %dma_start3A_522 : memref<1x125xi32, #tpu.memory_space<vmem>> -> memref<125xi32, #tpu.memory_space<vmem>>
    %dma_start3A_524 = arith.constant 0 : i32
    %dma_start3A_525 = tpu.memref_slice %arg30[%dma_start3A_524] : memref<10000xf32, #tpu.memory_space<vmem_shared>> -> memref<10000xf32, #tpu.memory_space<vmem_shared>>
    tpu.enqueue_indirect_dma source(%arg31 : memref<125xf32, #tpu.memory_space<vmem>>) target(%dma_start3A_525 : memref<10000xf32, #tpu.memory_space<vmem_shared>>) offsets(%dma_start3A_523 : memref<125xi32, #tpu.memory_space<vmem>>) semaphore(%arg40 : memref<!tpu.dma_semaphore, #tpu.memory_space<semaphore_mem>>) {add = true}
    %dma_wait3A_526 = arith.constant 6 : i32
    %dma_wait3A_527 = arith.constant 6 : i32
    %dma_wait3A_528 = arith.constant 0 : i32
    %dma_wait3A_529 = arith.constant 0 : i32
    %dma_wait3A_530 = tpu.memref_slice %arg12[%dma_wait3A_526, %dma_wait3A_528, %dma_wait3A_529] : memref<8x125x16xf32, #tpu.memory_space<vmem>> -> memref<1x125x16xf32, #tpu.memory_space<vmem>>
    %dma_wait3A_531 = tpu.memref_squeeze %dma_wait3A_530 : memref<1x125x16xf32, #tpu.memory_space<vmem>> -> memref<125x16xf32, #tpu.memory_space<vmem>>
    %dma_wait3A_532 = arith.constant 0 : i32
    %dma_wait3A_533 = tpu.memref_slice %arg11[%dma_wait3A_527, %dma_wait3A_532] : memref<80x125xi32, #tpu.memory_space<vmem>> -> memref<1x125xi32, #tpu.memory_space<vmem>>
    %dma_wait3A_534 = tpu.memref_squeeze %dma_wait3A_533 : memref<1x125xi32, #tpu.memory_space<vmem>> -> memref<125xi32, #tpu.memory_space<vmem>>
    %dma_wait3A_535 = arith.constant 0 : i32
    %dma_wait3A_536 = arith.constant 0 : i32
    %dma_wait3A_537 = tpu.memref_slice %arg9[%dma_wait3A_535, %dma_wait3A_536] : memref<10000x16xf32, #tpu.memory_space<vmem_shared>> -> memref<10000x16xf32, #tpu.memory_space<vmem_shared>>
    tpu.wait_indirect_dma semaphore(%arg28 : memref<!tpu.dma_semaphore, #tpu.memory_space<semaphore_mem>>) src(%dma_wait3A_531 : memref<125x16xf32, #tpu.memory_space<vmem>>) dst(%dma_wait3A_537 : memref<10000x16xf32, #tpu.memory_space<vmem_shared>>)
    %dma_wait3A_538 = arith.constant 6 : i32
    %dma_wait3A_539 = arith.constant 0 : i32
    %dma_wait3A_540 = tpu.memref_slice %arg11[%dma_wait3A_538, %dma_wait3A_539] : memref<80x125xi32, #tpu.memory_space<vmem>> -> memref<1x125xi32, #tpu.memory_space<vmem>>
    %dma_wait3A_541 = tpu.memref_squeeze %dma_wait3A_540 : memref<1x125xi32, #tpu.memory_space<vmem>> -> memref<125xi32, #tpu.memory_space<vmem>>
    %dma_wait3A_542 = arith.constant 0 : i32
    %dma_wait3A_543 = tpu.memref_slice %arg30[%dma_wait3A_542] : memref<10000xf32, #tpu.memory_space<vmem_shared>> -> memref<10000xf32, #tpu.memory_space<vmem_shared>>
    tpu.wait_indirect_dma semaphore(%arg39 : memref<!tpu.dma_semaphore, #tpu.memory_space<semaphore_mem>>) src(%arg31 : memref<125xf32, #tpu.memory_space<vmem>>) dst(%dma_wait3A_543 : memref<10000xf32, #tpu.memory_space<vmem_shared>>)
    %dma_start3A_544 = arith.constant 14 : i32
    %dma_start3A_545 = arith.constant 6 : i32
    %dma_start3A_546 = arith.constant 0 : i32
    %dma_start3A_547 = arith.constant 0 : i32
    %dma_start3A_548 = tpu.memref_slice %arg12[%dma_start3A_545, %dma_start3A_546, %dma_start3A_547] : memref<8x125x16xf32, #tpu.memory_space<vmem>> -> memref<1x125x16xf32, #tpu.memory_space<vmem>>
    %dma_start3A_549 = tpu.memref_squeeze %dma_start3A_548 : memref<1x125x16xf32, #tpu.memory_space<vmem>> -> memref<125x16xf32, #tpu.memory_space<vmem>>
    %dma_start3A_550 = arith.constant 0 : i32
    %dma_start3A_551 = tpu.memref_slice %arg10[%dma_start3A_544, %dma_start3A_550] : memref<80x125xi32, #tpu.memory_space<vmem>> -> memref<1x125xi32, #tpu.memory_space<vmem>>
    %dma_start3A_552 = tpu.memref_squeeze %dma_start3A_551 : memref<1x125xi32, #tpu.memory_space<vmem>> -> memref<125xi32, #tpu.memory_space<vmem>>
    %dma_start3A_553 = arith.constant 0 : i32
    %dma_start3A_554 = arith.constant 0 : i32
    %dma_start3A_555 = tpu.memref_slice %arg2[%dma_start3A_553, %dma_start3A_554] : memref<10000x16xf32, #tpu.memory_space<hbm>> -> memref<10000x16xf32, #tpu.memory_space<hbm>>
    tpu.enqueue_indirect_dma source(%dma_start3A_555 : memref<10000x16xf32, #tpu.memory_space<hbm>>) target(%dma_start3A_549 : memref<125x16xf32, #tpu.memory_space<vmem>>) offsets(%dma_start3A_552 : memref<125xi32, #tpu.memory_space<vmem>>) semaphore(%arg20 : memref<!tpu.dma_semaphore, #tpu.memory_space<semaphore_mem>>)
    %scan3A = arith.constant 0 : i32
    %scan3A_556 = arith.constant 1 : i32
    %scan3A_557 = arith.constant 9 : i32
    %scan3A_558 = arith.addi %scan3A_556, %scan3A_557 : i32
    %scan3A_559 = arith.constant 1 : i32
    scf.for %scan3A_590 = %scan3A_556 to %scan3A_558 step %scan3A_559  : i32 {
      %mul3A_591 = arith.constant 8 : i32
      %mul3A_592 = arith.muli %mul3A_591, %scan3A_590 : i32
      %add3A_593 = arith.constant 0 : i32
      %add3A_594 = arith.addi %mul3A_592, %add3A_593 : i32
      %add3A_595 = arith.constant 8 : i32
      %add3A_596 = arith.addi %add3A_594, %add3A_595 : i32
      %sub3A = arith.constant 1 : i32
      %sub3A_597 = arith.subi %add3A_596, %sub3A : i32
      %lt3A_598 = arith.constant 80 : i32
      %lt3A_599 = arith.cmpi slt, %sub3A_597, %lt3A_598 : i32
      %convert_element_type3A_600 = arith.extui %lt3A_599 : i1 to i32
      %cond3A_601 = arith.constant 0 : i32
      %cond3A_602 = arith.cmpi ne, %convert_element_type3A_600, %cond3A_601 : i32
      scf.if %cond3A_602 {
        %dma_wait3A_751 = arith.constant 0 : i32
        %dma_wait3A_752 = arith.constant 0 : i32
        %dma_wait3A_753 = arith.constant 0 : i32
        %dma_wait3A_754 = tpu.memref_slice %arg12[%dma_wait3A_751, %dma_wait3A_752, %dma_wait3A_753] : memref<8x125x16xf32, #tpu.memory_space<vmem>> -> memref<1x125x16xf32, #tpu.memory_space<vmem>>
        %dma_wait3A_755 = tpu.memref_squeeze %dma_wait3A_754 : memref<1x125x16xf32, #tpu.memory_space<vmem>> -> memref<125x16xf32, #tpu.memory_space<vmem>>
        %dma_wait3A_756 = arith.constant 0 : i32
        %dma_wait3A_757 = tpu.memref_slice %arg10[%add3A_594, %dma_wait3A_756] : memref<80x125xi32, #tpu.memory_space<vmem>> -> memref<1x125xi32, #tpu.memory_space<vmem>>
        %dma_wait3A_758 = tpu.memref_squeeze %dma_wait3A_757 : memref<1x125xi32, #tpu.memory_space<vmem>> -> memref<125xi32, #tpu.memory_space<vmem>>
        %dma_wait3A_759 = arith.constant 0 : i32
        %dma_wait3A_760 = arith.constant 0 : i32
        %dma_wait3A_761 = tpu.memref_slice %arg2[%dma_wait3A_759, %dma_wait3A_760] : memref<10000x16xf32, #tpu.memory_space<hbm>> -> memref<10000x16xf32, #tpu.memory_space<hbm>>
        tpu.wait_indirect_dma semaphore(%arg14 : memref<!tpu.dma_semaphore, #tpu.memory_space<semaphore_mem>>) src(%dma_wait3A_761 : memref<10000x16xf32, #tpu.memory_space<hbm>>) dst(%dma_wait3A_755 : memref<125x16xf32, #tpu.memory_space<vmem>>)
        %dma_start3A_762 = arith.constant 0 : i32
        %dma_start3A_763 = arith.constant 0 : i32
        %dma_start3A_764 = arith.constant 0 : i32
        %dma_start3A_765 = tpu.memref_slice %arg12[%dma_start3A_762, %dma_start3A_763, %dma_start3A_764] : memref<8x125x16xf32, #tpu.memory_space<vmem>> -> memref<1x125x16xf32, #tpu.memory_space<vmem>>
        %dma_start3A_766 = tpu.memref_squeeze %dma_start3A_765 : memref<1x125x16xf32, #tpu.memory_space<vmem>> -> memref<125x16xf32, #tpu.memory_space<vmem>>
        %dma_start3A_767 = arith.constant 0 : i32
        %dma_start3A_768 = tpu.memref_slice %arg11[%add3A_594, %dma_start3A_767] : memref<80x125xi32, #tpu.memory_space<vmem>> -> memref<1x125xi32, #tpu.memory_space<vmem>>
        %dma_start3A_769 = tpu.memref_squeeze %dma_start3A_768 : memref<1x125xi32, #tpu.memory_space<vmem>> -> memref<125xi32, #tpu.memory_space<vmem>>
        %dma_start3A_770 = arith.constant 0 : i32
        %dma_start3A_771 = arith.constant 0 : i32
        %dma_start3A_772 = tpu.memref_slice %arg9[%dma_start3A_770, %dma_start3A_771] : memref<10000x16xf32, #tpu.memory_space<vmem_shared>> -> memref<10000x16xf32, #tpu.memory_space<vmem_shared>>
        tpu.enqueue_indirect_dma source(%dma_start3A_766 : memref<125x16xf32, #tpu.memory_space<vmem>>) target(%dma_start3A_772 : memref<10000x16xf32, #tpu.memory_space<vmem_shared>>) offsets(%dma_start3A_769 : memref<125xi32, #tpu.memory_space<vmem>>) semaphore(%arg22 : memref<!tpu.dma_semaphore, #tpu.memory_space<semaphore_mem>>) {add = true}
        %dma_start3A_773 = arith.constant 0 : i32
        %dma_start3A_774 = tpu.memref_slice %arg11[%add3A_594, %dma_start3A_773] : memref<80x125xi32, #tpu.memory_space<vmem>> -> memref<1x125xi32, #tpu.memory_space<vmem>>
        %dma_start3A_775 = tpu.memref_squeeze %dma_start3A_774 : memref<1x125xi32, #tpu.memory_space<vmem>> -> memref<125xi32, #tpu.memory_space<vmem>>
        %dma_start3A_776 = arith.constant 0 : i32
        %dma_start3A_777 = tpu.memref_slice %arg30[%dma_start3A_776] : memref<10000xf32, #tpu.memory_space<vmem_shared>> -> memref<10000xf32, #tpu.memory_space<vmem_shared>>
        tpu.enqueue_indirect_dma source(%arg31 : memref<125xf32, #tpu.memory_space<vmem>>) target(%dma_start3A_777 : memref<10000xf32, #tpu.memory_space<vmem_shared>>) offsets(%dma_start3A_775 : memref<125xi32, #tpu.memory_space<vmem>>) semaphore(%arg33 : memref<!tpu.dma_semaphore, #tpu.memory_space<semaphore_mem>>) {add = true}
        %sub3A_778 = arith.constant 1 : i32
        %sub3A_779 = arith.subi %add3A_594, %sub3A_778 : i32
        %dma_wait3A_780 = arith.constant 7 : i32
        %dma_wait3A_781 = arith.constant 0 : i32
        %dma_wait3A_782 = arith.constant 0 : i32
        %dma_wait3A_783 = tpu.memref_slice %arg12[%dma_wait3A_780, %dma_wait3A_781, %dma_wait3A_782] : memref<8x125x16xf32, #tpu.memory_space<vmem>> -> memref<1x125x16xf32, #tpu.memory_space<vmem>>
        %dma_wait3A_784 = tpu.memref_squeeze %dma_wait3A_783 : memref<1x125x16xf32, #tpu.memory_space<vmem>> -> memref<125x16xf32, #tpu.memory_space<vmem>>
        %dma_wait3A_785 = arith.constant 0 : i32
        %dma_wait3A_786 = tpu.memref_slice %arg11[%sub3A_779, %dma_wait3A_785] : memref<80x125xi32, #tpu.memory_space<vmem>> -> memref<1x125xi32, #tpu.memory_space<vmem>>
        %dma_wait3A_787 = tpu.memref_squeeze %dma_wait3A_786 : memref<1x125xi32, #tpu.memory_space<vmem>> -> memref<125xi32, #tpu.memory_space<vmem>>
        %dma_wait3A_788 = arith.constant 0 : i32
        %dma_wait3A_789 = arith.constant 0 : i32
        %dma_wait3A_790 = tpu.memref_slice %arg9[%dma_wait3A_788, %dma_wait3A_789] : memref<10000x16xf32, #tpu.memory_space<vmem_shared>> -> memref<10000x16xf32, #tpu.memory_space<vmem_shared>>
        tpu.wait_indirect_dma semaphore(%arg29 : memref<!tpu.dma_semaphore, #tpu.memory_space<semaphore_mem>>) src(%dma_wait3A_784 : memref<125x16xf32, #tpu.memory_space<vmem>>) dst(%dma_wait3A_790 : memref<10000x16xf32, #tpu.memory_space<vmem_shared>>)
        %dma_wait3A_791 = arith.constant 0 : i32
        %dma_wait3A_792 = tpu.memref_slice %arg11[%sub3A_779, %dma_wait3A_791] : memref<80x125xi32, #tpu.memory_space<vmem>> -> memref<1x125xi32, #tpu.memory_space<vmem>>
        %dma_wait3A_793 = tpu.memref_squeeze %dma_wait3A_792 : memref<1x125xi32, #tpu.memory_space<vmem>> -> memref<125xi32, #tpu.memory_space<vmem>>
        %dma_wait3A_794 = arith.constant 0 : i32
        %dma_wait3A_795 = tpu.memref_slice %arg30[%dma_wait3A_794] : memref<10000xf32, #tpu.memory_space<vmem_shared>> -> memref<10000xf32, #tpu.memory_space<vmem_shared>>
        tpu.wait_indirect_dma semaphore(%arg40 : memref<!tpu.dma_semaphore, #tpu.memory_space<semaphore_mem>>) src(%arg31 : memref<125xf32, #tpu.memory_space<vmem>>) dst(%dma_wait3A_795 : memref<10000xf32, #tpu.memory_space<vmem_shared>>)
        %add3A_796 = arith.constant 8 : i32
        %add3A_797 = arith.addi %add3A_594, %add3A_796 : i32
        %sub3A_798 = arith.constant 1 : i32
        %sub3A_799 = arith.subi %add3A_797, %sub3A_798 : i32
        %dma_start3A_800 = arith.constant 7 : i32
        %dma_start3A_801 = arith.constant 0 : i32
        %dma_start3A_802 = arith.constant 0 : i32
        %dma_start3A_803 = tpu.memref_slice %arg12[%dma_start3A_800, %dma_start3A_801, %dma_start3A_802] : memref<8x125x16xf32, #tpu.memory_space<vmem>> -> memref<1x125x16xf32, #tpu.memory_space<vmem>>
        %dma_start3A_804 = tpu.memref_squeeze %dma_start3A_803 : memref<1x125x16xf32, #tpu.memory_space<vmem>> -> memref<125x16xf32, #tpu.memory_space<vmem>>
        %dma_start3A_805 = arith.constant 0 : i32
        %dma_start3A_806 = tpu.memref_slice %arg10[%sub3A_799, %dma_start3A_805] : memref<80x125xi32, #tpu.memory_space<vmem>> -> memref<1x125xi32, #tpu.memory_space<vmem>>
        %dma_start3A_807 = tpu.memref_squeeze %dma_start3A_806 : memref<1x125xi32, #tpu.memory_space<vmem>> -> memref<125xi32, #tpu.memory_space<vmem>>
        %dma_start3A_808 = arith.constant 0 : i32
        %dma_start3A_809 = arith.constant 0 : i32
        %dma_start3A_810 = tpu.memref_slice %arg2[%dma_start3A_808, %dma_start3A_809] : memref<10000x16xf32, #tpu.memory_space<hbm>> -> memref<10000x16xf32, #tpu.memory_space<hbm>>
        tpu.enqueue_indirect_dma source(%dma_start3A_810 : memref<10000x16xf32, #tpu.memory_space<hbm>>) target(%dma_start3A_804 : memref<125x16xf32, #tpu.memory_space<vmem>>) offsets(%dma_start3A_807 : memref<125xi32, #tpu.memory_space<vmem>>) semaphore(%arg21 : memref<!tpu.dma_semaphore, #tpu.memory_space<semaphore_mem>>)
      } else {
      }
      %add3A_603 = arith.constant 8 : i32
      %add3A_604 = arith.addi %add3A_594, %add3A_603 : i32
      %sub3A_605 = arith.constant 1 : i32
      %sub3A_606 = arith.subi %add3A_604, %sub3A_605 : i32
      %ge3A = arith.constant 80 : i32
      %ge3A_607 = arith.cmpi sge, %sub3A_606, %ge3A : i32
      %convert_element_type3A_608 = arith.extui %ge3A_607 : i1 to i32
      %cond3A_609 = arith.constant 0 : i32
      %cond3A_610 = arith.cmpi ne, %convert_element_type3A_608, %cond3A_609 : i32
      scf.if %cond3A_610 {
        %dma_wait3A_751 = arith.constant 0 : i32
        %dma_wait3A_752 = arith.constant 0 : i32
        %dma_wait3A_753 = arith.constant 0 : i32
        %dma_wait3A_754 = tpu.memref_slice %arg12[%dma_wait3A_751, %dma_wait3A_752, %dma_wait3A_753] : memref<8x125x16xf32, #tpu.memory_space<vmem>> -> memref<1x125x16xf32, #tpu.memory_space<vmem>>
        %dma_wait3A_755 = tpu.memref_squeeze %dma_wait3A_754 : memref<1x125x16xf32, #tpu.memory_space<vmem>> -> memref<125x16xf32, #tpu.memory_space<vmem>>
        %dma_wait3A_756 = arith.constant 0 : i32
        %dma_wait3A_757 = tpu.memref_slice %arg10[%add3A_594, %dma_wait3A_756] : memref<80x125xi32, #tpu.memory_space<vmem>> -> memref<1x125xi32, #tpu.memory_space<vmem>>
        %dma_wait3A_758 = tpu.memref_squeeze %dma_wait3A_757 : memref<1x125xi32, #tpu.memory_space<vmem>> -> memref<125xi32, #tpu.memory_space<vmem>>
        %dma_wait3A_759 = arith.constant 0 : i32
        %dma_wait3A_760 = arith.constant 0 : i32
        %dma_wait3A_761 = tpu.memref_slice %arg2[%dma_wait3A_759, %dma_wait3A_760] : memref<10000x16xf32, #tpu.memory_space<hbm>> -> memref<10000x16xf32, #tpu.memory_space<hbm>>
        tpu.wait_indirect_dma semaphore(%arg14 : memref<!tpu.dma_semaphore, #tpu.memory_space<semaphore_mem>>) src(%dma_wait3A_761 : memref<10000x16xf32, #tpu.memory_space<hbm>>) dst(%dma_wait3A_755 : memref<125x16xf32, #tpu.memory_space<vmem>>)
        %dma_start3A_762 = arith.constant 0 : i32
        %dma_start3A_763 = arith.constant 0 : i32
        %dma_start3A_764 = arith.constant 0 : i32
        %dma_start3A_765 = tpu.memref_slice %arg12[%dma_start3A_762, %dma_start3A_763, %dma_start3A_764] : memref<8x125x16xf32, #tpu.memory_space<vmem>> -> memref<1x125x16xf32, #tpu.memory_space<vmem>>
        %dma_start3A_766 = tpu.memref_squeeze %dma_start3A_765 : memref<1x125x16xf32, #tpu.memory_space<vmem>> -> memref<125x16xf32, #tpu.memory_space<vmem>>
        %dma_start3A_767 = arith.constant 0 : i32
        %dma_start3A_768 = tpu.memref_slice %arg11[%add3A_594, %dma_start3A_767] : memref<80x125xi32, #tpu.memory_space<vmem>> -> memref<1x125xi32, #tpu.memory_space<vmem>>
        %dma_start3A_769 = tpu.memref_squeeze %dma_start3A_768 : memref<1x125xi32, #tpu.memory_space<vmem>> -> memref<125xi32, #tpu.memory_space<vmem>>
        %dma_start3A_770 = arith.constant 0 : i32
        %dma_start3A_771 = arith.constant 0 : i32
        %dma_start3A_772 = tpu.memref_slice %arg9[%dma_start3A_770, %dma_start3A_771] : memref<10000x16xf32, #tpu.memory_space<vmem_shared>> -> memref<10000x16xf32, #tpu.memory_space<vmem_shared>>
        tpu.enqueue_indirect_dma source(%dma_start3A_766 : memref<125x16xf32, #tpu.memory_space<vmem>>) target(%dma_start3A_772 : memref<10000x16xf32, #tpu.memory_space<vmem_shared>>) offsets(%dma_start3A_769 : memref<125xi32, #tpu.memory_space<vmem>>) semaphore(%arg22 : memref<!tpu.dma_semaphore, #tpu.memory_space<semaphore_mem>>) {add = true}
        %dma_start3A_773 = arith.constant 0 : i32
        %dma_start3A_774 = tpu.memref_slice %arg11[%add3A_594, %dma_start3A_773] : memref<80x125xi32, #tpu.memory_space<vmem>> -> memref<1x125xi32, #tpu.memory_space<vmem>>
        %dma_start3A_775 = tpu.memref_squeeze %dma_start3A_774 : memref<1x125xi32, #tpu.memory_space<vmem>> -> memref<125xi32, #tpu.memory_space<vmem>>
        %dma_start3A_776 = arith.constant 0 : i32
        %dma_start3A_777 = tpu.memref_slice %arg30[%dma_start3A_776] : memref<10000xf32, #tpu.memory_space<vmem_shared>> -> memref<10000xf32, #tpu.memory_space<vmem_shared>>
        tpu.enqueue_indirect_dma source(%arg31 : memref<125xf32, #tpu.memory_space<vmem>>) target(%dma_start3A_777 : memref<10000xf32, #tpu.memory_space<vmem_shared>>) offsets(%dma_start3A_775 : memref<125xi32, #tpu.memory_space<vmem>>) semaphore(%arg33 : memref<!tpu.dma_semaphore, #tpu.memory_space<semaphore_mem>>) {add = true}
        %sub3A_778 = arith.constant 1 : i32
        %sub3A_779 = arith.subi %add3A_594, %sub3A_778 : i32
        %dma_wait3A_780 = arith.constant 7 : i32
        %dma_wait3A_781 = arith.constant 0 : i32
        %dma_wait3A_782 = arith.constant 0 : i32
        %dma_wait3A_783 = tpu.memref_slice %arg12[%dma_wait3A_780, %dma_wait3A_781, %dma_wait3A_782] : memref<8x125x16xf32, #tpu.memory_space<vmem>> -> memref<1x125x16xf32, #tpu.memory_space<vmem>>
        %dma_wait3A_784 = tpu.memref_squeeze %dma_wait3A_783 : memref<1x125x16xf32, #tpu.memory_space<vmem>> -> memref<125x16xf32, #tpu.memory_space<vmem>>
        %dma_wait3A_785 = arith.constant 0 : i32
        %dma_wait3A_786 = tpu.memref_slice %arg11[%sub3A_779, %dma_wait3A_785] : memref<80x125xi32, #tpu.memory_space<vmem>> -> memref<1x125xi32, #tpu.memory_space<vmem>>
        %dma_wait3A_787 = tpu.memref_squeeze %dma_wait3A_786 : memref<1x125xi32, #tpu.memory_space<vmem>> -> memref<125xi32, #tpu.memory_space<vmem>>
        %dma_wait3A_788 = arith.constant 0 : i32
        %dma_wait3A_789 = arith.constant 0 : i32
        %dma_wait3A_790 = tpu.memref_slice %arg9[%dma_wait3A_788, %dma_wait3A_789] : memref<10000x16xf32, #tpu.memory_space<vmem_shared>> -> memref<10000x16xf32, #tpu.memory_space<vmem_shared>>
        tpu.wait_indirect_dma semaphore(%arg29 : memref<!tpu.dma_semaphore, #tpu.memory_space<semaphore_mem>>) src(%dma_wait3A_784 : memref<125x16xf32, #tpu.memory_space<vmem>>) dst(%dma_wait3A_790 : memref<10000x16xf32, #tpu.memory_space<vmem_shared>>)
        %dma_wait3A_791 = arith.constant 0 : i32
        %dma_wait3A_792 = tpu.memref_slice %arg11[%sub3A_779, %dma_wait3A_791] : memref<80x125xi32, #tpu.memory_space<vmem>> -> memref<1x125xi32, #tpu.memory_space<vmem>>
        %dma_wait3A_793 = tpu.memref_squeeze %dma_wait3A_792 : memref<1x125xi32, #tpu.memory_space<vmem>> -> memref<125xi32, #tpu.memory_space<vmem>>
        %dma_wait3A_794 = arith.constant 0 : i32
        %dma_wait3A_795 = tpu.memref_slice %arg30[%dma_wait3A_794] : memref<10000xf32, #tpu.memory_space<vmem_shared>> -> memref<10000xf32, #tpu.memory_space<vmem_shared>>
        tpu.wait_indirect_dma semaphore(%arg40 : memref<!tpu.dma_semaphore, #tpu.memory_space<semaphore_mem>>) src(%arg31 : memref<125xf32, #tpu.memory_space<vmem>>) dst(%dma_wait3A_795 : memref<10000xf32, #tpu.memory_space<vmem_shared>>)
      } else {
      }
      %add3A_611 = arith.constant 1 : i32
      %add3A_612 = arith.addi %mul3A_592, %add3A_611 : i32
      %add3A_613 = arith.constant 8 : i32
      %add3A_614 = arith.addi %add3A_612, %add3A_613 : i32
      %sub3A_615 = arith.constant 1 : i32
      %sub3A_616 = arith.subi %add3A_614, %sub3A_615 : i32
      %lt3A_617 = arith.constant 80 : i32
      %lt3A_618 = arith.cmpi slt, %sub3A_616, %lt3A_617 : i32
      %convert_element_type3A_619 = arith.extui %lt3A_618 : i1 to i32
      %cond3A_620 = arith.constant 0 : i32
      %cond3A_621 = arith.cmpi ne, %convert_element_type3A_619, %cond3A_620 : i32
      scf.if %cond3A_621 {
        %dma_wait3A_751 = arith.constant 1 : i32
        %dma_wait3A_752 = arith.constant 0 : i32
        %dma_wait3A_753 = arith.constant 0 : i32
        %dma_wait3A_754 = tpu.memref_slice %arg12[%dma_wait3A_751, %dma_wait3A_752, %dma_wait3A_753] : memref<8x125x16xf32, #tpu.memory_space<vmem>> -> memref<1x125x16xf32, #tpu.memory_space<vmem>>
        %dma_wait3A_755 = tpu.memref_squeeze %dma_wait3A_754 : memref<1x125x16xf32, #tpu.memory_space<vmem>> -> memref<125x16xf32, #tpu.memory_space<vmem>>
        %dma_wait3A_756 = arith.constant 0 : i32
        %dma_wait3A_757 = tpu.memref_slice %arg10[%add3A_612, %dma_wait3A_756] : memref<80x125xi32, #tpu.memory_space<vmem>> -> memref<1x125xi32, #tpu.memory_space<vmem>>
        %dma_wait3A_758 = tpu.memref_squeeze %dma_wait3A_757 : memref<1x125xi32, #tpu.memory_space<vmem>> -> memref<125xi32, #tpu.memory_space<vmem>>
        %dma_wait3A_759 = arith.constant 0 : i32
        %dma_wait3A_760 = arith.constant 0 : i32
        %dma_wait3A_761 = tpu.memref_slice %arg2[%dma_wait3A_759, %dma_wait3A_760] : memref<10000x16xf32, #tpu.memory_space<hbm>> -> memref<10000x16xf32, #tpu.memory_space<hbm>>
        tpu.wait_indirect_dma semaphore(%arg15 : memref<!tpu.dma_semaphore, #tpu.memory_space<semaphore_mem>>) src(%dma_wait3A_761 : memref<10000x16xf32, #tpu.memory_space<hbm>>) dst(%dma_wait3A_755 : memref<125x16xf32, #tpu.memory_space<vmem>>)
        %dma_start3A_762 = arith.constant 1 : i32
        %dma_start3A_763 = arith.constant 0 : i32
        %dma_start3A_764 = arith.constant 0 : i32
        %dma_start3A_765 = tpu.memref_slice %arg12[%dma_start3A_762, %dma_start3A_763, %dma_start3A_764] : memref<8x125x16xf32, #tpu.memory_space<vmem>> -> memref<1x125x16xf32, #tpu.memory_space<vmem>>
        %dma_start3A_766 = tpu.memref_squeeze %dma_start3A_765 : memref<1x125x16xf32, #tpu.memory_space<vmem>> -> memref<125x16xf32, #tpu.memory_space<vmem>>
        %dma_start3A_767 = arith.constant 0 : i32
        %dma_start3A_768 = tpu.memref_slice %arg11[%add3A_612, %dma_start3A_767] : memref<80x125xi32, #tpu.memory_space<vmem>> -> memref<1x125xi32, #tpu.memory_space<vmem>>
        %dma_start3A_769 = tpu.memref_squeeze %dma_start3A_768 : memref<1x125xi32, #tpu.memory_space<vmem>> -> memref<125xi32, #tpu.memory_space<vmem>>
        %dma_start3A_770 = arith.constant 0 : i32
        %dma_start3A_771 = arith.constant 0 : i32
        %dma_start3A_772 = tpu.memref_slice %arg9[%dma_start3A_770, %dma_start3A_771] : memref<10000x16xf32, #tpu.memory_space<vmem_shared>> -> memref<10000x16xf32, #tpu.memory_space<vmem_shared>>
        tpu.enqueue_indirect_dma source(%dma_start3A_766 : memref<125x16xf32, #tpu.memory_space<vmem>>) target(%dma_start3A_772 : memref<10000x16xf32, #tpu.memory_space<vmem_shared>>) offsets(%dma_start3A_769 : memref<125xi32, #tpu.memory_space<vmem>>) semaphore(%arg23 : memref<!tpu.dma_semaphore, #tpu.memory_space<semaphore_mem>>) {add = true}
        %dma_start3A_773 = arith.constant 0 : i32
        %dma_start3A_774 = tpu.memref_slice %arg11[%add3A_612, %dma_start3A_773] : memref<80x125xi32, #tpu.memory_space<vmem>> -> memref<1x125xi32, #tpu.memory_space<vmem>>
        %dma_start3A_775 = tpu.memref_squeeze %dma_start3A_774 : memref<1x125xi32, #tpu.memory_space<vmem>> -> memref<125xi32, #tpu.memory_space<vmem>>
        %dma_start3A_776 = arith.constant 0 : i32
        %dma_start3A_777 = tpu.memref_slice %arg30[%dma_start3A_776] : memref<10000xf32, #tpu.memory_space<vmem_shared>> -> memref<10000xf32, #tpu.memory_space<vmem_shared>>
        tpu.enqueue_indirect_dma source(%arg31 : memref<125xf32, #tpu.memory_space<vmem>>) target(%dma_start3A_777 : memref<10000xf32, #tpu.memory_space<vmem_shared>>) offsets(%dma_start3A_775 : memref<125xi32, #tpu.memory_space<vmem>>) semaphore(%arg34 : memref<!tpu.dma_semaphore, #tpu.memory_space<semaphore_mem>>) {add = true}
        %sub3A_778 = arith.constant 1 : i32
        %sub3A_779 = arith.subi %add3A_612, %sub3A_778 : i32
        %dma_wait3A_780 = arith.constant 0 : i32
        %dma_wait3A_781 = arith.constant 0 : i32
        %dma_wait3A_782 = arith.constant 0 : i32
        %dma_wait3A_783 = tpu.memref_slice %arg12[%dma_wait3A_780, %dma_wait3A_781, %dma_wait3A_782] : memref<8x125x16xf32, #tpu.memory_space<vmem>> -> memref<1x125x16xf32, #tpu.memory_space<vmem>>
        %dma_wait3A_784 = tpu.memref_squeeze %dma_wait3A_783 : memref<1x125x16xf32, #tpu.memory_space<vmem>> -> memref<125x16xf32, #tpu.memory_space<vmem>>
        %dma_wait3A_785 = arith.constant 0 : i32
        %dma_wait3A_786 = tpu.memref_slice %arg11[%sub3A_779, %dma_wait3A_785] : memref<80x125xi32, #tpu.memory_space<vmem>> -> memref<1x125xi32, #tpu.memory_space<vmem>>
        %dma_wait3A_787 = tpu.memref_squeeze %dma_wait3A_786 : memref<1x125xi32, #tpu.memory_space<vmem>> -> memref<125xi32, #tpu.memory_space<vmem>>
        %dma_wait3A_788 = arith.constant 0 : i32
        %dma_wait3A_789 = arith.constant 0 : i32
        %dma_wait3A_790 = tpu.memref_slice %arg9[%dma_wait3A_788, %dma_wait3A_789] : memref<10000x16xf32, #tpu.memory_space<vmem_shared>> -> memref<10000x16xf32, #tpu.memory_space<vmem_shared>>
        tpu.wait_indirect_dma semaphore(%arg22 : memref<!tpu.dma_semaphore, #tpu.memory_space<semaphore_mem>>) src(%dma_wait3A_784 : memref<125x16xf32, #tpu.memory_space<vmem>>) dst(%dma_wait3A_790 : memref<10000x16xf32, #tpu.memory_space<vmem_shared>>)
        %dma_wait3A_791 = arith.constant 0 : i32
        %dma_wait3A_792 = tpu.memref_slice %arg11[%sub3A_779, %dma_wait3A_791] : memref<80x125xi32, #tpu.memory_space<vmem>> -> memref<1x125xi32, #tpu.memory_space<vmem>>
        %dma_wait3A_793 = tpu.memref_squeeze %dma_wait3A_792 : memref<1x125xi32, #tpu.memory_space<vmem>> -> memref<125xi32, #tpu.memory_space<vmem>>
        %dma_wait3A_794 = arith.constant 0 : i32
        %dma_wait3A_795 = tpu.memref_slice %arg30[%dma_wait3A_794] : memref<10000xf32, #tpu.memory_space<vmem_shared>> -> memref<10000xf32, #tpu.memory_space<vmem_shared>>
        tpu.wait_indirect_dma semaphore(%arg33 : memref<!tpu.dma_semaphore, #tpu.memory_space<semaphore_mem>>) src(%arg31 : memref<125xf32, #tpu.memory_space<vmem>>) dst(%dma_wait3A_795 : memref<10000xf32, #tpu.memory_space<vmem_shared>>)
        %add3A_796 = arith.constant 8 : i32
        %add3A_797 = arith.addi %add3A_612, %add3A_796 : i32
        %sub3A_798 = arith.constant 1 : i32
        %sub3A_799 = arith.subi %add3A_797, %sub3A_798 : i32
        %dma_start3A_800 = arith.constant 0 : i32
        %dma_start3A_801 = arith.constant 0 : i32
        %dma_start3A_802 = arith.constant 0 : i32
        %dma_start3A_803 = tpu.memref_slice %arg12[%dma_start3A_800, %dma_start3A_801, %dma_start3A_802] : memref<8x125x16xf32, #tpu.memory_space<vmem>> -> memref<1x125x16xf32, #tpu.memory_space<vmem>>
        %dma_start3A_804 = tpu.memref_squeeze %dma_start3A_803 : memref<1x125x16xf32, #tpu.memory_space<vmem>> -> memref<125x16xf32, #tpu.memory_space<vmem>>
        %dma_start3A_805 = arith.constant 0 : i32
        %dma_start3A_806 = tpu.memref_slice %arg10[%sub3A_799, %dma_start3A_805] : memref<80x125xi32, #tpu.memory_space<vmem>> -> memref<1x125xi32, #tpu.memory_space<vmem>>
        %dma_start3A_807 = tpu.memref_squeeze %dma_start3A_806 : memref<1x125xi32, #tpu.memory_space<vmem>> -> memref<125xi32, #tpu.memory_space<vmem>>
        %dma_start3A_808 = arith.constant 0 : i32
        %dma_start3A_809 = arith.constant 0 : i32
        %dma_start3A_810 = tpu.memref_slice %arg2[%dma_start3A_808, %dma_start3A_809] : memref<10000x16xf32, #tpu.memory_space<hbm>> -> memref<10000x16xf32, #tpu.memory_space<hbm>>
        tpu.enqueue_indirect_dma source(%dma_start3A_810 : memref<10000x16xf32, #tpu.memory_space<hbm>>) target(%dma_start3A_804 : memref<125x16xf32, #tpu.memory_space<vmem>>) offsets(%dma_start3A_807 : memref<125xi32, #tpu.memory_space<vmem>>) semaphore(%arg14 : memref<!tpu.dma_semaphore, #tpu.memory_space<semaphore_mem>>)
      } else {
      }
      %add3A_622 = arith.constant 8 : i32
      %add3A_623 = arith.addi %add3A_612, %add3A_622 : i32
      %sub3A_624 = arith.constant 1 : i32
      %sub3A_625 = arith.subi %add3A_623, %sub3A_624 : i32
      %ge3A_626 = arith.constant 80 : i32
      %ge3A_627 = arith.cmpi sge, %sub3A_625, %ge3A_626 : i32
      %convert_element_type3A_628 = arith.extui %ge3A_627 : i1 to i32
      %cond3A_629 = arith.constant 0 : i32
      %cond3A_630 = arith.cmpi ne, %convert_element_type3A_628, %cond3A_629 : i32
      scf.if %cond3A_630 {
        %dma_wait3A_751 = arith.constant 1 : i32
        %dma_wait3A_752 = arith.constant 0 : i32
        %dma_wait3A_753 = arith.constant 0 : i32
        %dma_wait3A_754 = tpu.memref_slice %arg12[%dma_wait3A_751, %dma_wait3A_752, %dma_wait3A_753] : memref<8x125x16xf32, #tpu.memory_space<vmem>> -> memref<1x125x16xf32, #tpu.memory_space<vmem>>
        %dma_wait3A_755 = tpu.memref_squeeze %dma_wait3A_754 : memref<1x125x16xf32, #tpu.memory_space<vmem>> -> memref<125x16xf32, #tpu.memory_space<vmem>>
        %dma_wait3A_756 = arith.constant 0 : i32
        %dma_wait3A_757 = tpu.memref_slice %arg10[%add3A_612, %dma_wait3A_756] : memref<80x125xi32, #tpu.memory_space<vmem>> -> memref<1x125xi32, #tpu.memory_space<vmem>>
        %dma_wait3A_758 = tpu.memref_squeeze %dma_wait3A_757 : memref<1x125xi32, #tpu.memory_space<vmem>> -> memref<125xi32, #tpu.memory_space<vmem>>
        %dma_wait3A_759 = arith.constant 0 : i32
        %dma_wait3A_760 = arith.constant 0 : i32
        %dma_wait3A_761 = tpu.memref_slice %arg2[%dma_wait3A_759, %dma_wait3A_760] : memref<10000x16xf32, #tpu.memory_space<hbm>> -> memref<10000x16xf32, #tpu.memory_space<hbm>>
        tpu.wait_indirect_dma semaphore(%arg15 : memref<!tpu.dma_semaphore, #tpu.memory_space<semaphore_mem>>) src(%dma_wait3A_761 : memref<10000x16xf32, #tpu.memory_space<hbm>>) dst(%dma_wait3A_755 : memref<125x16xf32, #tpu.memory_space<vmem>>)
        %dma_start3A_762 = arith.constant 1 : i32
        %dma_start3A_763 = arith.constant 0 : i32
        %dma_start3A_764 = arith.constant 0 : i32
        %dma_start3A_765 = tpu.memref_slice %arg12[%dma_start3A_762, %dma_start3A_763, %dma_start3A_764] : memref<8x125x16xf32, #tpu.memory_space<vmem>> -> memref<1x125x16xf32, #tpu.memory_space<vmem>>
        %dma_start3A_766 = tpu.memref_squeeze %dma_start3A_765 : memref<1x125x16xf32, #tpu.memory_space<vmem>> -> memref<125x16xf32, #tpu.memory_space<vmem>>
        %dma_start3A_767 = arith.constant 0 : i32
        %dma_start3A_768 = tpu.memref_slice %arg11[%add3A_612, %dma_start3A_767] : memref<80x125xi32, #tpu.memory_space<vmem>> -> memref<1x125xi32, #tpu.memory_space<vmem>>
        %dma_start3A_769 = tpu.memref_squeeze %dma_start3A_768 : memref<1x125xi32, #tpu.memory_space<vmem>> -> memref<125xi32, #tpu.memory_space<vmem>>
        %dma_start3A_770 = arith.constant 0 : i32
        %dma_start3A_771 = arith.constant 0 : i32
        %dma_start3A_772 = tpu.memref_slice %arg9[%dma_start3A_770, %dma_start3A_771] : memref<10000x16xf32, #tpu.memory_space<vmem_shared>> -> memref<10000x16xf32, #tpu.memory_space<vmem_shared>>
        tpu.enqueue_indirect_dma source(%dma_start3A_766 : memref<125x16xf32, #tpu.memory_space<vmem>>) target(%dma_start3A_772 : memref<10000x16xf32, #tpu.memory_space<vmem_shared>>) offsets(%dma_start3A_769 : memref<125xi32, #tpu.memory_space<vmem>>) semaphore(%arg23 : memref<!tpu.dma_semaphore, #tpu.memory_space<semaphore_mem>>) {add = true}
        %dma_start3A_773 = arith.constant 0 : i32
        %dma_start3A_774 = tpu.memref_slice %arg11[%add3A_612, %dma_start3A_773] : memref<80x125xi32, #tpu.memory_space<vmem>> -> memref<1x125xi32, #tpu.memory_space<vmem>>
        %dma_start3A_775 = tpu.memref_squeeze %dma_start3A_774 : memref<1x125xi32, #tpu.memory_space<vmem>> -> memref<125xi32, #tpu.memory_space<vmem>>
        %dma_start3A_776 = arith.constant 0 : i32
        %dma_start3A_777 = tpu.memref_slice %arg30[%dma_start3A_776] : memref<10000xf32, #tpu.memory_space<vmem_shared>> -> memref<10000xf32, #tpu.memory_space<vmem_shared>>
        tpu.enqueue_indirect_dma source(%arg31 : memref<125xf32, #tpu.memory_space<vmem>>) target(%dma_start3A_777 : memref<10000xf32, #tpu.memory_space<vmem_shared>>) offsets(%dma_start3A_775 : memref<125xi32, #tpu.memory_space<vmem>>) semaphore(%arg34 : memref<!tpu.dma_semaphore, #tpu.memory_space<semaphore_mem>>) {add = true}
        %sub3A_778 = arith.constant 1 : i32
        %sub3A_779 = arith.subi %add3A_612, %sub3A_778 : i32
        %dma_wait3A_780 = arith.constant 0 : i32
        %dma_wait3A_781 = arith.constant 0 : i32
        %dma_wait3A_782 = arith.constant 0 : i32
        %dma_wait3A_783 = tpu.memref_slice %arg12[%dma_wait3A_780, %dma_wait3A_781, %dma_wait3A_782] : memref<8x125x16xf32, #tpu.memory_space<vmem>> -> memref<1x125x16xf32, #tpu.memory_space<vmem>>
        %dma_wait3A_784 = tpu.memref_squeeze %dma_wait3A_783 : memref<1x125x16xf32, #tpu.memory_space<vmem>> -> memref<125x16xf32, #tpu.memory_space<vmem>>
        %dma_wait3A_785 = arith.constant 0 : i32
        %dma_wait3A_786 = tpu.memref_slice %arg11[%sub3A_779, %dma_wait3A_785] : memref<80x125xi32, #tpu.memory_space<vmem>> -> memref<1x125xi32, #tpu.memory_space<vmem>>
        %dma_wait3A_787 = tpu.memref_squeeze %dma_wait3A_786 : memref<1x125xi32, #tpu.memory_space<vmem>> -> memref<125xi32, #tpu.memory_space<vmem>>
        %dma_wait3A_788 = arith.constant 0 : i32
        %dma_wait3A_789 = arith.constant 0 : i32
        %dma_wait3A_790 = tpu.memref_slice %arg9[%dma_wait3A_788, %dma_wait3A_789] : memref<10000x16xf32, #tpu.memory_space<vmem_shared>> -> memref<10000x16xf32, #tpu.memory_space<vmem_shared>>
        tpu.wait_indirect_dma semaphore(%arg22 : memref<!tpu.dma_semaphore, #tpu.memory_space<semaphore_mem>>) src(%dma_wait3A_784 : memref<125x16xf32, #tpu.memory_space<vmem>>) dst(%dma_wait3A_790 : memref<10000x16xf32, #tpu.memory_space<vmem_shared>>)
        %dma_wait3A_791 = arith.constant 0 : i32
        %dma_wait3A_792 = tpu.memref_slice %arg11[%sub3A_779, %dma_wait3A_791] : memref<80x125xi32, #tpu.memory_space<vmem>> -> memref<1x125xi32, #tpu.memory_space<vmem>>
        %dma_wait3A_793 = tpu.memref_squeeze %dma_wait3A_792 : memref<1x125xi32, #tpu.memory_space<vmem>> -> memref<125xi32, #tpu.memory_space<vmem>>
        %dma_wait3A_794 = arith.constant 0 : i32
        %dma_wait3A_795 = tpu.memref_slice %arg30[%dma_wait3A_794] : memref<10000xf32, #tpu.memory_space<vmem_shared>> -> memref<10000xf32, #tpu.memory_space<vmem_shared>>
        tpu.wait_indirect_dma semaphore(%arg33 : memref<!tpu.dma_semaphore, #tpu.memory_space<semaphore_mem>>) src(%arg31 : memref<125xf32, #tpu.memory_space<vmem>>) dst(%dma_wait3A_795 : memref<10000xf32, #tpu.memory_space<vmem_shared>>)
      } else {
      }
      %add3A_631 = arith.constant 2 : i32
      %add3A_632 = arith.addi %mul3A_592, %add3A_631 : i32
      %add3A_633 = arith.constant 8 : i32
      %add3A_634 = arith.addi %add3A_632, %add3A_633 : i32
      %sub3A_635 = arith.constant 1 : i32
      %sub3A_636 = arith.subi %add3A_634, %sub3A_635 : i32
      %lt3A_637 = arith.constant 80 : i32
      %lt3A_638 = arith.cmpi slt, %sub3A_636, %lt3A_637 : i32
      %convert_element_type3A_639 = arith.extui %lt3A_638 : i1 to i32
      %cond3A_640 = arith.constant 0 : i32
      %cond3A_641 = arith.cmpi ne, %convert_element_type3A_639, %cond3A_640 : i32
      scf.if %cond3A_641 {
        %dma_wait3A_751 = arith.constant 2 : i32
        %dma_wait3A_752 = arith.constant 0 : i32
        %dma_wait3A_753 = arith.constant 0 : i32
        %dma_wait3A_754 = tpu.memref_slice %arg12[%dma_wait3A_751, %dma_wait3A_752, %dma_wait3A_753] : memref<8x125x16xf32, #tpu.memory_space<vmem>> -> memref<1x125x16xf32, #tpu.memory_space<vmem>>
        %dma_wait3A_755 = tpu.memref_squeeze %dma_wait3A_754 : memref<1x125x16xf32, #tpu.memory_space<vmem>> -> memref<125x16xf32, #tpu.memory_space<vmem>>
        %dma_wait3A_756 = arith.constant 0 : i32
        %dma_wait3A_757 = tpu.memref_slice %arg10[%add3A_632, %dma_wait3A_756] : memref<80x125xi32, #tpu.memory_space<vmem>> -> memref<1x125xi32, #tpu.memory_space<vmem>>
        %dma_wait3A_758 = tpu.memref_squeeze %dma_wait3A_757 : memref<1x125xi32, #tpu.memory_space<vmem>> -> memref<125xi32, #tpu.memory_space<vmem>>
        %dma_wait3A_759 = arith.constant 0 : i32
        %dma_wait3A_760 = arith.constant 0 : i32
        %dma_wait3A_761 = tpu.memref_slice %arg2[%dma_wait3A_759, %dma_wait3A_760] : memref<10000x16xf32, #tpu.memory_space<hbm>> -> memref<10000x16xf32, #tpu.memory_space<hbm>>
        tpu.wait_indirect_dma semaphore(%arg16 : memref<!tpu.dma_semaphore, #tpu.memory_space<semaphore_mem>>) src(%dma_wait3A_761 : memref<10000x16xf32, #tpu.memory_space<hbm>>) dst(%dma_wait3A_755 : memref<125x16xf32, #tpu.memory_space<vmem>>)
        %dma_start3A_762 = arith.constant 2 : i32
        %dma_start3A_763 = arith.constant 0 : i32
        %dma_start3A_764 = arith.constant 0 : i32
        %dma_start3A_765 = tpu.memref_slice %arg12[%dma_start3A_762, %dma_start3A_763, %dma_start3A_764] : memref<8x125x16xf32, #tpu.memory_space<vmem>> -> memref<1x125x16xf32, #tpu.memory_space<vmem>>
        %dma_start3A_766 = tpu.memref_squeeze %dma_start3A_765 : memref<1x125x16xf32, #tpu.memory_space<vmem>> -> memref<125x16xf32, #tpu.memory_space<vmem>>
        %dma_start3A_767 = arith.constant 0 : i32
        %dma_start3A_768 = tpu.memref_slice %arg11[%add3A_632, %dma_start3A_767] : memref<80x125xi32, #tpu.memory_space<vmem>> -> memref<1x125xi32, #tpu.memory_space<vmem>>
        %dma_start3A_769 = tpu.memref_squeeze %dma_start3A_768 : memref<1x125xi32, #tpu.memory_space<vmem>> -> memref<125xi32, #tpu.memory_space<vmem>>
        %dma_start3A_770 = arith.constant 0 : i32
        %dma_start3A_771 = arith.constant 0 : i32
        %dma_start3A_772 = tpu.memref_slice %arg9[%dma_start3A_770, %dma_start3A_771] : memref<10000x16xf32, #tpu.memory_space<vmem_shared>> -> memref<10000x16xf32, #tpu.memory_space<vmem_shared>>
        tpu.enqueue_indirect_dma source(%dma_start3A_766 : memref<125x16xf32, #tpu.memory_space<vmem>>) target(%dma_start3A_772 : memref<10000x16xf32, #tpu.memory_space<vmem_shared>>) offsets(%dma_start3A_769 : memref<125xi32, #tpu.memory_space<vmem>>) semaphore(%arg24 : memref<!tpu.dma_semaphore, #tpu.memory_space<semaphore_mem>>) {add = true}
        %dma_start3A_773 = arith.constant 0 : i32
        %dma_start3A_774 = tpu.memref_slice %arg11[%add3A_632, %dma_start3A_773] : memref<80x125xi32, #tpu.memory_space<vmem>> -> memref<1x125xi32, #tpu.memory_space<vmem>>
        %dma_start3A_775 = tpu.memref_squeeze %dma_start3A_774 : memref<1x125xi32, #tpu.memory_space<vmem>> -> memref<125xi32, #tpu.memory_space<vmem>>
        %dma_start3A_776 = arith.constant 0 : i32
        %dma_start3A_777 = tpu.memref_slice %arg30[%dma_start3A_776] : memref<10000xf32, #tpu.memory_space<vmem_shared>> -> memref<10000xf32, #tpu.memory_space<vmem_shared>>
        tpu.enqueue_indirect_dma source(%arg31 : memref<125xf32, #tpu.memory_space<vmem>>) target(%dma_start3A_777 : memref<10000xf32, #tpu.memory_space<vmem_shared>>) offsets(%dma_start3A_775 : memref<125xi32, #tpu.memory_space<vmem>>) semaphore(%arg35 : memref<!tpu.dma_semaphore, #tpu.memory_space<semaphore_mem>>) {add = true}
        %sub3A_778 = arith.constant 1 : i32
        %sub3A_779 = arith.subi %add3A_632, %sub3A_778 : i32
        %dma_wait3A_780 = arith.constant 1 : i32
        %dma_wait3A_781 = arith.constant 0 : i32
        %dma_wait3A_782 = arith.constant 0 : i32
        %dma_wait3A_783 = tpu.memref_slice %arg12[%dma_wait3A_780, %dma_wait3A_781, %dma_wait3A_782] : memref<8x125x16xf32, #tpu.memory_space<vmem>> -> memref<1x125x16xf32, #tpu.memory_space<vmem>>
        %dma_wait3A_784 = tpu.memref_squeeze %dma_wait3A_783 : memref<1x125x16xf32, #tpu.memory_space<vmem>> -> memref<125x16xf32, #tpu.memory_space<vmem>>
        %dma_wait3A_785 = arith.constant 0 : i32
        %dma_wait3A_786 = tpu.memref_slice %arg11[%sub3A_779, %dma_wait3A_785] : memref<80x125xi32, #tpu.memory_space<vmem>> -> memref<1x125xi32, #tpu.memory_space<vmem>>
        %dma_wait3A_787 = tpu.memref_squeeze %dma_wait3A_786 : memref<1x125xi32, #tpu.memory_space<vmem>> -> memref<125xi32, #tpu.memory_space<vmem>>
        %dma_wait3A_788 = arith.constant 0 : i32
        %dma_wait3A_789 = arith.constant 0 : i32
        %dma_wait3A_790 = tpu.memref_slice %arg9[%dma_wait3A_788, %dma_wait3A_789] : memref<10000x16xf32, #tpu.memory_space<vmem_shared>> -> memref<10000x16xf32, #tpu.memory_space<vmem_shared>>
        tpu.wait_indirect_dma semaphore(%arg23 : memref<!tpu.dma_semaphore, #tpu.memory_space<semaphore_mem>>) src(%dma_wait3A_784 : memref<125x16xf32, #tpu.memory_space<vmem>>) dst(%dma_wait3A_790 : memref<10000x16xf32, #tpu.memory_space<vmem_shared>>)
        %dma_wait3A_791 = arith.constant 0 : i32
        %dma_wait3A_792 = tpu.memref_slice %arg11[%sub3A_779, %dma_wait3A_791] : memref<80x125xi32, #tpu.memory_space<vmem>> -> memref<1x125xi32, #tpu.memory_space<vmem>>
        %dma_wait3A_793 = tpu.memref_squeeze %dma_wait3A_792 : memref<1x125xi32, #tpu.memory_space<vmem>> -> memref<125xi32, #tpu.memory_space<vmem>>
        %dma_wait3A_794 = arith.constant 0 : i32
        %dma_wait3A_795 = tpu.memref_slice %arg30[%dma_wait3A_794] : memref<10000xf32, #tpu.memory_space<vmem_shared>> -> memref<10000xf32, #tpu.memory_space<vmem_shared>>
        tpu.wait_indirect_dma semaphore(%arg34 : memref<!tpu.dma_semaphore, #tpu.memory_space<semaphore_mem>>) src(%arg31 : memref<125xf32, #tpu.memory_space<vmem>>) dst(%dma_wait3A_795 : memref<10000xf32, #tpu.memory_space<vmem_shared>>)
        %add3A_796 = arith.constant 8 : i32
        %add3A_797 = arith.addi %add3A_632, %add3A_796 : i32
        %sub3A_798 = arith.constant 1 : i32
        %sub3A_799 = arith.subi %add3A_797, %sub3A_798 : i32
        %dma_start3A_800 = arith.constant 1 : i32
        %dma_start3A_801 = arith.constant 0 : i32
        %dma_start3A_802 = arith.constant 0 : i32
        %dma_start3A_803 = tpu.memref_slice %arg12[%dma_start3A_800, %dma_start3A_801, %dma_start3A_802] : memref<8x125x16xf32, #tpu.memory_space<vmem>> -> memref<1x125x16xf32, #tpu.memory_space<vmem>>
        %dma_start3A_804 = tpu.memref_squeeze %dma_start3A_803 : memref<1x125x16xf32, #tpu.memory_space<vmem>> -> memref<125x16xf32, #tpu.memory_space<vmem>>
        %dma_start3A_805 = arith.constant 0 : i32
        %dma_start3A_806 = tpu.memref_slice %arg10[%sub3A_799, %dma_start3A_805] : memref<80x125xi32, #tpu.memory_space<vmem>> -> memref<1x125xi32, #tpu.memory_space<vmem>>
        %dma_start3A_807 = tpu.memref_squeeze %dma_start3A_806 : memref<1x125xi32, #tpu.memory_space<vmem>> -> memref<125xi32, #tpu.memory_space<vmem>>
        %dma_start3A_808 = arith.constant 0 : i32
        %dma_start3A_809 = arith.constant 0 : i32
        %dma_start3A_810 = tpu.memref_slice %arg2[%dma_start3A_808, %dma_start3A_809] : memref<10000x16xf32, #tpu.memory_space<hbm>> -> memref<10000x16xf32, #tpu.memory_space<hbm>>
        tpu.enqueue_indirect_dma source(%dma_start3A_810 : memref<10000x16xf32, #tpu.memory_space<hbm>>) target(%dma_start3A_804 : memref<125x16xf32, #tpu.memory_space<vmem>>) offsets(%dma_start3A_807 : memref<125xi32, #tpu.memory_space<vmem>>) semaphore(%arg15 : memref<!tpu.dma_semaphore, #tpu.memory_space<semaphore_mem>>)
      } else {
      }
      %add3A_642 = arith.constant 8 : i32
      %add3A_643 = arith.addi %add3A_632, %add3A_642 : i32
      %sub3A_644 = arith.constant 1 : i32
      %sub3A_645 = arith.subi %add3A_643, %sub3A_644 : i32
      %ge3A_646 = arith.constant 80 : i32
      %ge3A_647 = arith.cmpi sge, %sub3A_645, %ge3A_646 : i32
      %convert_element_type3A_648 = arith.extui %ge3A_647 : i1 to i32
      %cond3A_649 = arith.constant 0 : i32
      %cond3A_650 = arith.cmpi ne, %convert_element_type3A_648, %cond3A_649 : i32
      scf.if %cond3A_650 {
        %dma_wait3A_751 = arith.constant 2 : i32
        %dma_wait3A_752 = arith.constant 0 : i32
        %dma_wait3A_753 = arith.constant 0 : i32
        %dma_wait3A_754 = tpu.memref_slice %arg12[%dma_wait3A_751, %dma_wait3A_752, %dma_wait3A_753] : memref<8x125x16xf32, #tpu.memory_space<vmem>> -> memref<1x125x16xf32, #tpu.memory_space<vmem>>
        %dma_wait3A_755 = tpu.memref_squeeze %dma_wait3A_754 : memref<1x125x16xf32, #tpu.memory_space<vmem>> -> memref<125x16xf32, #tpu.memory_space<vmem>>
        %dma_wait3A_756 = arith.constant 0 : i32
        %dma_wait3A_757 = tpu.memref_slice %arg10[%add3A_632, %dma_wait3A_756] : memref<80x125xi32, #tpu.memory_space<vmem>> -> memref<1x125xi32, #tpu.memory_space<vmem>>
        %dma_wait3A_758 = tpu.memref_squeeze %dma_wait3A_757 : memref<1x125xi32, #tpu.memory_space<vmem>> -> memref<125xi32, #tpu.memory_space<vmem>>
        %dma_wait3A_759 = arith.constant 0 : i32
        %dma_wait3A_760 = arith.constant 0 : i32
        %dma_wait3A_761 = tpu.memref_slice %arg2[%dma_wait3A_759, %dma_wait3A_760] : memref<10000x16xf32, #tpu.memory_space<hbm>> -> memref<10000x16xf32, #tpu.memory_space<hbm>>
        tpu.wait_indirect_dma semaphore(%arg16 : memref<!tpu.dma_semaphore, #tpu.memory_space<semaphore_mem>>) src(%dma_wait3A_761 : memref<10000x16xf32, #tpu.memory_space<hbm>>) dst(%dma_wait3A_755 : memref<125x16xf32, #tpu.memory_space<vmem>>)
        %dma_start3A_762 = arith.constant 2 : i32
        %dma_start3A_763 = arith.constant 0 : i32
        %dma_start3A_764 = arith.constant 0 : i32
        %dma_start3A_765 = tpu.memref_slice %arg12[%dma_start3A_762, %dma_start3A_763, %dma_start3A_764] : memref<8x125x16xf32, #tpu.memory_space<vmem>> -> memref<1x125x16xf32, #tpu.memory_space<vmem>>
        %dma_start3A_766 = tpu.memref_squeeze %dma_start3A_765 : memref<1x125x16xf32, #tpu.memory_space<vmem>> -> memref<125x16xf32, #tpu.memory_space<vmem>>
        %dma_start3A_767 = arith.constant 0 : i32
        %dma_start3A_768 = tpu.memref_slice %arg11[%add3A_632, %dma_start3A_767] : memref<80x125xi32, #tpu.memory_space<vmem>> -> memref<1x125xi32, #tpu.memory_space<vmem>>
        %dma_start3A_769 = tpu.memref_squeeze %dma_start3A_768 : memref<1x125xi32, #tpu.memory_space<vmem>> -> memref<125xi32, #tpu.memory_space<vmem>>
        %dma_start3A_770 = arith.constant 0 : i32
        %dma_start3A_771 = arith.constant 0 : i32
        %dma_start3A_772 = tpu.memref_slice %arg9[%dma_start3A_770, %dma_start3A_771] : memref<10000x16xf32, #tpu.memory_space<vmem_shared>> -> memref<10000x16xf32, #tpu.memory_space<vmem_shared>>
        tpu.enqueue_indirect_dma source(%dma_start3A_766 : memref<125x16xf32, #tpu.memory_space<vmem>>) target(%dma_start3A_772 : memref<10000x16xf32, #tpu.memory_space<vmem_shared>>) offsets(%dma_start3A_769 : memref<125xi32, #tpu.memory_space<vmem>>) semaphore(%arg24 : memref<!tpu.dma_semaphore, #tpu.memory_space<semaphore_mem>>) {add = true}
        %dma_start3A_773 = arith.constant 0 : i32
        %dma_start3A_774 = tpu.memref_slice %arg11[%add3A_632, %dma_start3A_773] : memref<80x125xi32, #tpu.memory_space<vmem>> -> memref<1x125xi32, #tpu.memory_space<vmem>>
        %dma_start3A_775 = tpu.memref_squeeze %dma_start3A_774 : memref<1x125xi32, #tpu.memory_space<vmem>> -> memref<125xi32, #tpu.memory_space<vmem>>
        %dma_start3A_776 = arith.constant 0 : i32
        %dma_start3A_777 = tpu.memref_slice %arg30[%dma_start3A_776] : memref<10000xf32, #tpu.memory_space<vmem_shared>> -> memref<10000xf32, #tpu.memory_space<vmem_shared>>
        tpu.enqueue_indirect_dma source(%arg31 : memref<125xf32, #tpu.memory_space<vmem>>) target(%dma_start3A_777 : memref<10000xf32, #tpu.memory_space<vmem_shared>>) offsets(%dma_start3A_775 : memref<125xi32, #tpu.memory_space<vmem>>) semaphore(%arg35 : memref<!tpu.dma_semaphore, #tpu.memory_space<semaphore_mem>>) {add = true}
        %sub3A_778 = arith.constant 1 : i32
        %sub3A_779 = arith.subi %add3A_632, %sub3A_778 : i32
        %dma_wait3A_780 = arith.constant 1 : i32
        %dma_wait3A_781 = arith.constant 0 : i32
        %dma_wait3A_782 = arith.constant 0 : i32
        %dma_wait3A_783 = tpu.memref_slice %arg12[%dma_wait3A_780, %dma_wait3A_781, %dma_wait3A_782] : memref<8x125x16xf32, #tpu.memory_space<vmem>> -> memref<1x125x16xf32, #tpu.memory_space<vmem>>
        %dma_wait3A_784 = tpu.memref_squeeze %dma_wait3A_783 : memref<1x125x16xf32, #tpu.memory_space<vmem>> -> memref<125x16xf32, #tpu.memory_space<vmem>>
        %dma_wait3A_785 = arith.constant 0 : i32
        %dma_wait3A_786 = tpu.memref_slice %arg11[%sub3A_779, %dma_wait3A_785] : memref<80x125xi32, #tpu.memory_space<vmem>> -> memref<1x125xi32, #tpu.memory_space<vmem>>
        %dma_wait3A_787 = tpu.memref_squeeze %dma_wait3A_786 : memref<1x125xi32, #tpu.memory_space<vmem>> -> memref<125xi32, #tpu.memory_space<vmem>>
        %dma_wait3A_788 = arith.constant 0 : i32
        %dma_wait3A_789 = arith.constant 0 : i32
        %dma_wait3A_790 = tpu.memref_slice %arg9[%dma_wait3A_788, %dma_wait3A_789] : memref<10000x16xf32, #tpu.memory_space<vmem_shared>> -> memref<10000x16xf32, #tpu.memory_space<vmem_shared>>
        tpu.wait_indirect_dma semaphore(%arg23 : memref<!tpu.dma_semaphore, #tpu.memory_space<semaphore_mem>>) src(%dma_wait3A_784 : memref<125x16xf32, #tpu.memory_space<vmem>>) dst(%dma_wait3A_790 : memref<10000x16xf32, #tpu.memory_space<vmem_shared>>)
        %dma_wait3A_791 = arith.constant 0 : i32
        %dma_wait3A_792 = tpu.memref_slice %arg11[%sub3A_779, %dma_wait3A_791] : memref<80x125xi32, #tpu.memory_space<vmem>> -> memref<1x125xi32, #tpu.memory_space<vmem>>
        %dma_wait3A_793 = tpu.memref_squeeze %dma_wait3A_792 : memref<1x125xi32, #tpu.memory_space<vmem>> -> memref<125xi32, #tpu.memory_space<vmem>>
        %dma_wait3A_794 = arith.constant 0 : i32
        %dma_wait3A_795 = tpu.memref_slice %arg30[%dma_wait3A_794] : memref<10000xf32, #tpu.memory_space<vmem_shared>> -> memref<10000xf32, #tpu.memory_space<vmem_shared>>
        tpu.wait_indirect_dma semaphore(%arg34 : memref<!tpu.dma_semaphore, #tpu.memory_space<semaphore_mem>>) src(%arg31 : memref<125xf32, #tpu.memory_space<vmem>>) dst(%dma_wait3A_795 : memref<10000xf32, #tpu.memory_space<vmem_shared>>)
      } else {
      }
      %add3A_651 = arith.constant 3 : i32
      %add3A_652 = arith.addi %mul3A_592, %add3A_651 : i32
      %add3A_653 = arith.constant 8 : i32
      %add3A_654 = arith.addi %add3A_652, %add3A_653 : i32
      %sub3A_655 = arith.constant 1 : i32
      %sub3A_656 = arith.subi %add3A_654, %sub3A_655 : i32
      %lt3A_657 = arith.constant 80 : i32
      %lt3A_658 = arith.cmpi slt, %sub3A_656, %lt3A_657 : i32
      %convert_element_type3A_659 = arith.extui %lt3A_658 : i1 to i32
      %cond3A_660 = arith.constant 0 : i32
      %cond3A_661 = arith.cmpi ne, %convert_element_type3A_659, %cond3A_660 : i32
      scf.if %cond3A_661 {
        %dma_wait3A_751 = arith.constant 3 : i32
        %dma_wait3A_752 = arith.constant 0 : i32
        %dma_wait3A_753 = arith.constant 0 : i32
        %dma_wait3A_754 = tpu.memref_slice %arg12[%dma_wait3A_751, %dma_wait3A_752, %dma_wait3A_753] : memref<8x125x16xf32, #tpu.memory_space<vmem>> -> memref<1x125x16xf32, #tpu.memory_space<vmem>>
        %dma_wait3A_755 = tpu.memref_squeeze %dma_wait3A_754 : memref<1x125x16xf32, #tpu.memory_space<vmem>> -> memref<125x16xf32, #tpu.memory_space<vmem>>
        %dma_wait3A_756 = arith.constant 0 : i32
        %dma_wait3A_757 = tpu.memref_slice %arg10[%add3A_652, %dma_wait3A_756] : memref<80x125xi32, #tpu.memory_space<vmem>> -> memref<1x125xi32, #tpu.memory_space<vmem>>
        %dma_wait3A_758 = tpu.memref_squeeze %dma_wait3A_757 : memref<1x125xi32, #tpu.memory_space<vmem>> -> memref<125xi32, #tpu.memory_space<vmem>>
        %dma_wait3A_759 = arith.constant 0 : i32
        %dma_wait3A_760 = arith.constant 0 : i32
        %dma_wait3A_761 = tpu.memref_slice %arg2[%dma_wait3A_759, %dma_wait3A_760] : memref<10000x16xf32, #tpu.memory_space<hbm>> -> memref<10000x16xf32, #tpu.memory_space<hbm>>
        tpu.wait_indirect_dma semaphore(%arg17 : memref<!tpu.dma_semaphore, #tpu.memory_space<semaphore_mem>>) src(%dma_wait3A_761 : memref<10000x16xf32, #tpu.memory_space<hbm>>) dst(%dma_wait3A_755 : memref<125x16xf32, #tpu.memory_space<vmem>>)
        %dma_start3A_762 = arith.constant 3 : i32
        %dma_start3A_763 = arith.constant 0 : i32
        %dma_start3A_764 = arith.constant 0 : i32
        %dma_start3A_765 = tpu.memref_slice %arg12[%dma_start3A_762, %dma_start3A_763, %dma_start3A_764] : memref<8x125x16xf32, #tpu.memory_space<vmem>> -> memref<1x125x16xf32, #tpu.memory_space<vmem>>
        %dma_start3A_766 = tpu.memref_squeeze %dma_start3A_765 : memref<1x125x16xf32, #tpu.memory_space<vmem>> -> memref<125x16xf32, #tpu.memory_space<vmem>>
        %dma_start3A_767 = arith.constant 0 : i32
        %dma_start3A_768 = tpu.memref_slice %arg11[%add3A_652, %dma_start3A_767] : memref<80x125xi32, #tpu.memory_space<vmem>> -> memref<1x125xi32, #tpu.memory_space<vmem>>
        %dma_start3A_769 = tpu.memref_squeeze %dma_start3A_768 : memref<1x125xi32, #tpu.memory_space<vmem>> -> memref<125xi32, #tpu.memory_space<vmem>>
        %dma_start3A_770 = arith.constant 0 : i32
        %dma_start3A_771 = arith.constant 0 : i32
        %dma_start3A_772 = tpu.memref_slice %arg9[%dma_start3A_770, %dma_start3A_771] : memref<10000x16xf32, #tpu.memory_space<vmem_shared>> -> memref<10000x16xf32, #tpu.memory_space<vmem_shared>>
        tpu.enqueue_indirect_dma source(%dma_start3A_766 : memref<125x16xf32, #tpu.memory_space<vmem>>) target(%dma_start3A_772 : memref<10000x16xf32, #tpu.memory_space<vmem_shared>>) offsets(%dma_start3A_769 : memref<125xi32, #tpu.memory_space<vmem>>) semaphore(%arg25 : memref<!tpu.dma_semaphore, #tpu.memory_space<semaphore_mem>>) {add = true}
        %dma_start3A_773 = arith.constant 0 : i32
        %dma_start3A_774 = tpu.memref_slice %arg11[%add3A_652, %dma_start3A_773] : memref<80x125xi32, #tpu.memory_space<vmem>> -> memref<1x125xi32, #tpu.memory_space<vmem>>
        %dma_start3A_775 = tpu.memref_squeeze %dma_start3A_774 : memref<1x125xi32, #tpu.memory_space<vmem>> -> memref<125xi32, #tpu.memory_space<vmem>>
        %dma_start3A_776 = arith.constant 0 : i32
        %dma_start3A_777 = tpu.memref_slice %arg30[%dma_start3A_776] : memref<10000xf32, #tpu.memory_space<vmem_shared>> -> memref<10000xf32, #tpu.memory_space<vmem_shared>>
        tpu.enqueue_indirect_dma source(%arg31 : memref<125xf32, #tpu.memory_space<vmem>>) target(%dma_start3A_777 : memref<10000xf32, #tpu.memory_space<vmem_shared>>) offsets(%dma_start3A_775 : memref<125xi32, #tpu.memory_space<vmem>>) semaphore(%arg36 : memref<!tpu.dma_semaphore, #tpu.memory_space<semaphore_mem>>) {add = true}
        %sub3A_778 = arith.constant 1 : i32
        %sub3A_779 = arith.subi %add3A_652, %sub3A_778 : i32
        %dma_wait3A_780 = arith.constant 2 : i32
        %dma_wait3A_781 = arith.constant 0 : i32
        %dma_wait3A_782 = arith.constant 0 : i32
        %dma_wait3A_783 = tpu.memref_slice %arg12[%dma_wait3A_780, %dma_wait3A_781, %dma_wait3A_782] : memref<8x125x16xf32, #tpu.memory_space<vmem>> -> memref<1x125x16xf32, #tpu.memory_space<vmem>>
        %dma_wait3A_784 = tpu.memref_squeeze %dma_wait3A_783 : memref<1x125x16xf32, #tpu.memory_space<vmem>> -> memref<125x16xf32, #tpu.memory_space<vmem>>
        %dma_wait3A_785 = arith.constant 0 : i32
        %dma_wait3A_786 = tpu.memref_slice %arg11[%sub3A_779, %dma_wait3A_785] : memref<80x125xi32, #tpu.memory_space<vmem>> -> memref<1x125xi32, #tpu.memory_space<vmem>>
        %dma_wait3A_787 = tpu.memref_squeeze %dma_wait3A_786 : memref<1x125xi32, #tpu.memory_space<vmem>> -> memref<125xi32, #tpu.memory_space<vmem>>
        %dma_wait3A_788 = arith.constant 0 : i32
        %dma_wait3A_789 = arith.constant 0 : i32
        %dma_wait3A_790 = tpu.memref_slice %arg9[%dma_wait3A_788, %dma_wait3A_789] : memref<10000x16xf32, #tpu.memory_space<vmem_shared>> -> memref<10000x16xf32, #tpu.memory_space<vmem_shared>>
        tpu.wait_indirect_dma semaphore(%arg24 : memref<!tpu.dma_semaphore, #tpu.memory_space<semaphore_mem>>) src(%dma_wait3A_784 : memref<125x16xf32, #tpu.memory_space<vmem>>) dst(%dma_wait3A_790 : memref<10000x16xf32, #tpu.memory_space<vmem_shared>>)
        %dma_wait3A_791 = arith.constant 0 : i32
        %dma_wait3A_792 = tpu.memref_slice %arg11[%sub3A_779, %dma_wait3A_791] : memref<80x125xi32, #tpu.memory_space<vmem>> -> memref<1x125xi32, #tpu.memory_space<vmem>>
        %dma_wait3A_793 = tpu.memref_squeeze %dma_wait3A_792 : memref<1x125xi32, #tpu.memory_space<vmem>> -> memref<125xi32, #tpu.memory_space<vmem>>
        %dma_wait3A_794 = arith.constant 0 : i32
        %dma_wait3A_795 = tpu.memref_slice %arg30[%dma_wait3A_794] : memref<10000xf32, #tpu.memory_space<vmem_shared>> -> memref<10000xf32, #tpu.memory_space<vmem_shared>>
        tpu.wait_indirect_dma semaphore(%arg35 : memref<!tpu.dma_semaphore, #tpu.memory_space<semaphore_mem>>) src(%arg31 : memref<125xf32, #tpu.memory_space<vmem>>) dst(%dma_wait3A_795 : memref<10000xf32, #tpu.memory_space<vmem_shared>>)
        %add3A_796 = arith.constant 8 : i32
        %add3A_797 = arith.addi %add3A_652, %add3A_796 : i32
        %sub3A_798 = arith.constant 1 : i32
        %sub3A_799 = arith.subi %add3A_797, %sub3A_798 : i32
        %dma_start3A_800 = arith.constant 2 : i32
        %dma_start3A_801 = arith.constant 0 : i32
        %dma_start3A_802 = arith.constant 0 : i32
        %dma_start3A_803 = tpu.memref_slice %arg12[%dma_start3A_800, %dma_start3A_801, %dma_start3A_802] : memref<8x125x16xf32, #tpu.memory_space<vmem>> -> memref<1x125x16xf32, #tpu.memory_space<vmem>>
        %dma_start3A_804 = tpu.memref_squeeze %dma_start3A_803 : memref<1x125x16xf32, #tpu.memory_space<vmem>> -> memref<125x16xf32, #tpu.memory_space<vmem>>
        %dma_start3A_805 = arith.constant 0 : i32
        %dma_start3A_806 = tpu.memref_slice %arg10[%sub3A_799, %dma_start3A_805] : memref<80x125xi32, #tpu.memory_space<vmem>> -> memref<1x125xi32, #tpu.memory_space<vmem>>
        %dma_start3A_807 = tpu.memref_squeeze %dma_start3A_806 : memref<1x125xi32, #tpu.memory_space<vmem>> -> memref<125xi32, #tpu.memory_space<vmem>>
        %dma_start3A_808 = arith.constant 0 : i32
        %dma_start3A_809 = arith.constant 0 : i32
        %dma_start3A_810 = tpu.memref_slice %arg2[%dma_start3A_808, %dma_start3A_809] : memref<10000x16xf32, #tpu.memory_space<hbm>> -> memref<10000x16xf32, #tpu.memory_space<hbm>>
        tpu.enqueue_indirect_dma source(%dma_start3A_810 : memref<10000x16xf32, #tpu.memory_space<hbm>>) target(%dma_start3A_804 : memref<125x16xf32, #tpu.memory_space<vmem>>) offsets(%dma_start3A_807 : memref<125xi32, #tpu.memory_space<vmem>>) semaphore(%arg16 : memref<!tpu.dma_semaphore, #tpu.memory_space<semaphore_mem>>)
      } else {
      }
      %add3A_662 = arith.constant 8 : i32
      %add3A_663 = arith.addi %add3A_652, %add3A_662 : i32
      %sub3A_664 = arith.constant 1 : i32
      %sub3A_665 = arith.subi %add3A_663, %sub3A_664 : i32
      %ge3A_666 = arith.constant 80 : i32
      %ge3A_667 = arith.cmpi sge, %sub3A_665, %ge3A_666 : i32
      %convert_element_type3A_668 = arith.extui %ge3A_667 : i1 to i32
      %cond3A_669 = arith.constant 0 : i32
      %cond3A_670 = arith.cmpi ne, %convert_element_type3A_668, %cond3A_669 : i32
      scf.if %cond3A_670 {
        %dma_wait3A_751 = arith.constant 3 : i32
        %dma_wait3A_752 = arith.constant 0 : i32
        %dma_wait3A_753 = arith.constant 0 : i32
        %dma_wait3A_754 = tpu.memref_slice %arg12[%dma_wait3A_751, %dma_wait3A_752, %dma_wait3A_753] : memref<8x125x16xf32, #tpu.memory_space<vmem>> -> memref<1x125x16xf32, #tpu.memory_space<vmem>>
        %dma_wait3A_755 = tpu.memref_squeeze %dma_wait3A_754 : memref<1x125x16xf32, #tpu.memory_space<vmem>> -> memref<125x16xf32, #tpu.memory_space<vmem>>
        %dma_wait3A_756 = arith.constant 0 : i32
        %dma_wait3A_757 = tpu.memref_slice %arg10[%add3A_652, %dma_wait3A_756] : memref<80x125xi32, #tpu.memory_space<vmem>> -> memref<1x125xi32, #tpu.memory_space<vmem>>
        %dma_wait3A_758 = tpu.memref_squeeze %dma_wait3A_757 : memref<1x125xi32, #tpu.memory_space<vmem>> -> memref<125xi32, #tpu.memory_space<vmem>>
        %dma_wait3A_759 = arith.constant 0 : i32
        %dma_wait3A_760 = arith.constant 0 : i32
        %dma_wait3A_761 = tpu.memref_slice %arg2[%dma_wait3A_759, %dma_wait3A_760] : memref<10000x16xf32, #tpu.memory_space<hbm>> -> memref<10000x16xf32, #tpu.memory_space<hbm>>
        tpu.wait_indirect_dma semaphore(%arg17 : memref<!tpu.dma_semaphore, #tpu.memory_space<semaphore_mem>>) src(%dma_wait3A_761 : memref<10000x16xf32, #tpu.memory_space<hbm>>) dst(%dma_wait3A_755 : memref<125x16xf32, #tpu.memory_space<vmem>>)
        %dma_start3A_762 = arith.constant 3 : i32
        %dma_start3A_763 = arith.constant 0 : i32
        %dma_start3A_764 = arith.constant 0 : i32
        %dma_start3A_765 = tpu.memref_slice %arg12[%dma_start3A_762, %dma_start3A_763, %dma_start3A_764] : memref<8x125x16xf32, #tpu.memory_space<vmem>> -> memref<1x125x16xf32, #tpu.memory_space<vmem>>
        %dma_start3A_766 = tpu.memref_squeeze %dma_start3A_765 : memref<1x125x16xf32, #tpu.memory_space<vmem>> -> memref<125x16xf32, #tpu.memory_space<vmem>>
        %dma_start3A_767 = arith.constant 0 : i32
        %dma_start3A_768 = tpu.memref_slice %arg11[%add3A_652, %dma_start3A_767] : memref<80x125xi32, #tpu.memory_space<vmem>> -> memref<1x125xi32, #tpu.memory_space<vmem>>
        %dma_start3A_769 = tpu.memref_squeeze %dma_start3A_768 : memref<1x125xi32, #tpu.memory_space<vmem>> -> memref<125xi32, #tpu.memory_space<vmem>>
        %dma_start3A_770 = arith.constant 0 : i32
        %dma_start3A_771 = arith.constant 0 : i32
        %dma_start3A_772 = tpu.memref_slice %arg9[%dma_start3A_770, %dma_start3A_771] : memref<10000x16xf32, #tpu.memory_space<vmem_shared>> -> memref<10000x16xf32, #tpu.memory_space<vmem_shared>>
        tpu.enqueue_indirect_dma source(%dma_start3A_766 : memref<125x16xf32, #tpu.memory_space<vmem>>) target(%dma_start3A_772 : memref<10000x16xf32, #tpu.memory_space<vmem_shared>>) offsets(%dma_start3A_769 : memref<125xi32, #tpu.memory_space<vmem>>) semaphore(%arg25 : memref<!tpu.dma_semaphore, #tpu.memory_space<semaphore_mem>>) {add = true}
        %dma_start3A_773 = arith.constant 0 : i32
        %dma_start3A_774 = tpu.memref_slice %arg11[%add3A_652, %dma_start3A_773] : memref<80x125xi32, #tpu.memory_space<vmem>> -> memref<1x125xi32, #tpu.memory_space<vmem>>
        %dma_start3A_775 = tpu.memref_squeeze %dma_start3A_774 : memref<1x125xi32, #tpu.memory_space<vmem>> -> memref<125xi32, #tpu.memory_space<vmem>>
        %dma_start3A_776 = arith.constant 0 : i32
        %dma_start3A_777 = tpu.memref_slice %arg30[%dma_start3A_776] : memref<10000xf32, #tpu.memory_space<vmem_shared>> -> memref<10000xf32, #tpu.memory_space<vmem_shared>>
        tpu.enqueue_indirect_dma source(%arg31 : memref<125xf32, #tpu.memory_space<vmem>>) target(%dma_start3A_777 : memref<10000xf32, #tpu.memory_space<vmem_shared>>) offsets(%dma_start3A_775 : memref<125xi32, #tpu.memory_space<vmem>>) semaphore(%arg36 : memref<!tpu.dma_semaphore, #tpu.memory_space<semaphore_mem>>) {add = true}
        %sub3A_778 = arith.constant 1 : i32
        %sub3A_779 = arith.subi %add3A_652, %sub3A_778 : i32
        %dma_wait3A_780 = arith.constant 2 : i32
        %dma_wait3A_781 = arith.constant 0 : i32
        %dma_wait3A_782 = arith.constant 0 : i32
        %dma_wait3A_783 = tpu.memref_slice %arg12[%dma_wait3A_780, %dma_wait3A_781, %dma_wait3A_782] : memref<8x125x16xf32, #tpu.memory_space<vmem>> -> memref<1x125x16xf32, #tpu.memory_space<vmem>>
        %dma_wait3A_784 = tpu.memref_squeeze %dma_wait3A_783 : memref<1x125x16xf32, #tpu.memory_space<vmem>> -> memref<125x16xf32, #tpu.memory_space<vmem>>
        %dma_wait3A_785 = arith.constant 0 : i32
        %dma_wait3A_786 = tpu.memref_slice %arg11[%sub3A_779, %dma_wait3A_785] : memref<80x125xi32, #tpu.memory_space<vmem>> -> memref<1x125xi32, #tpu.memory_space<vmem>>
        %dma_wait3A_787 = tpu.memref_squeeze %dma_wait3A_786 : memref<1x125xi32, #tpu.memory_space<vmem>> -> memref<125xi32, #tpu.memory_space<vmem>>
        %dma_wait3A_788 = arith.constant 0 : i32
        %dma_wait3A_789 = arith.constant 0 : i32
        %dma_wait3A_790 = tpu.memref_slice %arg9[%dma_wait3A_788, %dma_wait3A_789] : memref<10000x16xf32, #tpu.memory_space<vmem_shared>> -> memref<10000x16xf32, #tpu.memory_space<vmem_shared>>
        tpu.wait_indirect_dma semaphore(%arg24 : memref<!tpu.dma_semaphore, #tpu.memory_space<semaphore_mem>>) src(%dma_wait3A_784 : memref<125x16xf32, #tpu.memory_space<vmem>>) dst(%dma_wait3A_790 : memref<10000x16xf32, #tpu.memory_space<vmem_shared>>)
        %dma_wait3A_791 = arith.constant 0 : i32
        %dma_wait3A_792 = tpu.memref_slice %arg11[%sub3A_779, %dma_wait3A_791] : memref<80x125xi32, #tpu.memory_space<vmem>> -> memref<1x125xi32, #tpu.memory_space<vmem>>
        %dma_wait3A_793 = tpu.memref_squeeze %dma_wait3A_792 : memref<1x125xi32, #tpu.memory_space<vmem>> -> memref<125xi32, #tpu.memory_space<vmem>>
        %dma_wait3A_794 = arith.constant 0 : i32
        %dma_wait3A_795 = tpu.memref_slice %arg30[%dma_wait3A_794] : memref<10000xf32, #tpu.memory_space<vmem_shared>> -> memref<10000xf32, #tpu.memory_space<vmem_shared>>
        tpu.wait_indirect_dma semaphore(%arg35 : memref<!tpu.dma_semaphore, #tpu.memory_space<semaphore_mem>>) src(%arg31 : memref<125xf32, #tpu.memory_space<vmem>>) dst(%dma_wait3A_795 : memref<10000xf32, #tpu.memory_space<vmem_shared>>)
      } else {
      }
      %add3A_671 = arith.constant 4 : i32
      %add3A_672 = arith.addi %mul3A_592, %add3A_671 : i32
      %add3A_673 = arith.constant 8 : i32
      %add3A_674 = arith.addi %add3A_672, %add3A_673 : i32
      %sub3A_675 = arith.constant 1 : i32
      %sub3A_676 = arith.subi %add3A_674, %sub3A_675 : i32
      %lt3A_677 = arith.constant 80 : i32
      %lt3A_678 = arith.cmpi slt, %sub3A_676, %lt3A_677 : i32
      %convert_element_type3A_679 = arith.extui %lt3A_678 : i1 to i32
      %cond3A_680 = arith.constant 0 : i32
      %cond3A_681 = arith.cmpi ne, %convert_element_type3A_679, %cond3A_680 : i32
      scf.if %cond3A_681 {
        %dma_wait3A_751 = arith.constant 4 : i32
        %dma_wait3A_752 = arith.constant 0 : i32
        %dma_wait3A_753 = arith.constant 0 : i32
        %dma_wait3A_754 = tpu.memref_slice %arg12[%dma_wait3A_751, %dma_wait3A_752, %dma_wait3A_753] : memref<8x125x16xf32, #tpu.memory_space<vmem>> -> memref<1x125x16xf32, #tpu.memory_space<vmem>>
        %dma_wait3A_755 = tpu.memref_squeeze %dma_wait3A_754 : memref<1x125x16xf32, #tpu.memory_space<vmem>> -> memref<125x16xf32, #tpu.memory_space<vmem>>
        %dma_wait3A_756 = arith.constant 0 : i32
        %dma_wait3A_757 = tpu.memref_slice %arg10[%add3A_672, %dma_wait3A_756] : memref<80x125xi32, #tpu.memory_space<vmem>> -> memref<1x125xi32, #tpu.memory_space<vmem>>
        %dma_wait3A_758 = tpu.memref_squeeze %dma_wait3A_757 : memref<1x125xi32, #tpu.memory_space<vmem>> -> memref<125xi32, #tpu.memory_space<vmem>>
        %dma_wait3A_759 = arith.constant 0 : i32
        %dma_wait3A_760 = arith.constant 0 : i32
        %dma_wait3A_761 = tpu.memref_slice %arg2[%dma_wait3A_759, %dma_wait3A_760] : memref<10000x16xf32, #tpu.memory_space<hbm>> -> memref<10000x16xf32, #tpu.memory_space<hbm>>
        tpu.wait_indirect_dma semaphore(%arg18 : memref<!tpu.dma_semaphore, #tpu.memory_space<semaphore_mem>>) src(%dma_wait3A_761 : memref<10000x16xf32, #tpu.memory_space<hbm>>) dst(%dma_wait3A_755 : memref<125x16xf32, #tpu.memory_space<vmem>>)
        %dma_start3A_762 = arith.constant 4 : i32
        %dma_start3A_763 = arith.constant 0 : i32
        %dma_start3A_764 = arith.constant 0 : i32
        %dma_start3A_765 = tpu.memref_slice %arg12[%dma_start3A_762, %dma_start3A_763, %dma_start3A_764] : memref<8x125x16xf32, #tpu.memory_space<vmem>> -> memref<1x125x16xf32, #tpu.memory_space<vmem>>
        %dma_start3A_766 = tpu.memref_squeeze %dma_start3A_765 : memref<1x125x16xf32, #tpu.memory_space<vmem>> -> memref<125x16xf32, #tpu.memory_space<vmem>>
        %dma_start3A_767 = arith.constant 0 : i32
        %dma_start3A_768 = tpu.memref_slice %arg11[%add3A_672, %dma_start3A_767] : memref<80x125xi32, #tpu.memory_space<vmem>> -> memref<1x125xi32, #tpu.memory_space<vmem>>
        %dma_start3A_769 = tpu.memref_squeeze %dma_start3A_768 : memref<1x125xi32, #tpu.memory_space<vmem>> -> memref<125xi32, #tpu.memory_space<vmem>>
        %dma_start3A_770 = arith.constant 0 : i32
        %dma_start3A_771 = arith.constant 0 : i32
        %dma_start3A_772 = tpu.memref_slice %arg9[%dma_start3A_770, %dma_start3A_771] : memref<10000x16xf32, #tpu.memory_space<vmem_shared>> -> memref<10000x16xf32, #tpu.memory_space<vmem_shared>>
        tpu.enqueue_indirect_dma source(%dma_start3A_766 : memref<125x16xf32, #tpu.memory_space<vmem>>) target(%dma_start3A_772 : memref<10000x16xf32, #tpu.memory_space<vmem_shared>>) offsets(%dma_start3A_769 : memref<125xi32, #tpu.memory_space<vmem>>) semaphore(%arg26 : memref<!tpu.dma_semaphore, #tpu.memory_space<semaphore_mem>>) {add = true}
        %dma_start3A_773 = arith.constant 0 : i32
        %dma_start3A_774 = tpu.memref_slice %arg11[%add3A_672, %dma_start3A_773] : memref<80x125xi32, #tpu.memory_space<vmem>> -> memref<1x125xi32, #tpu.memory_space<vmem>>
        %dma_start3A_775 = tpu.memref_squeeze %dma_start3A_774 : memref<1x125xi32, #tpu.memory_space<vmem>> -> memref<125xi32, #tpu.memory_space<vmem>>
        %dma_start3A_776 = arith.constant 0 : i32
        %dma_start3A_777 = tpu.memref_slice %arg30[%dma_start3A_776] : memref<10000xf32, #tpu.memory_space<vmem_shared>> -> memref<10000xf32, #tpu.memory_space<vmem_shared>>
        tpu.enqueue_indirect_dma source(%arg31 : memref<125xf32, #tpu.memory_space<vmem>>) target(%dma_start3A_777 : memref<10000xf32, #tpu.memory_space<vmem_shared>>) offsets(%dma_start3A_775 : memref<125xi32, #tpu.memory_space<vmem>>) semaphore(%arg37 : memref<!tpu.dma_semaphore, #tpu.memory_space<semaphore_mem>>) {add = true}
        %sub3A_778 = arith.constant 1 : i32
        %sub3A_779 = arith.subi %add3A_672, %sub3A_778 : i32
        %dma_wait3A_780 = arith.constant 3 : i32
        %dma_wait3A_781 = arith.constant 0 : i32
        %dma_wait3A_782 = arith.constant 0 : i32
        %dma_wait3A_783 = tpu.memref_slice %arg12[%dma_wait3A_780, %dma_wait3A_781, %dma_wait3A_782] : memref<8x125x16xf32, #tpu.memory_space<vmem>> -> memref<1x125x16xf32, #tpu.memory_space<vmem>>
        %dma_wait3A_784 = tpu.memref_squeeze %dma_wait3A_783 : memref<1x125x16xf32, #tpu.memory_space<vmem>> -> memref<125x16xf32, #tpu.memory_space<vmem>>
        %dma_wait3A_785 = arith.constant 0 : i32
        %dma_wait3A_786 = tpu.memref_slice %arg11[%sub3A_779, %dma_wait3A_785] : memref<80x125xi32, #tpu.memory_space<vmem>> -> memref<1x125xi32, #tpu.memory_space<vmem>>
        %dma_wait3A_787 = tpu.memref_squeeze %dma_wait3A_786 : memref<1x125xi32, #tpu.memory_space<vmem>> -> memref<125xi32, #tpu.memory_space<vmem>>
        %dma_wait3A_788 = arith.constant 0 : i32
        %dma_wait3A_789 = arith.constant 0 : i32
        %dma_wait3A_790 = tpu.memref_slice %arg9[%dma_wait3A_788, %dma_wait3A_789] : memref<10000x16xf32, #tpu.memory_space<vmem_shared>> -> memref<10000x16xf32, #tpu.memory_space<vmem_shared>>
        tpu.wait_indirect_dma semaphore(%arg25 : memref<!tpu.dma_semaphore, #tpu.memory_space<semaphore_mem>>) src(%dma_wait3A_784 : memref<125x16xf32, #tpu.memory_space<vmem>>) dst(%dma_wait3A_790 : memref<10000x16xf32, #tpu.memory_space<vmem_shared>>)
        %dma_wait3A_791 = arith.constant 0 : i32
        %dma_wait3A_792 = tpu.memref_slice %arg11[%sub3A_779, %dma_wait3A_791] : memref<80x125xi32, #tpu.memory_space<vmem>> -> memref<1x125xi32, #tpu.memory_space<vmem>>
        %dma_wait3A_793 = tpu.memref_squeeze %dma_wait3A_792 : memref<1x125xi32, #tpu.memory_space<vmem>> -> memref<125xi32, #tpu.memory_space<vmem>>
        %dma_wait3A_794 = arith.constant 0 : i32
        %dma_wait3A_795 = tpu.memref_slice %arg30[%dma_wait3A_794] : memref<10000xf32, #tpu.memory_space<vmem_shared>> -> memref<10000xf32, #tpu.memory_space<vmem_shared>>
        tpu.wait_indirect_dma semaphore(%arg36 : memref<!tpu.dma_semaphore, #tpu.memory_space<semaphore_mem>>) src(%arg31 : memref<125xf32, #tpu.memory_space<vmem>>) dst(%dma_wait3A_795 : memref<10000xf32, #tpu.memory_space<vmem_shared>>)
        %add3A_796 = arith.constant 8 : i32
        %add3A_797 = arith.addi %add3A_672, %add3A_796 : i32
        %sub3A_798 = arith.constant 1 : i32
        %sub3A_799 = arith.subi %add3A_797, %sub3A_798 : i32
        %dma_start3A_800 = arith.constant 3 : i32
        %dma_start3A_801 = arith.constant 0 : i32
        %dma_start3A_802 = arith.constant 0 : i32
        %dma_start3A_803 = tpu.memref_slice %arg12[%dma_start3A_800, %dma_start3A_801, %dma_start3A_802] : memref<8x125x16xf32, #tpu.memory_space<vmem>> -> memref<1x125x16xf32, #tpu.memory_space<vmem>>
        %dma_start3A_804 = tpu.memref_squeeze %dma_start3A_803 : memref<1x125x16xf32, #tpu.memory_space<vmem>> -> memref<125x16xf32, #tpu.memory_space<vmem>>
        %dma_start3A_805 = arith.constant 0 : i32
        %dma_start3A_806 = tpu.memref_slice %arg10[%sub3A_799, %dma_start3A_805] : memref<80x125xi32, #tpu.memory_space<vmem>> -> memref<1x125xi32, #tpu.memory_space<vmem>>
        %dma_start3A_807 = tpu.memref_squeeze %dma_start3A_806 : memref<1x125xi32, #tpu.memory_space<vmem>> -> memref<125xi32, #tpu.memory_space<vmem>>
        %dma_start3A_808 = arith.constant 0 : i32
        %dma_start3A_809 = arith.constant 0 : i32
        %dma_start3A_810 = tpu.memref_slice %arg2[%dma_start3A_808, %dma_start3A_809] : memref<10000x16xf32, #tpu.memory_space<hbm>> -> memref<10000x16xf32, #tpu.memory_space<hbm>>
        tpu.enqueue_indirect_dma source(%dma_start3A_810 : memref<10000x16xf32, #tpu.memory_space<hbm>>) target(%dma_start3A_804 : memref<125x16xf32, #tpu.memory_space<vmem>>) offsets(%dma_start3A_807 : memref<125xi32, #tpu.memory_space<vmem>>) semaphore(%arg17 : memref<!tpu.dma_semaphore, #tpu.memory_space<semaphore_mem>>)
      } else {
      }
      %add3A_682 = arith.constant 8 : i32
      %add3A_683 = arith.addi %add3A_672, %add3A_682 : i32
      %sub3A_684 = arith.constant 1 : i32
      %sub3A_685 = arith.subi %add3A_683, %sub3A_684 : i32
      %ge3A_686 = arith.constant 80 : i32
      %ge3A_687 = arith.cmpi sge, %sub3A_685, %ge3A_686 : i32
      %convert_element_type3A_688 = arith.extui %ge3A_687 : i1 to i32
      %cond3A_689 = arith.constant 0 : i32
      %cond3A_690 = arith.cmpi ne, %convert_element_type3A_688, %cond3A_689 : i32
      scf.if %cond3A_690 {
        %dma_wait3A_751 = arith.constant 4 : i32
        %dma_wait3A_752 = arith.constant 0 : i32
        %dma_wait3A_753 = arith.constant 0 : i32
        %dma_wait3A_754 = tpu.memref_slice %arg12[%dma_wait3A_751, %dma_wait3A_752, %dma_wait3A_753] : memref<8x125x16xf32, #tpu.memory_space<vmem>> -> memref<1x125x16xf32, #tpu.memory_space<vmem>>
        %dma_wait3A_755 = tpu.memref_squeeze %dma_wait3A_754 : memref<1x125x16xf32, #tpu.memory_space<vmem>> -> memref<125x16xf32, #tpu.memory_space<vmem>>
        %dma_wait3A_756 = arith.constant 0 : i32
        %dma_wait3A_757 = tpu.memref_slice %arg10[%add3A_672, %dma_wait3A_756] : memref<80x125xi32, #tpu.memory_space<vmem>> -> memref<1x125xi32, #tpu.memory_space<vmem>>
        %dma_wait3A_758 = tpu.memref_squeeze %dma_wait3A_757 : memref<1x125xi32, #tpu.memory_space<vmem>> -> memref<125xi32, #tpu.memory_space<vmem>>
        %dma_wait3A_759 = arith.constant 0 : i32
        %dma_wait3A_760 = arith.constant 0 : i32
        %dma_wait3A_761 = tpu.memref_slice %arg2[%dma_wait3A_759, %dma_wait3A_760] : memref<10000x16xf32, #tpu.memory_space<hbm>> -> memref<10000x16xf32, #tpu.memory_space<hbm>>
        tpu.wait_indirect_dma semaphore(%arg18 : memref<!tpu.dma_semaphore, #tpu.memory_space<semaphore_mem>>) src(%dma_wait3A_761 : memref<10000x16xf32, #tpu.memory_space<hbm>>) dst(%dma_wait3A_755 : memref<125x16xf32, #tpu.memory_space<vmem>>)
        %dma_start3A_762 = arith.constant 4 : i32
        %dma_start3A_763 = arith.constant 0 : i32
        %dma_start3A_764 = arith.constant 0 : i32
        %dma_start3A_765 = tpu.memref_slice %arg12[%dma_start3A_762, %dma_start3A_763, %dma_start3A_764] : memref<8x125x16xf32, #tpu.memory_space<vmem>> -> memref<1x125x16xf32, #tpu.memory_space<vmem>>
        %dma_start3A_766 = tpu.memref_squeeze %dma_start3A_765 : memref<1x125x16xf32, #tpu.memory_space<vmem>> -> memref<125x16xf32, #tpu.memory_space<vmem>>
        %dma_start3A_767 = arith.constant 0 : i32
        %dma_start3A_768 = tpu.memref_slice %arg11[%add3A_672, %dma_start3A_767] : memref<80x125xi32, #tpu.memory_space<vmem>> -> memref<1x125xi32, #tpu.memory_space<vmem>>
        %dma_start3A_769 = tpu.memref_squeeze %dma_start3A_768 : memref<1x125xi32, #tpu.memory_space<vmem>> -> memref<125xi32, #tpu.memory_space<vmem>>
        %dma_start3A_770 = arith.constant 0 : i32
        %dma_start3A_771 = arith.constant 0 : i32
        %dma_start3A_772 = tpu.memref_slice %arg9[%dma_start3A_770, %dma_start3A_771] : memref<10000x16xf32, #tpu.memory_space<vmem_shared>> -> memref<10000x16xf32, #tpu.memory_space<vmem_shared>>
        tpu.enqueue_indirect_dma source(%dma_start3A_766 : memref<125x16xf32, #tpu.memory_space<vmem>>) target(%dma_start3A_772 : memref<10000x16xf32, #tpu.memory_space<vmem_shared>>) offsets(%dma_start3A_769 : memref<125xi32, #tpu.memory_space<vmem>>) semaphore(%arg26 : memref<!tpu.dma_semaphore, #tpu.memory_space<semaphore_mem>>) {add = true}
        %dma_start3A_773 = arith.constant 0 : i32
        %dma_start3A_774 = tpu.memref_slice %arg11[%add3A_672, %dma_start3A_773] : memref<80x125xi32, #tpu.memory_space<vmem>> -> memref<1x125xi32, #tpu.memory_space<vmem>>
        %dma_start3A_775 = tpu.memref_squeeze %dma_start3A_774 : memref<1x125xi32, #tpu.memory_space<vmem>> -> memref<125xi32, #tpu.memory_space<vmem>>
        %dma_start3A_776 = arith.constant 0 : i32
        %dma_start3A_777 = tpu.memref_slice %arg30[%dma_start3A_776] : memref<10000xf32, #tpu.memory_space<vmem_shared>> -> memref<10000xf32, #tpu.memory_space<vmem_shared>>
        tpu.enqueue_indirect_dma source(%arg31 : memref<125xf32, #tpu.memory_space<vmem>>) target(%dma_start3A_777 : memref<10000xf32, #tpu.memory_space<vmem_shared>>) offsets(%dma_start3A_775 : memref<125xi32, #tpu.memory_space<vmem>>) semaphore(%arg37 : memref<!tpu.dma_semaphore, #tpu.memory_space<semaphore_mem>>) {add = true}
        %sub3A_778 = arith.constant 1 : i32
        %sub3A_779 = arith.subi %add3A_672, %sub3A_778 : i32
        %dma_wait3A_780 = arith.constant 3 : i32
        %dma_wait3A_781 = arith.constant 0 : i32
        %dma_wait3A_782 = arith.constant 0 : i32
        %dma_wait3A_783 = tpu.memref_slice %arg12[%dma_wait3A_780, %dma_wait3A_781, %dma_wait3A_782] : memref<8x125x16xf32, #tpu.memory_space<vmem>> -> memref<1x125x16xf32, #tpu.memory_space<vmem>>
        %dma_wait3A_784 = tpu.memref_squeeze %dma_wait3A_783 : memref<1x125x16xf32, #tpu.memory_space<vmem>> -> memref<125x16xf32, #tpu.memory_space<vmem>>
        %dma_wait3A_785 = arith.constant 0 : i32
        %dma_wait3A_786 = tpu.memref_slice %arg11[%sub3A_779, %dma_wait3A_785] : memref<80x125xi32, #tpu.memory_space<vmem>> -> memref<1x125xi32, #tpu.memory_space<vmem>>
        %dma_wait3A_787 = tpu.memref_squeeze %dma_wait3A_786 : memref<1x125xi32, #tpu.memory_space<vmem>> -> memref<125xi32, #tpu.memory_space<vmem>>
        %dma_wait3A_788 = arith.constant 0 : i32
        %dma_wait3A_789 = arith.constant 0 : i32
        %dma_wait3A_790 = tpu.memref_slice %arg9[%dma_wait3A_788, %dma_wait3A_789] : memref<10000x16xf32, #tpu.memory_space<vmem_shared>> -> memref<10000x16xf32, #tpu.memory_space<vmem_shared>>
        tpu.wait_indirect_dma semaphore(%arg25 : memref<!tpu.dma_semaphore, #tpu.memory_space<semaphore_mem>>) src(%dma_wait3A_784 : memref<125x16xf32, #tpu.memory_space<vmem>>) dst(%dma_wait3A_790 : memref<10000x16xf32, #tpu.memory_space<vmem_shared>>)
        %dma_wait3A_791 = arith.constant 0 : i32
        %dma_wait3A_792 = tpu.memref_slice %arg11[%sub3A_779, %dma_wait3A_791] : memref<80x125xi32, #tpu.memory_space<vmem>> -> memref<1x125xi32, #tpu.memory_space<vmem>>
        %dma_wait3A_793 = tpu.memref_squeeze %dma_wait3A_792 : memref<1x125xi32, #tpu.memory_space<vmem>> -> memref<125xi32, #tpu.memory_space<vmem>>
        %dma_wait3A_794 = arith.constant 0 : i32
        %dma_wait3A_795 = tpu.memref_slice %arg30[%dma_wait3A_794] : memref<10000xf32, #tpu.memory_space<vmem_shared>> -> memref<10000xf32, #tpu.memory_space<vmem_shared>>
        tpu.wait_indirect_dma semaphore(%arg36 : memref<!tpu.dma_semaphore, #tpu.memory_space<semaphore_mem>>) src(%arg31 : memref<125xf32, #tpu.memory_space<vmem>>) dst(%dma_wait3A_795 : memref<10000xf32, #tpu.memory_space<vmem_shared>>)
      } else {
      }
      %add3A_691 = arith.constant 5 : i32
      %add3A_692 = arith.addi %mul3A_592, %add3A_691 : i32
      %add3A_693 = arith.constant 8 : i32
      %add3A_694 = arith.addi %add3A_692, %add3A_693 : i32
      %sub3A_695 = arith.constant 1 : i32
      %sub3A_696 = arith.subi %add3A_694, %sub3A_695 : i32
      %lt3A_697 = arith.constant 80 : i32
      %lt3A_698 = arith.cmpi slt, %sub3A_696, %lt3A_697 : i32
      %convert_element_type3A_699 = arith.extui %lt3A_698 : i1 to i32
      %cond3A_700 = arith.constant 0 : i32
      %cond3A_701 = arith.cmpi ne, %convert_element_type3A_699, %cond3A_700 : i32
      scf.if %cond3A_701 {
        %dma_wait3A_751 = arith.constant 5 : i32
        %dma_wait3A_752 = arith.constant 0 : i32
        %dma_wait3A_753 = arith.constant 0 : i32
        %dma_wait3A_754 = tpu.memref_slice %arg12[%dma_wait3A_751, %dma_wait3A_752, %dma_wait3A_753] : memref<8x125x16xf32, #tpu.memory_space<vmem>> -> memref<1x125x16xf32, #tpu.memory_space<vmem>>
        %dma_wait3A_755 = tpu.memref_squeeze %dma_wait3A_754 : memref<1x125x16xf32, #tpu.memory_space<vmem>> -> memref<125x16xf32, #tpu.memory_space<vmem>>
        %dma_wait3A_756 = arith.constant 0 : i32
        %dma_wait3A_757 = tpu.memref_slice %arg10[%add3A_692, %dma_wait3A_756] : memref<80x125xi32, #tpu.memory_space<vmem>> -> memref<1x125xi32, #tpu.memory_space<vmem>>
        %dma_wait3A_758 = tpu.memref_squeeze %dma_wait3A_757 : memref<1x125xi32, #tpu.memory_space<vmem>> -> memref<125xi32, #tpu.memory_space<vmem>>
        %dma_wait3A_759 = arith.constant 0 : i32
        %dma_wait3A_760 = arith.constant 0 : i32
        %dma_wait3A_761 = tpu.memref_slice %arg2[%dma_wait3A_759, %dma_wait3A_760] : memref<10000x16xf32, #tpu.memory_space<hbm>> -> memref<10000x16xf32, #tpu.memory_space<hbm>>
        tpu.wait_indirect_dma semaphore(%arg19 : memref<!tpu.dma_semaphore, #tpu.memory_space<semaphore_mem>>) src(%dma_wait3A_761 : memref<10000x16xf32, #tpu.memory_space<hbm>>) dst(%dma_wait3A_755 : memref<125x16xf32, #tpu.memory_space<vmem>>)
        %dma_start3A_762 = arith.constant 5 : i32
        %dma_start3A_763 = arith.constant 0 : i32
        %dma_start3A_764 = arith.constant 0 : i32
        %dma_start3A_765 = tpu.memref_slice %arg12[%dma_start3A_762, %dma_start3A_763, %dma_start3A_764] : memref<8x125x16xf32, #tpu.memory_space<vmem>> -> memref<1x125x16xf32, #tpu.memory_space<vmem>>
        %dma_start3A_766 = tpu.memref_squeeze %dma_start3A_765 : memref<1x125x16xf32, #tpu.memory_space<vmem>> -> memref<125x16xf32, #tpu.memory_space<vmem>>
        %dma_start3A_767 = arith.constant 0 : i32
        %dma_start3A_768 = tpu.memref_slice %arg11[%add3A_692, %dma_start3A_767] : memref<80x125xi32, #tpu.memory_space<vmem>> -> memref<1x125xi32, #tpu.memory_space<vmem>>
        %dma_start3A_769 = tpu.memref_squeeze %dma_start3A_768 : memref<1x125xi32, #tpu.memory_space<vmem>> -> memref<125xi32, #tpu.memory_space<vmem>>
        %dma_start3A_770 = arith.constant 0 : i32
        %dma_start3A_771 = arith.constant 0 : i32
        %dma_start3A_772 = tpu.memref_slice %arg9[%dma_start3A_770, %dma_start3A_771] : memref<10000x16xf32, #tpu.memory_space<vmem_shared>> -> memref<10000x16xf32, #tpu.memory_space<vmem_shared>>
        tpu.enqueue_indirect_dma source(%dma_start3A_766 : memref<125x16xf32, #tpu.memory_space<vmem>>) target(%dma_start3A_772 : memref<10000x16xf32, #tpu.memory_space<vmem_shared>>) offsets(%dma_start3A_769 : memref<125xi32, #tpu.memory_space<vmem>>) semaphore(%arg27 : memref<!tpu.dma_semaphore, #tpu.memory_space<semaphore_mem>>) {add = true}
        %dma_start3A_773 = arith.constant 0 : i32
        %dma_start3A_774 = tpu.memref_slice %arg11[%add3A_692, %dma_start3A_773] : memref<80x125xi32, #tpu.memory_space<vmem>> -> memref<1x125xi32, #tpu.memory_space<vmem>>
        %dma_start3A_775 = tpu.memref_squeeze %dma_start3A_774 : memref<1x125xi32, #tpu.memory_space<vmem>> -> memref<125xi32, #tpu.memory_space<vmem>>
        %dma_start3A_776 = arith.constant 0 : i32
        %dma_start3A_777 = tpu.memref_slice %arg30[%dma_start3A_776] : memref<10000xf32, #tpu.memory_space<vmem_shared>> -> memref<10000xf32, #tpu.memory_space<vmem_shared>>
        tpu.enqueue_indirect_dma source(%arg31 : memref<125xf32, #tpu.memory_space<vmem>>) target(%dma_start3A_777 : memref<10000xf32, #tpu.memory_space<vmem_shared>>) offsets(%dma_start3A_775 : memref<125xi32, #tpu.memory_space<vmem>>) semaphore(%arg38 : memref<!tpu.dma_semaphore, #tpu.memory_space<semaphore_mem>>) {add = true}
        %sub3A_778 = arith.constant 1 : i32
        %sub3A_779 = arith.subi %add3A_692, %sub3A_778 : i32
        %dma_wait3A_780 = arith.constant 4 : i32
        %dma_wait3A_781 = arith.constant 0 : i32
        %dma_wait3A_782 = arith.constant 0 : i32
        %dma_wait3A_783 = tpu.memref_slice %arg12[%dma_wait3A_780, %dma_wait3A_781, %dma_wait3A_782] : memref<8x125x16xf32, #tpu.memory_space<vmem>> -> memref<1x125x16xf32, #tpu.memory_space<vmem>>
        %dma_wait3A_784 = tpu.memref_squeeze %dma_wait3A_783 : memref<1x125x16xf32, #tpu.memory_space<vmem>> -> memref<125x16xf32, #tpu.memory_space<vmem>>
        %dma_wait3A_785 = arith.constant 0 : i32
        %dma_wait3A_786 = tpu.memref_slice %arg11[%sub3A_779, %dma_wait3A_785] : memref<80x125xi32, #tpu.memory_space<vmem>> -> memref<1x125xi32, #tpu.memory_space<vmem>>
        %dma_wait3A_787 = tpu.memref_squeeze %dma_wait3A_786 : memref<1x125xi32, #tpu.memory_space<vmem>> -> memref<125xi32, #tpu.memory_space<vmem>>
        %dma_wait3A_788 = arith.constant 0 : i32
        %dma_wait3A_789 = arith.constant 0 : i32
        %dma_wait3A_790 = tpu.memref_slice %arg9[%dma_wait3A_788, %dma_wait3A_789] : memref<10000x16xf32, #tpu.memory_space<vmem_shared>> -> memref<10000x16xf32, #tpu.memory_space<vmem_shared>>
        tpu.wait_indirect_dma semaphore(%arg26 : memref<!tpu.dma_semaphore, #tpu.memory_space<semaphore_mem>>) src(%dma_wait3A_784 : memref<125x16xf32, #tpu.memory_space<vmem>>) dst(%dma_wait3A_790 : memref<10000x16xf32, #tpu.memory_space<vmem_shared>>)
        %dma_wait3A_791 = arith.constant 0 : i32
        %dma_wait3A_792 = tpu.memref_slice %arg11[%sub3A_779, %dma_wait3A_791] : memref<80x125xi32, #tpu.memory_space<vmem>> -> memref<1x125xi32, #tpu.memory_space<vmem>>
        %dma_wait3A_793 = tpu.memref_squeeze %dma_wait3A_792 : memref<1x125xi32, #tpu.memory_space<vmem>> -> memref<125xi32, #tpu.memory_space<vmem>>
        %dma_wait3A_794 = arith.constant 0 : i32
        %dma_wait3A_795 = tpu.memref_slice %arg30[%dma_wait3A_794] : memref<10000xf32, #tpu.memory_space<vmem_shared>> -> memref<10000xf32, #tpu.memory_space<vmem_shared>>
        tpu.wait_indirect_dma semaphore(%arg37 : memref<!tpu.dma_semaphore, #tpu.memory_space<semaphore_mem>>) src(%arg31 : memref<125xf32, #tpu.memory_space<vmem>>) dst(%dma_wait3A_795 : memref<10000xf32, #tpu.memory_space<vmem_shared>>)
        %add3A_796 = arith.constant 8 : i32
        %add3A_797 = arith.addi %add3A_692, %add3A_796 : i32
        %sub3A_798 = arith.constant 1 : i32
        %sub3A_799 = arith.subi %add3A_797, %sub3A_798 : i32
        %dma_start3A_800 = arith.constant 4 : i32
        %dma_start3A_801 = arith.constant 0 : i32
        %dma_start3A_802 = arith.constant 0 : i32
        %dma_start3A_803 = tpu.memref_slice %arg12[%dma_start3A_800, %dma_start3A_801, %dma_start3A_802] : memref<8x125x16xf32, #tpu.memory_space<vmem>> -> memref<1x125x16xf32, #tpu.memory_space<vmem>>
        %dma_start3A_804 = tpu.memref_squeeze %dma_start3A_803 : memref<1x125x16xf32, #tpu.memory_space<vmem>> -> memref<125x16xf32, #tpu.memory_space<vmem>>
        %dma_start3A_805 = arith.constant 0 : i32
        %dma_start3A_806 = tpu.memref_slice %arg10[%sub3A_799, %dma_start3A_805] : memref<80x125xi32, #tpu.memory_space<vmem>> -> memref<1x125xi32, #tpu.memory_space<vmem>>
        %dma_start3A_807 = tpu.memref_squeeze %dma_start3A_806 : memref<1x125xi32, #tpu.memory_space<vmem>> -> memref<125xi32, #tpu.memory_space<vmem>>
        %dma_start3A_808 = arith.constant 0 : i32
        %dma_start3A_809 = arith.constant 0 : i32
        %dma_start3A_810 = tpu.memref_slice %arg2[%dma_start3A_808, %dma_start3A_809] : memref<10000x16xf32, #tpu.memory_space<hbm>> -> memref<10000x16xf32, #tpu.memory_space<hbm>>
        tpu.enqueue_indirect_dma source(%dma_start3A_810 : memref<10000x16xf32, #tpu.memory_space<hbm>>) target(%dma_start3A_804 : memref<125x16xf32, #tpu.memory_space<vmem>>) offsets(%dma_start3A_807 : memref<125xi32, #tpu.memory_space<vmem>>) semaphore(%arg18 : memref<!tpu.dma_semaphore, #tpu.memory_space<semaphore_mem>>)
      } else {
      }
      %add3A_702 = arith.constant 8 : i32
      %add3A_703 = arith.addi %add3A_692, %add3A_702 : i32
      %sub3A_704 = arith.constant 1 : i32
      %sub3A_705 = arith.subi %add3A_703, %sub3A_704 : i32
      %ge3A_706 = arith.constant 80 : i32
      %ge3A_707 = arith.cmpi sge, %sub3A_705, %ge3A_706 : i32
      %convert_element_type3A_708 = arith.extui %ge3A_707 : i1 to i32
      %cond3A_709 = arith.constant 0 : i32
      %cond3A_710 = arith.cmpi ne, %convert_element_type3A_708, %cond3A_709 : i32
      scf.if %cond3A_710 {
        %dma_wait3A_751 = arith.constant 5 : i32
        %dma_wait3A_752 = arith.constant 0 : i32
        %dma_wait3A_753 = arith.constant 0 : i32
        %dma_wait3A_754 = tpu.memref_slice %arg12[%dma_wait3A_751, %dma_wait3A_752, %dma_wait3A_753] : memref<8x125x16xf32, #tpu.memory_space<vmem>> -> memref<1x125x16xf32, #tpu.memory_space<vmem>>
        %dma_wait3A_755 = tpu.memref_squeeze %dma_wait3A_754 : memref<1x125x16xf32, #tpu.memory_space<vmem>> -> memref<125x16xf32, #tpu.memory_space<vmem>>
        %dma_wait3A_756 = arith.constant 0 : i32
        %dma_wait3A_757 = tpu.memref_slice %arg10[%add3A_692, %dma_wait3A_756] : memref<80x125xi32, #tpu.memory_space<vmem>> -> memref<1x125xi32, #tpu.memory_space<vmem>>
        %dma_wait3A_758 = tpu.memref_squeeze %dma_wait3A_757 : memref<1x125xi32, #tpu.memory_space<vmem>> -> memref<125xi32, #tpu.memory_space<vmem>>
        %dma_wait3A_759 = arith.constant 0 : i32
        %dma_wait3A_760 = arith.constant 0 : i32
        %dma_wait3A_761 = tpu.memref_slice %arg2[%dma_wait3A_759, %dma_wait3A_760] : memref<10000x16xf32, #tpu.memory_space<hbm>> -> memref<10000x16xf32, #tpu.memory_space<hbm>>
        tpu.wait_indirect_dma semaphore(%arg19 : memref<!tpu.dma_semaphore, #tpu.memory_space<semaphore_mem>>) src(%dma_wait3A_761 : memref<10000x16xf32, #tpu.memory_space<hbm>>) dst(%dma_wait3A_755 : memref<125x16xf32, #tpu.memory_space<vmem>>)
        %dma_start3A_762 = arith.constant 5 : i32
        %dma_start3A_763 = arith.constant 0 : i32
        %dma_start3A_764 = arith.constant 0 : i32
        %dma_start3A_765 = tpu.memref_slice %arg12[%dma_start3A_762, %dma_start3A_763, %dma_start3A_764] : memref<8x125x16xf32, #tpu.memory_space<vmem>> -> memref<1x125x16xf32, #tpu.memory_space<vmem>>
        %dma_start3A_766 = tpu.memref_squeeze %dma_start3A_765 : memref<1x125x16xf32, #tpu.memory_space<vmem>> -> memref<125x16xf32, #tpu.memory_space<vmem>>
        %dma_start3A_767 = arith.constant 0 : i32
        %dma_start3A_768 = tpu.memref_slice %arg11[%add3A_692, %dma_start3A_767] : memref<80x125xi32, #tpu.memory_space<vmem>> -> memref<1x125xi32, #tpu.memory_space<vmem>>
        %dma_start3A_769 = tpu.memref_squeeze %dma_start3A_768 : memref<1x125xi32, #tpu.memory_space<vmem>> -> memref<125xi32, #tpu.memory_space<vmem>>
        %dma_start3A_770 = arith.constant 0 : i32
        %dma_start3A_771 = arith.constant 0 : i32
        %dma_start3A_772 = tpu.memref_slice %arg9[%dma_start3A_770, %dma_start3A_771] : memref<10000x16xf32, #tpu.memory_space<vmem_shared>> -> memref<10000x16xf32, #tpu.memory_space<vmem_shared>>
        tpu.enqueue_indirect_dma source(%dma_start3A_766 : memref<125x16xf32, #tpu.memory_space<vmem>>) target(%dma_start3A_772 : memref<10000x16xf32, #tpu.memory_space<vmem_shared>>) offsets(%dma_start3A_769 : memref<125xi32, #tpu.memory_space<vmem>>) semaphore(%arg27 : memref<!tpu.dma_semaphore, #tpu.memory_space<semaphore_mem>>) {add = true}
        %dma_start3A_773 = arith.constant 0 : i32
        %dma_start3A_774 = tpu.memref_slice %arg11[%add3A_692, %dma_start3A_773] : memref<80x125xi32, #tpu.memory_space<vmem>> -> memref<1x125xi32, #tpu.memory_space<vmem>>
        %dma_start3A_775 = tpu.memref_squeeze %dma_start3A_774 : memref<1x125xi32, #tpu.memory_space<vmem>> -> memref<125xi32, #tpu.memory_space<vmem>>
        %dma_start3A_776 = arith.constant 0 : i32
        %dma_start3A_777 = tpu.memref_slice %arg30[%dma_start3A_776] : memref<10000xf32, #tpu.memory_space<vmem_shared>> -> memref<10000xf32, #tpu.memory_space<vmem_shared>>
        tpu.enqueue_indirect_dma source(%arg31 : memref<125xf32, #tpu.memory_space<vmem>>) target(%dma_start3A_777 : memref<10000xf32, #tpu.memory_space<vmem_shared>>) offsets(%dma_start3A_775 : memref<125xi32, #tpu.memory_space<vmem>>) semaphore(%arg38 : memref<!tpu.dma_semaphore, #tpu.memory_space<semaphore_mem>>) {add = true}
        %sub3A_778 = arith.constant 1 : i32
        %sub3A_779 = arith.subi %add3A_692, %sub3A_778 : i32
        %dma_wait3A_780 = arith.constant 4 : i32
        %dma_wait3A_781 = arith.constant 0 : i32
        %dma_wait3A_782 = arith.constant 0 : i32
        %dma_wait3A_783 = tpu.memref_slice %arg12[%dma_wait3A_780, %dma_wait3A_781, %dma_wait3A_782] : memref<8x125x16xf32, #tpu.memory_space<vmem>> -> memref<1x125x16xf32, #tpu.memory_space<vmem>>
        %dma_wait3A_784 = tpu.memref_squeeze %dma_wait3A_783 : memref<1x125x16xf32, #tpu.memory_space<vmem>> -> memref<125x16xf32, #tpu.memory_space<vmem>>
        %dma_wait3A_785 = arith.constant 0 : i32
        %dma_wait3A_786 = tpu.memref_slice %arg11[%sub3A_779, %dma_wait3A_785] : memref<80x125xi32, #tpu.memory_space<vmem>> -> memref<1x125xi32, #tpu.memory_space<vmem>>
        %dma_wait3A_787 = tpu.memref_squeeze %dma_wait3A_786 : memref<1x125xi32, #tpu.memory_space<vmem>> -> memref<125xi32, #tpu.memory_space<vmem>>
        %dma_wait3A_788 = arith.constant 0 : i32
        %dma_wait3A_789 = arith.constant 0 : i32
        %dma_wait3A_790 = tpu.memref_slice %arg9[%dma_wait3A_788, %dma_wait3A_789] : memref<10000x16xf32, #tpu.memory_space<vmem_shared>> -> memref<10000x16xf32, #tpu.memory_space<vmem_shared>>
        tpu.wait_indirect_dma semaphore(%arg26 : memref<!tpu.dma_semaphore, #tpu.memory_space<semaphore_mem>>) src(%dma_wait3A_784 : memref<125x16xf32, #tpu.memory_space<vmem>>) dst(%dma_wait3A_790 : memref<10000x16xf32, #tpu.memory_space<vmem_shared>>)
        %dma_wait3A_791 = arith.constant 0 : i32
        %dma_wait3A_792 = tpu.memref_slice %arg11[%sub3A_779, %dma_wait3A_791] : memref<80x125xi32, #tpu.memory_space<vmem>> -> memref<1x125xi32, #tpu.memory_space<vmem>>
        %dma_wait3A_793 = tpu.memref_squeeze %dma_wait3A_792 : memref<1x125xi32, #tpu.memory_space<vmem>> -> memref<125xi32, #tpu.memory_space<vmem>>
        %dma_wait3A_794 = arith.constant 0 : i32
        %dma_wait3A_795 = tpu.memref_slice %arg30[%dma_wait3A_794] : memref<10000xf32, #tpu.memory_space<vmem_shared>> -> memref<10000xf32, #tpu.memory_space<vmem_shared>>
        tpu.wait_indirect_dma semaphore(%arg37 : memref<!tpu.dma_semaphore, #tpu.memory_space<semaphore_mem>>) src(%arg31 : memref<125xf32, #tpu.memory_space<vmem>>) dst(%dma_wait3A_795 : memref<10000xf32, #tpu.memory_space<vmem_shared>>)
      } else {
      }
      %add3A_711 = arith.constant 6 : i32
      %add3A_712 = arith.addi %mul3A_592, %add3A_711 : i32
      %add3A_713 = arith.constant 8 : i32
      %add3A_714 = arith.addi %add3A_712, %add3A_713 : i32
      %sub3A_715 = arith.constant 1 : i32
      %sub3A_716 = arith.subi %add3A_714, %sub3A_715 : i32
      %lt3A_717 = arith.constant 80 : i32
      %lt3A_718 = arith.cmpi slt, %sub3A_716, %lt3A_717 : i32
      %convert_element_type3A_719 = arith.extui %lt3A_718 : i1 to i32
      %cond3A_720 = arith.constant 0 : i32
      %cond3A_721 = arith.cmpi ne, %convert_element_type3A_719, %cond3A_720 : i32
      scf.if %cond3A_721 {
        %dma_wait3A_751 = arith.constant 6 : i32
        %dma_wait3A_752 = arith.constant 0 : i32
        %dma_wait3A_753 = arith.constant 0 : i32
        %dma_wait3A_754 = tpu.memref_slice %arg12[%dma_wait3A_751, %dma_wait3A_752, %dma_wait3A_753] : memref<8x125x16xf32, #tpu.memory_space<vmem>> -> memref<1x125x16xf32, #tpu.memory_space<vmem>>
        %dma_wait3A_755 = tpu.memref_squeeze %dma_wait3A_754 : memref<1x125x16xf32, #tpu.memory_space<vmem>> -> memref<125x16xf32, #tpu.memory_space<vmem>>
        %dma_wait3A_756 = arith.constant 0 : i32
        %dma_wait3A_757 = tpu.memref_slice %arg10[%add3A_712, %dma_wait3A_756] : memref<80x125xi32, #tpu.memory_space<vmem>> -> memref<1x125xi32, #tpu.memory_space<vmem>>
        %dma_wait3A_758 = tpu.memref_squeeze %dma_wait3A_757 : memref<1x125xi32, #tpu.memory_space<vmem>> -> memref<125xi32, #tpu.memory_space<vmem>>
        %dma_wait3A_759 = arith.constant 0 : i32
        %dma_wait3A_760 = arith.constant 0 : i32
        %dma_wait3A_761 = tpu.memref_slice %arg2[%dma_wait3A_759, %dma_wait3A_760] : memref<10000x16xf32, #tpu.memory_space<hbm>> -> memref<10000x16xf32, #tpu.memory_space<hbm>>
        tpu.wait_indirect_dma semaphore(%arg20 : memref<!tpu.dma_semaphore, #tpu.memory_space<semaphore_mem>>) src(%dma_wait3A_761 : memref<10000x16xf32, #tpu.memory_space<hbm>>) dst(%dma_wait3A_755 : memref<125x16xf32, #tpu.memory_space<vmem>>)
        %dma_start3A_762 = arith.constant 6 : i32
        %dma_start3A_763 = arith.constant 0 : i32
        %dma_start3A_764 = arith.constant 0 : i32
        %dma_start3A_765 = tpu.memref_slice %arg12[%dma_start3A_762, %dma_start3A_763, %dma_start3A_764] : memref<8x125x16xf32, #tpu.memory_space<vmem>> -> memref<1x125x16xf32, #tpu.memory_space<vmem>>
        %dma_start3A_766 = tpu.memref_squeeze %dma_start3A_765 : memref<1x125x16xf32, #tpu.memory_space<vmem>> -> memref<125x16xf32, #tpu.memory_space<vmem>>
        %dma_start3A_767 = arith.constant 0 : i32
        %dma_start3A_768 = tpu.memref_slice %arg11[%add3A_712, %dma_start3A_767] : memref<80x125xi32, #tpu.memory_space<vmem>> -> memref<1x125xi32, #tpu.memory_space<vmem>>
        %dma_start3A_769 = tpu.memref_squeeze %dma_start3A_768 : memref<1x125xi32, #tpu.memory_space<vmem>> -> memref<125xi32, #tpu.memory_space<vmem>>
        %dma_start3A_770 = arith.constant 0 : i32
        %dma_start3A_771 = arith.constant 0 : i32
        %dma_start3A_772 = tpu.memref_slice %arg9[%dma_start3A_770, %dma_start3A_771] : memref<10000x16xf32, #tpu.memory_space<vmem_shared>> -> memref<10000x16xf32, #tpu.memory_space<vmem_shared>>
        tpu.enqueue_indirect_dma source(%dma_start3A_766 : memref<125x16xf32, #tpu.memory_space<vmem>>) target(%dma_start3A_772 : memref<10000x16xf32, #tpu.memory_space<vmem_shared>>) offsets(%dma_start3A_769 : memref<125xi32, #tpu.memory_space<vmem>>) semaphore(%arg28 : memref<!tpu.dma_semaphore, #tpu.memory_space<semaphore_mem>>) {add = true}
        %dma_start3A_773 = arith.constant 0 : i32
        %dma_start3A_774 = tpu.memref_slice %arg11[%add3A_712, %dma_start3A_773] : memref<80x125xi32, #tpu.memory_space<vmem>> -> memref<1x125xi32, #tpu.memory_space<vmem>>
        %dma_start3A_775 = tpu.memref_squeeze %dma_start3A_774 : memref<1x125xi32, #tpu.memory_space<vmem>> -> memref<125xi32, #tpu.memory_space<vmem>>
        %dma_start3A_776 = arith.constant 0 : i32
        %dma_start3A_777 = tpu.memref_slice %arg30[%dma_start3A_776] : memref<10000xf32, #tpu.memory_space<vmem_shared>> -> memref<10000xf32, #tpu.memory_space<vmem_shared>>
        tpu.enqueue_indirect_dma source(%arg31 : memref<125xf32, #tpu.memory_space<vmem>>) target(%dma_start3A_777 : memref<10000xf32, #tpu.memory_space<vmem_shared>>) offsets(%dma_start3A_775 : memref<125xi32, #tpu.memory_space<vmem>>) semaphore(%arg39 : memref<!tpu.dma_semaphore, #tpu.memory_space<semaphore_mem>>) {add = true}
        %sub3A_778 = arith.constant 1 : i32
        %sub3A_779 = arith.subi %add3A_712, %sub3A_778 : i32
        %dma_wait3A_780 = arith.constant 5 : i32
        %dma_wait3A_781 = arith.constant 0 : i32
        %dma_wait3A_782 = arith.constant 0 : i32
        %dma_wait3A_783 = tpu.memref_slice %arg12[%dma_wait3A_780, %dma_wait3A_781, %dma_wait3A_782] : memref<8x125x16xf32, #tpu.memory_space<vmem>> -> memref<1x125x16xf32, #tpu.memory_space<vmem>>
        %dma_wait3A_784 = tpu.memref_squeeze %dma_wait3A_783 : memref<1x125x16xf32, #tpu.memory_space<vmem>> -> memref<125x16xf32, #tpu.memory_space<vmem>>
        %dma_wait3A_785 = arith.constant 0 : i32
        %dma_wait3A_786 = tpu.memref_slice %arg11[%sub3A_779, %dma_wait3A_785] : memref<80x125xi32, #tpu.memory_space<vmem>> -> memref<1x125xi32, #tpu.memory_space<vmem>>
        %dma_wait3A_787 = tpu.memref_squeeze %dma_wait3A_786 : memref<1x125xi32, #tpu.memory_space<vmem>> -> memref<125xi32, #tpu.memory_space<vmem>>
        %dma_wait3A_788 = arith.constant 0 : i32
        %dma_wait3A_789 = arith.constant 0 : i32
        %dma_wait3A_790 = tpu.memref_slice %arg9[%dma_wait3A_788, %dma_wait3A_789] : memref<10000x16xf32, #tpu.memory_space<vmem_shared>> -> memref<10000x16xf32, #tpu.memory_space<vmem_shared>>
        tpu.wait_indirect_dma semaphore(%arg27 : memref<!tpu.dma_semaphore, #tpu.memory_space<semaphore_mem>>) src(%dma_wait3A_784 : memref<125x16xf32, #tpu.memory_space<vmem>>) dst(%dma_wait3A_790 : memref<10000x16xf32, #tpu.memory_space<vmem_shared>>)
        %dma_wait3A_791 = arith.constant 0 : i32
        %dma_wait3A_792 = tpu.memref_slice %arg11[%sub3A_779, %dma_wait3A_791] : memref<80x125xi32, #tpu.memory_space<vmem>> -> memref<1x125xi32, #tpu.memory_space<vmem>>
        %dma_wait3A_793 = tpu.memref_squeeze %dma_wait3A_792 : memref<1x125xi32, #tpu.memory_space<vmem>> -> memref<125xi32, #tpu.memory_space<vmem>>
        %dma_wait3A_794 = arith.constant 0 : i32
        %dma_wait3A_795 = tpu.memref_slice %arg30[%dma_wait3A_794] : memref<10000xf32, #tpu.memory_space<vmem_shared>> -> memref<10000xf32, #tpu.memory_space<vmem_shared>>
        tpu.wait_indirect_dma semaphore(%arg38 : memref<!tpu.dma_semaphore, #tpu.memory_space<semaphore_mem>>) src(%arg31 : memref<125xf32, #tpu.memory_space<vmem>>) dst(%dma_wait3A_795 : memref<10000xf32, #tpu.memory_space<vmem_shared>>)
        %add3A_796 = arith.constant 8 : i32
        %add3A_797 = arith.addi %add3A_712, %add3A_796 : i32
        %sub3A_798 = arith.constant 1 : i32
        %sub3A_799 = arith.subi %add3A_797, %sub3A_798 : i32
        %dma_start3A_800 = arith.constant 5 : i32
        %dma_start3A_801 = arith.constant 0 : i32
        %dma_start3A_802 = arith.constant 0 : i32
        %dma_start3A_803 = tpu.memref_slice %arg12[%dma_start3A_800, %dma_start3A_801, %dma_start3A_802] : memref<8x125x16xf32, #tpu.memory_space<vmem>> -> memref<1x125x16xf32, #tpu.memory_space<vmem>>
        %dma_start3A_804 = tpu.memref_squeeze %dma_start3A_803 : memref<1x125x16xf32, #tpu.memory_space<vmem>> -> memref<125x16xf32, #tpu.memory_space<vmem>>
        %dma_start3A_805 = arith.constant 0 : i32
        %dma_start3A_806 = tpu.memref_slice %arg10[%sub3A_799, %dma_start3A_805] : memref<80x125xi32, #tpu.memory_space<vmem>> -> memref<1x125xi32, #tpu.memory_space<vmem>>
        %dma_start3A_807 = tpu.memref_squeeze %dma_start3A_806 : memref<1x125xi32, #tpu.memory_space<vmem>> -> memref<125xi32, #tpu.memory_space<vmem>>
        %dma_start3A_808 = arith.constant 0 : i32
        %dma_start3A_809 = arith.constant 0 : i32
        %dma_start3A_810 = tpu.memref_slice %arg2[%dma_start3A_808, %dma_start3A_809] : memref<10000x16xf32, #tpu.memory_space<hbm>> -> memref<10000x16xf32, #tpu.memory_space<hbm>>
        tpu.enqueue_indirect_dma source(%dma_start3A_810 : memref<10000x16xf32, #tpu.memory_space<hbm>>) target(%dma_start3A_804 : memref<125x16xf32, #tpu.memory_space<vmem>>) offsets(%dma_start3A_807 : memref<125xi32, #tpu.memory_space<vmem>>) semaphore(%arg19 : memref<!tpu.dma_semaphore, #tpu.memory_space<semaphore_mem>>)
      } else {
      }
      %add3A_722 = arith.constant 8 : i32
      %add3A_723 = arith.addi %add3A_712, %add3A_722 : i32
      %sub3A_724 = arith.constant 1 : i32
      %sub3A_725 = arith.subi %add3A_723, %sub3A_724 : i32
      %ge3A_726 = arith.constant 80 : i32
      %ge3A_727 = arith.cmpi sge, %sub3A_725, %ge3A_726 : i32
      %convert_element_type3A_728 = arith.extui %ge3A_727 : i1 to i32
      %cond3A_729 = arith.constant 0 : i32
      %cond3A_730 = arith.cmpi ne, %convert_element_type3A_728, %cond3A_729 : i32
      scf.if %cond3A_730 {
        %dma_wait3A_751 = arith.constant 6 : i32
        %dma_wait3A_752 = arith.constant 0 : i32
        %dma_wait3A_753 = arith.constant 0 : i32
        %dma_wait3A_754 = tpu.memref_slice %arg12[%dma_wait3A_751, %dma_wait3A_752, %dma_wait3A_753] : memref<8x125x16xf32, #tpu.memory_space<vmem>> -> memref<1x125x16xf32, #tpu.memory_space<vmem>>
        %dma_wait3A_755 = tpu.memref_squeeze %dma_wait3A_754 : memref<1x125x16xf32, #tpu.memory_space<vmem>> -> memref<125x16xf32, #tpu.memory_space<vmem>>
        %dma_wait3A_756 = arith.constant 0 : i32
        %dma_wait3A_757 = tpu.memref_slice %arg10[%add3A_712, %dma_wait3A_756] : memref<80x125xi32, #tpu.memory_space<vmem>> -> memref<1x125xi32, #tpu.memory_space<vmem>>
        %dma_wait3A_758 = tpu.memref_squeeze %dma_wait3A_757 : memref<1x125xi32, #tpu.memory_space<vmem>> -> memref<125xi32, #tpu.memory_space<vmem>>
        %dma_wait3A_759 = arith.constant 0 : i32
        %dma_wait3A_760 = arith.constant 0 : i32
        %dma_wait3A_761 = tpu.memref_slice %arg2[%dma_wait3A_759, %dma_wait3A_760] : memref<10000x16xf32, #tpu.memory_space<hbm>> -> memref<10000x16xf32, #tpu.memory_space<hbm>>
        tpu.wait_indirect_dma semaphore(%arg20 : memref<!tpu.dma_semaphore, #tpu.memory_space<semaphore_mem>>) src(%dma_wait3A_761 : memref<10000x16xf32, #tpu.memory_space<hbm>>) dst(%dma_wait3A_755 : memref<125x16xf32, #tpu.memory_space<vmem>>)
        %dma_start3A_762 = arith.constant 6 : i32
        %dma_start3A_763 = arith.constant 0 : i32
        %dma_start3A_764 = arith.constant 0 : i32
        %dma_start3A_765 = tpu.memref_slice %arg12[%dma_start3A_762, %dma_start3A_763, %dma_start3A_764] : memref<8x125x16xf32, #tpu.memory_space<vmem>> -> memref<1x125x16xf32, #tpu.memory_space<vmem>>
        %dma_start3A_766 = tpu.memref_squeeze %dma_start3A_765 : memref<1x125x16xf32, #tpu.memory_space<vmem>> -> memref<125x16xf32, #tpu.memory_space<vmem>>
        %dma_start3A_767 = arith.constant 0 : i32
        %dma_start3A_768 = tpu.memref_slice %arg11[%add3A_712, %dma_start3A_767] : memref<80x125xi32, #tpu.memory_space<vmem>> -> memref<1x125xi32, #tpu.memory_space<vmem>>
        %dma_start3A_769 = tpu.memref_squeeze %dma_start3A_768 : memref<1x125xi32, #tpu.memory_space<vmem>> -> memref<125xi32, #tpu.memory_space<vmem>>
        %dma_start3A_770 = arith.constant 0 : i32
        %dma_start3A_771 = arith.constant 0 : i32
        %dma_start3A_772 = tpu.memref_slice %arg9[%dma_start3A_770, %dma_start3A_771] : memref<10000x16xf32, #tpu.memory_space<vmem_shared>> -> memref<10000x16xf32, #tpu.memory_space<vmem_shared>>
        tpu.enqueue_indirect_dma source(%dma_start3A_766 : memref<125x16xf32, #tpu.memory_space<vmem>>) target(%dma_start3A_772 : memref<10000x16xf32, #tpu.memory_space<vmem_shared>>) offsets(%dma_start3A_769 : memref<125xi32, #tpu.memory_space<vmem>>) semaphore(%arg28 : memref<!tpu.dma_semaphore, #tpu.memory_space<semaphore_mem>>) {add = true}
        %dma_start3A_773 = arith.constant 0 : i32
        %dma_start3A_774 = tpu.memref_slice %arg11[%add3A_712, %dma_start3A_773] : memref<80x125xi32, #tpu.memory_space<vmem>> -> memref<1x125xi32, #tpu.memory_space<vmem>>
        %dma_start3A_775 = tpu.memref_squeeze %dma_start3A_774 : memref<1x125xi32, #tpu.memory_space<vmem>> -> memref<125xi32, #tpu.memory_space<vmem>>
        %dma_start3A_776 = arith.constant 0 : i32
        %dma_start3A_777 = tpu.memref_slice %arg30[%dma_start3A_776] : memref<10000xf32, #tpu.memory_space<vmem_shared>> -> memref<10000xf32, #tpu.memory_space<vmem_shared>>
        tpu.enqueue_indirect_dma source(%arg31 : memref<125xf32, #tpu.memory_space<vmem>>) target(%dma_start3A_777 : memref<10000xf32, #tpu.memory_space<vmem_shared>>) offsets(%dma_start3A_775 : memref<125xi32, #tpu.memory_space<vmem>>) semaphore(%arg39 : memref<!tpu.dma_semaphore, #tpu.memory_space<semaphore_mem>>) {add = true}
        %sub3A_778 = arith.constant 1 : i32
        %sub3A_779 = arith.subi %add3A_712, %sub3A_778 : i32
        %dma_wait3A_780 = arith.constant 5 : i32
        %dma_wait3A_781 = arith.constant 0 : i32
        %dma_wait3A_782 = arith.constant 0 : i32
        %dma_wait3A_783 = tpu.memref_slice %arg12[%dma_wait3A_780, %dma_wait3A_781, %dma_wait3A_782] : memref<8x125x16xf32, #tpu.memory_space<vmem>> -> memref<1x125x16xf32, #tpu.memory_space<vmem>>
        %dma_wait3A_784 = tpu.memref_squeeze %dma_wait3A_783 : memref<1x125x16xf32, #tpu.memory_space<vmem>> -> memref<125x16xf32, #tpu.memory_space<vmem>>
        %dma_wait3A_785 = arith.constant 0 : i32
        %dma_wait3A_786 = tpu.memref_slice %arg11[%sub3A_779, %dma_wait3A_785] : memref<80x125xi32, #tpu.memory_space<vmem>> -> memref<1x125xi32, #tpu.memory_space<vmem>>
        %dma_wait3A_787 = tpu.memref_squeeze %dma_wait3A_786 : memref<1x125xi32, #tpu.memory_space<vmem>> -> memref<125xi32, #tpu.memory_space<vmem>>
        %dma_wait3A_788 = arith.constant 0 : i32
        %dma_wait3A_789 = arith.constant 0 : i32
        %dma_wait3A_790 = tpu.memref_slice %arg9[%dma_wait3A_788, %dma_wait3A_789] : memref<10000x16xf32, #tpu.memory_space<vmem_shared>> -> memref<10000x16xf32, #tpu.memory_space<vmem_shared>>
        tpu.wait_indirect_dma semaphore(%arg27 : memref<!tpu.dma_semaphore, #tpu.memory_space<semaphore_mem>>) src(%dma_wait3A_784 : memref<125x16xf32, #tpu.memory_space<vmem>>) dst(%dma_wait3A_790 : memref<10000x16xf32, #tpu.memory_space<vmem_shared>>)
        %dma_wait3A_791 = arith.constant 0 : i32
        %dma_wait3A_792 = tpu.memref_slice %arg11[%sub3A_779, %dma_wait3A_791] : memref<80x125xi32, #tpu.memory_space<vmem>> -> memref<1x125xi32, #tpu.memory_space<vmem>>
        %dma_wait3A_793 = tpu.memref_squeeze %dma_wait3A_792 : memref<1x125xi32, #tpu.memory_space<vmem>> -> memref<125xi32, #tpu.memory_space<vmem>>
        %dma_wait3A_794 = arith.constant 0 : i32
        %dma_wait3A_795 = tpu.memref_slice %arg30[%dma_wait3A_794] : memref<10000xf32, #tpu.memory_space<vmem_shared>> -> memref<10000xf32, #tpu.memory_space<vmem_shared>>
        tpu.wait_indirect_dma semaphore(%arg38 : memref<!tpu.dma_semaphore, #tpu.memory_space<semaphore_mem>>) src(%arg31 : memref<125xf32, #tpu.memory_space<vmem>>) dst(%dma_wait3A_795 : memref<10000xf32, #tpu.memory_space<vmem_shared>>)
      } else {
      }
      %add3A_731 = arith.constant 7 : i32
      %add3A_732 = arith.addi %mul3A_592, %add3A_731 : i32
      %add3A_733 = arith.constant 8 : i32
      %add3A_734 = arith.addi %add3A_732, %add3A_733 : i32
      %sub3A_735 = arith.constant 1 : i32
      %sub3A_736 = arith.subi %add3A_734, %sub3A_735 : i32
      %lt3A_737 = arith.constant 80 : i32
      %lt3A_738 = arith.cmpi slt, %sub3A_736, %lt3A_737 : i32
      %convert_element_type3A_739 = arith.extui %lt3A_738 : i1 to i32
      %cond3A_740 = arith.constant 0 : i32
      %cond3A_741 = arith.cmpi ne, %convert_element_type3A_739, %cond3A_740 : i32
      scf.if %cond3A_741 {
        %dma_wait3A_751 = arith.constant 7 : i32
        %dma_wait3A_752 = arith.constant 0 : i32
        %dma_wait3A_753 = arith.constant 0 : i32
        %dma_wait3A_754 = tpu.memref_slice %arg12[%dma_wait3A_751, %dma_wait3A_752, %dma_wait3A_753] : memref<8x125x16xf32, #tpu.memory_space<vmem>> -> memref<1x125x16xf32, #tpu.memory_space<vmem>>
        %dma_wait3A_755 = tpu.memref_squeeze %dma_wait3A_754 : memref<1x125x16xf32, #tpu.memory_space<vmem>> -> memref<125x16xf32, #tpu.memory_space<vmem>>
        %dma_wait3A_756 = arith.constant 0 : i32
        %dma_wait3A_757 = tpu.memref_slice %arg10[%add3A_732, %dma_wait3A_756] : memref<80x125xi32, #tpu.memory_space<vmem>> -> memref<1x125xi32, #tpu.memory_space<vmem>>
        %dma_wait3A_758 = tpu.memref_squeeze %dma_wait3A_757 : memref<1x125xi32, #tpu.memory_space<vmem>> -> memref<125xi32, #tpu.memory_space<vmem>>
        %dma_wait3A_759 = arith.constant 0 : i32
        %dma_wait3A_760 = arith.constant 0 : i32
        %dma_wait3A_761 = tpu.memref_slice %arg2[%dma_wait3A_759, %dma_wait3A_760] : memref<10000x16xf32, #tpu.memory_space<hbm>> -> memref<10000x16xf32, #tpu.memory_space<hbm>>
        tpu.wait_indirect_dma semaphore(%arg21 : memref<!tpu.dma_semaphore, #tpu.memory_space<semaphore_mem>>) src(%dma_wait3A_761 : memref<10000x16xf32, #tpu.memory_space<hbm>>) dst(%dma_wait3A_755 : memref<125x16xf32, #tpu.memory_space<vmem>>)
        %dma_start3A_762 = arith.constant 7 : i32
        %dma_start3A_763 = arith.constant 0 : i32
        %dma_start3A_764 = arith.constant 0 : i32
        %dma_start3A_765 = tpu.memref_slice %arg12[%dma_start3A_762, %dma_start3A_763, %dma_start3A_764] : memref<8x125x16xf32, #tpu.memory_space<vmem>> -> memref<1x125x16xf32, #tpu.memory_space<vmem>>
        %dma_start3A_766 = tpu.memref_squeeze %dma_start3A_765 : memref<1x125x16xf32, #tpu.memory_space<vmem>> -> memref<125x16xf32, #tpu.memory_space<vmem>>
        %dma_start3A_767 = arith.constant 0 : i32
        %dma_start3A_768 = tpu.memref_slice %arg11[%add3A_732, %dma_start3A_767] : memref<80x125xi32, #tpu.memory_space<vmem>> -> memref<1x125xi32, #tpu.memory_space<vmem>>
        %dma_start3A_769 = tpu.memref_squeeze %dma_start3A_768 : memref<1x125xi32, #tpu.memory_space<vmem>> -> memref<125xi32, #tpu.memory_space<vmem>>
        %dma_start3A_770 = arith.constant 0 : i32
        %dma_start3A_771 = arith.constant 0 : i32
        %dma_start3A_772 = tpu.memref_slice %arg9[%dma_start3A_770, %dma_start3A_771] : memref<10000x16xf32, #tpu.memory_space<vmem_shared>> -> memref<10000x16xf32, #tpu.memory_space<vmem_shared>>
        tpu.enqueue_indirect_dma source(%dma_start3A_766 : memref<125x16xf32, #tpu.memory_space<vmem>>) target(%dma_start3A_772 : memref<10000x16xf32, #tpu.memory_space<vmem_shared>>) offsets(%dma_start3A_769 : memref<125xi32, #tpu.memory_space<vmem>>) semaphore(%arg29 : memref<!tpu.dma_semaphore, #tpu.memory_space<semaphore_mem>>) {add = true}
        %dma_start3A_773 = arith.constant 0 : i32
        %dma_start3A_774 = tpu.memref_slice %arg11[%add3A_732, %dma_start3A_773] : memref<80x125xi32, #tpu.memory_space<vmem>> -> memref<1x125xi32, #tpu.memory_space<vmem>>
        %dma_start3A_775 = tpu.memref_squeeze %dma_start3A_774 : memref<1x125xi32, #tpu.memory_space<vmem>> -> memref<125xi32, #tpu.memory_space<vmem>>
        %dma_start3A_776 = arith.constant 0 : i32
        %dma_start3A_777 = tpu.memref_slice %arg30[%dma_start3A_776] : memref<10000xf32, #tpu.memory_space<vmem_shared>> -> memref<10000xf32, #tpu.memory_space<vmem_shared>>
        tpu.enqueue_indirect_dma source(%arg31 : memref<125xf32, #tpu.memory_space<vmem>>) target(%dma_start3A_777 : memref<10000xf32, #tpu.memory_space<vmem_shared>>) offsets(%dma_start3A_775 : memref<125xi32, #tpu.memory_space<vmem>>) semaphore(%arg40 : memref<!tpu.dma_semaphore, #tpu.memory_space<semaphore_mem>>) {add = true}
        %sub3A_778 = arith.constant 1 : i32
        %sub3A_779 = arith.subi %add3A_732, %sub3A_778 : i32
        %dma_wait3A_780 = arith.constant 6 : i32
        %dma_wait3A_781 = arith.constant 0 : i32
        %dma_wait3A_782 = arith.constant 0 : i32
        %dma_wait3A_783 = tpu.memref_slice %arg12[%dma_wait3A_780, %dma_wait3A_781, %dma_wait3A_782] : memref<8x125x16xf32, #tpu.memory_space<vmem>> -> memref<1x125x16xf32, #tpu.memory_space<vmem>>
        %dma_wait3A_784 = tpu.memref_squeeze %dma_wait3A_783 : memref<1x125x16xf32, #tpu.memory_space<vmem>> -> memref<125x16xf32, #tpu.memory_space<vmem>>
        %dma_wait3A_785 = arith.constant 0 : i32
        %dma_wait3A_786 = tpu.memref_slice %arg11[%sub3A_779, %dma_wait3A_785] : memref<80x125xi32, #tpu.memory_space<vmem>> -> memref<1x125xi32, #tpu.memory_space<vmem>>
        %dma_wait3A_787 = tpu.memref_squeeze %dma_wait3A_786 : memref<1x125xi32, #tpu.memory_space<vmem>> -> memref<125xi32, #tpu.memory_space<vmem>>
        %dma_wait3A_788 = arith.constant 0 : i32
        %dma_wait3A_789 = arith.constant 0 : i32
        %dma_wait3A_790 = tpu.memref_slice %arg9[%dma_wait3A_788, %dma_wait3A_789] : memref<10000x16xf32, #tpu.memory_space<vmem_shared>> -> memref<10000x16xf32, #tpu.memory_space<vmem_shared>>
        tpu.wait_indirect_dma semaphore(%arg28 : memref<!tpu.dma_semaphore, #tpu.memory_space<semaphore_mem>>) src(%dma_wait3A_784 : memref<125x16xf32, #tpu.memory_space<vmem>>) dst(%dma_wait3A_790 : memref<10000x16xf32, #tpu.memory_space<vmem_shared>>)
        %dma_wait3A_791 = arith.constant 0 : i32
        %dma_wait3A_792 = tpu.memref_slice %arg11[%sub3A_779, %dma_wait3A_791] : memref<80x125xi32, #tpu.memory_space<vmem>> -> memref<1x125xi32, #tpu.memory_space<vmem>>
        %dma_wait3A_793 = tpu.memref_squeeze %dma_wait3A_792 : memref<1x125xi32, #tpu.memory_space<vmem>> -> memref<125xi32, #tpu.memory_space<vmem>>
        %dma_wait3A_794 = arith.constant 0 : i32
        %dma_wait3A_795 = tpu.memref_slice %arg30[%dma_wait3A_794] : memref<10000xf32, #tpu.memory_space<vmem_shared>> -> memref<10000xf32, #tpu.memory_space<vmem_shared>>
        tpu.wait_indirect_dma semaphore(%arg39 : memref<!tpu.dma_semaphore, #tpu.memory_space<semaphore_mem>>) src(%arg31 : memref<125xf32, #tpu.memory_space<vmem>>) dst(%dma_wait3A_795 : memref<10000xf32, #tpu.memory_space<vmem_shared>>)
        %add3A_796 = arith.constant 8 : i32
        %add3A_797 = arith.addi %add3A_732, %add3A_796 : i32
        %sub3A_798 = arith.constant 1 : i32
        %sub3A_799 = arith.subi %add3A_797, %sub3A_798 : i32
        %dma_start3A_800 = arith.constant 6 : i32
        %dma_start3A_801 = arith.constant 0 : i32
        %dma_start3A_802 = arith.constant 0 : i32
        %dma_start3A_803 = tpu.memref_slice %arg12[%dma_start3A_800, %dma_start3A_801, %dma_start3A_802] : memref<8x125x16xf32, #tpu.memory_space<vmem>> -> memref<1x125x16xf32, #tpu.memory_space<vmem>>
        %dma_start3A_804 = tpu.memref_squeeze %dma_start3A_803 : memref<1x125x16xf32, #tpu.memory_space<vmem>> -> memref<125x16xf32, #tpu.memory_space<vmem>>
        %dma_start3A_805 = arith.constant 0 : i32
        %dma_start3A_806 = tpu.memref_slice %arg10[%sub3A_799, %dma_start3A_805] : memref<80x125xi32, #tpu.memory_space<vmem>> -> memref<1x125xi32, #tpu.memory_space<vmem>>
        %dma_start3A_807 = tpu.memref_squeeze %dma_start3A_806 : memref<1x125xi32, #tpu.memory_space<vmem>> -> memref<125xi32, #tpu.memory_space<vmem>>
        %dma_start3A_808 = arith.constant 0 : i32
        %dma_start3A_809 = arith.constant 0 : i32
        %dma_start3A_810 = tpu.memref_slice %arg2[%dma_start3A_808, %dma_start3A_809] : memref<10000x16xf32, #tpu.memory_space<hbm>> -> memref<10000x16xf32, #tpu.memory_space<hbm>>
        tpu.enqueue_indirect_dma source(%dma_start3A_810 : memref<10000x16xf32, #tpu.memory_space<hbm>>) target(%dma_start3A_804 : memref<125x16xf32, #tpu.memory_space<vmem>>) offsets(%dma_start3A_807 : memref<125xi32, #tpu.memory_space<vmem>>) semaphore(%arg20 : memref<!tpu.dma_semaphore, #tpu.memory_space<semaphore_mem>>)
      } else {
      }
      %add3A_742 = arith.constant 8 : i32
      %add3A_743 = arith.addi %add3A_732, %add3A_742 : i32
      %sub3A_744 = arith.constant 1 : i32
      %sub3A_745 = arith.subi %add3A_743, %sub3A_744 : i32
      %ge3A_746 = arith.constant 80 : i32
      %ge3A_747 = arith.cmpi sge, %sub3A_745, %ge3A_746 : i32
      %convert_element_type3A_748 = arith.extui %ge3A_747 : i1 to i32
      %cond3A_749 = arith.constant 0 : i32
      %cond3A_750 = arith.cmpi ne, %convert_element_type3A_748, %cond3A_749 : i32
      scf.if %cond3A_750 {
        %dma_wait3A_751 = arith.constant 7 : i32
        %dma_wait3A_752 = arith.constant 0 : i32
        %dma_wait3A_753 = arith.constant 0 : i32
        %dma_wait3A_754 = tpu.memref_slice %arg12[%dma_wait3A_751, %dma_wait3A_752, %dma_wait3A_753] : memref<8x125x16xf32, #tpu.memory_space<vmem>> -> memref<1x125x16xf32, #tpu.memory_space<vmem>>
        %dma_wait3A_755 = tpu.memref_squeeze %dma_wait3A_754 : memref<1x125x16xf32, #tpu.memory_space<vmem>> -> memref<125x16xf32, #tpu.memory_space<vmem>>
        %dma_wait3A_756 = arith.constant 0 : i32
        %dma_wait3A_757 = tpu.memref_slice %arg10[%add3A_732, %dma_wait3A_756] : memref<80x125xi32, #tpu.memory_space<vmem>> -> memref<1x125xi32, #tpu.memory_space<vmem>>
        %dma_wait3A_758 = tpu.memref_squeeze %dma_wait3A_757 : memref<1x125xi32, #tpu.memory_space<vmem>> -> memref<125xi32, #tpu.memory_space<vmem>>
        %dma_wait3A_759 = arith.constant 0 : i32
        %dma_wait3A_760 = arith.constant 0 : i32
        %dma_wait3A_761 = tpu.memref_slice %arg2[%dma_wait3A_759, %dma_wait3A_760] : memref<10000x16xf32, #tpu.memory_space<hbm>> -> memref<10000x16xf32, #tpu.memory_space<hbm>>
        tpu.wait_indirect_dma semaphore(%arg21 : memref<!tpu.dma_semaphore, #tpu.memory_space<semaphore_mem>>) src(%dma_wait3A_761 : memref<10000x16xf32, #tpu.memory_space<hbm>>) dst(%dma_wait3A_755 : memref<125x16xf32, #tpu.memory_space<vmem>>)
        %dma_start3A_762 = arith.constant 7 : i32
        %dma_start3A_763 = arith.constant 0 : i32
        %dma_start3A_764 = arith.constant 0 : i32
        %dma_start3A_765 = tpu.memref_slice %arg12[%dma_start3A_762, %dma_start3A_763, %dma_start3A_764] : memref<8x125x16xf32, #tpu.memory_space<vmem>> -> memref<1x125x16xf32, #tpu.memory_space<vmem>>
        %dma_start3A_766 = tpu.memref_squeeze %dma_start3A_765 : memref<1x125x16xf32, #tpu.memory_space<vmem>> -> memref<125x16xf32, #tpu.memory_space<vmem>>
        %dma_start3A_767 = arith.constant 0 : i32
        %dma_start3A_768 = tpu.memref_slice %arg11[%add3A_732, %dma_start3A_767] : memref<80x125xi32, #tpu.memory_space<vmem>> -> memref<1x125xi32, #tpu.memory_space<vmem>>
        %dma_start3A_769 = tpu.memref_squeeze %dma_start3A_768 : memref<1x125xi32, #tpu.memory_space<vmem>> -> memref<125xi32, #tpu.memory_space<vmem>>
        %dma_start3A_770 = arith.constant 0 : i32
        %dma_start3A_771 = arith.constant 0 : i32
        %dma_start3A_772 = tpu.memref_slice %arg9[%dma_start3A_770, %dma_start3A_771] : memref<10000x16xf32, #tpu.memory_space<vmem_shared>> -> memref<10000x16xf32, #tpu.memory_space<vmem_shared>>
        tpu.enqueue_indirect_dma source(%dma_start3A_766 : memref<125x16xf32, #tpu.memory_space<vmem>>) target(%dma_start3A_772 : memref<10000x16xf32, #tpu.memory_space<vmem_shared>>) offsets(%dma_start3A_769 : memref<125xi32, #tpu.memory_space<vmem>>) semaphore(%arg29 : memref<!tpu.dma_semaphore, #tpu.memory_space<semaphore_mem>>) {add = true}
        %dma_start3A_773 = arith.constant 0 : i32
        %dma_start3A_774 = tpu.memref_slice %arg11[%add3A_732, %dma_start3A_773] : memref<80x125xi32, #tpu.memory_space<vmem>> -> memref<1x125xi32, #tpu.memory_space<vmem>>
        %dma_start3A_775 = tpu.memref_squeeze %dma_start3A_774 : memref<1x125xi32, #tpu.memory_space<vmem>> -> memref<125xi32, #tpu.memory_space<vmem>>
        %dma_start3A_776 = arith.constant 0 : i32
        %dma_start3A_777 = tpu.memref_slice %arg30[%dma_start3A_776] : memref<10000xf32, #tpu.memory_space<vmem_shared>> -> memref<10000xf32, #tpu.memory_space<vmem_shared>>
        tpu.enqueue_indirect_dma source(%arg31 : memref<125xf32, #tpu.memory_space<vmem>>) target(%dma_start3A_777 : memref<10000xf32, #tpu.memory_space<vmem_shared>>) offsets(%dma_start3A_775 : memref<125xi32, #tpu.memory_space<vmem>>) semaphore(%arg40 : memref<!tpu.dma_semaphore, #tpu.memory_space<semaphore_mem>>) {add = true}
        %sub3A_778 = arith.constant 1 : i32
        %sub3A_779 = arith.subi %add3A_732, %sub3A_778 : i32
        %dma_wait3A_780 = arith.constant 6 : i32
        %dma_wait3A_781 = arith.constant 0 : i32
        %dma_wait3A_782 = arith.constant 0 : i32
        %dma_wait3A_783 = tpu.memref_slice %arg12[%dma_wait3A_780, %dma_wait3A_781, %dma_wait3A_782] : memref<8x125x16xf32, #tpu.memory_space<vmem>> -> memref<1x125x16xf32, #tpu.memory_space<vmem>>
        %dma_wait3A_784 = tpu.memref_squeeze %dma_wait3A_783 : memref<1x125x16xf32, #tpu.memory_space<vmem>> -> memref<125x16xf32, #tpu.memory_space<vmem>>
        %dma_wait3A_785 = arith.constant 0 : i32
        %dma_wait3A_786 = tpu.memref_slice %arg11[%sub3A_779, %dma_wait3A_785] : memref<80x125xi32, #tpu.memory_space<vmem>> -> memref<1x125xi32, #tpu.memory_space<vmem>>
        %dma_wait3A_787 = tpu.memref_squeeze %dma_wait3A_786 : memref<1x125xi32, #tpu.memory_space<vmem>> -> memref<125xi32, #tpu.memory_space<vmem>>
        %dma_wait3A_788 = arith.constant 0 : i32
        %dma_wait3A_789 = arith.constant 0 : i32
        %dma_wait3A_790 = tpu.memref_slice %arg9[%dma_wait3A_788, %dma_wait3A_789] : memref<10000x16xf32, #tpu.memory_space<vmem_shared>> -> memref<10000x16xf32, #tpu.memory_space<vmem_shared>>
        tpu.wait_indirect_dma semaphore(%arg28 : memref<!tpu.dma_semaphore, #tpu.memory_space<semaphore_mem>>) src(%dma_wait3A_784 : memref<125x16xf32, #tpu.memory_space<vmem>>) dst(%dma_wait3A_790 : memref<10000x16xf32, #tpu.memory_space<vmem_shared>>)
        %dma_wait3A_791 = arith.constant 0 : i32
        %dma_wait3A_792 = tpu.memref_slice %arg11[%sub3A_779, %dma_wait3A_791] : memref<80x125xi32, #tpu.memory_space<vmem>> -> memref<1x125xi32, #tpu.memory_space<vmem>>
        %dma_wait3A_793 = tpu.memref_squeeze %dma_wait3A_792 : memref<1x125xi32, #tpu.memory_space<vmem>> -> memref<125xi32, #tpu.memory_space<vmem>>
        %dma_wait3A_794 = arith.constant 0 : i32
        %dma_wait3A_795 = tpu.memref_slice %arg30[%dma_wait3A_794] : memref<10000xf32, #tpu.memory_space<vmem_shared>> -> memref<10000xf32, #tpu.memory_space<vmem_shared>>
        tpu.wait_indirect_dma semaphore(%arg39 : memref<!tpu.dma_semaphore, #tpu.memory_space<semaphore_mem>>) src(%arg31 : memref<125xf32, #tpu.memory_space<vmem>>) dst(%dma_wait3A_795 : memref<10000xf32, #tpu.memory_space<vmem_shared>>)
      } else {
      }
    }
    %scan3A_560 = arith.constant 9 : i32
    %dma_wait3A_561 = arith.constant 7 : i32
    %dma_wait3A_562 = arith.constant 79 : i32
    %dma_wait3A_563 = arith.constant 0 : i32
    %dma_wait3A_564 = arith.constant 0 : i32
    %dma_wait3A_565 = tpu.memref_slice %arg12[%dma_wait3A_561, %dma_wait3A_563, %dma_wait3A_564] : memref<8x125x16xf32, #tpu.memory_space<vmem>> -> memref<1x125x16xf32, #tpu.memory_space<vmem>>
    %dma_wait3A_566 = tpu.memref_squeeze %dma_wait3A_565 : memref<1x125x16xf32, #tpu.memory_space<vmem>> -> memref<125x16xf32, #tpu.memory_space<vmem>>
    %dma_wait3A_567 = arith.constant 0 : i32
    %dma_wait3A_568 = tpu.memref_slice %arg11[%dma_wait3A_562, %dma_wait3A_567] : memref<80x125xi32, #tpu.memory_space<vmem>> -> memref<1x125xi32, #tpu.memory_space<vmem>>
    %dma_wait3A_569 = tpu.memref_squeeze %dma_wait3A_568 : memref<1x125xi32, #tpu.memory_space<vmem>> -> memref<125xi32, #tpu.memory_space<vmem>>
    %dma_wait3A_570 = arith.constant 0 : i32
    %dma_wait3A_571 = arith.constant 0 : i32
    %dma_wait3A_572 = tpu.memref_slice %arg9[%dma_wait3A_570, %dma_wait3A_571] : memref<10000x16xf32, #tpu.memory_space<vmem_shared>> -> memref<10000x16xf32, #tpu.memory_space<vmem_shared>>
    tpu.wait_indirect_dma semaphore(%arg29 : memref<!tpu.dma_semaphore, #tpu.memory_space<semaphore_mem>>) src(%dma_wait3A_566 : memref<125x16xf32, #tpu.memory_space<vmem>>) dst(%dma_wait3A_572 : memref<10000x16xf32, #tpu.memory_space<vmem_shared>>)
    %dma_wait3A_573 = arith.constant 79 : i32
    %dma_wait3A_574 = arith.constant 0 : i32
    %dma_wait3A_575 = tpu.memref_slice %arg11[%dma_wait3A_573, %dma_wait3A_574] : memref<80x125xi32, #tpu.memory_space<vmem>> -> memref<1x125xi32, #tpu.memory_space<vmem>>
    %dma_wait3A_576 = tpu.memref_squeeze %dma_wait3A_575 : memref<1x125xi32, #tpu.memory_space<vmem>> -> memref<125xi32, #tpu.memory_space<vmem>>
    %dma_wait3A_577 = arith.constant 0 : i32
    %dma_wait3A_578 = tpu.memref_slice %arg30[%dma_wait3A_577] : memref<10000xf32, #tpu.memory_space<vmem_shared>> -> memref<10000xf32, #tpu.memory_space<vmem_shared>>
    tpu.wait_indirect_dma semaphore(%arg40 : memref<!tpu.dma_semaphore, #tpu.memory_space<semaphore_mem>>) src(%arg31 : memref<125xf32, #tpu.memory_space<vmem>>) dst(%dma_wait3A_578 : memref<10000xf32, #tpu.memory_space<vmem_shared>>)
    %barrier3A_579 = arith.constant 0 : index
    tpu.barrier barrier_id(%barrier3A_579)
    %lt3A_580 = arith.constant 15 : i32
    %lt3A_581 = arith.cmpi slt, %arg1, %lt3A_580 : i32
    %convert_element_type3A_582 = arith.extui %lt3A_581 : i1 to i32
    %cond3A_583 = arith.constant 0 : i32
    %cond3A_584 = arith.cmpi ne, %convert_element_type3A_582, %cond3A_583 : i32
    scf.if %cond3A_584 {
      %mul3A_590 = arith.constant 624 : i32
      %mul3A_591 = arith.muli %arg1, %mul3A_590 : i32
      "tpu.region"() ({
        %run_scoped3A_604 = tpu.sem_alloc : memref<!tpu.dma_semaphore, #tpu.memory_space<semaphore_mem>>
        %dma_start3A_605 = arith.constant 0 : i32
        %dma_start3A_606 = arith.constant 0 : i32
        %dma_start3A_607 = tpu.memref_slice %arg13[%dma_start3A_605, %dma_start3A_606] : memref<640x16xf32, #tpu.memory_space<vmem>> -> memref<624x16xf32, #tpu.memory_space<vmem>>
        %dma_start3A_608 = arith.constant 0 : i32
        %dma_start3A_609 = tpu.memref_slice %arg9[%mul3A_591, %dma_start3A_608] : memref<10000x16xf32, #tpu.memory_space<vmem_shared>> -> memref<624x16xf32, #tpu.memory_space<vmem_shared>>
        %dma_start3A_610 = arith.constant 0 : i32
        %dma_start3A_611 = arith.constant 0 : i32
        %dma_start3A_612 = tpu.memref_slice %arg13[%dma_start3A_610, %dma_start3A_611] : memref<640x16xf32, #tpu.memory_space<vmem>> -> memref<624x16xf32, #tpu.memory_space<vmem>>
        %dma_start3A_613 = arith.constant 0 : i32
        %dma_start3A_614 = tpu.memref_slice %arg9[%mul3A_591, %dma_start3A_613] : memref<10000x16xf32, #tpu.memory_space<vmem_shared>> -> memref<624x16xf32, #tpu.memory_space<vmem_shared>>
        tpu.enqueue_dma source(%dma_start3A_614 : memref<624x16xf32, #tpu.memory_space<vmem_shared>>) target(%dma_start3A_612 : memref<624x16xf32, #tpu.memory_space<vmem>>) target_semaphore(%run_scoped3A_604 : memref<!tpu.dma_semaphore, #tpu.memory_space<semaphore_mem>>)
        %dma_wait3A_615 = arith.constant 0 : i32
        %dma_wait3A_616 = arith.constant 0 : i32
        %dma_wait3A_617 = tpu.memref_slice %arg13[%dma_wait3A_615, %dma_wait3A_616] : memref<640x16xf32, #tpu.memory_space<vmem>> -> memref<624x16xf32, #tpu.memory_space<vmem>>
        %dma_wait3A_618 = arith.constant 0 : i32
        %dma_wait3A_619 = tpu.memref_slice %arg9[%mul3A_591, %dma_wait3A_618] : memref<10000x16xf32, #tpu.memory_space<vmem_shared>> -> memref<624x16xf32, #tpu.memory_space<vmem_shared>>
        %dma_wait3A_620 = arith.constant 0 : i32
        %dma_wait3A_621 = arith.constant 0 : i32
        %dma_wait3A_622 = tpu.memref_slice %arg13[%dma_wait3A_620, %dma_wait3A_621] : memref<640x16xf32, #tpu.memory_space<vmem>> -> memref<624x16xf32, #tpu.memory_space<vmem>>
        %dma_wait3A_623 = arith.constant 0 : i32
        %dma_wait3A_624 = tpu.memref_slice %arg9[%mul3A_591, %dma_wait3A_623] : memref<10000x16xf32, #tpu.memory_space<vmem_shared>> -> memref<624x16xf32, #tpu.memory_space<vmem_shared>>
        tpu.wait_dma2 semaphore(%run_scoped3A_604 : memref<!tpu.dma_semaphore, #tpu.memory_space<semaphore_mem>>) src(%dma_wait3A_624 : memref<624x16xf32, #tpu.memory_space<vmem_shared>>) dst(%dma_wait3A_622 : memref<624x16xf32, #tpu.memory_space<vmem>>)
        tpu.yield
      }) : () -> ()
      %mul3A_592 = arith.constant 10000 : i32
      %mul3A_593 = arith.muli %arg0, %mul3A_592 : i32
      %mul3A_594 = arith.constant 624 : i32
      %mul3A_595 = arith.muli %arg1, %mul3A_594 : i32
      %add3A_596 = arith.addi %mul3A_593, %mul3A_595 : i32
      "tpu.region"() ({
        %run_scoped3A_604 = tpu.sem_alloc : memref<!tpu.dma_semaphore, #tpu.memory_space<semaphore_mem>>
        %dma_start3A_605 = arith.constant 0 : i32
        %dma_start3A_606 = arith.constant 0 : i32
        %dma_start3A_607 = tpu.memref_slice %arg13[%dma_start3A_605, %dma_start3A_606] : memref<640x16xf32, #tpu.memory_space<vmem>> -> memref<624x16xf32, #tpu.memory_space<vmem>>
        %dma_start3A_608 = arith.constant 0 : i32
        %dma_start3A_609 = tpu.memref_slice %arg7[%add3A_596, %dma_start3A_608] : memref<20000x16xf32, #tpu.memory_space<hbm>> -> memref<624x16xf32, #tpu.memory_space<hbm>>
        %dma_start3A_610 = arith.constant 0 : i32
        %dma_start3A_611 = tpu.memref_slice %arg7[%add3A_596, %dma_start3A_610] : memref<20000x16xf32, #tpu.memory_space<hbm>> -> memref<624x16xf32, #tpu.memory_space<hbm>>
        %dma_start3A_612 = arith.constant 0 : i32
        %dma_start3A_613 = arith.constant 0 : i32
        %dma_start3A_614 = tpu.memref_slice %arg13[%dma_start3A_612, %dma_start3A_613] : memref<640x16xf32, #tpu.memory_space<vmem>> -> memref<624x16xf32, #tpu.memory_space<vmem>>
        tpu.enqueue_dma source(%dma_start3A_614 : memref<624x16xf32, #tpu.memory_space<vmem>>) target(%dma_start3A_611 : memref<624x16xf32, #tpu.memory_space<hbm>>) target_semaphore(%run_scoped3A_604 : memref<!tpu.dma_semaphore, #tpu.memory_space<semaphore_mem>>)
        %dma_wait3A_615 = arith.constant 0 : i32
        %dma_wait3A_616 = arith.constant 0 : i32
        %dma_wait3A_617 = tpu.memref_slice %arg13[%dma_wait3A_615, %dma_wait3A_616] : memref<640x16xf32, #tpu.memory_space<vmem>> -> memref<624x16xf32, #tpu.memory_space<vmem>>
        %dma_wait3A_618 = arith.constant 0 : i32
        %dma_wait3A_619 = tpu.memref_slice %arg7[%add3A_596, %dma_wait3A_618] : memref<20000x16xf32, #tpu.memory_space<hbm>> -> memref<624x16xf32, #tpu.memory_space<hbm>>
        %dma_wait3A_620 = arith.constant 0 : i32
        %dma_wait3A_621 = tpu.memref_slice %arg7[%add3A_596, %dma_wait3A_620] : memref<20000x16xf32, #tpu.memory_space<hbm>> -> memref<624x16xf32, #tpu.memory_space<hbm>>
        %dma_wait3A_622 = arith.constant 0 : i32
        %dma_wait3A_623 = arith.constant 0 : i32
        %dma_wait3A_624 = tpu.memref_slice %arg13[%dma_wait3A_622, %dma_wait3A_623] : memref<640x16xf32, #tpu.memory_space<vmem>> -> memref<624x16xf32, #tpu.memory_space<vmem>>
        tpu.wait_dma2 semaphore(%run_scoped3A_604 : memref<!tpu.dma_semaphore, #tpu.memory_space<semaphore_mem>>) src(%dma_wait3A_624 : memref<624x16xf32, #tpu.memory_space<vmem>>) dst(%dma_wait3A_621 : memref<624x16xf32, #tpu.memory_space<hbm>>)
        tpu.yield
      }) : () -> ()
      %mul3A_597 = arith.constant 624 : i32
      %mul3A_598 = arith.muli %arg1, %mul3A_597 : i32
      "tpu.region"() ({
        %run_scoped3A_604 = tpu.sem_alloc : memref<!tpu.dma_semaphore, #tpu.memory_space<semaphore_mem>>
        %dma_start3A_605 = arith.constant 0 : i32
        %dma_start3A_606 = tpu.memref_slice %arg32[%dma_start3A_605] : memref<640xf32, #tpu.memory_space<vmem>> -> memref<624xf32, #tpu.memory_space<vmem>>
        %dma_start3A_607 = tpu.memref_slice %arg30[%mul3A_598] : memref<10000xf32, #tpu.memory_space<vmem_shared>> -> memref<624xf32, #tpu.memory_space<vmem_shared>>
        %dma_start3A_608 = arith.constant 0 : i32
        %dma_start3A_609 = tpu.memref_slice %arg32[%dma_start3A_608] : memref<640xf32, #tpu.memory_space<vmem>> -> memref<624xf32, #tpu.memory_space<vmem>>
        %dma_start3A_610 = tpu.memref_slice %arg30[%mul3A_598] : memref<10000xf32, #tpu.memory_space<vmem_shared>> -> memref<624xf32, #tpu.memory_space<vmem_shared>>
        tpu.enqueue_dma source(%dma_start3A_610 : memref<624xf32, #tpu.memory_space<vmem_shared>>) target(%dma_start3A_609 : memref<624xf32, #tpu.memory_space<vmem>>) target_semaphore(%run_scoped3A_604 : memref<!tpu.dma_semaphore, #tpu.memory_space<semaphore_mem>>)
        %dma_wait3A_611 = arith.constant 0 : i32
        %dma_wait3A_612 = tpu.memref_slice %arg32[%dma_wait3A_611] : memref<640xf32, #tpu.memory_space<vmem>> -> memref<624xf32, #tpu.memory_space<vmem>>
        %dma_wait3A_613 = tpu.memref_slice %arg30[%mul3A_598] : memref<10000xf32, #tpu.memory_space<vmem_shared>> -> memref<624xf32, #tpu.memory_space<vmem_shared>>
        %dma_wait3A_614 = arith.constant 0 : i32
        %dma_wait3A_615 = tpu.memref_slice %arg32[%dma_wait3A_614] : memref<640xf32, #tpu.memory_space<vmem>> -> memref<624xf32, #tpu.memory_space<vmem>>
        %dma_wait3A_616 = tpu.memref_slice %arg30[%mul3A_598] : memref<10000xf32, #tpu.memory_space<vmem_shared>> -> memref<624xf32, #tpu.memory_space<vmem_shared>>
        tpu.wait_dma2 semaphore(%run_scoped3A_604 : memref<!tpu.dma_semaphore, #tpu.memory_space<semaphore_mem>>) src(%dma_wait3A_616 : memref<624xf32, #tpu.memory_space<vmem_shared>>) dst(%dma_wait3A_615 : memref<624xf32, #tpu.memory_space<vmem>>)
        tpu.yield
      }) : () -> ()
      %mul3A_599 = arith.constant 10000 : i32
      %mul3A_600 = arith.muli %arg0, %mul3A_599 : i32
      %mul3A_601 = arith.constant 624 : i32
      %mul3A_602 = arith.muli %arg1, %mul3A_601 : i32
      %add3A_603 = arith.addi %mul3A_600, %mul3A_602 : i32
      "tpu.region"() ({
        %run_scoped3A_604 = tpu.sem_alloc : memref<!tpu.dma_semaphore, #tpu.memory_space<semaphore_mem>>
        %dma_start3A_605 = arith.constant 0 : i32
        %dma_start3A_606 = tpu.memref_slice %arg32[%dma_start3A_605] : memref<640xf32, #tpu.memory_space<vmem>> -> memref<624xf32, #tpu.memory_space<vmem>>
        %dma_start3A_607 = tpu.memref_slice %arg8[%add3A_603] : memref<20000xf32, #tpu.memory_space<hbm>> -> memref<624xf32, #tpu.memory_space<hbm>>
        %dma_start3A_608 = tpu.memref_slice %arg8[%add3A_603] : memref<20000xf32, #tpu.memory_space<hbm>> -> memref<624xf32, #tpu.memory_space<hbm>>
        %dma_start3A_609 = arith.constant 0 : i32
        %dma_start3A_610 = tpu.memref_slice %arg32[%dma_start3A_609] : memref<640xf32, #tpu.memory_space<vmem>> -> memref<624xf32, #tpu.memory_space<vmem>>
        tpu.enqueue_dma source(%dma_start3A_610 : memref<624xf32, #tpu.memory_space<vmem>>) target(%dma_start3A_608 : memref<624xf32, #tpu.memory_space<hbm>>) target_semaphore(%run_scoped3A_604 : memref<!tpu.dma_semaphore, #tpu.memory_space<semaphore_mem>>)
        %dma_wait3A_611 = arith.constant 0 : i32
        %dma_wait3A_612 = tpu.memref_slice %arg32[%dma_wait3A_611] : memref<640xf32, #tpu.memory_space<vmem>> -> memref<624xf32, #tpu.memory_space<vmem>>
        %dma_wait3A_613 = tpu.memref_slice %arg8[%add3A_603] : memref<20000xf32, #tpu.memory_space<hbm>> -> memref<624xf32, #tpu.memory_space<hbm>>
        %dma_wait3A_614 = tpu.memref_slice %arg8[%add3A_603] : memref<20000xf32, #tpu.memory_space<hbm>> -> memref<624xf32, #tpu.memory_space<hbm>>
        %dma_wait3A_615 = arith.constant 0 : i32
        %dma_wait3A_616 = tpu.memref_slice %arg32[%dma_wait3A_615] : memref<640xf32, #tpu.memory_space<vmem>> -> memref<624xf32, #tpu.memory_space<vmem>>
        tpu.wait_dma2 semaphore(%run_scoped3A_604 : memref<!tpu.dma_semaphore, #tpu.memory_space<semaphore_mem>>) src(%dma_wait3A_616 : memref<624xf32, #tpu.memory_space<vmem>>) dst(%dma_wait3A_614 : memref<624xf32, #tpu.memory_space<hbm>>)
        tpu.yield
      }) : () -> ()
    } else {
    }
    %eq3A_585 = arith.constant 15 : i32
    %eq3A_586 = arith.cmpi eq, %arg1, %eq3A_585 : i32
    %convert_element_type3A_587 = arith.extui %eq3A_586 : i1 to i32
    %cond3A_588 = arith.constant 0 : i32
    %cond3A_589 = arith.cmpi ne, %convert_element_type3A_587, %cond3A_588 : i32
    scf.if %cond3A_589 {
      "tpu.region"() ({
        %run_scoped3A_598 = tpu.sem_alloc : memref<!tpu.dma_semaphore, #tpu.memory_space<semaphore_mem>>
        %dma_start3A_599 = arith.constant 9360 : i32
        %dma_start3A_600 = arith.constant 0 : i32
        %dma_start3A_601 = tpu.memref_slice %arg9[%dma_start3A_599, %dma_start3A_600] : memref<10000x16xf32, #tpu.memory_space<vmem_shared>> -> memref<640x16xf32, #tpu.memory_space<vmem_shared>>
        %dma_start3A_602 = arith.constant 9360 : i32
        %dma_start3A_603 = arith.constant 0 : i32
        %dma_start3A_604 = tpu.memref_slice %arg9[%dma_start3A_602, %dma_start3A_603] : memref<10000x16xf32, #tpu.memory_space<vmem_shared>> -> memref<640x16xf32, #tpu.memory_space<vmem_shared>>
        tpu.enqueue_dma source(%dma_start3A_604 : memref<640x16xf32, #tpu.memory_space<vmem_shared>>) target(%arg13 : memref<640x16xf32, #tpu.memory_space<vmem>>) target_semaphore(%run_scoped3A_598 : memref<!tpu.dma_semaphore, #tpu.memory_space<semaphore_mem>>)
        %dma_wait3A_605 = arith.constant 9360 : i32
        %dma_wait3A_606 = arith.constant 0 : i32
        %dma_wait3A_607 = tpu.memref_slice %arg9[%dma_wait3A_605, %dma_wait3A_606] : memref<10000x16xf32, #tpu.memory_space<vmem_shared>> -> memref<640x16xf32, #tpu.memory_space<vmem_shared>>
        %dma_wait3A_608 = arith.constant 9360 : i32
        %dma_wait3A_609 = arith.constant 0 : i32
        %dma_wait3A_610 = tpu.memref_slice %arg9[%dma_wait3A_608, %dma_wait3A_609] : memref<10000x16xf32, #tpu.memory_space<vmem_shared>> -> memref<640x16xf32, #tpu.memory_space<vmem_shared>>
        tpu.wait_dma2 semaphore(%run_scoped3A_598 : memref<!tpu.dma_semaphore, #tpu.memory_space<semaphore_mem>>) src(%dma_wait3A_610 : memref<640x16xf32, #tpu.memory_space<vmem_shared>>) dst(%arg13 : memref<640x16xf32, #tpu.memory_space<vmem>>)
        tpu.yield
      }) : () -> ()
      %mul3A_590 = arith.constant 10000 : i32
      %mul3A_591 = arith.muli %arg0, %mul3A_590 : i32
      %add3A_592 = arith.constant 9360 : i32
      %add3A_593 = arith.addi %mul3A_591, %add3A_592 : i32
      "tpu.region"() ({
        %run_scoped3A_598 = tpu.sem_alloc : memref<!tpu.dma_semaphore, #tpu.memory_space<semaphore_mem>>
        %dma_start3A_599 = arith.constant 0 : i32
        %dma_start3A_600 = tpu.memref_slice %arg7[%add3A_593, %dma_start3A_599] : memref<20000x16xf32, #tpu.memory_space<hbm>> -> memref<640x16xf32, #tpu.memory_space<hbm>>
        %dma_start3A_601 = arith.constant 0 : i32
        %dma_start3A_602 = tpu.memref_slice %arg7[%add3A_593, %dma_start3A_601] : memref<20000x16xf32, #tpu.memory_space<hbm>> -> memref<640x16xf32, #tpu.memory_space<hbm>>
        tpu.enqueue_dma source(%arg13 : memref<640x16xf32, #tpu.memory_space<vmem>>) target(%dma_start3A_602 : memref<640x16xf32, #tpu.memory_space<hbm>>) target_semaphore(%run_scoped3A_598 : memref<!tpu.dma_semaphore, #tpu.memory_space<semaphore_mem>>)
        %dma_wait3A_603 = arith.constant 0 : i32
        %dma_wait3A_604 = tpu.memref_slice %arg7[%add3A_593, %dma_wait3A_603] : memref<20000x16xf32, #tpu.memory_space<hbm>> -> memref<640x16xf32, #tpu.memory_space<hbm>>
        %dma_wait3A_605 = arith.constant 0 : i32
        %dma_wait3A_606 = tpu.memref_slice %arg7[%add3A_593, %dma_wait3A_605] : memref<20000x16xf32, #tpu.memory_space<hbm>> -> memref<640x16xf32, #tpu.memory_space<hbm>>
        tpu.wait_dma2 semaphore(%run_scoped3A_598 : memref<!tpu.dma_semaphore, #tpu.memory_space<semaphore_mem>>) src(%arg13 : memref<640x16xf32, #tpu.memory_space<vmem>>) dst(%dma_wait3A_606 : memref<640x16xf32, #tpu.memory_space<hbm>>)
        tpu.yield
      }) : () -> ()
      "tpu.region"() ({
        %run_scoped3A_598 = tpu.sem_alloc : memref<!tpu.dma_semaphore, #tpu.memory_space<semaphore_mem>>
        %dma_start3A_599 = arith.constant 9360 : i32
        %dma_start3A_600 = tpu.memref_slice %arg30[%dma_start3A_599] : memref<10000xf32, #tpu.memory_space<vmem_shared>> -> memref<640xf32, #tpu.memory_space<vmem_shared>>
        %dma_start3A_601 = arith.constant 9360 : i32
        %dma_start3A_602 = tpu.memref_slice %arg30[%dma_start3A_601] : memref<10000xf32, #tpu.memory_space<vmem_shared>> -> memref<640xf32, #tpu.memory_space<vmem_shared>>
        tpu.enqueue_dma source(%dma_start3A_602 : memref<640xf32, #tpu.memory_space<vmem_shared>>) target(%arg32 : memref<640xf32, #tpu.memory_space<vmem>>) target_semaphore(%run_scoped3A_598 : memref<!tpu.dma_semaphore, #tpu.memory_space<semaphore_mem>>)
        %dma_wait3A_603 = arith.constant 9360 : i32
        %dma_wait3A_604 = tpu.memref_slice %arg30[%dma_wait3A_603] : memref<10000xf32, #tpu.memory_space<vmem_shared>> -> memref<640xf32, #tpu.memory_space<vmem_shared>>
        %dma_wait3A_605 = arith.constant 9360 : i32
        %dma_wait3A_606 = tpu.memref_slice %arg30[%dma_wait3A_605] : memref<10000xf32, #tpu.memory_space<vmem_shared>> -> memref<640xf32, #tpu.memory_space<vmem_shared>>
        tpu.wait_dma2 semaphore(%run_scoped3A_598 : memref<!tpu.dma_semaphore, #tpu.memory_space<semaphore_mem>>) src(%dma_wait3A_606 : memref<640xf32, #tpu.memory_space<vmem_shared>>) dst(%arg32 : memref<640xf32, #tpu.memory_space<vmem>>)
        tpu.yield
      }) : () -> ()
      %mul3A_594 = arith.constant 10000 : i32
      %mul3A_595 = arith.muli %arg0, %mul3A_594 : i32
      %add3A_596 = arith.constant 9360 : i32
      %add3A_597 = arith.addi %mul3A_595, %add3A_596 : i32
      "tpu.region"() ({
        %run_scoped3A_598 = tpu.sem_alloc : memref<!tpu.dma_semaphore, #tpu.memory_space<semaphore_mem>>
        %dma_start3A_599 = tpu.memref_slice %arg8[%add3A_597] : memref<20000xf32, #tpu.memory_space<hbm>> -> memref<640xf32, #tpu.memory_space<hbm>>
        %dma_start3A_600 = tpu.memref_slice %arg8[%add3A_597] : memref<20000xf32, #tpu.memory_space<hbm>> -> memref<640xf32, #tpu.memory_space<hbm>>
        tpu.enqueue_dma source(%arg32 : memref<640xf32, #tpu.memory_space<vmem>>) target(%dma_start3A_600 : memref<640xf32, #tpu.memory_space<hbm>>) target_semaphore(%run_scoped3A_598 : memref<!tpu.dma_semaphore, #tpu.memory_space<semaphore_mem>>)
        %dma_wait3A_601 = tpu.memref_slice %arg8[%add3A_597] : memref<20000xf32, #tpu.memory_space<hbm>> -> memref<640xf32, #tpu.memory_space<hbm>>
        %dma_wait3A_602 = tpu.memref_slice %arg8[%add3A_597] : memref<20000xf32, #tpu.memory_space<hbm>> -> memref<640xf32, #tpu.memory_space<hbm>>
        tpu.wait_dma2 semaphore(%run_scoped3A_598 : memref<!tpu.dma_semaphore, #tpu.memory_space<semaphore_mem>>) src(%arg32 : memref<640xf32, #tpu.memory_space<vmem>>) dst(%dma_wait3A_602 : memref<640xf32, #tpu.memory_space<hbm>>)
        tpu.yield
      }) : () -> ()
    } else {
    }
    return
  }
}

#map = affine_map<(d0, d1) -> (0, 0)>
#map1 = affine_map<(d0, d1) -> (0)>
#map2 = affine_map<(d0, d1) -> (0, 0, 0)>
module attributes {stable_mosaic.version = 14 : i64} {
  func.func @body(%arg0: i32, %arg1: i32, %arg2: memref<10000x16xf32, #tpu.memory_space<hbm>>, %arg3: memref<640x16xf32, #tpu.memory_space<hbm>>, %arg4: memref<640xf32, #tpu.memory_space<hbm>>, %arg5: memref<125xf32, #tpu.memory_space<hbm>>, %arg6: memref<2x2560x125xi32, #tpu.memory_space<hbm>>, %arg7: memref<20000x16xf32, #tpu.memory_space<hbm>>, %arg8: memref<10000x16xf32, #tpu.memory_space<vmem_shared>>, %arg9: memref<80x125xi32, #tpu.memory_space<vmem>>, %arg10: memref<80x125xi32, #tpu.memory_space<vmem>>, %arg11: memref<8x125x16xf32, #tpu.memory_space<vmem>>, %arg12: memref<640x16xf32, #tpu.memory_space<vmem>>, %arg13: memref<!tpu.dma_semaphore, #tpu.memory_space<semaphore_mem>>, %arg14: memref<!tpu.dma_semaphore, #tpu.memory_space<semaphore_mem>>, %arg15: memref<!tpu.dma_semaphore, #tpu.memory_space<semaphore_mem>>, %arg16: memref<!tpu.dma_semaphore, #tpu.memory_space<semaphore_mem>>, %arg17: memref<!tpu.dma_semaphore, #tpu.memory_space<semaphore_mem>>, %arg18: memref<!tpu.dma_semaphore, #tpu.memory_space<semaphore_mem>>, %arg19: memref<!tpu.dma_semaphore, #tpu.memory_space<semaphore_mem>>, %arg20: memref<!tpu.dma_semaphore, #tpu.memory_space<semaphore_mem>>, %arg21: memref<!tpu.dma_semaphore, #tpu.memory_space<semaphore_mem>>, %arg22: memref<!tpu.dma_semaphore, #tpu.memory_space<semaphore_mem>>, %arg23: memref<!tpu.dma_semaphore, #tpu.memory_space<semaphore_mem>>, %arg24: memref<!tpu.dma_semaphore, #tpu.memory_space<semaphore_mem>>, %arg25: memref<!tpu.dma_semaphore, #tpu.memory_space<semaphore_mem>>, %arg26: memref<!tpu.dma_semaphore, #tpu.memory_space<semaphore_mem>>, %arg27: memref<!tpu.dma_semaphore, #tpu.memory_space<semaphore_mem>>, %arg28: memref<!tpu.dma_semaphore, #tpu.memory_space<semaphore_mem>>) attributes {dimension_semantics = [#tpu.dimension_semantics<core_parallel>, #tpu.dimension_semantics<subcore_parallel>], iteration_bounds = array<i64: 2, 16>, scalar_prefetch = 0 : i64, scratch_operands = 21 : i64, tpu.core_type = #tpu.core_type<sc_vector_subcore>, window_params = [{transform_indices = #map}, {transform_indices = #map}, {transform_indices = #map1}, {transform_indices = #map1}, {transform_indices = #map2}, {transform_indices = #map}]} {
    %mul3A = arith.constant 16 : i32
    %mul3A_0 = arith.muli %arg0, %mul3A : i32
    %add3A = arith.addi %mul3A_0, %arg1 : i32
    %mul3A_1 = arith.constant 80 : i32
    %mul3A_2 = arith.muli %add3A, %mul3A_1 : i32
    %run_scoped3A = arith.constant 0 : i32
    "tpu.region"() ({
      %run_scoped3A_494 = tpu.sem_alloc : memref<!tpu.dma_semaphore, #tpu.memory_space<semaphore_mem>>
      %dma_start3A_495 = arith.constant 0 : i32
      %dma_start3A_496 = tpu.memref_slice %arg6[%run_scoped3A, %mul3A_2, %dma_start3A_495] : memref<2x2560x125xi32, #tpu.memory_space<hbm>> -> memref<1x80x125xi32, #tpu.memory_space<hbm>>
      %dma_start3A_497 = tpu.memref_squeeze %dma_start3A_496 : memref<1x80x125xi32, #tpu.memory_space<hbm>> -> memref<80x125xi32, #tpu.memory_space<hbm>>
      %dma_start3A_498 = arith.constant 0 : i32
      %dma_start3A_499 = tpu.memref_slice %arg6[%run_scoped3A, %mul3A_2, %dma_start3A_498] : memref<2x2560x125xi32, #tpu.memory_space<hbm>> -> memref<1x80x125xi32, #tpu.memory_space<hbm>>
      %dma_start3A_500 = tpu.memref_squeeze %dma_start3A_499 : memref<1x80x125xi32, #tpu.memory_space<hbm>> -> memref<80x125xi32, #tpu.memory_space<hbm>>
      tpu.enqueue_dma source(%dma_start3A_500 : memref<80x125xi32, #tpu.memory_space<hbm>>) target(%arg9 : memref<80x125xi32, #tpu.memory_space<vmem>>) target_semaphore(%run_scoped3A_494 : memref<!tpu.dma_semaphore, #tpu.memory_space<semaphore_mem>>)
      %dma_wait3A_501 = arith.constant 0 : i32
      %dma_wait3A_502 = tpu.memref_slice %arg6[%run_scoped3A, %mul3A_2, %dma_wait3A_501] : memref<2x2560x125xi32, #tpu.memory_space<hbm>> -> memref<1x80x125xi32, #tpu.memory_space<hbm>>
      %dma_wait3A_503 = tpu.memref_squeeze %dma_wait3A_502 : memref<1x80x125xi32, #tpu.memory_space<hbm>> -> memref<80x125xi32, #tpu.memory_space<hbm>>
      %dma_wait3A_504 = arith.constant 0 : i32
      %dma_wait3A_505 = tpu.memref_slice %arg6[%run_scoped3A, %mul3A_2, %dma_wait3A_504] : memref<2x2560x125xi32, #tpu.memory_space<hbm>> -> memref<1x80x125xi32, #tpu.memory_space<hbm>>
      %dma_wait3A_506 = tpu.memref_squeeze %dma_wait3A_505 : memref<1x80x125xi32, #tpu.memory_space<hbm>> -> memref<80x125xi32, #tpu.memory_space<hbm>>
      tpu.wait_dma2 semaphore(%run_scoped3A_494 : memref<!tpu.dma_semaphore, #tpu.memory_space<semaphore_mem>>) src(%dma_wait3A_506 : memref<80x125xi32, #tpu.memory_space<hbm>>) dst(%arg9 : memref<80x125xi32, #tpu.memory_space<vmem>>)
      tpu.yield
    }) : () -> ()
    %mul3A_3 = arith.constant 80 : i32
    %mul3A_4 = arith.muli %add3A, %mul3A_3 : i32
    %run_scoped3A_5 = arith.constant 1 : i32
    "tpu.region"() ({
      %run_scoped3A_494 = tpu.sem_alloc : memref<!tpu.dma_semaphore, #tpu.memory_space<semaphore_mem>>
      %dma_start3A_495 = arith.constant 0 : i32
      %dma_start3A_496 = tpu.memref_slice %arg6[%run_scoped3A_5, %mul3A_4, %dma_start3A_495] : memref<2x2560x125xi32, #tpu.memory_space<hbm>> -> memref<1x80x125xi32, #tpu.memory_space<hbm>>
      %dma_start3A_497 = tpu.memref_squeeze %dma_start3A_496 : memref<1x80x125xi32, #tpu.memory_space<hbm>> -> memref<80x125xi32, #tpu.memory_space<hbm>>
      %dma_start3A_498 = arith.constant 0 : i32
      %dma_start3A_499 = tpu.memref_slice %arg6[%run_scoped3A_5, %mul3A_4, %dma_start3A_498] : memref<2x2560x125xi32, #tpu.memory_space<hbm>> -> memref<1x80x125xi32, #tpu.memory_space<hbm>>
      %dma_start3A_500 = tpu.memref_squeeze %dma_start3A_499 : memref<1x80x125xi32, #tpu.memory_space<hbm>> -> memref<80x125xi32, #tpu.memory_space<hbm>>
      tpu.enqueue_dma source(%dma_start3A_500 : memref<80x125xi32, #tpu.memory_space<hbm>>) target(%arg10 : memref<80x125xi32, #tpu.memory_space<vmem>>) target_semaphore(%run_scoped3A_494 : memref<!tpu.dma_semaphore, #tpu.memory_space<semaphore_mem>>)
      %dma_wait3A_501 = arith.constant 0 : i32
      %dma_wait3A_502 = tpu.memref_slice %arg6[%run_scoped3A_5, %mul3A_4, %dma_wait3A_501] : memref<2x2560x125xi32, #tpu.memory_space<hbm>> -> memref<1x80x125xi32, #tpu.memory_space<hbm>>
      %dma_wait3A_503 = tpu.memref_squeeze %dma_wait3A_502 : memref<1x80x125xi32, #tpu.memory_space<hbm>> -> memref<80x125xi32, #tpu.memory_space<hbm>>
      %dma_wait3A_504 = arith.constant 0 : i32
      %dma_wait3A_505 = tpu.memref_slice %arg6[%run_scoped3A_5, %mul3A_4, %dma_wait3A_504] : memref<2x2560x125xi32, #tpu.memory_space<hbm>> -> memref<1x80x125xi32, #tpu.memory_space<hbm>>
      %dma_wait3A_506 = tpu.memref_squeeze %dma_wait3A_505 : memref<1x80x125xi32, #tpu.memory_space<hbm>> -> memref<80x125xi32, #tpu.memory_space<hbm>>
      tpu.wait_dma2 semaphore(%run_scoped3A_494 : memref<!tpu.dma_semaphore, #tpu.memory_space<semaphore_mem>>) src(%dma_wait3A_506 : memref<80x125xi32, #tpu.memory_space<hbm>>) dst(%arg10 : memref<80x125xi32, #tpu.memory_space<vmem>>)
      tpu.yield
    }) : () -> ()
    "tpu.region"() ({
      %run_scoped3A_494 = tpu.sem_alloc : memref<!tpu.dma_semaphore, #tpu.memory_space<semaphore_mem>>
      tpu.enqueue_dma source(%arg3 : memref<640x16xf32, #tpu.memory_space<hbm>>) target(%arg12 : memref<640x16xf32, #tpu.memory_space<vmem>>) target_semaphore(%run_scoped3A_494 : memref<!tpu.dma_semaphore, #tpu.memory_space<semaphore_mem>>)
      tpu.wait_dma2 semaphore(%run_scoped3A_494 : memref<!tpu.dma_semaphore, #tpu.memory_space<semaphore_mem>>) src(%arg3 : memref<640x16xf32, #tpu.memory_space<hbm>>) dst(%arg12 : memref<640x16xf32, #tpu.memory_space<vmem>>)
      tpu.yield
    }) : () -> ()
    %lt3A = arith.constant 15 : i32
    %lt3A_6 = arith.cmpi slt, %arg1, %lt3A : i32
    %convert_element_type3A = arith.extui %lt3A_6 : i1 to i32
    %cond3A = arith.constant 0 : i32
    %cond3A_7 = arith.cmpi ne, %convert_element_type3A, %cond3A : i32
    scf.if %cond3A_7 {
      %mul3A_494 = arith.constant 624 : i32
      %mul3A_495 = arith.muli %arg1, %mul3A_494 : i32
      "tpu.region"() ({
        %run_scoped3A_496 = tpu.sem_alloc : memref<!tpu.dma_semaphore, #tpu.memory_space<semaphore_mem>>
        %dma_start3A_497 = arith.constant 0 : i32
        %dma_start3A_498 = arith.constant 0 : i32
        %dma_start3A_499 = tpu.memref_slice %arg12[%dma_start3A_497, %dma_start3A_498] : memref<640x16xf32, #tpu.memory_space<vmem>> -> memref<624x16xf32, #tpu.memory_space<vmem>>
        %dma_start3A_500 = arith.constant 0 : i32
        %dma_start3A_501 = tpu.memref_slice %arg8[%mul3A_495, %dma_start3A_500] : memref<10000x16xf32, #tpu.memory_space<vmem_shared>> -> memref<624x16xf32, #tpu.memory_space<vmem_shared>>
        %dma_start3A_502 = arith.constant 0 : i32
        %dma_start3A_503 = tpu.memref_slice %arg8[%mul3A_495, %dma_start3A_502] : memref<10000x16xf32, #tpu.memory_space<vmem_shared>> -> memref<624x16xf32, #tpu.memory_space<vmem_shared>>
        %dma_start3A_504 = arith.constant 0 : i32
        %dma_start3A_505 = arith.constant 0 : i32
        %dma_start3A_506 = tpu.memref_slice %arg12[%dma_start3A_504, %dma_start3A_505] : memref<640x16xf32, #tpu.memory_space<vmem>> -> memref<624x16xf32, #tpu.memory_space<vmem>>
        tpu.enqueue_dma source(%dma_start3A_506 : memref<624x16xf32, #tpu.memory_space<vmem>>) target(%dma_start3A_503 : memref<624x16xf32, #tpu.memory_space<vmem_shared>>) target_semaphore(%run_scoped3A_496 : memref<!tpu.dma_semaphore, #tpu.memory_space<semaphore_mem>>)
        %dma_wait3A_507 = arith.constant 0 : i32
        %dma_wait3A_508 = arith.constant 0 : i32
        %dma_wait3A_509 = tpu.memref_slice %arg12[%dma_wait3A_507, %dma_wait3A_508] : memref<640x16xf32, #tpu.memory_space<vmem>> -> memref<624x16xf32, #tpu.memory_space<vmem>>
        %dma_wait3A_510 = arith.constant 0 : i32
        %dma_wait3A_511 = tpu.memref_slice %arg8[%mul3A_495, %dma_wait3A_510] : memref<10000x16xf32, #tpu.memory_space<vmem_shared>> -> memref<624x16xf32, #tpu.memory_space<vmem_shared>>
        %dma_wait3A_512 = arith.constant 0 : i32
        %dma_wait3A_513 = tpu.memref_slice %arg8[%mul3A_495, %dma_wait3A_512] : memref<10000x16xf32, #tpu.memory_space<vmem_shared>> -> memref<624x16xf32, #tpu.memory_space<vmem_shared>>
        %dma_wait3A_514 = arith.constant 0 : i32
        %dma_wait3A_515 = arith.constant 0 : i32
        %dma_wait3A_516 = tpu.memref_slice %arg12[%dma_wait3A_514, %dma_wait3A_515] : memref<640x16xf32, #tpu.memory_space<vmem>> -> memref<624x16xf32, #tpu.memory_space<vmem>>
        tpu.wait_dma2 semaphore(%run_scoped3A_496 : memref<!tpu.dma_semaphore, #tpu.memory_space<semaphore_mem>>) src(%dma_wait3A_516 : memref<624x16xf32, #tpu.memory_space<vmem>>) dst(%dma_wait3A_513 : memref<624x16xf32, #tpu.memory_space<vmem_shared>>)
        tpu.yield
      }) : () -> ()
    } else {
    }
    %eq3A = arith.constant 15 : i32
    %eq3A_8 = arith.cmpi eq, %arg1, %eq3A : i32
    %convert_element_type3A_9 = arith.extui %eq3A_8 : i1 to i32
    %cond3A_10 = arith.constant 0 : i32
    %cond3A_11 = arith.cmpi ne, %convert_element_type3A_9, %cond3A_10 : i32
    scf.if %cond3A_11 {
      "tpu.region"() ({
        %run_scoped3A_494 = tpu.sem_alloc : memref<!tpu.dma_semaphore, #tpu.memory_space<semaphore_mem>>
        %dma_start3A_495 = arith.constant 9360 : i32
        %dma_start3A_496 = arith.constant 0 : i32
        %dma_start3A_497 = tpu.memref_slice %arg8[%dma_start3A_495, %dma_start3A_496] : memref<10000x16xf32, #tpu.memory_space<vmem_shared>> -> memref<640x16xf32, #tpu.memory_space<vmem_shared>>
        %dma_start3A_498 = arith.constant 9360 : i32
        %dma_start3A_499 = arith.constant 0 : i32
        %dma_start3A_500 = tpu.memref_slice %arg8[%dma_start3A_498, %dma_start3A_499] : memref<10000x16xf32, #tpu.memory_space<vmem_shared>> -> memref<640x16xf32, #tpu.memory_space<vmem_shared>>
        tpu.enqueue_dma source(%arg12 : memref<640x16xf32, #tpu.memory_space<vmem>>) target(%dma_start3A_500 : memref<640x16xf32, #tpu.memory_space<vmem_shared>>) target_semaphore(%run_scoped3A_494 : memref<!tpu.dma_semaphore, #tpu.memory_space<semaphore_mem>>)
        %dma_wait3A_501 = arith.constant 9360 : i32
        %dma_wait3A_502 = arith.constant 0 : i32
        %dma_wait3A_503 = tpu.memref_slice %arg8[%dma_wait3A_501, %dma_wait3A_502] : memref<10000x16xf32, #tpu.memory_space<vmem_shared>> -> memref<640x16xf32, #tpu.memory_space<vmem_shared>>
        %dma_wait3A_504 = arith.constant 9360 : i32
        %dma_wait3A_505 = arith.constant 0 : i32
        %dma_wait3A_506 = tpu.memref_slice %arg8[%dma_wait3A_504, %dma_wait3A_505] : memref<10000x16xf32, #tpu.memory_space<vmem_shared>> -> memref<640x16xf32, #tpu.memory_space<vmem_shared>>
        tpu.wait_dma2 semaphore(%run_scoped3A_494 : memref<!tpu.dma_semaphore, #tpu.memory_space<semaphore_mem>>) src(%arg12 : memref<640x16xf32, #tpu.memory_space<vmem>>) dst(%dma_wait3A_506 : memref<640x16xf32, #tpu.memory_space<vmem_shared>>)
        tpu.yield
      }) : () -> ()
    } else {
    }
    %barrier3A = arith.constant 0 : index
    tpu.barrier barrier_id(%barrier3A)
    %dma_start3A = arith.constant 0 : i32
    %dma_start3A_12 = arith.constant 0 : i32
    %dma_start3A_13 = arith.constant 0 : i32
    %dma_start3A_14 = arith.constant 0 : i32
    %dma_start3A_15 = tpu.memref_slice %arg11[%dma_start3A_12, %dma_start3A_13, %dma_start3A_14] : memref<8x125x16xf32, #tpu.memory_space<vmem>> -> memref<1x125x16xf32, #tpu.memory_space<vmem>>
    %dma_start3A_16 = tpu.memref_squeeze %dma_start3A_15 : memref<1x125x16xf32, #tpu.memory_space<vmem>> -> memref<125x16xf32, #tpu.memory_space<vmem>>
    %dma_start3A_17 = arith.constant 0 : i32
    %dma_start3A_18 = tpu.memref_slice %arg9[%dma_start3A, %dma_start3A_17] : memref<80x125xi32, #tpu.memory_space<vmem>> -> memref<1x125xi32, #tpu.memory_space<vmem>>
    %dma_start3A_19 = tpu.memref_squeeze %dma_start3A_18 : memref<1x125xi32, #tpu.memory_space<vmem>> -> memref<125xi32, #tpu.memory_space<vmem>>
    %dma_start3A_20 = arith.constant 0 : i32
    %dma_start3A_21 = arith.constant 0 : i32
    %dma_start3A_22 = tpu.memref_slice %arg2[%dma_start3A_20, %dma_start3A_21] : memref<10000x16xf32, #tpu.memory_space<hbm>> -> memref<10000x16xf32, #tpu.memory_space<hbm>>
    tpu.enqueue_indirect_dma source(%dma_start3A_22 : memref<10000x16xf32, #tpu.memory_space<hbm>>) target(%dma_start3A_16 : memref<125x16xf32, #tpu.memory_space<vmem>>) offsets(%dma_start3A_19 : memref<125xi32, #tpu.memory_space<vmem>>) semaphore(%arg13 : memref<!tpu.dma_semaphore, #tpu.memory_space<semaphore_mem>>)
    %dma_start3A_23 = arith.constant 1 : i32
    %dma_start3A_24 = arith.constant 1 : i32
    %dma_start3A_25 = arith.constant 0 : i32
    %dma_start3A_26 = arith.constant 0 : i32
    %dma_start3A_27 = tpu.memref_slice %arg11[%dma_start3A_24, %dma_start3A_25, %dma_start3A_26] : memref<8x125x16xf32, #tpu.memory_space<vmem>> -> memref<1x125x16xf32, #tpu.memory_space<vmem>>
    %dma_start3A_28 = tpu.memref_squeeze %dma_start3A_27 : memref<1x125x16xf32, #tpu.memory_space<vmem>> -> memref<125x16xf32, #tpu.memory_space<vmem>>
    %dma_start3A_29 = arith.constant 0 : i32
    %dma_start3A_30 = tpu.memref_slice %arg9[%dma_start3A_23, %dma_start3A_29] : memref<80x125xi32, #tpu.memory_space<vmem>> -> memref<1x125xi32, #tpu.memory_space<vmem>>
    %dma_start3A_31 = tpu.memref_squeeze %dma_start3A_30 : memref<1x125xi32, #tpu.memory_space<vmem>> -> memref<125xi32, #tpu.memory_space<vmem>>
    %dma_start3A_32 = arith.constant 0 : i32
    %dma_start3A_33 = arith.constant 0 : i32
    %dma_start3A_34 = tpu.memref_slice %arg2[%dma_start3A_32, %dma_start3A_33] : memref<10000x16xf32, #tpu.memory_space<hbm>> -> memref<10000x16xf32, #tpu.memory_space<hbm>>
    tpu.enqueue_indirect_dma source(%dma_start3A_34 : memref<10000x16xf32, #tpu.memory_space<hbm>>) target(%dma_start3A_28 : memref<125x16xf32, #tpu.memory_space<vmem>>) offsets(%dma_start3A_31 : memref<125xi32, #tpu.memory_space<vmem>>) semaphore(%arg14 : memref<!tpu.dma_semaphore, #tpu.memory_space<semaphore_mem>>)
    %dma_start3A_35 = arith.constant 2 : i32
    %dma_start3A_36 = arith.constant 2 : i32
    %dma_start3A_37 = arith.constant 0 : i32
    %dma_start3A_38 = arith.constant 0 : i32
    %dma_start3A_39 = tpu.memref_slice %arg11[%dma_start3A_36, %dma_start3A_37, %dma_start3A_38] : memref<8x125x16xf32, #tpu.memory_space<vmem>> -> memref<1x125x16xf32, #tpu.memory_space<vmem>>
    %dma_start3A_40 = tpu.memref_squeeze %dma_start3A_39 : memref<1x125x16xf32, #tpu.memory_space<vmem>> -> memref<125x16xf32, #tpu.memory_space<vmem>>
    %dma_start3A_41 = arith.constant 0 : i32
    %dma_start3A_42 = tpu.memref_slice %arg9[%dma_start3A_35, %dma_start3A_41] : memref<80x125xi32, #tpu.memory_space<vmem>> -> memref<1x125xi32, #tpu.memory_space<vmem>>
    %dma_start3A_43 = tpu.memref_squeeze %dma_start3A_42 : memref<1x125xi32, #tpu.memory_space<vmem>> -> memref<125xi32, #tpu.memory_space<vmem>>
    %dma_start3A_44 = arith.constant 0 : i32
    %dma_start3A_45 = arith.constant 0 : i32
    %dma_start3A_46 = tpu.memref_slice %arg2[%dma_start3A_44, %dma_start3A_45] : memref<10000x16xf32, #tpu.memory_space<hbm>> -> memref<10000x16xf32, #tpu.memory_space<hbm>>
    tpu.enqueue_indirect_dma source(%dma_start3A_46 : memref<10000x16xf32, #tpu.memory_space<hbm>>) target(%dma_start3A_40 : memref<125x16xf32, #tpu.memory_space<vmem>>) offsets(%dma_start3A_43 : memref<125xi32, #tpu.memory_space<vmem>>) semaphore(%arg15 : memref<!tpu.dma_semaphore, #tpu.memory_space<semaphore_mem>>)
    %dma_start3A_47 = arith.constant 3 : i32
    %dma_start3A_48 = arith.constant 3 : i32
    %dma_start3A_49 = arith.constant 0 : i32
    %dma_start3A_50 = arith.constant 0 : i32
    %dma_start3A_51 = tpu.memref_slice %arg11[%dma_start3A_48, %dma_start3A_49, %dma_start3A_50] : memref<8x125x16xf32, #tpu.memory_space<vmem>> -> memref<1x125x16xf32, #tpu.memory_space<vmem>>
    %dma_start3A_52 = tpu.memref_squeeze %dma_start3A_51 : memref<1x125x16xf32, #tpu.memory_space<vmem>> -> memref<125x16xf32, #tpu.memory_space<vmem>>
    %dma_start3A_53 = arith.constant 0 : i32
    %dma_start3A_54 = tpu.memref_slice %arg9[%dma_start3A_47, %dma_start3A_53] : memref<80x125xi32, #tpu.memory_space<vmem>> -> memref<1x125xi32, #tpu.memory_space<vmem>>
    %dma_start3A_55 = tpu.memref_squeeze %dma_start3A_54 : memref<1x125xi32, #tpu.memory_space<vmem>> -> memref<125xi32, #tpu.memory_space<vmem>>
    %dma_start3A_56 = arith.constant 0 : i32
    %dma_start3A_57 = arith.constant 0 : i32
    %dma_start3A_58 = tpu.memref_slice %arg2[%dma_start3A_56, %dma_start3A_57] : memref<10000x16xf32, #tpu.memory_space<hbm>> -> memref<10000x16xf32, #tpu.memory_space<hbm>>
    tpu.enqueue_indirect_dma source(%dma_start3A_58 : memref<10000x16xf32, #tpu.memory_space<hbm>>) target(%dma_start3A_52 : memref<125x16xf32, #tpu.memory_space<vmem>>) offsets(%dma_start3A_55 : memref<125xi32, #tpu.memory_space<vmem>>) semaphore(%arg16 : memref<!tpu.dma_semaphore, #tpu.memory_space<semaphore_mem>>)
    %dma_start3A_59 = arith.constant 4 : i32
    %dma_start3A_60 = arith.constant 4 : i32
    %dma_start3A_61 = arith.constant 0 : i32
    %dma_start3A_62 = arith.constant 0 : i32
    %dma_start3A_63 = tpu.memref_slice %arg11[%dma_start3A_60, %dma_start3A_61, %dma_start3A_62] : memref<8x125x16xf32, #tpu.memory_space<vmem>> -> memref<1x125x16xf32, #tpu.memory_space<vmem>>
    %dma_start3A_64 = tpu.memref_squeeze %dma_start3A_63 : memref<1x125x16xf32, #tpu.memory_space<vmem>> -> memref<125x16xf32, #tpu.memory_space<vmem>>
    %dma_start3A_65 = arith.constant 0 : i32
    %dma_start3A_66 = tpu.memref_slice %arg9[%dma_start3A_59, %dma_start3A_65] : memref<80x125xi32, #tpu.memory_space<vmem>> -> memref<1x125xi32, #tpu.memory_space<vmem>>
    %dma_start3A_67 = tpu.memref_squeeze %dma_start3A_66 : memref<1x125xi32, #tpu.memory_space<vmem>> -> memref<125xi32, #tpu.memory_space<vmem>>
    %dma_start3A_68 = arith.constant 0 : i32
    %dma_start3A_69 = arith.constant 0 : i32
    %dma_start3A_70 = tpu.memref_slice %arg2[%dma_start3A_68, %dma_start3A_69] : memref<10000x16xf32, #tpu.memory_space<hbm>> -> memref<10000x16xf32, #tpu.memory_space<hbm>>
    tpu.enqueue_indirect_dma source(%dma_start3A_70 : memref<10000x16xf32, #tpu.memory_space<hbm>>) target(%dma_start3A_64 : memref<125x16xf32, #tpu.memory_space<vmem>>) offsets(%dma_start3A_67 : memref<125xi32, #tpu.memory_space<vmem>>) semaphore(%arg17 : memref<!tpu.dma_semaphore, #tpu.memory_space<semaphore_mem>>)
    %dma_start3A_71 = arith.constant 5 : i32
    %dma_start3A_72 = arith.constant 5 : i32
    %dma_start3A_73 = arith.constant 0 : i32
    %dma_start3A_74 = arith.constant 0 : i32
    %dma_start3A_75 = tpu.memref_slice %arg11[%dma_start3A_72, %dma_start3A_73, %dma_start3A_74] : memref<8x125x16xf32, #tpu.memory_space<vmem>> -> memref<1x125x16xf32, #tpu.memory_space<vmem>>
    %dma_start3A_76 = tpu.memref_squeeze %dma_start3A_75 : memref<1x125x16xf32, #tpu.memory_space<vmem>> -> memref<125x16xf32, #tpu.memory_space<vmem>>
    %dma_start3A_77 = arith.constant 0 : i32
    %dma_start3A_78 = tpu.memref_slice %arg9[%dma_start3A_71, %dma_start3A_77] : memref<80x125xi32, #tpu.memory_space<vmem>> -> memref<1x125xi32, #tpu.memory_space<vmem>>
    %dma_start3A_79 = tpu.memref_squeeze %dma_start3A_78 : memref<1x125xi32, #tpu.memory_space<vmem>> -> memref<125xi32, #tpu.memory_space<vmem>>
    %dma_start3A_80 = arith.constant 0 : i32
    %dma_start3A_81 = arith.constant 0 : i32
    %dma_start3A_82 = tpu.memref_slice %arg2[%dma_start3A_80, %dma_start3A_81] : memref<10000x16xf32, #tpu.memory_space<hbm>> -> memref<10000x16xf32, #tpu.memory_space<hbm>>
    tpu.enqueue_indirect_dma source(%dma_start3A_82 : memref<10000x16xf32, #tpu.memory_space<hbm>>) target(%dma_start3A_76 : memref<125x16xf32, #tpu.memory_space<vmem>>) offsets(%dma_start3A_79 : memref<125xi32, #tpu.memory_space<vmem>>) semaphore(%arg18 : memref<!tpu.dma_semaphore, #tpu.memory_space<semaphore_mem>>)
    %dma_start3A_83 = arith.constant 6 : i32
    %dma_start3A_84 = arith.constant 6 : i32
    %dma_start3A_85 = arith.constant 0 : i32
    %dma_start3A_86 = arith.constant 0 : i32
    %dma_start3A_87 = tpu.memref_slice %arg11[%dma_start3A_84, %dma_start3A_85, %dma_start3A_86] : memref<8x125x16xf32, #tpu.memory_space<vmem>> -> memref<1x125x16xf32, #tpu.memory_space<vmem>>
    %dma_start3A_88 = tpu.memref_squeeze %dma_start3A_87 : memref<1x125x16xf32, #tpu.memory_space<vmem>> -> memref<125x16xf32, #tpu.memory_space<vmem>>
    %dma_start3A_89 = arith.constant 0 : i32
    %dma_start3A_90 = tpu.memref_slice %arg9[%dma_start3A_83, %dma_start3A_89] : memref<80x125xi32, #tpu.memory_space<vmem>> -> memref<1x125xi32, #tpu.memory_space<vmem>>
    %dma_start3A_91 = tpu.memref_squeeze %dma_start3A_90 : memref<1x125xi32, #tpu.memory_space<vmem>> -> memref<125xi32, #tpu.memory_space<vmem>>
    %dma_start3A_92 = arith.constant 0 : i32
    %dma_start3A_93 = arith.constant 0 : i32
    %dma_start3A_94 = tpu.memref_slice %arg2[%dma_start3A_92, %dma_start3A_93] : memref<10000x16xf32, #tpu.memory_space<hbm>> -> memref<10000x16xf32, #tpu.memory_space<hbm>>
    tpu.enqueue_indirect_dma source(%dma_start3A_94 : memref<10000x16xf32, #tpu.memory_space<hbm>>) target(%dma_start3A_88 : memref<125x16xf32, #tpu.memory_space<vmem>>) offsets(%dma_start3A_91 : memref<125xi32, #tpu.memory_space<vmem>>) semaphore(%arg19 : memref<!tpu.dma_semaphore, #tpu.memory_space<semaphore_mem>>)
    %dma_wait3A = arith.constant 0 : i32
    %dma_wait3A_95 = arith.constant 0 : i32
    %dma_wait3A_96 = arith.constant 0 : i32
    %dma_wait3A_97 = arith.constant 0 : i32
    %dma_wait3A_98 = tpu.memref_slice %arg11[%dma_wait3A_95, %dma_wait3A_96, %dma_wait3A_97] : memref<8x125x16xf32, #tpu.memory_space<vmem>> -> memref<1x125x16xf32, #tpu.memory_space<vmem>>
    %dma_wait3A_99 = tpu.memref_squeeze %dma_wait3A_98 : memref<1x125x16xf32, #tpu.memory_space<vmem>> -> memref<125x16xf32, #tpu.memory_space<vmem>>
    %dma_wait3A_100 = arith.constant 0 : i32
    %dma_wait3A_101 = tpu.memref_slice %arg9[%dma_wait3A, %dma_wait3A_100] : memref<80x125xi32, #tpu.memory_space<vmem>> -> memref<1x125xi32, #tpu.memory_space<vmem>>
    %dma_wait3A_102 = tpu.memref_squeeze %dma_wait3A_101 : memref<1x125xi32, #tpu.memory_space<vmem>> -> memref<125xi32, #tpu.memory_space<vmem>>
    %dma_wait3A_103 = arith.constant 0 : i32
    %dma_wait3A_104 = arith.constant 0 : i32
    %dma_wait3A_105 = tpu.memref_slice %arg2[%dma_wait3A_103, %dma_wait3A_104] : memref<10000x16xf32, #tpu.memory_space<hbm>> -> memref<10000x16xf32, #tpu.memory_space<hbm>>
    tpu.wait_indirect_dma semaphore(%arg13 : memref<!tpu.dma_semaphore, #tpu.memory_space<semaphore_mem>>) src(%dma_wait3A_105 : memref<10000x16xf32, #tpu.memory_space<hbm>>) dst(%dma_wait3A_99 : memref<125x16xf32, #tpu.memory_space<vmem>>)
    %dma_start3A_106 = arith.constant 0 : i32
    %dma_start3A_107 = arith.constant 0 : i32
    %dma_start3A_108 = arith.constant 0 : i32
    %dma_start3A_109 = arith.constant 0 : i32
    %dma_start3A_110 = tpu.memref_slice %arg11[%dma_start3A_106, %dma_start3A_108, %dma_start3A_109] : memref<8x125x16xf32, #tpu.memory_space<vmem>> -> memref<1x125x16xf32, #tpu.memory_space<vmem>>
    %dma_start3A_111 = tpu.memref_squeeze %dma_start3A_110 : memref<1x125x16xf32, #tpu.memory_space<vmem>> -> memref<125x16xf32, #tpu.memory_space<vmem>>
    %dma_start3A_112 = arith.constant 0 : i32
    %dma_start3A_113 = tpu.memref_slice %arg10[%dma_start3A_107, %dma_start3A_112] : memref<80x125xi32, #tpu.memory_space<vmem>> -> memref<1x125xi32, #tpu.memory_space<vmem>>
    %dma_start3A_114 = tpu.memref_squeeze %dma_start3A_113 : memref<1x125xi32, #tpu.memory_space<vmem>> -> memref<125xi32, #tpu.memory_space<vmem>>
    %dma_start3A_115 = arith.constant 0 : i32
    %dma_start3A_116 = arith.constant 0 : i32
    %dma_start3A_117 = tpu.memref_slice %arg8[%dma_start3A_115, %dma_start3A_116] : memref<10000x16xf32, #tpu.memory_space<vmem_shared>> -> memref<10000x16xf32, #tpu.memory_space<vmem_shared>>
    tpu.enqueue_indirect_dma source(%dma_start3A_111 : memref<125x16xf32, #tpu.memory_space<vmem>>) target(%dma_start3A_117 : memref<10000x16xf32, #tpu.memory_space<vmem_shared>>) offsets(%dma_start3A_114 : memref<125xi32, #tpu.memory_space<vmem>>) semaphore(%arg21 : memref<!tpu.dma_semaphore, #tpu.memory_space<semaphore_mem>>) {add = true}
    %dma_start3A_118 = arith.constant 7 : i32
    %dma_start3A_119 = arith.constant 7 : i32
    %dma_start3A_120 = arith.constant 0 : i32
    %dma_start3A_121 = arith.constant 0 : i32
    %dma_start3A_122 = tpu.memref_slice %arg11[%dma_start3A_119, %dma_start3A_120, %dma_start3A_121] : memref<8x125x16xf32, #tpu.memory_space<vmem>> -> memref<1x125x16xf32, #tpu.memory_space<vmem>>
    %dma_start3A_123 = tpu.memref_squeeze %dma_start3A_122 : memref<1x125x16xf32, #tpu.memory_space<vmem>> -> memref<125x16xf32, #tpu.memory_space<vmem>>
    %dma_start3A_124 = arith.constant 0 : i32
    %dma_start3A_125 = tpu.memref_slice %arg9[%dma_start3A_118, %dma_start3A_124] : memref<80x125xi32, #tpu.memory_space<vmem>> -> memref<1x125xi32, #tpu.memory_space<vmem>>
    %dma_start3A_126 = tpu.memref_squeeze %dma_start3A_125 : memref<1x125xi32, #tpu.memory_space<vmem>> -> memref<125xi32, #tpu.memory_space<vmem>>
    %dma_start3A_127 = arith.constant 0 : i32
    %dma_start3A_128 = arith.constant 0 : i32
    %dma_start3A_129 = tpu.memref_slice %arg2[%dma_start3A_127, %dma_start3A_128] : memref<10000x16xf32, #tpu.memory_space<hbm>> -> memref<10000x16xf32, #tpu.memory_space<hbm>>
    tpu.enqueue_indirect_dma source(%dma_start3A_129 : memref<10000x16xf32, #tpu.memory_space<hbm>>) target(%dma_start3A_123 : memref<125x16xf32, #tpu.memory_space<vmem>>) offsets(%dma_start3A_126 : memref<125xi32, #tpu.memory_space<vmem>>) semaphore(%arg20 : memref<!tpu.dma_semaphore, #tpu.memory_space<semaphore_mem>>)
    %dma_wait3A_130 = arith.constant 1 : i32
    %dma_wait3A_131 = arith.constant 1 : i32
    %dma_wait3A_132 = arith.constant 0 : i32
    %dma_wait3A_133 = arith.constant 0 : i32
    %dma_wait3A_134 = tpu.memref_slice %arg11[%dma_wait3A_131, %dma_wait3A_132, %dma_wait3A_133] : memref<8x125x16xf32, #tpu.memory_space<vmem>> -> memref<1x125x16xf32, #tpu.memory_space<vmem>>
    %dma_wait3A_135 = tpu.memref_squeeze %dma_wait3A_134 : memref<1x125x16xf32, #tpu.memory_space<vmem>> -> memref<125x16xf32, #tpu.memory_space<vmem>>
    %dma_wait3A_136 = arith.constant 0 : i32
    %dma_wait3A_137 = tpu.memref_slice %arg9[%dma_wait3A_130, %dma_wait3A_136] : memref<80x125xi32, #tpu.memory_space<vmem>> -> memref<1x125xi32, #tpu.memory_space<vmem>>
    %dma_wait3A_138 = tpu.memref_squeeze %dma_wait3A_137 : memref<1x125xi32, #tpu.memory_space<vmem>> -> memref<125xi32, #tpu.memory_space<vmem>>
    %dma_wait3A_139 = arith.constant 0 : i32
    %dma_wait3A_140 = arith.constant 0 : i32
    %dma_wait3A_141 = tpu.memref_slice %arg2[%dma_wait3A_139, %dma_wait3A_140] : memref<10000x16xf32, #tpu.memory_space<hbm>> -> memref<10000x16xf32, #tpu.memory_space<hbm>>
    tpu.wait_indirect_dma semaphore(%arg14 : memref<!tpu.dma_semaphore, #tpu.memory_space<semaphore_mem>>) src(%dma_wait3A_141 : memref<10000x16xf32, #tpu.memory_space<hbm>>) dst(%dma_wait3A_135 : memref<125x16xf32, #tpu.memory_space<vmem>>)
    %dma_start3A_142 = arith.constant 1 : i32
    %dma_start3A_143 = arith.constant 1 : i32
    %dma_start3A_144 = arith.constant 0 : i32
    %dma_start3A_145 = arith.constant 0 : i32
    %dma_start3A_146 = tpu.memref_slice %arg11[%dma_start3A_142, %dma_start3A_144, %dma_start3A_145] : memref<8x125x16xf32, #tpu.memory_space<vmem>> -> memref<1x125x16xf32, #tpu.memory_space<vmem>>
    %dma_start3A_147 = tpu.memref_squeeze %dma_start3A_146 : memref<1x125x16xf32, #tpu.memory_space<vmem>> -> memref<125x16xf32, #tpu.memory_space<vmem>>
    %dma_start3A_148 = arith.constant 0 : i32
    %dma_start3A_149 = tpu.memref_slice %arg10[%dma_start3A_143, %dma_start3A_148] : memref<80x125xi32, #tpu.memory_space<vmem>> -> memref<1x125xi32, #tpu.memory_space<vmem>>
    %dma_start3A_150 = tpu.memref_squeeze %dma_start3A_149 : memref<1x125xi32, #tpu.memory_space<vmem>> -> memref<125xi32, #tpu.memory_space<vmem>>
    %dma_start3A_151 = arith.constant 0 : i32
    %dma_start3A_152 = arith.constant 0 : i32
    %dma_start3A_153 = tpu.memref_slice %arg8[%dma_start3A_151, %dma_start3A_152] : memref<10000x16xf32, #tpu.memory_space<vmem_shared>> -> memref<10000x16xf32, #tpu.memory_space<vmem_shared>>
    tpu.enqueue_indirect_dma source(%dma_start3A_147 : memref<125x16xf32, #tpu.memory_space<vmem>>) target(%dma_start3A_153 : memref<10000x16xf32, #tpu.memory_space<vmem_shared>>) offsets(%dma_start3A_150 : memref<125xi32, #tpu.memory_space<vmem>>) semaphore(%arg22 : memref<!tpu.dma_semaphore, #tpu.memory_space<semaphore_mem>>) {add = true}
    %dma_wait3A_154 = arith.constant 0 : i32
    %dma_wait3A_155 = arith.constant 0 : i32
    %dma_wait3A_156 = arith.constant 0 : i32
    %dma_wait3A_157 = arith.constant 0 : i32
    %dma_wait3A_158 = tpu.memref_slice %arg11[%dma_wait3A_154, %dma_wait3A_156, %dma_wait3A_157] : memref<8x125x16xf32, #tpu.memory_space<vmem>> -> memref<1x125x16xf32, #tpu.memory_space<vmem>>
    %dma_wait3A_159 = tpu.memref_squeeze %dma_wait3A_158 : memref<1x125x16xf32, #tpu.memory_space<vmem>> -> memref<125x16xf32, #tpu.memory_space<vmem>>
    %dma_wait3A_160 = arith.constant 0 : i32
    %dma_wait3A_161 = tpu.memref_slice %arg10[%dma_wait3A_155, %dma_wait3A_160] : memref<80x125xi32, #tpu.memory_space<vmem>> -> memref<1x125xi32, #tpu.memory_space<vmem>>
    %dma_wait3A_162 = tpu.memref_squeeze %dma_wait3A_161 : memref<1x125xi32, #tpu.memory_space<vmem>> -> memref<125xi32, #tpu.memory_space<vmem>>
    %dma_wait3A_163 = arith.constant 0 : i32
    %dma_wait3A_164 = arith.constant 0 : i32
    %dma_wait3A_165 = tpu.memref_slice %arg8[%dma_wait3A_163, %dma_wait3A_164] : memref<10000x16xf32, #tpu.memory_space<vmem_shared>> -> memref<10000x16xf32, #tpu.memory_space<vmem_shared>>
    tpu.wait_indirect_dma semaphore(%arg21 : memref<!tpu.dma_semaphore, #tpu.memory_space<semaphore_mem>>) src(%dma_wait3A_159 : memref<125x16xf32, #tpu.memory_space<vmem>>) dst(%dma_wait3A_165 : memref<10000x16xf32, #tpu.memory_space<vmem_shared>>)
    %dma_start3A_166 = arith.constant 8 : i32
    %dma_start3A_167 = arith.constant 0 : i32
    %dma_start3A_168 = arith.constant 0 : i32
    %dma_start3A_169 = arith.constant 0 : i32
    %dma_start3A_170 = tpu.memref_slice %arg11[%dma_start3A_167, %dma_start3A_168, %dma_start3A_169] : memref<8x125x16xf32, #tpu.memory_space<vmem>> -> memref<1x125x16xf32, #tpu.memory_space<vmem>>
    %dma_start3A_171 = tpu.memref_squeeze %dma_start3A_170 : memref<1x125x16xf32, #tpu.memory_space<vmem>> -> memref<125x16xf32, #tpu.memory_space<vmem>>
    %dma_start3A_172 = arith.constant 0 : i32
    %dma_start3A_173 = tpu.memref_slice %arg9[%dma_start3A_166, %dma_start3A_172] : memref<80x125xi32, #tpu.memory_space<vmem>> -> memref<1x125xi32, #tpu.memory_space<vmem>>
    %dma_start3A_174 = tpu.memref_squeeze %dma_start3A_173 : memref<1x125xi32, #tpu.memory_space<vmem>> -> memref<125xi32, #tpu.memory_space<vmem>>
    %dma_start3A_175 = arith.constant 0 : i32
    %dma_start3A_176 = arith.constant 0 : i32
    %dma_start3A_177 = tpu.memref_slice %arg2[%dma_start3A_175, %dma_start3A_176] : memref<10000x16xf32, #tpu.memory_space<hbm>> -> memref<10000x16xf32, #tpu.memory_space<hbm>>
    tpu.enqueue_indirect_dma source(%dma_start3A_177 : memref<10000x16xf32, #tpu.memory_space<hbm>>) target(%dma_start3A_171 : memref<125x16xf32, #tpu.memory_space<vmem>>) offsets(%dma_start3A_174 : memref<125xi32, #tpu.memory_space<vmem>>) semaphore(%arg13 : memref<!tpu.dma_semaphore, #tpu.memory_space<semaphore_mem>>)
    %dma_wait3A_178 = arith.constant 2 : i32
    %dma_wait3A_179 = arith.constant 2 : i32
    %dma_wait3A_180 = arith.constant 0 : i32
    %dma_wait3A_181 = arith.constant 0 : i32
    %dma_wait3A_182 = tpu.memref_slice %arg11[%dma_wait3A_179, %dma_wait3A_180, %dma_wait3A_181] : memref<8x125x16xf32, #tpu.memory_space<vmem>> -> memref<1x125x16xf32, #tpu.memory_space<vmem>>
    %dma_wait3A_183 = tpu.memref_squeeze %dma_wait3A_182 : memref<1x125x16xf32, #tpu.memory_space<vmem>> -> memref<125x16xf32, #tpu.memory_space<vmem>>
    %dma_wait3A_184 = arith.constant 0 : i32
    %dma_wait3A_185 = tpu.memref_slice %arg9[%dma_wait3A_178, %dma_wait3A_184] : memref<80x125xi32, #tpu.memory_space<vmem>> -> memref<1x125xi32, #tpu.memory_space<vmem>>
    %dma_wait3A_186 = tpu.memref_squeeze %dma_wait3A_185 : memref<1x125xi32, #tpu.memory_space<vmem>> -> memref<125xi32, #tpu.memory_space<vmem>>
    %dma_wait3A_187 = arith.constant 0 : i32
    %dma_wait3A_188 = arith.constant 0 : i32
    %dma_wait3A_189 = tpu.memref_slice %arg2[%dma_wait3A_187, %dma_wait3A_188] : memref<10000x16xf32, #tpu.memory_space<hbm>> -> memref<10000x16xf32, #tpu.memory_space<hbm>>
    tpu.wait_indirect_dma semaphore(%arg15 : memref<!tpu.dma_semaphore, #tpu.memory_space<semaphore_mem>>) src(%dma_wait3A_189 : memref<10000x16xf32, #tpu.memory_space<hbm>>) dst(%dma_wait3A_183 : memref<125x16xf32, #tpu.memory_space<vmem>>)
    %dma_start3A_190 = arith.constant 2 : i32
    %dma_start3A_191 = arith.constant 2 : i32
    %dma_start3A_192 = arith.constant 0 : i32
    %dma_start3A_193 = arith.constant 0 : i32
    %dma_start3A_194 = tpu.memref_slice %arg11[%dma_start3A_190, %dma_start3A_192, %dma_start3A_193] : memref<8x125x16xf32, #tpu.memory_space<vmem>> -> memref<1x125x16xf32, #tpu.memory_space<vmem>>
    %dma_start3A_195 = tpu.memref_squeeze %dma_start3A_194 : memref<1x125x16xf32, #tpu.memory_space<vmem>> -> memref<125x16xf32, #tpu.memory_space<vmem>>
    %dma_start3A_196 = arith.constant 0 : i32
    %dma_start3A_197 = tpu.memref_slice %arg10[%dma_start3A_191, %dma_start3A_196] : memref<80x125xi32, #tpu.memory_space<vmem>> -> memref<1x125xi32, #tpu.memory_space<vmem>>
    %dma_start3A_198 = tpu.memref_squeeze %dma_start3A_197 : memref<1x125xi32, #tpu.memory_space<vmem>> -> memref<125xi32, #tpu.memory_space<vmem>>
    %dma_start3A_199 = arith.constant 0 : i32
    %dma_start3A_200 = arith.constant 0 : i32
    %dma_start3A_201 = tpu.memref_slice %arg8[%dma_start3A_199, %dma_start3A_200] : memref<10000x16xf32, #tpu.memory_space<vmem_shared>> -> memref<10000x16xf32, #tpu.memory_space<vmem_shared>>
    tpu.enqueue_indirect_dma source(%dma_start3A_195 : memref<125x16xf32, #tpu.memory_space<vmem>>) target(%dma_start3A_201 : memref<10000x16xf32, #tpu.memory_space<vmem_shared>>) offsets(%dma_start3A_198 : memref<125xi32, #tpu.memory_space<vmem>>) semaphore(%arg23 : memref<!tpu.dma_semaphore, #tpu.memory_space<semaphore_mem>>) {add = true}
    %dma_wait3A_202 = arith.constant 1 : i32
    %dma_wait3A_203 = arith.constant 1 : i32
    %dma_wait3A_204 = arith.constant 0 : i32
    %dma_wait3A_205 = arith.constant 0 : i32
    %dma_wait3A_206 = tpu.memref_slice %arg11[%dma_wait3A_202, %dma_wait3A_204, %dma_wait3A_205] : memref<8x125x16xf32, #tpu.memory_space<vmem>> -> memref<1x125x16xf32, #tpu.memory_space<vmem>>
    %dma_wait3A_207 = tpu.memref_squeeze %dma_wait3A_206 : memref<1x125x16xf32, #tpu.memory_space<vmem>> -> memref<125x16xf32, #tpu.memory_space<vmem>>
    %dma_wait3A_208 = arith.constant 0 : i32
    %dma_wait3A_209 = tpu.memref_slice %arg10[%dma_wait3A_203, %dma_wait3A_208] : memref<80x125xi32, #tpu.memory_space<vmem>> -> memref<1x125xi32, #tpu.memory_space<vmem>>
    %dma_wait3A_210 = tpu.memref_squeeze %dma_wait3A_209 : memref<1x125xi32, #tpu.memory_space<vmem>> -> memref<125xi32, #tpu.memory_space<vmem>>
    %dma_wait3A_211 = arith.constant 0 : i32
    %dma_wait3A_212 = arith.constant 0 : i32
    %dma_wait3A_213 = tpu.memref_slice %arg8[%dma_wait3A_211, %dma_wait3A_212] : memref<10000x16xf32, #tpu.memory_space<vmem_shared>> -> memref<10000x16xf32, #tpu.memory_space<vmem_shared>>
    tpu.wait_indirect_dma semaphore(%arg22 : memref<!tpu.dma_semaphore, #tpu.memory_space<semaphore_mem>>) src(%dma_wait3A_207 : memref<125x16xf32, #tpu.memory_space<vmem>>) dst(%dma_wait3A_213 : memref<10000x16xf32, #tpu.memory_space<vmem_shared>>)
    %dma_start3A_214 = arith.constant 9 : i32
    %dma_start3A_215 = arith.constant 1 : i32
    %dma_start3A_216 = arith.constant 0 : i32
    %dma_start3A_217 = arith.constant 0 : i32
    %dma_start3A_218 = tpu.memref_slice %arg11[%dma_start3A_215, %dma_start3A_216, %dma_start3A_217] : memref<8x125x16xf32, #tpu.memory_space<vmem>> -> memref<1x125x16xf32, #tpu.memory_space<vmem>>
    %dma_start3A_219 = tpu.memref_squeeze %dma_start3A_218 : memref<1x125x16xf32, #tpu.memory_space<vmem>> -> memref<125x16xf32, #tpu.memory_space<vmem>>
    %dma_start3A_220 = arith.constant 0 : i32
    %dma_start3A_221 = tpu.memref_slice %arg9[%dma_start3A_214, %dma_start3A_220] : memref<80x125xi32, #tpu.memory_space<vmem>> -> memref<1x125xi32, #tpu.memory_space<vmem>>
    %dma_start3A_222 = tpu.memref_squeeze %dma_start3A_221 : memref<1x125xi32, #tpu.memory_space<vmem>> -> memref<125xi32, #tpu.memory_space<vmem>>
    %dma_start3A_223 = arith.constant 0 : i32
    %dma_start3A_224 = arith.constant 0 : i32
    %dma_start3A_225 = tpu.memref_slice %arg2[%dma_start3A_223, %dma_start3A_224] : memref<10000x16xf32, #tpu.memory_space<hbm>> -> memref<10000x16xf32, #tpu.memory_space<hbm>>
    tpu.enqueue_indirect_dma source(%dma_start3A_225 : memref<10000x16xf32, #tpu.memory_space<hbm>>) target(%dma_start3A_219 : memref<125x16xf32, #tpu.memory_space<vmem>>) offsets(%dma_start3A_222 : memref<125xi32, #tpu.memory_space<vmem>>) semaphore(%arg14 : memref<!tpu.dma_semaphore, #tpu.memory_space<semaphore_mem>>)
    %dma_wait3A_226 = arith.constant 3 : i32
    %dma_wait3A_227 = arith.constant 3 : i32
    %dma_wait3A_228 = arith.constant 0 : i32
    %dma_wait3A_229 = arith.constant 0 : i32
    %dma_wait3A_230 = tpu.memref_slice %arg11[%dma_wait3A_227, %dma_wait3A_228, %dma_wait3A_229] : memref<8x125x16xf32, #tpu.memory_space<vmem>> -> memref<1x125x16xf32, #tpu.memory_space<vmem>>
    %dma_wait3A_231 = tpu.memref_squeeze %dma_wait3A_230 : memref<1x125x16xf32, #tpu.memory_space<vmem>> -> memref<125x16xf32, #tpu.memory_space<vmem>>
    %dma_wait3A_232 = arith.constant 0 : i32
    %dma_wait3A_233 = tpu.memref_slice %arg9[%dma_wait3A_226, %dma_wait3A_232] : memref<80x125xi32, #tpu.memory_space<vmem>> -> memref<1x125xi32, #tpu.memory_space<vmem>>
    %dma_wait3A_234 = tpu.memref_squeeze %dma_wait3A_233 : memref<1x125xi32, #tpu.memory_space<vmem>> -> memref<125xi32, #tpu.memory_space<vmem>>
    %dma_wait3A_235 = arith.constant 0 : i32
    %dma_wait3A_236 = arith.constant 0 : i32
    %dma_wait3A_237 = tpu.memref_slice %arg2[%dma_wait3A_235, %dma_wait3A_236] : memref<10000x16xf32, #tpu.memory_space<hbm>> -> memref<10000x16xf32, #tpu.memory_space<hbm>>
    tpu.wait_indirect_dma semaphore(%arg16 : memref<!tpu.dma_semaphore, #tpu.memory_space<semaphore_mem>>) src(%dma_wait3A_237 : memref<10000x16xf32, #tpu.memory_space<hbm>>) dst(%dma_wait3A_231 : memref<125x16xf32, #tpu.memory_space<vmem>>)
    %dma_start3A_238 = arith.constant 3 : i32
    %dma_start3A_239 = arith.constant 3 : i32
    %dma_start3A_240 = arith.constant 0 : i32
    %dma_start3A_241 = arith.constant 0 : i32
    %dma_start3A_242 = tpu.memref_slice %arg11[%dma_start3A_238, %dma_start3A_240, %dma_start3A_241] : memref<8x125x16xf32, #tpu.memory_space<vmem>> -> memref<1x125x16xf32, #tpu.memory_space<vmem>>
    %dma_start3A_243 = tpu.memref_squeeze %dma_start3A_242 : memref<1x125x16xf32, #tpu.memory_space<vmem>> -> memref<125x16xf32, #tpu.memory_space<vmem>>
    %dma_start3A_244 = arith.constant 0 : i32
    %dma_start3A_245 = tpu.memref_slice %arg10[%dma_start3A_239, %dma_start3A_244] : memref<80x125xi32, #tpu.memory_space<vmem>> -> memref<1x125xi32, #tpu.memory_space<vmem>>
    %dma_start3A_246 = tpu.memref_squeeze %dma_start3A_245 : memref<1x125xi32, #tpu.memory_space<vmem>> -> memref<125xi32, #tpu.memory_space<vmem>>
    %dma_start3A_247 = arith.constant 0 : i32
    %dma_start3A_248 = arith.constant 0 : i32
    %dma_start3A_249 = tpu.memref_slice %arg8[%dma_start3A_247, %dma_start3A_248] : memref<10000x16xf32, #tpu.memory_space<vmem_shared>> -> memref<10000x16xf32, #tpu.memory_space<vmem_shared>>
    tpu.enqueue_indirect_dma source(%dma_start3A_243 : memref<125x16xf32, #tpu.memory_space<vmem>>) target(%dma_start3A_249 : memref<10000x16xf32, #tpu.memory_space<vmem_shared>>) offsets(%dma_start3A_246 : memref<125xi32, #tpu.memory_space<vmem>>) semaphore(%arg24 : memref<!tpu.dma_semaphore, #tpu.memory_space<semaphore_mem>>) {add = true}
    %dma_wait3A_250 = arith.constant 2 : i32
    %dma_wait3A_251 = arith.constant 2 : i32
    %dma_wait3A_252 = arith.constant 0 : i32
    %dma_wait3A_253 = arith.constant 0 : i32
    %dma_wait3A_254 = tpu.memref_slice %arg11[%dma_wait3A_250, %dma_wait3A_252, %dma_wait3A_253] : memref<8x125x16xf32, #tpu.memory_space<vmem>> -> memref<1x125x16xf32, #tpu.memory_space<vmem>>
    %dma_wait3A_255 = tpu.memref_squeeze %dma_wait3A_254 : memref<1x125x16xf32, #tpu.memory_space<vmem>> -> memref<125x16xf32, #tpu.memory_space<vmem>>
    %dma_wait3A_256 = arith.constant 0 : i32
    %dma_wait3A_257 = tpu.memref_slice %arg10[%dma_wait3A_251, %dma_wait3A_256] : memref<80x125xi32, #tpu.memory_space<vmem>> -> memref<1x125xi32, #tpu.memory_space<vmem>>
    %dma_wait3A_258 = tpu.memref_squeeze %dma_wait3A_257 : memref<1x125xi32, #tpu.memory_space<vmem>> -> memref<125xi32, #tpu.memory_space<vmem>>
    %dma_wait3A_259 = arith.constant 0 : i32
    %dma_wait3A_260 = arith.constant 0 : i32
    %dma_wait3A_261 = tpu.memref_slice %arg8[%dma_wait3A_259, %dma_wait3A_260] : memref<10000x16xf32, #tpu.memory_space<vmem_shared>> -> memref<10000x16xf32, #tpu.memory_space<vmem_shared>>
    tpu.wait_indirect_dma semaphore(%arg23 : memref<!tpu.dma_semaphore, #tpu.memory_space<semaphore_mem>>) src(%dma_wait3A_255 : memref<125x16xf32, #tpu.memory_space<vmem>>) dst(%dma_wait3A_261 : memref<10000x16xf32, #tpu.memory_space<vmem_shared>>)
    %dma_start3A_262 = arith.constant 10 : i32
    %dma_start3A_263 = arith.constant 2 : i32
    %dma_start3A_264 = arith.constant 0 : i32
    %dma_start3A_265 = arith.constant 0 : i32
    %dma_start3A_266 = tpu.memref_slice %arg11[%dma_start3A_263, %dma_start3A_264, %dma_start3A_265] : memref<8x125x16xf32, #tpu.memory_space<vmem>> -> memref<1x125x16xf32, #tpu.memory_space<vmem>>
    %dma_start3A_267 = tpu.memref_squeeze %dma_start3A_266 : memref<1x125x16xf32, #tpu.memory_space<vmem>> -> memref<125x16xf32, #tpu.memory_space<vmem>>
    %dma_start3A_268 = arith.constant 0 : i32
    %dma_start3A_269 = tpu.memref_slice %arg9[%dma_start3A_262, %dma_start3A_268] : memref<80x125xi32, #tpu.memory_space<vmem>> -> memref<1x125xi32, #tpu.memory_space<vmem>>
    %dma_start3A_270 = tpu.memref_squeeze %dma_start3A_269 : memref<1x125xi32, #tpu.memory_space<vmem>> -> memref<125xi32, #tpu.memory_space<vmem>>
    %dma_start3A_271 = arith.constant 0 : i32
    %dma_start3A_272 = arith.constant 0 : i32
    %dma_start3A_273 = tpu.memref_slice %arg2[%dma_start3A_271, %dma_start3A_272] : memref<10000x16xf32, #tpu.memory_space<hbm>> -> memref<10000x16xf32, #tpu.memory_space<hbm>>
    tpu.enqueue_indirect_dma source(%dma_start3A_273 : memref<10000x16xf32, #tpu.memory_space<hbm>>) target(%dma_start3A_267 : memref<125x16xf32, #tpu.memory_space<vmem>>) offsets(%dma_start3A_270 : memref<125xi32, #tpu.memory_space<vmem>>) semaphore(%arg15 : memref<!tpu.dma_semaphore, #tpu.memory_space<semaphore_mem>>)
    %dma_wait3A_274 = arith.constant 4 : i32
    %dma_wait3A_275 = arith.constant 4 : i32
    %dma_wait3A_276 = arith.constant 0 : i32
    %dma_wait3A_277 = arith.constant 0 : i32
    %dma_wait3A_278 = tpu.memref_slice %arg11[%dma_wait3A_275, %dma_wait3A_276, %dma_wait3A_277] : memref<8x125x16xf32, #tpu.memory_space<vmem>> -> memref<1x125x16xf32, #tpu.memory_space<vmem>>
    %dma_wait3A_279 = tpu.memref_squeeze %dma_wait3A_278 : memref<1x125x16xf32, #tpu.memory_space<vmem>> -> memref<125x16xf32, #tpu.memory_space<vmem>>
    %dma_wait3A_280 = arith.constant 0 : i32
    %dma_wait3A_281 = tpu.memref_slice %arg9[%dma_wait3A_274, %dma_wait3A_280] : memref<80x125xi32, #tpu.memory_space<vmem>> -> memref<1x125xi32, #tpu.memory_space<vmem>>
    %dma_wait3A_282 = tpu.memref_squeeze %dma_wait3A_281 : memref<1x125xi32, #tpu.memory_space<vmem>> -> memref<125xi32, #tpu.memory_space<vmem>>
    %dma_wait3A_283 = arith.constant 0 : i32
    %dma_wait3A_284 = arith.constant 0 : i32
    %dma_wait3A_285 = tpu.memref_slice %arg2[%dma_wait3A_283, %dma_wait3A_284] : memref<10000x16xf32, #tpu.memory_space<hbm>> -> memref<10000x16xf32, #tpu.memory_space<hbm>>
    tpu.wait_indirect_dma semaphore(%arg17 : memref<!tpu.dma_semaphore, #tpu.memory_space<semaphore_mem>>) src(%dma_wait3A_285 : memref<10000x16xf32, #tpu.memory_space<hbm>>) dst(%dma_wait3A_279 : memref<125x16xf32, #tpu.memory_space<vmem>>)
    %dma_start3A_286 = arith.constant 4 : i32
    %dma_start3A_287 = arith.constant 4 : i32
    %dma_start3A_288 = arith.constant 0 : i32
    %dma_start3A_289 = arith.constant 0 : i32
    %dma_start3A_290 = tpu.memref_slice %arg11[%dma_start3A_286, %dma_start3A_288, %dma_start3A_289] : memref<8x125x16xf32, #tpu.memory_space<vmem>> -> memref<1x125x16xf32, #tpu.memory_space<vmem>>
    %dma_start3A_291 = tpu.memref_squeeze %dma_start3A_290 : memref<1x125x16xf32, #tpu.memory_space<vmem>> -> memref<125x16xf32, #tpu.memory_space<vmem>>
    %dma_start3A_292 = arith.constant 0 : i32
    %dma_start3A_293 = tpu.memref_slice %arg10[%dma_start3A_287, %dma_start3A_292] : memref<80x125xi32, #tpu.memory_space<vmem>> -> memref<1x125xi32, #tpu.memory_space<vmem>>
    %dma_start3A_294 = tpu.memref_squeeze %dma_start3A_293 : memref<1x125xi32, #tpu.memory_space<vmem>> -> memref<125xi32, #tpu.memory_space<vmem>>
    %dma_start3A_295 = arith.constant 0 : i32
    %dma_start3A_296 = arith.constant 0 : i32
    %dma_start3A_297 = tpu.memref_slice %arg8[%dma_start3A_295, %dma_start3A_296] : memref<10000x16xf32, #tpu.memory_space<vmem_shared>> -> memref<10000x16xf32, #tpu.memory_space<vmem_shared>>
    tpu.enqueue_indirect_dma source(%dma_start3A_291 : memref<125x16xf32, #tpu.memory_space<vmem>>) target(%dma_start3A_297 : memref<10000x16xf32, #tpu.memory_space<vmem_shared>>) offsets(%dma_start3A_294 : memref<125xi32, #tpu.memory_space<vmem>>) semaphore(%arg25 : memref<!tpu.dma_semaphore, #tpu.memory_space<semaphore_mem>>) {add = true}
    %dma_wait3A_298 = arith.constant 3 : i32
    %dma_wait3A_299 = arith.constant 3 : i32
    %dma_wait3A_300 = arith.constant 0 : i32
    %dma_wait3A_301 = arith.constant 0 : i32
    %dma_wait3A_302 = tpu.memref_slice %arg11[%dma_wait3A_298, %dma_wait3A_300, %dma_wait3A_301] : memref<8x125x16xf32, #tpu.memory_space<vmem>> -> memref<1x125x16xf32, #tpu.memory_space<vmem>>
    %dma_wait3A_303 = tpu.memref_squeeze %dma_wait3A_302 : memref<1x125x16xf32, #tpu.memory_space<vmem>> -> memref<125x16xf32, #tpu.memory_space<vmem>>
    %dma_wait3A_304 = arith.constant 0 : i32
    %dma_wait3A_305 = tpu.memref_slice %arg10[%dma_wait3A_299, %dma_wait3A_304] : memref<80x125xi32, #tpu.memory_space<vmem>> -> memref<1x125xi32, #tpu.memory_space<vmem>>
    %dma_wait3A_306 = tpu.memref_squeeze %dma_wait3A_305 : memref<1x125xi32, #tpu.memory_space<vmem>> -> memref<125xi32, #tpu.memory_space<vmem>>
    %dma_wait3A_307 = arith.constant 0 : i32
    %dma_wait3A_308 = arith.constant 0 : i32
    %dma_wait3A_309 = tpu.memref_slice %arg8[%dma_wait3A_307, %dma_wait3A_308] : memref<10000x16xf32, #tpu.memory_space<vmem_shared>> -> memref<10000x16xf32, #tpu.memory_space<vmem_shared>>
    tpu.wait_indirect_dma semaphore(%arg24 : memref<!tpu.dma_semaphore, #tpu.memory_space<semaphore_mem>>) src(%dma_wait3A_303 : memref<125x16xf32, #tpu.memory_space<vmem>>) dst(%dma_wait3A_309 : memref<10000x16xf32, #tpu.memory_space<vmem_shared>>)
    %dma_start3A_310 = arith.constant 11 : i32
    %dma_start3A_311 = arith.constant 3 : i32
    %dma_start3A_312 = arith.constant 0 : i32
    %dma_start3A_313 = arith.constant 0 : i32
    %dma_start3A_314 = tpu.memref_slice %arg11[%dma_start3A_311, %dma_start3A_312, %dma_start3A_313] : memref<8x125x16xf32, #tpu.memory_space<vmem>> -> memref<1x125x16xf32, #tpu.memory_space<vmem>>
    %dma_start3A_315 = tpu.memref_squeeze %dma_start3A_314 : memref<1x125x16xf32, #tpu.memory_space<vmem>> -> memref<125x16xf32, #tpu.memory_space<vmem>>
    %dma_start3A_316 = arith.constant 0 : i32
    %dma_start3A_317 = tpu.memref_slice %arg9[%dma_start3A_310, %dma_start3A_316] : memref<80x125xi32, #tpu.memory_space<vmem>> -> memref<1x125xi32, #tpu.memory_space<vmem>>
    %dma_start3A_318 = tpu.memref_squeeze %dma_start3A_317 : memref<1x125xi32, #tpu.memory_space<vmem>> -> memref<125xi32, #tpu.memory_space<vmem>>
    %dma_start3A_319 = arith.constant 0 : i32
    %dma_start3A_320 = arith.constant 0 : i32
    %dma_start3A_321 = tpu.memref_slice %arg2[%dma_start3A_319, %dma_start3A_320] : memref<10000x16xf32, #tpu.memory_space<hbm>> -> memref<10000x16xf32, #tpu.memory_space<hbm>>
    tpu.enqueue_indirect_dma source(%dma_start3A_321 : memref<10000x16xf32, #tpu.memory_space<hbm>>) target(%dma_start3A_315 : memref<125x16xf32, #tpu.memory_space<vmem>>) offsets(%dma_start3A_318 : memref<125xi32, #tpu.memory_space<vmem>>) semaphore(%arg16 : memref<!tpu.dma_semaphore, #tpu.memory_space<semaphore_mem>>)
    %dma_wait3A_322 = arith.constant 5 : i32
    %dma_wait3A_323 = arith.constant 5 : i32
    %dma_wait3A_324 = arith.constant 0 : i32
    %dma_wait3A_325 = arith.constant 0 : i32
    %dma_wait3A_326 = tpu.memref_slice %arg11[%dma_wait3A_323, %dma_wait3A_324, %dma_wait3A_325] : memref<8x125x16xf32, #tpu.memory_space<vmem>> -> memref<1x125x16xf32, #tpu.memory_space<vmem>>
    %dma_wait3A_327 = tpu.memref_squeeze %dma_wait3A_326 : memref<1x125x16xf32, #tpu.memory_space<vmem>> -> memref<125x16xf32, #tpu.memory_space<vmem>>
    %dma_wait3A_328 = arith.constant 0 : i32
    %dma_wait3A_329 = tpu.memref_slice %arg9[%dma_wait3A_322, %dma_wait3A_328] : memref<80x125xi32, #tpu.memory_space<vmem>> -> memref<1x125xi32, #tpu.memory_space<vmem>>
    %dma_wait3A_330 = tpu.memref_squeeze %dma_wait3A_329 : memref<1x125xi32, #tpu.memory_space<vmem>> -> memref<125xi32, #tpu.memory_space<vmem>>
    %dma_wait3A_331 = arith.constant 0 : i32
    %dma_wait3A_332 = arith.constant 0 : i32
    %dma_wait3A_333 = tpu.memref_slice %arg2[%dma_wait3A_331, %dma_wait3A_332] : memref<10000x16xf32, #tpu.memory_space<hbm>> -> memref<10000x16xf32, #tpu.memory_space<hbm>>
    tpu.wait_indirect_dma semaphore(%arg18 : memref<!tpu.dma_semaphore, #tpu.memory_space<semaphore_mem>>) src(%dma_wait3A_333 : memref<10000x16xf32, #tpu.memory_space<hbm>>) dst(%dma_wait3A_327 : memref<125x16xf32, #tpu.memory_space<vmem>>)
    %dma_start3A_334 = arith.constant 5 : i32
    %dma_start3A_335 = arith.constant 5 : i32
    %dma_start3A_336 = arith.constant 0 : i32
    %dma_start3A_337 = arith.constant 0 : i32
    %dma_start3A_338 = tpu.memref_slice %arg11[%dma_start3A_334, %dma_start3A_336, %dma_start3A_337] : memref<8x125x16xf32, #tpu.memory_space<vmem>> -> memref<1x125x16xf32, #tpu.memory_space<vmem>>
    %dma_start3A_339 = tpu.memref_squeeze %dma_start3A_338 : memref<1x125x16xf32, #tpu.memory_space<vmem>> -> memref<125x16xf32, #tpu.memory_space<vmem>>
    %dma_start3A_340 = arith.constant 0 : i32
    %dma_start3A_341 = tpu.memref_slice %arg10[%dma_start3A_335, %dma_start3A_340] : memref<80x125xi32, #tpu.memory_space<vmem>> -> memref<1x125xi32, #tpu.memory_space<vmem>>
    %dma_start3A_342 = tpu.memref_squeeze %dma_start3A_341 : memref<1x125xi32, #tpu.memory_space<vmem>> -> memref<125xi32, #tpu.memory_space<vmem>>
    %dma_start3A_343 = arith.constant 0 : i32
    %dma_start3A_344 = arith.constant 0 : i32
    %dma_start3A_345 = tpu.memref_slice %arg8[%dma_start3A_343, %dma_start3A_344] : memref<10000x16xf32, #tpu.memory_space<vmem_shared>> -> memref<10000x16xf32, #tpu.memory_space<vmem_shared>>
    tpu.enqueue_indirect_dma source(%dma_start3A_339 : memref<125x16xf32, #tpu.memory_space<vmem>>) target(%dma_start3A_345 : memref<10000x16xf32, #tpu.memory_space<vmem_shared>>) offsets(%dma_start3A_342 : memref<125xi32, #tpu.memory_space<vmem>>) semaphore(%arg26 : memref<!tpu.dma_semaphore, #tpu.memory_space<semaphore_mem>>) {add = true}
    %dma_wait3A_346 = arith.constant 4 : i32
    %dma_wait3A_347 = arith.constant 4 : i32
    %dma_wait3A_348 = arith.constant 0 : i32
    %dma_wait3A_349 = arith.constant 0 : i32
    %dma_wait3A_350 = tpu.memref_slice %arg11[%dma_wait3A_346, %dma_wait3A_348, %dma_wait3A_349] : memref<8x125x16xf32, #tpu.memory_space<vmem>> -> memref<1x125x16xf32, #tpu.memory_space<vmem>>
    %dma_wait3A_351 = tpu.memref_squeeze %dma_wait3A_350 : memref<1x125x16xf32, #tpu.memory_space<vmem>> -> memref<125x16xf32, #tpu.memory_space<vmem>>
    %dma_wait3A_352 = arith.constant 0 : i32
    %dma_wait3A_353 = tpu.memref_slice %arg10[%dma_wait3A_347, %dma_wait3A_352] : memref<80x125xi32, #tpu.memory_space<vmem>> -> memref<1x125xi32, #tpu.memory_space<vmem>>
    %dma_wait3A_354 = tpu.memref_squeeze %dma_wait3A_353 : memref<1x125xi32, #tpu.memory_space<vmem>> -> memref<125xi32, #tpu.memory_space<vmem>>
    %dma_wait3A_355 = arith.constant 0 : i32
    %dma_wait3A_356 = arith.constant 0 : i32
    %dma_wait3A_357 = tpu.memref_slice %arg8[%dma_wait3A_355, %dma_wait3A_356] : memref<10000x16xf32, #tpu.memory_space<vmem_shared>> -> memref<10000x16xf32, #tpu.memory_space<vmem_shared>>
    tpu.wait_indirect_dma semaphore(%arg25 : memref<!tpu.dma_semaphore, #tpu.memory_space<semaphore_mem>>) src(%dma_wait3A_351 : memref<125x16xf32, #tpu.memory_space<vmem>>) dst(%dma_wait3A_357 : memref<10000x16xf32, #tpu.memory_space<vmem_shared>>)
    %dma_start3A_358 = arith.constant 12 : i32
    %dma_start3A_359 = arith.constant 4 : i32
    %dma_start3A_360 = arith.constant 0 : i32
    %dma_start3A_361 = arith.constant 0 : i32
    %dma_start3A_362 = tpu.memref_slice %arg11[%dma_start3A_359, %dma_start3A_360, %dma_start3A_361] : memref<8x125x16xf32, #tpu.memory_space<vmem>> -> memref<1x125x16xf32, #tpu.memory_space<vmem>>
    %dma_start3A_363 = tpu.memref_squeeze %dma_start3A_362 : memref<1x125x16xf32, #tpu.memory_space<vmem>> -> memref<125x16xf32, #tpu.memory_space<vmem>>
    %dma_start3A_364 = arith.constant 0 : i32
    %dma_start3A_365 = tpu.memref_slice %arg9[%dma_start3A_358, %dma_start3A_364] : memref<80x125xi32, #tpu.memory_space<vmem>> -> memref<1x125xi32, #tpu.memory_space<vmem>>
    %dma_start3A_366 = tpu.memref_squeeze %dma_start3A_365 : memref<1x125xi32, #tpu.memory_space<vmem>> -> memref<125xi32, #tpu.memory_space<vmem>>
    %dma_start3A_367 = arith.constant 0 : i32
    %dma_start3A_368 = arith.constant 0 : i32
    %dma_start3A_369 = tpu.memref_slice %arg2[%dma_start3A_367, %dma_start3A_368] : memref<10000x16xf32, #tpu.memory_space<hbm>> -> memref<10000x16xf32, #tpu.memory_space<hbm>>
    tpu.enqueue_indirect_dma source(%dma_start3A_369 : memref<10000x16xf32, #tpu.memory_space<hbm>>) target(%dma_start3A_363 : memref<125x16xf32, #tpu.memory_space<vmem>>) offsets(%dma_start3A_366 : memref<125xi32, #tpu.memory_space<vmem>>) semaphore(%arg17 : memref<!tpu.dma_semaphore, #tpu.memory_space<semaphore_mem>>)
    %dma_wait3A_370 = arith.constant 6 : i32
    %dma_wait3A_371 = arith.constant 6 : i32
    %dma_wait3A_372 = arith.constant 0 : i32
    %dma_wait3A_373 = arith.constant 0 : i32
    %dma_wait3A_374 = tpu.memref_slice %arg11[%dma_wait3A_371, %dma_wait3A_372, %dma_wait3A_373] : memref<8x125x16xf32, #tpu.memory_space<vmem>> -> memref<1x125x16xf32, #tpu.memory_space<vmem>>
    %dma_wait3A_375 = tpu.memref_squeeze %dma_wait3A_374 : memref<1x125x16xf32, #tpu.memory_space<vmem>> -> memref<125x16xf32, #tpu.memory_space<vmem>>
    %dma_wait3A_376 = arith.constant 0 : i32
    %dma_wait3A_377 = tpu.memref_slice %arg9[%dma_wait3A_370, %dma_wait3A_376] : memref<80x125xi32, #tpu.memory_space<vmem>> -> memref<1x125xi32, #tpu.memory_space<vmem>>
    %dma_wait3A_378 = tpu.memref_squeeze %dma_wait3A_377 : memref<1x125xi32, #tpu.memory_space<vmem>> -> memref<125xi32, #tpu.memory_space<vmem>>
    %dma_wait3A_379 = arith.constant 0 : i32
    %dma_wait3A_380 = arith.constant 0 : i32
    %dma_wait3A_381 = tpu.memref_slice %arg2[%dma_wait3A_379, %dma_wait3A_380] : memref<10000x16xf32, #tpu.memory_space<hbm>> -> memref<10000x16xf32, #tpu.memory_space<hbm>>
    tpu.wait_indirect_dma semaphore(%arg19 : memref<!tpu.dma_semaphore, #tpu.memory_space<semaphore_mem>>) src(%dma_wait3A_381 : memref<10000x16xf32, #tpu.memory_space<hbm>>) dst(%dma_wait3A_375 : memref<125x16xf32, #tpu.memory_space<vmem>>)
    %dma_start3A_382 = arith.constant 6 : i32
    %dma_start3A_383 = arith.constant 6 : i32
    %dma_start3A_384 = arith.constant 0 : i32
    %dma_start3A_385 = arith.constant 0 : i32
    %dma_start3A_386 = tpu.memref_slice %arg11[%dma_start3A_382, %dma_start3A_384, %dma_start3A_385] : memref<8x125x16xf32, #tpu.memory_space<vmem>> -> memref<1x125x16xf32, #tpu.memory_space<vmem>>
    %dma_start3A_387 = tpu.memref_squeeze %dma_start3A_386 : memref<1x125x16xf32, #tpu.memory_space<vmem>> -> memref<125x16xf32, #tpu.memory_space<vmem>>
    %dma_start3A_388 = arith.constant 0 : i32
    %dma_start3A_389 = tpu.memref_slice %arg10[%dma_start3A_383, %dma_start3A_388] : memref<80x125xi32, #tpu.memory_space<vmem>> -> memref<1x125xi32, #tpu.memory_space<vmem>>
    %dma_start3A_390 = tpu.memref_squeeze %dma_start3A_389 : memref<1x125xi32, #tpu.memory_space<vmem>> -> memref<125xi32, #tpu.memory_space<vmem>>
    %dma_start3A_391 = arith.constant 0 : i32
    %dma_start3A_392 = arith.constant 0 : i32
    %dma_start3A_393 = tpu.memref_slice %arg8[%dma_start3A_391, %dma_start3A_392] : memref<10000x16xf32, #tpu.memory_space<vmem_shared>> -> memref<10000x16xf32, #tpu.memory_space<vmem_shared>>
    tpu.enqueue_indirect_dma source(%dma_start3A_387 : memref<125x16xf32, #tpu.memory_space<vmem>>) target(%dma_start3A_393 : memref<10000x16xf32, #tpu.memory_space<vmem_shared>>) offsets(%dma_start3A_390 : memref<125xi32, #tpu.memory_space<vmem>>) semaphore(%arg27 : memref<!tpu.dma_semaphore, #tpu.memory_space<semaphore_mem>>) {add = true}
    %dma_wait3A_394 = arith.constant 5 : i32
    %dma_wait3A_395 = arith.constant 5 : i32
    %dma_wait3A_396 = arith.constant 0 : i32
    %dma_wait3A_397 = arith.constant 0 : i32
    %dma_wait3A_398 = tpu.memref_slice %arg11[%dma_wait3A_394, %dma_wait3A_396, %dma_wait3A_397] : memref<8x125x16xf32, #tpu.memory_space<vmem>> -> memref<1x125x16xf32, #tpu.memory_space<vmem>>
    %dma_wait3A_399 = tpu.memref_squeeze %dma_wait3A_398 : memref<1x125x16xf32, #tpu.memory_space<vmem>> -> memref<125x16xf32, #tpu.memory_space<vmem>>
    %dma_wait3A_400 = arith.constant 0 : i32
    %dma_wait3A_401 = tpu.memref_slice %arg10[%dma_wait3A_395, %dma_wait3A_400] : memref<80x125xi32, #tpu.memory_space<vmem>> -> memref<1x125xi32, #tpu.memory_space<vmem>>
    %dma_wait3A_402 = tpu.memref_squeeze %dma_wait3A_401 : memref<1x125xi32, #tpu.memory_space<vmem>> -> memref<125xi32, #tpu.memory_space<vmem>>
    %dma_wait3A_403 = arith.constant 0 : i32
    %dma_wait3A_404 = arith.constant 0 : i32
    %dma_wait3A_405 = tpu.memref_slice %arg8[%dma_wait3A_403, %dma_wait3A_404] : memref<10000x16xf32, #tpu.memory_space<vmem_shared>> -> memref<10000x16xf32, #tpu.memory_space<vmem_shared>>
    tpu.wait_indirect_dma semaphore(%arg26 : memref<!tpu.dma_semaphore, #tpu.memory_space<semaphore_mem>>) src(%dma_wait3A_399 : memref<125x16xf32, #tpu.memory_space<vmem>>) dst(%dma_wait3A_405 : memref<10000x16xf32, #tpu.memory_space<vmem_shared>>)
    %dma_start3A_406 = arith.constant 13 : i32
    %dma_start3A_407 = arith.constant 5 : i32
    %dma_start3A_408 = arith.constant 0 : i32
    %dma_start3A_409 = arith.constant 0 : i32
    %dma_start3A_410 = tpu.memref_slice %arg11[%dma_start3A_407, %dma_start3A_408, %dma_start3A_409] : memref<8x125x16xf32, #tpu.memory_space<vmem>> -> memref<1x125x16xf32, #tpu.memory_space<vmem>>
    %dma_start3A_411 = tpu.memref_squeeze %dma_start3A_410 : memref<1x125x16xf32, #tpu.memory_space<vmem>> -> memref<125x16xf32, #tpu.memory_space<vmem>>
    %dma_start3A_412 = arith.constant 0 : i32
    %dma_start3A_413 = tpu.memref_slice %arg9[%dma_start3A_406, %dma_start3A_412] : memref<80x125xi32, #tpu.memory_space<vmem>> -> memref<1x125xi32, #tpu.memory_space<vmem>>
    %dma_start3A_414 = tpu.memref_squeeze %dma_start3A_413 : memref<1x125xi32, #tpu.memory_space<vmem>> -> memref<125xi32, #tpu.memory_space<vmem>>
    %dma_start3A_415 = arith.constant 0 : i32
    %dma_start3A_416 = arith.constant 0 : i32
    %dma_start3A_417 = tpu.memref_slice %arg2[%dma_start3A_415, %dma_start3A_416] : memref<10000x16xf32, #tpu.memory_space<hbm>> -> memref<10000x16xf32, #tpu.memory_space<hbm>>
    tpu.enqueue_indirect_dma source(%dma_start3A_417 : memref<10000x16xf32, #tpu.memory_space<hbm>>) target(%dma_start3A_411 : memref<125x16xf32, #tpu.memory_space<vmem>>) offsets(%dma_start3A_414 : memref<125xi32, #tpu.memory_space<vmem>>) semaphore(%arg18 : memref<!tpu.dma_semaphore, #tpu.memory_space<semaphore_mem>>)
    %dma_wait3A_418 = arith.constant 7 : i32
    %dma_wait3A_419 = arith.constant 7 : i32
    %dma_wait3A_420 = arith.constant 0 : i32
    %dma_wait3A_421 = arith.constant 0 : i32
    %dma_wait3A_422 = tpu.memref_slice %arg11[%dma_wait3A_419, %dma_wait3A_420, %dma_wait3A_421] : memref<8x125x16xf32, #tpu.memory_space<vmem>> -> memref<1x125x16xf32, #tpu.memory_space<vmem>>
    %dma_wait3A_423 = tpu.memref_squeeze %dma_wait3A_422 : memref<1x125x16xf32, #tpu.memory_space<vmem>> -> memref<125x16xf32, #tpu.memory_space<vmem>>
    %dma_wait3A_424 = arith.constant 0 : i32
    %dma_wait3A_425 = tpu.memref_slice %arg9[%dma_wait3A_418, %dma_wait3A_424] : memref<80x125xi32, #tpu.memory_space<vmem>> -> memref<1x125xi32, #tpu.memory_space<vmem>>
    %dma_wait3A_426 = tpu.memref_squeeze %dma_wait3A_425 : memref<1x125xi32, #tpu.memory_space<vmem>> -> memref<125xi32, #tpu.memory_space<vmem>>
    %dma_wait3A_427 = arith.constant 0 : i32
    %dma_wait3A_428 = arith.constant 0 : i32
    %dma_wait3A_429 = tpu.memref_slice %arg2[%dma_wait3A_427, %dma_wait3A_428] : memref<10000x16xf32, #tpu.memory_space<hbm>> -> memref<10000x16xf32, #tpu.memory_space<hbm>>
    tpu.wait_indirect_dma semaphore(%arg20 : memref<!tpu.dma_semaphore, #tpu.memory_space<semaphore_mem>>) src(%dma_wait3A_429 : memref<10000x16xf32, #tpu.memory_space<hbm>>) dst(%dma_wait3A_423 : memref<125x16xf32, #tpu.memory_space<vmem>>)
    %dma_start3A_430 = arith.constant 7 : i32
    %dma_start3A_431 = arith.constant 7 : i32
    %dma_start3A_432 = arith.constant 0 : i32
    %dma_start3A_433 = arith.constant 0 : i32
    %dma_start3A_434 = tpu.memref_slice %arg11[%dma_start3A_430, %dma_start3A_432, %dma_start3A_433] : memref<8x125x16xf32, #tpu.memory_space<vmem>> -> memref<1x125x16xf32, #tpu.memory_space<vmem>>
    %dma_start3A_435 = tpu.memref_squeeze %dma_start3A_434 : memref<1x125x16xf32, #tpu.memory_space<vmem>> -> memref<125x16xf32, #tpu.memory_space<vmem>>
    %dma_start3A_436 = arith.constant 0 : i32
    %dma_start3A_437 = tpu.memref_slice %arg10[%dma_start3A_431, %dma_start3A_436] : memref<80x125xi32, #tpu.memory_space<vmem>> -> memref<1x125xi32, #tpu.memory_space<vmem>>
    %dma_start3A_438 = tpu.memref_squeeze %dma_start3A_437 : memref<1x125xi32, #tpu.memory_space<vmem>> -> memref<125xi32, #tpu.memory_space<vmem>>
    %dma_start3A_439 = arith.constant 0 : i32
    %dma_start3A_440 = arith.constant 0 : i32
    %dma_start3A_441 = tpu.memref_slice %arg8[%dma_start3A_439, %dma_start3A_440] : memref<10000x16xf32, #tpu.memory_space<vmem_shared>> -> memref<10000x16xf32, #tpu.memory_space<vmem_shared>>
    tpu.enqueue_indirect_dma source(%dma_start3A_435 : memref<125x16xf32, #tpu.memory_space<vmem>>) target(%dma_start3A_441 : memref<10000x16xf32, #tpu.memory_space<vmem_shared>>) offsets(%dma_start3A_438 : memref<125xi32, #tpu.memory_space<vmem>>) semaphore(%arg28 : memref<!tpu.dma_semaphore, #tpu.memory_space<semaphore_mem>>) {add = true}
    %dma_wait3A_442 = arith.constant 6 : i32
    %dma_wait3A_443 = arith.constant 6 : i32
    %dma_wait3A_444 = arith.constant 0 : i32
    %dma_wait3A_445 = arith.constant 0 : i32
    %dma_wait3A_446 = tpu.memref_slice %arg11[%dma_wait3A_442, %dma_wait3A_444, %dma_wait3A_445] : memref<8x125x16xf32, #tpu.memory_space<vmem>> -> memref<1x125x16xf32, #tpu.memory_space<vmem>>
    %dma_wait3A_447 = tpu.memref_squeeze %dma_wait3A_446 : memref<1x125x16xf32, #tpu.memory_space<vmem>> -> memref<125x16xf32, #tpu.memory_space<vmem>>
    %dma_wait3A_448 = arith.constant 0 : i32
    %dma_wait3A_449 = tpu.memref_slice %arg10[%dma_wait3A_443, %dma_wait3A_448] : memref<80x125xi32, #tpu.memory_space<vmem>> -> memref<1x125xi32, #tpu.memory_space<vmem>>
    %dma_wait3A_450 = tpu.memref_squeeze %dma_wait3A_449 : memref<1x125xi32, #tpu.memory_space<vmem>> -> memref<125xi32, #tpu.memory_space<vmem>>
    %dma_wait3A_451 = arith.constant 0 : i32
    %dma_wait3A_452 = arith.constant 0 : i32
    %dma_wait3A_453 = tpu.memref_slice %arg8[%dma_wait3A_451, %dma_wait3A_452] : memref<10000x16xf32, #tpu.memory_space<vmem_shared>> -> memref<10000x16xf32, #tpu.memory_space<vmem_shared>>
    tpu.wait_indirect_dma semaphore(%arg27 : memref<!tpu.dma_semaphore, #tpu.memory_space<semaphore_mem>>) src(%dma_wait3A_447 : memref<125x16xf32, #tpu.memory_space<vmem>>) dst(%dma_wait3A_453 : memref<10000x16xf32, #tpu.memory_space<vmem_shared>>)
    %dma_start3A_454 = arith.constant 14 : i32
    %dma_start3A_455 = arith.constant 6 : i32
    %dma_start3A_456 = arith.constant 0 : i32
    %dma_start3A_457 = arith.constant 0 : i32
    %dma_start3A_458 = tpu.memref_slice %arg11[%dma_start3A_455, %dma_start3A_456, %dma_start3A_457] : memref<8x125x16xf32, #tpu.memory_space<vmem>> -> memref<1x125x16xf32, #tpu.memory_space<vmem>>
    %dma_start3A_459 = tpu.memref_squeeze %dma_start3A_458 : memref<1x125x16xf32, #tpu.memory_space<vmem>> -> memref<125x16xf32, #tpu.memory_space<vmem>>
    %dma_start3A_460 = arith.constant 0 : i32
    %dma_start3A_461 = tpu.memref_slice %arg9[%dma_start3A_454, %dma_start3A_460] : memref<80x125xi32, #tpu.memory_space<vmem>> -> memref<1x125xi32, #tpu.memory_space<vmem>>
    %dma_start3A_462 = tpu.memref_squeeze %dma_start3A_461 : memref<1x125xi32, #tpu.memory_space<vmem>> -> memref<125xi32, #tpu.memory_space<vmem>>
    %dma_start3A_463 = arith.constant 0 : i32
    %dma_start3A_464 = arith.constant 0 : i32
    %dma_start3A_465 = tpu.memref_slice %arg2[%dma_start3A_463, %dma_start3A_464] : memref<10000x16xf32, #tpu.memory_space<hbm>> -> memref<10000x16xf32, #tpu.memory_space<hbm>>
    tpu.enqueue_indirect_dma source(%dma_start3A_465 : memref<10000x16xf32, #tpu.memory_space<hbm>>) target(%dma_start3A_459 : memref<125x16xf32, #tpu.memory_space<vmem>>) offsets(%dma_start3A_462 : memref<125xi32, #tpu.memory_space<vmem>>) semaphore(%arg19 : memref<!tpu.dma_semaphore, #tpu.memory_space<semaphore_mem>>)
    %scan3A = arith.constant 0 : i32
    %scan3A_466 = arith.constant 1 : i32
    %scan3A_467 = arith.constant 9 : i32
    %scan3A_468 = arith.addi %scan3A_466, %scan3A_467 : i32
    %scan3A_469 = arith.constant 1 : i32
    scf.for %scan3A_494 = %scan3A_466 to %scan3A_468 step %scan3A_469  : i32 {
      %mul3A_495 = arith.constant 8 : i32
      %mul3A_496 = arith.muli %mul3A_495, %scan3A_494 : i32
      %add3A_497 = arith.constant 0 : i32
      %add3A_498 = arith.addi %mul3A_496, %add3A_497 : i32
      %add3A_499 = arith.constant 8 : i32
      %add3A_500 = arith.addi %add3A_498, %add3A_499 : i32
      %sub3A = arith.constant 1 : i32
      %sub3A_501 = arith.subi %add3A_500, %sub3A : i32
      %lt3A_502 = arith.constant 80 : i32
      %lt3A_503 = arith.cmpi slt, %sub3A_501, %lt3A_502 : i32
      %convert_element_type3A_504 = arith.extui %lt3A_503 : i1 to i32
      %cond3A_505 = arith.constant 0 : i32
      %cond3A_506 = arith.cmpi ne, %convert_element_type3A_504, %cond3A_505 : i32
      scf.if %cond3A_506 {
        %dma_wait3A_655 = arith.constant 0 : i32
        %dma_wait3A_656 = arith.constant 0 : i32
        %dma_wait3A_657 = arith.constant 0 : i32
        %dma_wait3A_658 = tpu.memref_slice %arg11[%dma_wait3A_655, %dma_wait3A_656, %dma_wait3A_657] : memref<8x125x16xf32, #tpu.memory_space<vmem>> -> memref<1x125x16xf32, #tpu.memory_space<vmem>>
        %dma_wait3A_659 = tpu.memref_squeeze %dma_wait3A_658 : memref<1x125x16xf32, #tpu.memory_space<vmem>> -> memref<125x16xf32, #tpu.memory_space<vmem>>
        %dma_wait3A_660 = arith.constant 0 : i32
        %dma_wait3A_661 = tpu.memref_slice %arg9[%add3A_498, %dma_wait3A_660] : memref<80x125xi32, #tpu.memory_space<vmem>> -> memref<1x125xi32, #tpu.memory_space<vmem>>
        %dma_wait3A_662 = tpu.memref_squeeze %dma_wait3A_661 : memref<1x125xi32, #tpu.memory_space<vmem>> -> memref<125xi32, #tpu.memory_space<vmem>>
        %dma_wait3A_663 = arith.constant 0 : i32
        %dma_wait3A_664 = arith.constant 0 : i32
        %dma_wait3A_665 = tpu.memref_slice %arg2[%dma_wait3A_663, %dma_wait3A_664] : memref<10000x16xf32, #tpu.memory_space<hbm>> -> memref<10000x16xf32, #tpu.memory_space<hbm>>
        tpu.wait_indirect_dma semaphore(%arg13 : memref<!tpu.dma_semaphore, #tpu.memory_space<semaphore_mem>>) src(%dma_wait3A_665 : memref<10000x16xf32, #tpu.memory_space<hbm>>) dst(%dma_wait3A_659 : memref<125x16xf32, #tpu.memory_space<vmem>>)
        %dma_start3A_666 = arith.constant 0 : i32
        %dma_start3A_667 = arith.constant 0 : i32
        %dma_start3A_668 = arith.constant 0 : i32
        %dma_start3A_669 = tpu.memref_slice %arg11[%dma_start3A_666, %dma_start3A_667, %dma_start3A_668] : memref<8x125x16xf32, #tpu.memory_space<vmem>> -> memref<1x125x16xf32, #tpu.memory_space<vmem>>
        %dma_start3A_670 = tpu.memref_squeeze %dma_start3A_669 : memref<1x125x16xf32, #tpu.memory_space<vmem>> -> memref<125x16xf32, #tpu.memory_space<vmem>>
        %dma_start3A_671 = arith.constant 0 : i32
        %dma_start3A_672 = tpu.memref_slice %arg10[%add3A_498, %dma_start3A_671] : memref<80x125xi32, #tpu.memory_space<vmem>> -> memref<1x125xi32, #tpu.memory_space<vmem>>
        %dma_start3A_673 = tpu.memref_squeeze %dma_start3A_672 : memref<1x125xi32, #tpu.memory_space<vmem>> -> memref<125xi32, #tpu.memory_space<vmem>>
        %dma_start3A_674 = arith.constant 0 : i32
        %dma_start3A_675 = arith.constant 0 : i32
        %dma_start3A_676 = tpu.memref_slice %arg8[%dma_start3A_674, %dma_start3A_675] : memref<10000x16xf32, #tpu.memory_space<vmem_shared>> -> memref<10000x16xf32, #tpu.memory_space<vmem_shared>>
        tpu.enqueue_indirect_dma source(%dma_start3A_670 : memref<125x16xf32, #tpu.memory_space<vmem>>) target(%dma_start3A_676 : memref<10000x16xf32, #tpu.memory_space<vmem_shared>>) offsets(%dma_start3A_673 : memref<125xi32, #tpu.memory_space<vmem>>) semaphore(%arg21 : memref<!tpu.dma_semaphore, #tpu.memory_space<semaphore_mem>>) {add = true}
        %sub3A_677 = arith.constant 1 : i32
        %sub3A_678 = arith.subi %add3A_498, %sub3A_677 : i32
        %dma_wait3A_679 = arith.constant 7 : i32
        %dma_wait3A_680 = arith.constant 0 : i32
        %dma_wait3A_681 = arith.constant 0 : i32
        %dma_wait3A_682 = tpu.memref_slice %arg11[%dma_wait3A_679, %dma_wait3A_680, %dma_wait3A_681] : memref<8x125x16xf32, #tpu.memory_space<vmem>> -> memref<1x125x16xf32, #tpu.memory_space<vmem>>
        %dma_wait3A_683 = tpu.memref_squeeze %dma_wait3A_682 : memref<1x125x16xf32, #tpu.memory_space<vmem>> -> memref<125x16xf32, #tpu.memory_space<vmem>>
        %dma_wait3A_684 = arith.constant 0 : i32
        %dma_wait3A_685 = tpu.memref_slice %arg10[%sub3A_678, %dma_wait3A_684] : memref<80x125xi32, #tpu.memory_space<vmem>> -> memref<1x125xi32, #tpu.memory_space<vmem>>
        %dma_wait3A_686 = tpu.memref_squeeze %dma_wait3A_685 : memref<1x125xi32, #tpu.memory_space<vmem>> -> memref<125xi32, #tpu.memory_space<vmem>>
        %dma_wait3A_687 = arith.constant 0 : i32
        %dma_wait3A_688 = arith.constant 0 : i32
        %dma_wait3A_689 = tpu.memref_slice %arg8[%dma_wait3A_687, %dma_wait3A_688] : memref<10000x16xf32, #tpu.memory_space<vmem_shared>> -> memref<10000x16xf32, #tpu.memory_space<vmem_shared>>
        tpu.wait_indirect_dma semaphore(%arg28 : memref<!tpu.dma_semaphore, #tpu.memory_space<semaphore_mem>>) src(%dma_wait3A_683 : memref<125x16xf32, #tpu.memory_space<vmem>>) dst(%dma_wait3A_689 : memref<10000x16xf32, #tpu.memory_space<vmem_shared>>)
        %add3A_690 = arith.constant 8 : i32
        %add3A_691 = arith.addi %add3A_498, %add3A_690 : i32
        %sub3A_692 = arith.constant 1 : i32
        %sub3A_693 = arith.subi %add3A_691, %sub3A_692 : i32
        %dma_start3A_694 = arith.constant 7 : i32
        %dma_start3A_695 = arith.constant 0 : i32
        %dma_start3A_696 = arith.constant 0 : i32
        %dma_start3A_697 = tpu.memref_slice %arg11[%dma_start3A_694, %dma_start3A_695, %dma_start3A_696] : memref<8x125x16xf32, #tpu.memory_space<vmem>> -> memref<1x125x16xf32, #tpu.memory_space<vmem>>
        %dma_start3A_698 = tpu.memref_squeeze %dma_start3A_697 : memref<1x125x16xf32, #tpu.memory_space<vmem>> -> memref<125x16xf32, #tpu.memory_space<vmem>>
        %dma_start3A_699 = arith.constant 0 : i32
        %dma_start3A_700 = tpu.memref_slice %arg9[%sub3A_693, %dma_start3A_699] : memref<80x125xi32, #tpu.memory_space<vmem>> -> memref<1x125xi32, #tpu.memory_space<vmem>>
        %dma_start3A_701 = tpu.memref_squeeze %dma_start3A_700 : memref<1x125xi32, #tpu.memory_space<vmem>> -> memref<125xi32, #tpu.memory_space<vmem>>
        %dma_start3A_702 = arith.constant 0 : i32
        %dma_start3A_703 = arith.constant 0 : i32
        %dma_start3A_704 = tpu.memref_slice %arg2[%dma_start3A_702, %dma_start3A_703] : memref<10000x16xf32, #tpu.memory_space<hbm>> -> memref<10000x16xf32, #tpu.memory_space<hbm>>
        tpu.enqueue_indirect_dma source(%dma_start3A_704 : memref<10000x16xf32, #tpu.memory_space<hbm>>) target(%dma_start3A_698 : memref<125x16xf32, #tpu.memory_space<vmem>>) offsets(%dma_start3A_701 : memref<125xi32, #tpu.memory_space<vmem>>) semaphore(%arg20 : memref<!tpu.dma_semaphore, #tpu.memory_space<semaphore_mem>>)
      } else {
      }
      %add3A_507 = arith.constant 8 : i32
      %add3A_508 = arith.addi %add3A_498, %add3A_507 : i32
      %sub3A_509 = arith.constant 1 : i32
      %sub3A_510 = arith.subi %add3A_508, %sub3A_509 : i32
      %ge3A = arith.constant 80 : i32
      %ge3A_511 = arith.cmpi sge, %sub3A_510, %ge3A : i32
      %convert_element_type3A_512 = arith.extui %ge3A_511 : i1 to i32
      %cond3A_513 = arith.constant 0 : i32
      %cond3A_514 = arith.cmpi ne, %convert_element_type3A_512, %cond3A_513 : i32
      scf.if %cond3A_514 {
        %dma_wait3A_655 = arith.constant 0 : i32
        %dma_wait3A_656 = arith.constant 0 : i32
        %dma_wait3A_657 = arith.constant 0 : i32
        %dma_wait3A_658 = tpu.memref_slice %arg11[%dma_wait3A_655, %dma_wait3A_656, %dma_wait3A_657] : memref<8x125x16xf32, #tpu.memory_space<vmem>> -> memref<1x125x16xf32, #tpu.memory_space<vmem>>
        %dma_wait3A_659 = tpu.memref_squeeze %dma_wait3A_658 : memref<1x125x16xf32, #tpu.memory_space<vmem>> -> memref<125x16xf32, #tpu.memory_space<vmem>>
        %dma_wait3A_660 = arith.constant 0 : i32
        %dma_wait3A_661 = tpu.memref_slice %arg9[%add3A_498, %dma_wait3A_660] : memref<80x125xi32, #tpu.memory_space<vmem>> -> memref<1x125xi32, #tpu.memory_space<vmem>>
        %dma_wait3A_662 = tpu.memref_squeeze %dma_wait3A_661 : memref<1x125xi32, #tpu.memory_space<vmem>> -> memref<125xi32, #tpu.memory_space<vmem>>
        %dma_wait3A_663 = arith.constant 0 : i32
        %dma_wait3A_664 = arith.constant 0 : i32
        %dma_wait3A_665 = tpu.memref_slice %arg2[%dma_wait3A_663, %dma_wait3A_664] : memref<10000x16xf32, #tpu.memory_space<hbm>> -> memref<10000x16xf32, #tpu.memory_space<hbm>>
        tpu.wait_indirect_dma semaphore(%arg13 : memref<!tpu.dma_semaphore, #tpu.memory_space<semaphore_mem>>) src(%dma_wait3A_665 : memref<10000x16xf32, #tpu.memory_space<hbm>>) dst(%dma_wait3A_659 : memref<125x16xf32, #tpu.memory_space<vmem>>)
        %dma_start3A_666 = arith.constant 0 : i32
        %dma_start3A_667 = arith.constant 0 : i32
        %dma_start3A_668 = arith.constant 0 : i32
        %dma_start3A_669 = tpu.memref_slice %arg11[%dma_start3A_666, %dma_start3A_667, %dma_start3A_668] : memref<8x125x16xf32, #tpu.memory_space<vmem>> -> memref<1x125x16xf32, #tpu.memory_space<vmem>>
        %dma_start3A_670 = tpu.memref_squeeze %dma_start3A_669 : memref<1x125x16xf32, #tpu.memory_space<vmem>> -> memref<125x16xf32, #tpu.memory_space<vmem>>
        %dma_start3A_671 = arith.constant 0 : i32
        %dma_start3A_672 = tpu.memref_slice %arg10[%add3A_498, %dma_start3A_671] : memref<80x125xi32, #tpu.memory_space<vmem>> -> memref<1x125xi32, #tpu.memory_space<vmem>>
        %dma_start3A_673 = tpu.memref_squeeze %dma_start3A_672 : memref<1x125xi32, #tpu.memory_space<vmem>> -> memref<125xi32, #tpu.memory_space<vmem>>
        %dma_start3A_674 = arith.constant 0 : i32
        %dma_start3A_675 = arith.constant 0 : i32
        %dma_start3A_676 = tpu.memref_slice %arg8[%dma_start3A_674, %dma_start3A_675] : memref<10000x16xf32, #tpu.memory_space<vmem_shared>> -> memref<10000x16xf32, #tpu.memory_space<vmem_shared>>
        tpu.enqueue_indirect_dma source(%dma_start3A_670 : memref<125x16xf32, #tpu.memory_space<vmem>>) target(%dma_start3A_676 : memref<10000x16xf32, #tpu.memory_space<vmem_shared>>) offsets(%dma_start3A_673 : memref<125xi32, #tpu.memory_space<vmem>>) semaphore(%arg21 : memref<!tpu.dma_semaphore, #tpu.memory_space<semaphore_mem>>) {add = true}
        %sub3A_677 = arith.constant 1 : i32
        %sub3A_678 = arith.subi %add3A_498, %sub3A_677 : i32
        %dma_wait3A_679 = arith.constant 7 : i32
        %dma_wait3A_680 = arith.constant 0 : i32
        %dma_wait3A_681 = arith.constant 0 : i32
        %dma_wait3A_682 = tpu.memref_slice %arg11[%dma_wait3A_679, %dma_wait3A_680, %dma_wait3A_681] : memref<8x125x16xf32, #tpu.memory_space<vmem>> -> memref<1x125x16xf32, #tpu.memory_space<vmem>>
        %dma_wait3A_683 = tpu.memref_squeeze %dma_wait3A_682 : memref<1x125x16xf32, #tpu.memory_space<vmem>> -> memref<125x16xf32, #tpu.memory_space<vmem>>
        %dma_wait3A_684 = arith.constant 0 : i32
        %dma_wait3A_685 = tpu.memref_slice %arg10[%sub3A_678, %dma_wait3A_684] : memref<80x125xi32, #tpu.memory_space<vmem>> -> memref<1x125xi32, #tpu.memory_space<vmem>>
        %dma_wait3A_686 = tpu.memref_squeeze %dma_wait3A_685 : memref<1x125xi32, #tpu.memory_space<vmem>> -> memref<125xi32, #tpu.memory_space<vmem>>
        %dma_wait3A_687 = arith.constant 0 : i32
        %dma_wait3A_688 = arith.constant 0 : i32
        %dma_wait3A_689 = tpu.memref_slice %arg8[%dma_wait3A_687, %dma_wait3A_688] : memref<10000x16xf32, #tpu.memory_space<vmem_shared>> -> memref<10000x16xf32, #tpu.memory_space<vmem_shared>>
        tpu.wait_indirect_dma semaphore(%arg28 : memref<!tpu.dma_semaphore, #tpu.memory_space<semaphore_mem>>) src(%dma_wait3A_683 : memref<125x16xf32, #tpu.memory_space<vmem>>) dst(%dma_wait3A_689 : memref<10000x16xf32, #tpu.memory_space<vmem_shared>>)
      } else {
      }
      %add3A_515 = arith.constant 1 : i32
      %add3A_516 = arith.addi %mul3A_496, %add3A_515 : i32
      %add3A_517 = arith.constant 8 : i32
      %add3A_518 = arith.addi %add3A_516, %add3A_517 : i32
      %sub3A_519 = arith.constant 1 : i32
      %sub3A_520 = arith.subi %add3A_518, %sub3A_519 : i32
      %lt3A_521 = arith.constant 80 : i32
      %lt3A_522 = arith.cmpi slt, %sub3A_520, %lt3A_521 : i32
      %convert_element_type3A_523 = arith.extui %lt3A_522 : i1 to i32
      %cond3A_524 = arith.constant 0 : i32
      %cond3A_525 = arith.cmpi ne, %convert_element_type3A_523, %cond3A_524 : i32
      scf.if %cond3A_525 {
        %dma_wait3A_655 = arith.constant 1 : i32
        %dma_wait3A_656 = arith.constant 0 : i32
        %dma_wait3A_657 = arith.constant 0 : i32
        %dma_wait3A_658 = tpu.memref_slice %arg11[%dma_wait3A_655, %dma_wait3A_656, %dma_wait3A_657] : memref<8x125x16xf32, #tpu.memory_space<vmem>> -> memref<1x125x16xf32, #tpu.memory_space<vmem>>
        %dma_wait3A_659 = tpu.memref_squeeze %dma_wait3A_658 : memref<1x125x16xf32, #tpu.memory_space<vmem>> -> memref<125x16xf32, #tpu.memory_space<vmem>>
        %dma_wait3A_660 = arith.constant 0 : i32
        %dma_wait3A_661 = tpu.memref_slice %arg9[%add3A_516, %dma_wait3A_660] : memref<80x125xi32, #tpu.memory_space<vmem>> -> memref<1x125xi32, #tpu.memory_space<vmem>>
        %dma_wait3A_662 = tpu.memref_squeeze %dma_wait3A_661 : memref<1x125xi32, #tpu.memory_space<vmem>> -> memref<125xi32, #tpu.memory_space<vmem>>
        %dma_wait3A_663 = arith.constant 0 : i32
        %dma_wait3A_664 = arith.constant 0 : i32
        %dma_wait3A_665 = tpu.memref_slice %arg2[%dma_wait3A_663, %dma_wait3A_664] : memref<10000x16xf32, #tpu.memory_space<hbm>> -> memref<10000x16xf32, #tpu.memory_space<hbm>>
        tpu.wait_indirect_dma semaphore(%arg14 : memref<!tpu.dma_semaphore, #tpu.memory_space<semaphore_mem>>) src(%dma_wait3A_665 : memref<10000x16xf32, #tpu.memory_space<hbm>>) dst(%dma_wait3A_659 : memref<125x16xf32, #tpu.memory_space<vmem>>)
        %dma_start3A_666 = arith.constant 1 : i32
        %dma_start3A_667 = arith.constant 0 : i32
        %dma_start3A_668 = arith.constant 0 : i32
        %dma_start3A_669 = tpu.memref_slice %arg11[%dma_start3A_666, %dma_start3A_667, %dma_start3A_668] : memref<8x125x16xf32, #tpu.memory_space<vmem>> -> memref<1x125x16xf32, #tpu.memory_space<vmem>>
        %dma_start3A_670 = tpu.memref_squeeze %dma_start3A_669 : memref<1x125x16xf32, #tpu.memory_space<vmem>> -> memref<125x16xf32, #tpu.memory_space<vmem>>
        %dma_start3A_671 = arith.constant 0 : i32
        %dma_start3A_672 = tpu.memref_slice %arg10[%add3A_516, %dma_start3A_671] : memref<80x125xi32, #tpu.memory_space<vmem>> -> memref<1x125xi32, #tpu.memory_space<vmem>>
        %dma_start3A_673 = tpu.memref_squeeze %dma_start3A_672 : memref<1x125xi32, #tpu.memory_space<vmem>> -> memref<125xi32, #tpu.memory_space<vmem>>
        %dma_start3A_674 = arith.constant 0 : i32
        %dma_start3A_675 = arith.constant 0 : i32
        %dma_start3A_676 = tpu.memref_slice %arg8[%dma_start3A_674, %dma_start3A_675] : memref<10000x16xf32, #tpu.memory_space<vmem_shared>> -> memref<10000x16xf32, #tpu.memory_space<vmem_shared>>
        tpu.enqueue_indirect_dma source(%dma_start3A_670 : memref<125x16xf32, #tpu.memory_space<vmem>>) target(%dma_start3A_676 : memref<10000x16xf32, #tpu.memory_space<vmem_shared>>) offsets(%dma_start3A_673 : memref<125xi32, #tpu.memory_space<vmem>>) semaphore(%arg22 : memref<!tpu.dma_semaphore, #tpu.memory_space<semaphore_mem>>) {add = true}
        %sub3A_677 = arith.constant 1 : i32
        %sub3A_678 = arith.subi %add3A_516, %sub3A_677 : i32
        %dma_wait3A_679 = arith.constant 0 : i32
        %dma_wait3A_680 = arith.constant 0 : i32
        %dma_wait3A_681 = arith.constant 0 : i32
        %dma_wait3A_682 = tpu.memref_slice %arg11[%dma_wait3A_679, %dma_wait3A_680, %dma_wait3A_681] : memref<8x125x16xf32, #tpu.memory_space<vmem>> -> memref<1x125x16xf32, #tpu.memory_space<vmem>>
        %dma_wait3A_683 = tpu.memref_squeeze %dma_wait3A_682 : memref<1x125x16xf32, #tpu.memory_space<vmem>> -> memref<125x16xf32, #tpu.memory_space<vmem>>
        %dma_wait3A_684 = arith.constant 0 : i32
        %dma_wait3A_685 = tpu.memref_slice %arg10[%sub3A_678, %dma_wait3A_684] : memref<80x125xi32, #tpu.memory_space<vmem>> -> memref<1x125xi32, #tpu.memory_space<vmem>>
        %dma_wait3A_686 = tpu.memref_squeeze %dma_wait3A_685 : memref<1x125xi32, #tpu.memory_space<vmem>> -> memref<125xi32, #tpu.memory_space<vmem>>
        %dma_wait3A_687 = arith.constant 0 : i32
        %dma_wait3A_688 = arith.constant 0 : i32
        %dma_wait3A_689 = tpu.memref_slice %arg8[%dma_wait3A_687, %dma_wait3A_688] : memref<10000x16xf32, #tpu.memory_space<vmem_shared>> -> memref<10000x16xf32, #tpu.memory_space<vmem_shared>>
        tpu.wait_indirect_dma semaphore(%arg21 : memref<!tpu.dma_semaphore, #tpu.memory_space<semaphore_mem>>) src(%dma_wait3A_683 : memref<125x16xf32, #tpu.memory_space<vmem>>) dst(%dma_wait3A_689 : memref<10000x16xf32, #tpu.memory_space<vmem_shared>>)
        %add3A_690 = arith.constant 8 : i32
        %add3A_691 = arith.addi %add3A_516, %add3A_690 : i32
        %sub3A_692 = arith.constant 1 : i32
        %sub3A_693 = arith.subi %add3A_691, %sub3A_692 : i32
        %dma_start3A_694 = arith.constant 0 : i32
        %dma_start3A_695 = arith.constant 0 : i32
        %dma_start3A_696 = arith.constant 0 : i32
        %dma_start3A_697 = tpu.memref_slice %arg11[%dma_start3A_694, %dma_start3A_695, %dma_start3A_696] : memref<8x125x16xf32, #tpu.memory_space<vmem>> -> memref<1x125x16xf32, #tpu.memory_space<vmem>>
        %dma_start3A_698 = tpu.memref_squeeze %dma_start3A_697 : memref<1x125x16xf32, #tpu.memory_space<vmem>> -> memref<125x16xf32, #tpu.memory_space<vmem>>
        %dma_start3A_699 = arith.constant 0 : i32
        %dma_start3A_700 = tpu.memref_slice %arg9[%sub3A_693, %dma_start3A_699] : memref<80x125xi32, #tpu.memory_space<vmem>> -> memref<1x125xi32, #tpu.memory_space<vmem>>
        %dma_start3A_701 = tpu.memref_squeeze %dma_start3A_700 : memref<1x125xi32, #tpu.memory_space<vmem>> -> memref<125xi32, #tpu.memory_space<vmem>>
        %dma_start3A_702 = arith.constant 0 : i32
        %dma_start3A_703 = arith.constant 0 : i32
        %dma_start3A_704 = tpu.memref_slice %arg2[%dma_start3A_702, %dma_start3A_703] : memref<10000x16xf32, #tpu.memory_space<hbm>> -> memref<10000x16xf32, #tpu.memory_space<hbm>>
        tpu.enqueue_indirect_dma source(%dma_start3A_704 : memref<10000x16xf32, #tpu.memory_space<hbm>>) target(%dma_start3A_698 : memref<125x16xf32, #tpu.memory_space<vmem>>) offsets(%dma_start3A_701 : memref<125xi32, #tpu.memory_space<vmem>>) semaphore(%arg13 : memref<!tpu.dma_semaphore, #tpu.memory_space<semaphore_mem>>)
      } else {
      }
      %add3A_526 = arith.constant 8 : i32
      %add3A_527 = arith.addi %add3A_516, %add3A_526 : i32
      %sub3A_528 = arith.constant 1 : i32
      %sub3A_529 = arith.subi %add3A_527, %sub3A_528 : i32
      %ge3A_530 = arith.constant 80 : i32
      %ge3A_531 = arith.cmpi sge, %sub3A_529, %ge3A_530 : i32
      %convert_element_type3A_532 = arith.extui %ge3A_531 : i1 to i32
      %cond3A_533 = arith.constant 0 : i32
      %cond3A_534 = arith.cmpi ne, %convert_element_type3A_532, %cond3A_533 : i32
      scf.if %cond3A_534 {
        %dma_wait3A_655 = arith.constant 1 : i32
        %dma_wait3A_656 = arith.constant 0 : i32
        %dma_wait3A_657 = arith.constant 0 : i32
        %dma_wait3A_658 = tpu.memref_slice %arg11[%dma_wait3A_655, %dma_wait3A_656, %dma_wait3A_657] : memref<8x125x16xf32, #tpu.memory_space<vmem>> -> memref<1x125x16xf32, #tpu.memory_space<vmem>>
        %dma_wait3A_659 = tpu.memref_squeeze %dma_wait3A_658 : memref<1x125x16xf32, #tpu.memory_space<vmem>> -> memref<125x16xf32, #tpu.memory_space<vmem>>
        %dma_wait3A_660 = arith.constant 0 : i32
        %dma_wait3A_661 = tpu.memref_slice %arg9[%add3A_516, %dma_wait3A_660] : memref<80x125xi32, #tpu.memory_space<vmem>> -> memref<1x125xi32, #tpu.memory_space<vmem>>
        %dma_wait3A_662 = tpu.memref_squeeze %dma_wait3A_661 : memref<1x125xi32, #tpu.memory_space<vmem>> -> memref<125xi32, #tpu.memory_space<vmem>>
        %dma_wait3A_663 = arith.constant 0 : i32
        %dma_wait3A_664 = arith.constant 0 : i32
        %dma_wait3A_665 = tpu.memref_slice %arg2[%dma_wait3A_663, %dma_wait3A_664] : memref<10000x16xf32, #tpu.memory_space<hbm>> -> memref<10000x16xf32, #tpu.memory_space<hbm>>
        tpu.wait_indirect_dma semaphore(%arg14 : memref<!tpu.dma_semaphore, #tpu.memory_space<semaphore_mem>>) src(%dma_wait3A_665 : memref<10000x16xf32, #tpu.memory_space<hbm>>) dst(%dma_wait3A_659 : memref<125x16xf32, #tpu.memory_space<vmem>>)
        %dma_start3A_666 = arith.constant 1 : i32
        %dma_start3A_667 = arith.constant 0 : i32
        %dma_start3A_668 = arith.constant 0 : i32
        %dma_start3A_669 = tpu.memref_slice %arg11[%dma_start3A_666, %dma_start3A_667, %dma_start3A_668] : memref<8x125x16xf32, #tpu.memory_space<vmem>> -> memref<1x125x16xf32, #tpu.memory_space<vmem>>
        %dma_start3A_670 = tpu.memref_squeeze %dma_start3A_669 : memref<1x125x16xf32, #tpu.memory_space<vmem>> -> memref<125x16xf32, #tpu.memory_space<vmem>>
        %dma_start3A_671 = arith.constant 0 : i32
        %dma_start3A_672 = tpu.memref_slice %arg10[%add3A_516, %dma_start3A_671] : memref<80x125xi32, #tpu.memory_space<vmem>> -> memref<1x125xi32, #tpu.memory_space<vmem>>
        %dma_start3A_673 = tpu.memref_squeeze %dma_start3A_672 : memref<1x125xi32, #tpu.memory_space<vmem>> -> memref<125xi32, #tpu.memory_space<vmem>>
        %dma_start3A_674 = arith.constant 0 : i32
        %dma_start3A_675 = arith.constant 0 : i32
        %dma_start3A_676 = tpu.memref_slice %arg8[%dma_start3A_674, %dma_start3A_675] : memref<10000x16xf32, #tpu.memory_space<vmem_shared>> -> memref<10000x16xf32, #tpu.memory_space<vmem_shared>>
        tpu.enqueue_indirect_dma source(%dma_start3A_670 : memref<125x16xf32, #tpu.memory_space<vmem>>) target(%dma_start3A_676 : memref<10000x16xf32, #tpu.memory_space<vmem_shared>>) offsets(%dma_start3A_673 : memref<125xi32, #tpu.memory_space<vmem>>) semaphore(%arg22 : memref<!tpu.dma_semaphore, #tpu.memory_space<semaphore_mem>>) {add = true}
        %sub3A_677 = arith.constant 1 : i32
        %sub3A_678 = arith.subi %add3A_516, %sub3A_677 : i32
        %dma_wait3A_679 = arith.constant 0 : i32
        %dma_wait3A_680 = arith.constant 0 : i32
        %dma_wait3A_681 = arith.constant 0 : i32
        %dma_wait3A_682 = tpu.memref_slice %arg11[%dma_wait3A_679, %dma_wait3A_680, %dma_wait3A_681] : memref<8x125x16xf32, #tpu.memory_space<vmem>> -> memref<1x125x16xf32, #tpu.memory_space<vmem>>
        %dma_wait3A_683 = tpu.memref_squeeze %dma_wait3A_682 : memref<1x125x16xf32, #tpu.memory_space<vmem>> -> memref<125x16xf32, #tpu.memory_space<vmem>>
        %dma_wait3A_684 = arith.constant 0 : i32
        %dma_wait3A_685 = tpu.memref_slice %arg10[%sub3A_678, %dma_wait3A_684] : memref<80x125xi32, #tpu.memory_space<vmem>> -> memref<1x125xi32, #tpu.memory_space<vmem>>
        %dma_wait3A_686 = tpu.memref_squeeze %dma_wait3A_685 : memref<1x125xi32, #tpu.memory_space<vmem>> -> memref<125xi32, #tpu.memory_space<vmem>>
        %dma_wait3A_687 = arith.constant 0 : i32
        %dma_wait3A_688 = arith.constant 0 : i32
        %dma_wait3A_689 = tpu.memref_slice %arg8[%dma_wait3A_687, %dma_wait3A_688] : memref<10000x16xf32, #tpu.memory_space<vmem_shared>> -> memref<10000x16xf32, #tpu.memory_space<vmem_shared>>
        tpu.wait_indirect_dma semaphore(%arg21 : memref<!tpu.dma_semaphore, #tpu.memory_space<semaphore_mem>>) src(%dma_wait3A_683 : memref<125x16xf32, #tpu.memory_space<vmem>>) dst(%dma_wait3A_689 : memref<10000x16xf32, #tpu.memory_space<vmem_shared>>)
      } else {
      }
      %add3A_535 = arith.constant 2 : i32
      %add3A_536 = arith.addi %mul3A_496, %add3A_535 : i32
      %add3A_537 = arith.constant 8 : i32
      %add3A_538 = arith.addi %add3A_536, %add3A_537 : i32
      %sub3A_539 = arith.constant 1 : i32
      %sub3A_540 = arith.subi %add3A_538, %sub3A_539 : i32
      %lt3A_541 = arith.constant 80 : i32
      %lt3A_542 = arith.cmpi slt, %sub3A_540, %lt3A_541 : i32
      %convert_element_type3A_543 = arith.extui %lt3A_542 : i1 to i32
      %cond3A_544 = arith.constant 0 : i32
      %cond3A_545 = arith.cmpi ne, %convert_element_type3A_543, %cond3A_544 : i32
      scf.if %cond3A_545 {
        %dma_wait3A_655 = arith.constant 2 : i32
        %dma_wait3A_656 = arith.constant 0 : i32
        %dma_wait3A_657 = arith.constant 0 : i32
        %dma_wait3A_658 = tpu.memref_slice %arg11[%dma_wait3A_655, %dma_wait3A_656, %dma_wait3A_657] : memref<8x125x16xf32, #tpu.memory_space<vmem>> -> memref<1x125x16xf32, #tpu.memory_space<vmem>>
        %dma_wait3A_659 = tpu.memref_squeeze %dma_wait3A_658 : memref<1x125x16xf32, #tpu.memory_space<vmem>> -> memref<125x16xf32, #tpu.memory_space<vmem>>
        %dma_wait3A_660 = arith.constant 0 : i32
        %dma_wait3A_661 = tpu.memref_slice %arg9[%add3A_536, %dma_wait3A_660] : memref<80x125xi32, #tpu.memory_space<vmem>> -> memref<1x125xi32, #tpu.memory_space<vmem>>
        %dma_wait3A_662 = tpu.memref_squeeze %dma_wait3A_661 : memref<1x125xi32, #tpu.memory_space<vmem>> -> memref<125xi32, #tpu.memory_space<vmem>>
        %dma_wait3A_663 = arith.constant 0 : i32
        %dma_wait3A_664 = arith.constant 0 : i32
        %dma_wait3A_665 = tpu.memref_slice %arg2[%dma_wait3A_663, %dma_wait3A_664] : memref<10000x16xf32, #tpu.memory_space<hbm>> -> memref<10000x16xf32, #tpu.memory_space<hbm>>
        tpu.wait_indirect_dma semaphore(%arg15 : memref<!tpu.dma_semaphore, #tpu.memory_space<semaphore_mem>>) src(%dma_wait3A_665 : memref<10000x16xf32, #tpu.memory_space<hbm>>) dst(%dma_wait3A_659 : memref<125x16xf32, #tpu.memory_space<vmem>>)
        %dma_start3A_666 = arith.constant 2 : i32
        %dma_start3A_667 = arith.constant 0 : i32
        %dma_start3A_668 = arith.constant 0 : i32
        %dma_start3A_669 = tpu.memref_slice %arg11[%dma_start3A_666, %dma_start3A_667, %dma_start3A_668] : memref<8x125x16xf32, #tpu.memory_space<vmem>> -> memref<1x125x16xf32, #tpu.memory_space<vmem>>
        %dma_start3A_670 = tpu.memref_squeeze %dma_start3A_669 : memref<1x125x16xf32, #tpu.memory_space<vmem>> -> memref<125x16xf32, #tpu.memory_space<vmem>>
        %dma_start3A_671 = arith.constant 0 : i32
        %dma_start3A_672 = tpu.memref_slice %arg10[%add3A_536, %dma_start3A_671] : memref<80x125xi32, #tpu.memory_space<vmem>> -> memref<1x125xi32, #tpu.memory_space<vmem>>
        %dma_start3A_673 = tpu.memref_squeeze %dma_start3A_672 : memref<1x125xi32, #tpu.memory_space<vmem>> -> memref<125xi32, #tpu.memory_space<vmem>>
        %dma_start3A_674 = arith.constant 0 : i32
        %dma_start3A_675 = arith.constant 0 : i32
        %dma_start3A_676 = tpu.memref_slice %arg8[%dma_start3A_674, %dma_start3A_675] : memref<10000x16xf32, #tpu.memory_space<vmem_shared>> -> memref<10000x16xf32, #tpu.memory_space<vmem_shared>>
        tpu.enqueue_indirect_dma source(%dma_start3A_670 : memref<125x16xf32, #tpu.memory_space<vmem>>) target(%dma_start3A_676 : memref<10000x16xf32, #tpu.memory_space<vmem_shared>>) offsets(%dma_start3A_673 : memref<125xi32, #tpu.memory_space<vmem>>) semaphore(%arg23 : memref<!tpu.dma_semaphore, #tpu.memory_space<semaphore_mem>>) {add = true}
        %sub3A_677 = arith.constant 1 : i32
        %sub3A_678 = arith.subi %add3A_536, %sub3A_677 : i32
        %dma_wait3A_679 = arith.constant 1 : i32
        %dma_wait3A_680 = arith.constant 0 : i32
        %dma_wait3A_681 = arith.constant 0 : i32
        %dma_wait3A_682 = tpu.memref_slice %arg11[%dma_wait3A_679, %dma_wait3A_680, %dma_wait3A_681] : memref<8x125x16xf32, #tpu.memory_space<vmem>> -> memref<1x125x16xf32, #tpu.memory_space<vmem>>
        %dma_wait3A_683 = tpu.memref_squeeze %dma_wait3A_682 : memref<1x125x16xf32, #tpu.memory_space<vmem>> -> memref<125x16xf32, #tpu.memory_space<vmem>>
        %dma_wait3A_684 = arith.constant 0 : i32
        %dma_wait3A_685 = tpu.memref_slice %arg10[%sub3A_678, %dma_wait3A_684] : memref<80x125xi32, #tpu.memory_space<vmem>> -> memref<1x125xi32, #tpu.memory_space<vmem>>
        %dma_wait3A_686 = tpu.memref_squeeze %dma_wait3A_685 : memref<1x125xi32, #tpu.memory_space<vmem>> -> memref<125xi32, #tpu.memory_space<vmem>>
        %dma_wait3A_687 = arith.constant 0 : i32
        %dma_wait3A_688 = arith.constant 0 : i32
        %dma_wait3A_689 = tpu.memref_slice %arg8[%dma_wait3A_687, %dma_wait3A_688] : memref<10000x16xf32, #tpu.memory_space<vmem_shared>> -> memref<10000x16xf32, #tpu.memory_space<vmem_shared>>
        tpu.wait_indirect_dma semaphore(%arg22 : memref<!tpu.dma_semaphore, #tpu.memory_space<semaphore_mem>>) src(%dma_wait3A_683 : memref<125x16xf32, #tpu.memory_space<vmem>>) dst(%dma_wait3A_689 : memref<10000x16xf32, #tpu.memory_space<vmem_shared>>)
        %add3A_690 = arith.constant 8 : i32
        %add3A_691 = arith.addi %add3A_536, %add3A_690 : i32
        %sub3A_692 = arith.constant 1 : i32
        %sub3A_693 = arith.subi %add3A_691, %sub3A_692 : i32
        %dma_start3A_694 = arith.constant 1 : i32
        %dma_start3A_695 = arith.constant 0 : i32
        %dma_start3A_696 = arith.constant 0 : i32
        %dma_start3A_697 = tpu.memref_slice %arg11[%dma_start3A_694, %dma_start3A_695, %dma_start3A_696] : memref<8x125x16xf32, #tpu.memory_space<vmem>> -> memref<1x125x16xf32, #tpu.memory_space<vmem>>
        %dma_start3A_698 = tpu.memref_squeeze %dma_start3A_697 : memref<1x125x16xf32, #tpu.memory_space<vmem>> -> memref<125x16xf32, #tpu.memory_space<vmem>>
        %dma_start3A_699 = arith.constant 0 : i32
        %dma_start3A_700 = tpu.memref_slice %arg9[%sub3A_693, %dma_start3A_699] : memref<80x125xi32, #tpu.memory_space<vmem>> -> memref<1x125xi32, #tpu.memory_space<vmem>>
        %dma_start3A_701 = tpu.memref_squeeze %dma_start3A_700 : memref<1x125xi32, #tpu.memory_space<vmem>> -> memref<125xi32, #tpu.memory_space<vmem>>
        %dma_start3A_702 = arith.constant 0 : i32
        %dma_start3A_703 = arith.constant 0 : i32
        %dma_start3A_704 = tpu.memref_slice %arg2[%dma_start3A_702, %dma_start3A_703] : memref<10000x16xf32, #tpu.memory_space<hbm>> -> memref<10000x16xf32, #tpu.memory_space<hbm>>
        tpu.enqueue_indirect_dma source(%dma_start3A_704 : memref<10000x16xf32, #tpu.memory_space<hbm>>) target(%dma_start3A_698 : memref<125x16xf32, #tpu.memory_space<vmem>>) offsets(%dma_start3A_701 : memref<125xi32, #tpu.memory_space<vmem>>) semaphore(%arg14 : memref<!tpu.dma_semaphore, #tpu.memory_space<semaphore_mem>>)
      } else {
      }
      %add3A_546 = arith.constant 8 : i32
      %add3A_547 = arith.addi %add3A_536, %add3A_546 : i32
      %sub3A_548 = arith.constant 1 : i32
      %sub3A_549 = arith.subi %add3A_547, %sub3A_548 : i32
      %ge3A_550 = arith.constant 80 : i32
      %ge3A_551 = arith.cmpi sge, %sub3A_549, %ge3A_550 : i32
      %convert_element_type3A_552 = arith.extui %ge3A_551 : i1 to i32
      %cond3A_553 = arith.constant 0 : i32
      %cond3A_554 = arith.cmpi ne, %convert_element_type3A_552, %cond3A_553 : i32
      scf.if %cond3A_554 {
        %dma_wait3A_655 = arith.constant 2 : i32
        %dma_wait3A_656 = arith.constant 0 : i32
        %dma_wait3A_657 = arith.constant 0 : i32
        %dma_wait3A_658 = tpu.memref_slice %arg11[%dma_wait3A_655, %dma_wait3A_656, %dma_wait3A_657] : memref<8x125x16xf32, #tpu.memory_space<vmem>> -> memref<1x125x16xf32, #tpu.memory_space<vmem>>
        %dma_wait3A_659 = tpu.memref_squeeze %dma_wait3A_658 : memref<1x125x16xf32, #tpu.memory_space<vmem>> -> memref<125x16xf32, #tpu.memory_space<vmem>>
        %dma_wait3A_660 = arith.constant 0 : i32
        %dma_wait3A_661 = tpu.memref_slice %arg9[%add3A_536, %dma_wait3A_660] : memref<80x125xi32, #tpu.memory_space<vmem>> -> memref<1x125xi32, #tpu.memory_space<vmem>>
        %dma_wait3A_662 = tpu.memref_squeeze %dma_wait3A_661 : memref<1x125xi32, #tpu.memory_space<vmem>> -> memref<125xi32, #tpu.memory_space<vmem>>
        %dma_wait3A_663 = arith.constant 0 : i32
        %dma_wait3A_664 = arith.constant 0 : i32
        %dma_wait3A_665 = tpu.memref_slice %arg2[%dma_wait3A_663, %dma_wait3A_664] : memref<10000x16xf32, #tpu.memory_space<hbm>> -> memref<10000x16xf32, #tpu.memory_space<hbm>>
        tpu.wait_indirect_dma semaphore(%arg15 : memref<!tpu.dma_semaphore, #tpu.memory_space<semaphore_mem>>) src(%dma_wait3A_665 : memref<10000x16xf32, #tpu.memory_space<hbm>>) dst(%dma_wait3A_659 : memref<125x16xf32, #tpu.memory_space<vmem>>)
        %dma_start3A_666 = arith.constant 2 : i32
        %dma_start3A_667 = arith.constant 0 : i32
        %dma_start3A_668 = arith.constant 0 : i32
        %dma_start3A_669 = tpu.memref_slice %arg11[%dma_start3A_666, %dma_start3A_667, %dma_start3A_668] : memref<8x125x16xf32, #tpu.memory_space<vmem>> -> memref<1x125x16xf32, #tpu.memory_space<vmem>>
        %dma_start3A_670 = tpu.memref_squeeze %dma_start3A_669 : memref<1x125x16xf32, #tpu.memory_space<vmem>> -> memref<125x16xf32, #tpu.memory_space<vmem>>
        %dma_start3A_671 = arith.constant 0 : i32
        %dma_start3A_672 = tpu.memref_slice %arg10[%add3A_536, %dma_start3A_671] : memref<80x125xi32, #tpu.memory_space<vmem>> -> memref<1x125xi32, #tpu.memory_space<vmem>>
        %dma_start3A_673 = tpu.memref_squeeze %dma_start3A_672 : memref<1x125xi32, #tpu.memory_space<vmem>> -> memref<125xi32, #tpu.memory_space<vmem>>
        %dma_start3A_674 = arith.constant 0 : i32
        %dma_start3A_675 = arith.constant 0 : i32
        %dma_start3A_676 = tpu.memref_slice %arg8[%dma_start3A_674, %dma_start3A_675] : memref<10000x16xf32, #tpu.memory_space<vmem_shared>> -> memref<10000x16xf32, #tpu.memory_space<vmem_shared>>
        tpu.enqueue_indirect_dma source(%dma_start3A_670 : memref<125x16xf32, #tpu.memory_space<vmem>>) target(%dma_start3A_676 : memref<10000x16xf32, #tpu.memory_space<vmem_shared>>) offsets(%dma_start3A_673 : memref<125xi32, #tpu.memory_space<vmem>>) semaphore(%arg23 : memref<!tpu.dma_semaphore, #tpu.memory_space<semaphore_mem>>) {add = true}
        %sub3A_677 = arith.constant 1 : i32
        %sub3A_678 = arith.subi %add3A_536, %sub3A_677 : i32
        %dma_wait3A_679 = arith.constant 1 : i32
        %dma_wait3A_680 = arith.constant 0 : i32
        %dma_wait3A_681 = arith.constant 0 : i32
        %dma_wait3A_682 = tpu.memref_slice %arg11[%dma_wait3A_679, %dma_wait3A_680, %dma_wait3A_681] : memref<8x125x16xf32, #tpu.memory_space<vmem>> -> memref<1x125x16xf32, #tpu.memory_space<vmem>>
        %dma_wait3A_683 = tpu.memref_squeeze %dma_wait3A_682 : memref<1x125x16xf32, #tpu.memory_space<vmem>> -> memref<125x16xf32, #tpu.memory_space<vmem>>
        %dma_wait3A_684 = arith.constant 0 : i32
        %dma_wait3A_685 = tpu.memref_slice %arg10[%sub3A_678, %dma_wait3A_684] : memref<80x125xi32, #tpu.memory_space<vmem>> -> memref<1x125xi32, #tpu.memory_space<vmem>>
        %dma_wait3A_686 = tpu.memref_squeeze %dma_wait3A_685 : memref<1x125xi32, #tpu.memory_space<vmem>> -> memref<125xi32, #tpu.memory_space<vmem>>
        %dma_wait3A_687 = arith.constant 0 : i32
        %dma_wait3A_688 = arith.constant 0 : i32
        %dma_wait3A_689 = tpu.memref_slice %arg8[%dma_wait3A_687, %dma_wait3A_688] : memref<10000x16xf32, #tpu.memory_space<vmem_shared>> -> memref<10000x16xf32, #tpu.memory_space<vmem_shared>>
        tpu.wait_indirect_dma semaphore(%arg22 : memref<!tpu.dma_semaphore, #tpu.memory_space<semaphore_mem>>) src(%dma_wait3A_683 : memref<125x16xf32, #tpu.memory_space<vmem>>) dst(%dma_wait3A_689 : memref<10000x16xf32, #tpu.memory_space<vmem_shared>>)
      } else {
      }
      %add3A_555 = arith.constant 3 : i32
      %add3A_556 = arith.addi %mul3A_496, %add3A_555 : i32
      %add3A_557 = arith.constant 8 : i32
      %add3A_558 = arith.addi %add3A_556, %add3A_557 : i32
      %sub3A_559 = arith.constant 1 : i32
      %sub3A_560 = arith.subi %add3A_558, %sub3A_559 : i32
      %lt3A_561 = arith.constant 80 : i32
      %lt3A_562 = arith.cmpi slt, %sub3A_560, %lt3A_561 : i32
      %convert_element_type3A_563 = arith.extui %lt3A_562 : i1 to i32
      %cond3A_564 = arith.constant 0 : i32
      %cond3A_565 = arith.cmpi ne, %convert_element_type3A_563, %cond3A_564 : i32
      scf.if %cond3A_565 {
        %dma_wait3A_655 = arith.constant 3 : i32
        %dma_wait3A_656 = arith.constant 0 : i32
        %dma_wait3A_657 = arith.constant 0 : i32
        %dma_wait3A_658 = tpu.memref_slice %arg11[%dma_wait3A_655, %dma_wait3A_656, %dma_wait3A_657] : memref<8x125x16xf32, #tpu.memory_space<vmem>> -> memref<1x125x16xf32, #tpu.memory_space<vmem>>
        %dma_wait3A_659 = tpu.memref_squeeze %dma_wait3A_658 : memref<1x125x16xf32, #tpu.memory_space<vmem>> -> memref<125x16xf32, #tpu.memory_space<vmem>>
        %dma_wait3A_660 = arith.constant 0 : i32
        %dma_wait3A_661 = tpu.memref_slice %arg9[%add3A_556, %dma_wait3A_660] : memref<80x125xi32, #tpu.memory_space<vmem>> -> memref<1x125xi32, #tpu.memory_space<vmem>>
        %dma_wait3A_662 = tpu.memref_squeeze %dma_wait3A_661 : memref<1x125xi32, #tpu.memory_space<vmem>> -> memref<125xi32, #tpu.memory_space<vmem>>
        %dma_wait3A_663 = arith.constant 0 : i32
        %dma_wait3A_664 = arith.constant 0 : i32
        %dma_wait3A_665 = tpu.memref_slice %arg2[%dma_wait3A_663, %dma_wait3A_664] : memref<10000x16xf32, #tpu.memory_space<hbm>> -> memref<10000x16xf32, #tpu.memory_space<hbm>>
        tpu.wait_indirect_dma semaphore(%arg16 : memref<!tpu.dma_semaphore, #tpu.memory_space<semaphore_mem>>) src(%dma_wait3A_665 : memref<10000x16xf32, #tpu.memory_space<hbm>>) dst(%dma_wait3A_659 : memref<125x16xf32, #tpu.memory_space<vmem>>)
        %dma_start3A_666 = arith.constant 3 : i32
        %dma_start3A_667 = arith.constant 0 : i32
        %dma_start3A_668 = arith.constant 0 : i32
        %dma_start3A_669 = tpu.memref_slice %arg11[%dma_start3A_666, %dma_start3A_667, %dma_start3A_668] : memref<8x125x16xf32, #tpu.memory_space<vmem>> -> memref<1x125x16xf32, #tpu.memory_space<vmem>>
        %dma_start3A_670 = tpu.memref_squeeze %dma_start3A_669 : memref<1x125x16xf32, #tpu.memory_space<vmem>> -> memref<125x16xf32, #tpu.memory_space<vmem>>
        %dma_start3A_671 = arith.constant 0 : i32
        %dma_start3A_672 = tpu.memref_slice %arg10[%add3A_556, %dma_start3A_671] : memref<80x125xi32, #tpu.memory_space<vmem>> -> memref<1x125xi32, #tpu.memory_space<vmem>>
        %dma_start3A_673 = tpu.memref_squeeze %dma_start3A_672 : memref<1x125xi32, #tpu.memory_space<vmem>> -> memref<125xi32, #tpu.memory_space<vmem>>
        %dma_start3A_674 = arith.constant 0 : i32
        %dma_start3A_675 = arith.constant 0 : i32
        %dma_start3A_676 = tpu.memref_slice %arg8[%dma_start3A_674, %dma_start3A_675] : memref<10000x16xf32, #tpu.memory_space<vmem_shared>> -> memref<10000x16xf32, #tpu.memory_space<vmem_shared>>
        tpu.enqueue_indirect_dma source(%dma_start3A_670 : memref<125x16xf32, #tpu.memory_space<vmem>>) target(%dma_start3A_676 : memref<10000x16xf32, #tpu.memory_space<vmem_shared>>) offsets(%dma_start3A_673 : memref<125xi32, #tpu.memory_space<vmem>>) semaphore(%arg24 : memref<!tpu.dma_semaphore, #tpu.memory_space<semaphore_mem>>) {add = true}
        %sub3A_677 = arith.constant 1 : i32
        %sub3A_678 = arith.subi %add3A_556, %sub3A_677 : i32
        %dma_wait3A_679 = arith.constant 2 : i32
        %dma_wait3A_680 = arith.constant 0 : i32
        %dma_wait3A_681 = arith.constant 0 : i32
        %dma_wait3A_682 = tpu.memref_slice %arg11[%dma_wait3A_679, %dma_wait3A_680, %dma_wait3A_681] : memref<8x125x16xf32, #tpu.memory_space<vmem>> -> memref<1x125x16xf32, #tpu.memory_space<vmem>>
        %dma_wait3A_683 = tpu.memref_squeeze %dma_wait3A_682 : memref<1x125x16xf32, #tpu.memory_space<vmem>> -> memref<125x16xf32, #tpu.memory_space<vmem>>
        %dma_wait3A_684 = arith.constant 0 : i32
        %dma_wait3A_685 = tpu.memref_slice %arg10[%sub3A_678, %dma_wait3A_684] : memref<80x125xi32, #tpu.memory_space<vmem>> -> memref<1x125xi32, #tpu.memory_space<vmem>>
        %dma_wait3A_686 = tpu.memref_squeeze %dma_wait3A_685 : memref<1x125xi32, #tpu.memory_space<vmem>> -> memref<125xi32, #tpu.memory_space<vmem>>
        %dma_wait3A_687 = arith.constant 0 : i32
        %dma_wait3A_688 = arith.constant 0 : i32
        %dma_wait3A_689 = tpu.memref_slice %arg8[%dma_wait3A_687, %dma_wait3A_688] : memref<10000x16xf32, #tpu.memory_space<vmem_shared>> -> memref<10000x16xf32, #tpu.memory_space<vmem_shared>>
        tpu.wait_indirect_dma semaphore(%arg23 : memref<!tpu.dma_semaphore, #tpu.memory_space<semaphore_mem>>) src(%dma_wait3A_683 : memref<125x16xf32, #tpu.memory_space<vmem>>) dst(%dma_wait3A_689 : memref<10000x16xf32, #tpu.memory_space<vmem_shared>>)
        %add3A_690 = arith.constant 8 : i32
        %add3A_691 = arith.addi %add3A_556, %add3A_690 : i32
        %sub3A_692 = arith.constant 1 : i32
        %sub3A_693 = arith.subi %add3A_691, %sub3A_692 : i32
        %dma_start3A_694 = arith.constant 2 : i32
        %dma_start3A_695 = arith.constant 0 : i32
        %dma_start3A_696 = arith.constant 0 : i32
        %dma_start3A_697 = tpu.memref_slice %arg11[%dma_start3A_694, %dma_start3A_695, %dma_start3A_696] : memref<8x125x16xf32, #tpu.memory_space<vmem>> -> memref<1x125x16xf32, #tpu.memory_space<vmem>>
        %dma_start3A_698 = tpu.memref_squeeze %dma_start3A_697 : memref<1x125x16xf32, #tpu.memory_space<vmem>> -> memref<125x16xf32, #tpu.memory_space<vmem>>
        %dma_start3A_699 = arith.constant 0 : i32
        %dma_start3A_700 = tpu.memref_slice %arg9[%sub3A_693, %dma_start3A_699] : memref<80x125xi32, #tpu.memory_space<vmem>> -> memref<1x125xi32, #tpu.memory_space<vmem>>
        %dma_start3A_701 = tpu.memref_squeeze %dma_start3A_700 : memref<1x125xi32, #tpu.memory_space<vmem>> -> memref<125xi32, #tpu.memory_space<vmem>>
        %dma_start3A_702 = arith.constant 0 : i32
        %dma_start3A_703 = arith.constant 0 : i32
        %dma_start3A_704 = tpu.memref_slice %arg2[%dma_start3A_702, %dma_start3A_703] : memref<10000x16xf32, #tpu.memory_space<hbm>> -> memref<10000x16xf32, #tpu.memory_space<hbm>>
        tpu.enqueue_indirect_dma source(%dma_start3A_704 : memref<10000x16xf32, #tpu.memory_space<hbm>>) target(%dma_start3A_698 : memref<125x16xf32, #tpu.memory_space<vmem>>) offsets(%dma_start3A_701 : memref<125xi32, #tpu.memory_space<vmem>>) semaphore(%arg15 : memref<!tpu.dma_semaphore, #tpu.memory_space<semaphore_mem>>)
      } else {
      }
      %add3A_566 = arith.constant 8 : i32
      %add3A_567 = arith.addi %add3A_556, %add3A_566 : i32
      %sub3A_568 = arith.constant 1 : i32
      %sub3A_569 = arith.subi %add3A_567, %sub3A_568 : i32
      %ge3A_570 = arith.constant 80 : i32
      %ge3A_571 = arith.cmpi sge, %sub3A_569, %ge3A_570 : i32
      %convert_element_type3A_572 = arith.extui %ge3A_571 : i1 to i32
      %cond3A_573 = arith.constant 0 : i32
      %cond3A_574 = arith.cmpi ne, %convert_element_type3A_572, %cond3A_573 : i32
      scf.if %cond3A_574 {
        %dma_wait3A_655 = arith.constant 3 : i32
        %dma_wait3A_656 = arith.constant 0 : i32
        %dma_wait3A_657 = arith.constant 0 : i32
        %dma_wait3A_658 = tpu.memref_slice %arg11[%dma_wait3A_655, %dma_wait3A_656, %dma_wait3A_657] : memref<8x125x16xf32, #tpu.memory_space<vmem>> -> memref<1x125x16xf32, #tpu.memory_space<vmem>>
        %dma_wait3A_659 = tpu.memref_squeeze %dma_wait3A_658 : memref<1x125x16xf32, #tpu.memory_space<vmem>> -> memref<125x16xf32, #tpu.memory_space<vmem>>
        %dma_wait3A_660 = arith.constant 0 : i32
        %dma_wait3A_661 = tpu.memref_slice %arg9[%add3A_556, %dma_wait3A_660] : memref<80x125xi32, #tpu.memory_space<vmem>> -> memref<1x125xi32, #tpu.memory_space<vmem>>
        %dma_wait3A_662 = tpu.memref_squeeze %dma_wait3A_661 : memref<1x125xi32, #tpu.memory_space<vmem>> -> memref<125xi32, #tpu.memory_space<vmem>>
        %dma_wait3A_663 = arith.constant 0 : i32
        %dma_wait3A_664 = arith.constant 0 : i32
        %dma_wait3A_665 = tpu.memref_slice %arg2[%dma_wait3A_663, %dma_wait3A_664] : memref<10000x16xf32, #tpu.memory_space<hbm>> -> memref<10000x16xf32, #tpu.memory_space<hbm>>
        tpu.wait_indirect_dma semaphore(%arg16 : memref<!tpu.dma_semaphore, #tpu.memory_space<semaphore_mem>>) src(%dma_wait3A_665 : memref<10000x16xf32, #tpu.memory_space<hbm>>) dst(%dma_wait3A_659 : memref<125x16xf32, #tpu.memory_space<vmem>>)
        %dma_start3A_666 = arith.constant 3 : i32
        %dma_start3A_667 = arith.constant 0 : i32
        %dma_start3A_668 = arith.constant 0 : i32
        %dma_start3A_669 = tpu.memref_slice %arg11[%dma_start3A_666, %dma_start3A_667, %dma_start3A_668] : memref<8x125x16xf32, #tpu.memory_space<vmem>> -> memref<1x125x16xf32, #tpu.memory_space<vmem>>
        %dma_start3A_670 = tpu.memref_squeeze %dma_start3A_669 : memref<1x125x16xf32, #tpu.memory_space<vmem>> -> memref<125x16xf32, #tpu.memory_space<vmem>>
        %dma_start3A_671 = arith.constant 0 : i32
        %dma_start3A_672 = tpu.memref_slice %arg10[%add3A_556, %dma_start3A_671] : memref<80x125xi32, #tpu.memory_space<vmem>> -> memref<1x125xi32, #tpu.memory_space<vmem>>
        %dma_start3A_673 = tpu.memref_squeeze %dma_start3A_672 : memref<1x125xi32, #tpu.memory_space<vmem>> -> memref<125xi32, #tpu.memory_space<vmem>>
        %dma_start3A_674 = arith.constant 0 : i32
        %dma_start3A_675 = arith.constant 0 : i32
        %dma_start3A_676 = tpu.memref_slice %arg8[%dma_start3A_674, %dma_start3A_675] : memref<10000x16xf32, #tpu.memory_space<vmem_shared>> -> memref<10000x16xf32, #tpu.memory_space<vmem_shared>>
        tpu.enqueue_indirect_dma source(%dma_start3A_670 : memref<125x16xf32, #tpu.memory_space<vmem>>) target(%dma_start3A_676 : memref<10000x16xf32, #tpu.memory_space<vmem_shared>>) offsets(%dma_start3A_673 : memref<125xi32, #tpu.memory_space<vmem>>) semaphore(%arg24 : memref<!tpu.dma_semaphore, #tpu.memory_space<semaphore_mem>>) {add = true}
        %sub3A_677 = arith.constant 1 : i32
        %sub3A_678 = arith.subi %add3A_556, %sub3A_677 : i32
        %dma_wait3A_679 = arith.constant 2 : i32
        %dma_wait3A_680 = arith.constant 0 : i32
        %dma_wait3A_681 = arith.constant 0 : i32
        %dma_wait3A_682 = tpu.memref_slice %arg11[%dma_wait3A_679, %dma_wait3A_680, %dma_wait3A_681] : memref<8x125x16xf32, #tpu.memory_space<vmem>> -> memref<1x125x16xf32, #tpu.memory_space<vmem>>
        %dma_wait3A_683 = tpu.memref_squeeze %dma_wait3A_682 : memref<1x125x16xf32, #tpu.memory_space<vmem>> -> memref<125x16xf32, #tpu.memory_space<vmem>>
        %dma_wait3A_684 = arith.constant 0 : i32
        %dma_wait3A_685 = tpu.memref_slice %arg10[%sub3A_678, %dma_wait3A_684] : memref<80x125xi32, #tpu.memory_space<vmem>> -> memref<1x125xi32, #tpu.memory_space<vmem>>
        %dma_wait3A_686 = tpu.memref_squeeze %dma_wait3A_685 : memref<1x125xi32, #tpu.memory_space<vmem>> -> memref<125xi32, #tpu.memory_space<vmem>>
        %dma_wait3A_687 = arith.constant 0 : i32
        %dma_wait3A_688 = arith.constant 0 : i32
        %dma_wait3A_689 = tpu.memref_slice %arg8[%dma_wait3A_687, %dma_wait3A_688] : memref<10000x16xf32, #tpu.memory_space<vmem_shared>> -> memref<10000x16xf32, #tpu.memory_space<vmem_shared>>
        tpu.wait_indirect_dma semaphore(%arg23 : memref<!tpu.dma_semaphore, #tpu.memory_space<semaphore_mem>>) src(%dma_wait3A_683 : memref<125x16xf32, #tpu.memory_space<vmem>>) dst(%dma_wait3A_689 : memref<10000x16xf32, #tpu.memory_space<vmem_shared>>)
      } else {
      }
      %add3A_575 = arith.constant 4 : i32
      %add3A_576 = arith.addi %mul3A_496, %add3A_575 : i32
      %add3A_577 = arith.constant 8 : i32
      %add3A_578 = arith.addi %add3A_576, %add3A_577 : i32
      %sub3A_579 = arith.constant 1 : i32
      %sub3A_580 = arith.subi %add3A_578, %sub3A_579 : i32
      %lt3A_581 = arith.constant 80 : i32
      %lt3A_582 = arith.cmpi slt, %sub3A_580, %lt3A_581 : i32
      %convert_element_type3A_583 = arith.extui %lt3A_582 : i1 to i32
      %cond3A_584 = arith.constant 0 : i32
      %cond3A_585 = arith.cmpi ne, %convert_element_type3A_583, %cond3A_584 : i32
      scf.if %cond3A_585 {
        %dma_wait3A_655 = arith.constant 4 : i32
        %dma_wait3A_656 = arith.constant 0 : i32
        %dma_wait3A_657 = arith.constant 0 : i32
        %dma_wait3A_658 = tpu.memref_slice %arg11[%dma_wait3A_655, %dma_wait3A_656, %dma_wait3A_657] : memref<8x125x16xf32, #tpu.memory_space<vmem>> -> memref<1x125x16xf32, #tpu.memory_space<vmem>>
        %dma_wait3A_659 = tpu.memref_squeeze %dma_wait3A_658 : memref<1x125x16xf32, #tpu.memory_space<vmem>> -> memref<125x16xf32, #tpu.memory_space<vmem>>
        %dma_wait3A_660 = arith.constant 0 : i32
        %dma_wait3A_661 = tpu.memref_slice %arg9[%add3A_576, %dma_wait3A_660] : memref<80x125xi32, #tpu.memory_space<vmem>> -> memref<1x125xi32, #tpu.memory_space<vmem>>
        %dma_wait3A_662 = tpu.memref_squeeze %dma_wait3A_661 : memref<1x125xi32, #tpu.memory_space<vmem>> -> memref<125xi32, #tpu.memory_space<vmem>>
        %dma_wait3A_663 = arith.constant 0 : i32
        %dma_wait3A_664 = arith.constant 0 : i32
        %dma_wait3A_665 = tpu.memref_slice %arg2[%dma_wait3A_663, %dma_wait3A_664] : memref<10000x16xf32, #tpu.memory_space<hbm>> -> memref<10000x16xf32, #tpu.memory_space<hbm>>
        tpu.wait_indirect_dma semaphore(%arg17 : memref<!tpu.dma_semaphore, #tpu.memory_space<semaphore_mem>>) src(%dma_wait3A_665 : memref<10000x16xf32, #tpu.memory_space<hbm>>) dst(%dma_wait3A_659 : memref<125x16xf32, #tpu.memory_space<vmem>>)
        %dma_start3A_666 = arith.constant 4 : i32
        %dma_start3A_667 = arith.constant 0 : i32
        %dma_start3A_668 = arith.constant 0 : i32
        %dma_start3A_669 = tpu.memref_slice %arg11[%dma_start3A_666, %dma_start3A_667, %dma_start3A_668] : memref<8x125x16xf32, #tpu.memory_space<vmem>> -> memref<1x125x16xf32, #tpu.memory_space<vmem>>
        %dma_start3A_670 = tpu.memref_squeeze %dma_start3A_669 : memref<1x125x16xf32, #tpu.memory_space<vmem>> -> memref<125x16xf32, #tpu.memory_space<vmem>>
        %dma_start3A_671 = arith.constant 0 : i32
        %dma_start3A_672 = tpu.memref_slice %arg10[%add3A_576, %dma_start3A_671] : memref<80x125xi32, #tpu.memory_space<vmem>> -> memref<1x125xi32, #tpu.memory_space<vmem>>
        %dma_start3A_673 = tpu.memref_squeeze %dma_start3A_672 : memref<1x125xi32, #tpu.memory_space<vmem>> -> memref<125xi32, #tpu.memory_space<vmem>>
        %dma_start3A_674 = arith.constant 0 : i32
        %dma_start3A_675 = arith.constant 0 : i32
        %dma_start3A_676 = tpu.memref_slice %arg8[%dma_start3A_674, %dma_start3A_675] : memref<10000x16xf32, #tpu.memory_space<vmem_shared>> -> memref<10000x16xf32, #tpu.memory_space<vmem_shared>>
        tpu.enqueue_indirect_dma source(%dma_start3A_670 : memref<125x16xf32, #tpu.memory_space<vmem>>) target(%dma_start3A_676 : memref<10000x16xf32, #tpu.memory_space<vmem_shared>>) offsets(%dma_start3A_673 : memref<125xi32, #tpu.memory_space<vmem>>) semaphore(%arg25 : memref<!tpu.dma_semaphore, #tpu.memory_space<semaphore_mem>>) {add = true}
        %sub3A_677 = arith.constant 1 : i32
        %sub3A_678 = arith.subi %add3A_576, %sub3A_677 : i32
        %dma_wait3A_679 = arith.constant 3 : i32
        %dma_wait3A_680 = arith.constant 0 : i32
        %dma_wait3A_681 = arith.constant 0 : i32
        %dma_wait3A_682 = tpu.memref_slice %arg11[%dma_wait3A_679, %dma_wait3A_680, %dma_wait3A_681] : memref<8x125x16xf32, #tpu.memory_space<vmem>> -> memref<1x125x16xf32, #tpu.memory_space<vmem>>
        %dma_wait3A_683 = tpu.memref_squeeze %dma_wait3A_682 : memref<1x125x16xf32, #tpu.memory_space<vmem>> -> memref<125x16xf32, #tpu.memory_space<vmem>>
        %dma_wait3A_684 = arith.constant 0 : i32
        %dma_wait3A_685 = tpu.memref_slice %arg10[%sub3A_678, %dma_wait3A_684] : memref<80x125xi32, #tpu.memory_space<vmem>> -> memref<1x125xi32, #tpu.memory_space<vmem>>
        %dma_wait3A_686 = tpu.memref_squeeze %dma_wait3A_685 : memref<1x125xi32, #tpu.memory_space<vmem>> -> memref<125xi32, #tpu.memory_space<vmem>>
        %dma_wait3A_687 = arith.constant 0 : i32
        %dma_wait3A_688 = arith.constant 0 : i32
        %dma_wait3A_689 = tpu.memref_slice %arg8[%dma_wait3A_687, %dma_wait3A_688] : memref<10000x16xf32, #tpu.memory_space<vmem_shared>> -> memref<10000x16xf32, #tpu.memory_space<vmem_shared>>
        tpu.wait_indirect_dma semaphore(%arg24 : memref<!tpu.dma_semaphore, #tpu.memory_space<semaphore_mem>>) src(%dma_wait3A_683 : memref<125x16xf32, #tpu.memory_space<vmem>>) dst(%dma_wait3A_689 : memref<10000x16xf32, #tpu.memory_space<vmem_shared>>)
        %add3A_690 = arith.constant 8 : i32
        %add3A_691 = arith.addi %add3A_576, %add3A_690 : i32
        %sub3A_692 = arith.constant 1 : i32
        %sub3A_693 = arith.subi %add3A_691, %sub3A_692 : i32
        %dma_start3A_694 = arith.constant 3 : i32
        %dma_start3A_695 = arith.constant 0 : i32
        %dma_start3A_696 = arith.constant 0 : i32
        %dma_start3A_697 = tpu.memref_slice %arg11[%dma_start3A_694, %dma_start3A_695, %dma_start3A_696] : memref<8x125x16xf32, #tpu.memory_space<vmem>> -> memref<1x125x16xf32, #tpu.memory_space<vmem>>
        %dma_start3A_698 = tpu.memref_squeeze %dma_start3A_697 : memref<1x125x16xf32, #tpu.memory_space<vmem>> -> memref<125x16xf32, #tpu.memory_space<vmem>>
        %dma_start3A_699 = arith.constant 0 : i32
        %dma_start3A_700 = tpu.memref_slice %arg9[%sub3A_693, %dma_start3A_699] : memref<80x125xi32, #tpu.memory_space<vmem>> -> memref<1x125xi32, #tpu.memory_space<vmem>>
        %dma_start3A_701 = tpu.memref_squeeze %dma_start3A_700 : memref<1x125xi32, #tpu.memory_space<vmem>> -> memref<125xi32, #tpu.memory_space<vmem>>
        %dma_start3A_702 = arith.constant 0 : i32
        %dma_start3A_703 = arith.constant 0 : i32
        %dma_start3A_704 = tpu.memref_slice %arg2[%dma_start3A_702, %dma_start3A_703] : memref<10000x16xf32, #tpu.memory_space<hbm>> -> memref<10000x16xf32, #tpu.memory_space<hbm>>
        tpu.enqueue_indirect_dma source(%dma_start3A_704 : memref<10000x16xf32, #tpu.memory_space<hbm>>) target(%dma_start3A_698 : memref<125x16xf32, #tpu.memory_space<vmem>>) offsets(%dma_start3A_701 : memref<125xi32, #tpu.memory_space<vmem>>) semaphore(%arg16 : memref<!tpu.dma_semaphore, #tpu.memory_space<semaphore_mem>>)
      } else {
      }
      %add3A_586 = arith.constant 8 : i32
      %add3A_587 = arith.addi %add3A_576, %add3A_586 : i32
      %sub3A_588 = arith.constant 1 : i32
      %sub3A_589 = arith.subi %add3A_587, %sub3A_588 : i32
      %ge3A_590 = arith.constant 80 : i32
      %ge3A_591 = arith.cmpi sge, %sub3A_589, %ge3A_590 : i32
      %convert_element_type3A_592 = arith.extui %ge3A_591 : i1 to i32
      %cond3A_593 = arith.constant 0 : i32
      %cond3A_594 = arith.cmpi ne, %convert_element_type3A_592, %cond3A_593 : i32
      scf.if %cond3A_594 {
        %dma_wait3A_655 = arith.constant 4 : i32
        %dma_wait3A_656 = arith.constant 0 : i32
        %dma_wait3A_657 = arith.constant 0 : i32
        %dma_wait3A_658 = tpu.memref_slice %arg11[%dma_wait3A_655, %dma_wait3A_656, %dma_wait3A_657] : memref<8x125x16xf32, #tpu.memory_space<vmem>> -> memref<1x125x16xf32, #tpu.memory_space<vmem>>
        %dma_wait3A_659 = tpu.memref_squeeze %dma_wait3A_658 : memref<1x125x16xf32, #tpu.memory_space<vmem>> -> memref<125x16xf32, #tpu.memory_space<vmem>>
        %dma_wait3A_660 = arith.constant 0 : i32
        %dma_wait3A_661 = tpu.memref_slice %arg9[%add3A_576, %dma_wait3A_660] : memref<80x125xi32, #tpu.memory_space<vmem>> -> memref<1x125xi32, #tpu.memory_space<vmem>>
        %dma_wait3A_662 = tpu.memref_squeeze %dma_wait3A_661 : memref<1x125xi32, #tpu.memory_space<vmem>> -> memref<125xi32, #tpu.memory_space<vmem>>
        %dma_wait3A_663 = arith.constant 0 : i32
        %dma_wait3A_664 = arith.constant 0 : i32
        %dma_wait3A_665 = tpu.memref_slice %arg2[%dma_wait3A_663, %dma_wait3A_664] : memref<10000x16xf32, #tpu.memory_space<hbm>> -> memref<10000x16xf32, #tpu.memory_space<hbm>>
        tpu.wait_indirect_dma semaphore(%arg17 : memref<!tpu.dma_semaphore, #tpu.memory_space<semaphore_mem>>) src(%dma_wait3A_665 : memref<10000x16xf32, #tpu.memory_space<hbm>>) dst(%dma_wait3A_659 : memref<125x16xf32, #tpu.memory_space<vmem>>)
        %dma_start3A_666 = arith.constant 4 : i32
        %dma_start3A_667 = arith.constant 0 : i32
        %dma_start3A_668 = arith.constant 0 : i32
        %dma_start3A_669 = tpu.memref_slice %arg11[%dma_start3A_666, %dma_start3A_667, %dma_start3A_668] : memref<8x125x16xf32, #tpu.memory_space<vmem>> -> memref<1x125x16xf32, #tpu.memory_space<vmem>>
        %dma_start3A_670 = tpu.memref_squeeze %dma_start3A_669 : memref<1x125x16xf32, #tpu.memory_space<vmem>> -> memref<125x16xf32, #tpu.memory_space<vmem>>
        %dma_start3A_671 = arith.constant 0 : i32
        %dma_start3A_672 = tpu.memref_slice %arg10[%add3A_576, %dma_start3A_671] : memref<80x125xi32, #tpu.memory_space<vmem>> -> memref<1x125xi32, #tpu.memory_space<vmem>>
        %dma_start3A_673 = tpu.memref_squeeze %dma_start3A_672 : memref<1x125xi32, #tpu.memory_space<vmem>> -> memref<125xi32, #tpu.memory_space<vmem>>
        %dma_start3A_674 = arith.constant 0 : i32
        %dma_start3A_675 = arith.constant 0 : i32
        %dma_start3A_676 = tpu.memref_slice %arg8[%dma_start3A_674, %dma_start3A_675] : memref<10000x16xf32, #tpu.memory_space<vmem_shared>> -> memref<10000x16xf32, #tpu.memory_space<vmem_shared>>
        tpu.enqueue_indirect_dma source(%dma_start3A_670 : memref<125x16xf32, #tpu.memory_space<vmem>>) target(%dma_start3A_676 : memref<10000x16xf32, #tpu.memory_space<vmem_shared>>) offsets(%dma_start3A_673 : memref<125xi32, #tpu.memory_space<vmem>>) semaphore(%arg25 : memref<!tpu.dma_semaphore, #tpu.memory_space<semaphore_mem>>) {add = true}
        %sub3A_677 = arith.constant 1 : i32
        %sub3A_678 = arith.subi %add3A_576, %sub3A_677 : i32
        %dma_wait3A_679 = arith.constant 3 : i32
        %dma_wait3A_680 = arith.constant 0 : i32
        %dma_wait3A_681 = arith.constant 0 : i32
        %dma_wait3A_682 = tpu.memref_slice %arg11[%dma_wait3A_679, %dma_wait3A_680, %dma_wait3A_681] : memref<8x125x16xf32, #tpu.memory_space<vmem>> -> memref<1x125x16xf32, #tpu.memory_space<vmem>>
        %dma_wait3A_683 = tpu.memref_squeeze %dma_wait3A_682 : memref<1x125x16xf32, #tpu.memory_space<vmem>> -> memref<125x16xf32, #tpu.memory_space<vmem>>
        %dma_wait3A_684 = arith.constant 0 : i32
        %dma_wait3A_685 = tpu.memref_slice %arg10[%sub3A_678, %dma_wait3A_684] : memref<80x125xi32, #tpu.memory_space<vmem>> -> memref<1x125xi32, #tpu.memory_space<vmem>>
        %dma_wait3A_686 = tpu.memref_squeeze %dma_wait3A_685 : memref<1x125xi32, #tpu.memory_space<vmem>> -> memref<125xi32, #tpu.memory_space<vmem>>
        %dma_wait3A_687 = arith.constant 0 : i32
        %dma_wait3A_688 = arith.constant 0 : i32
        %dma_wait3A_689 = tpu.memref_slice %arg8[%dma_wait3A_687, %dma_wait3A_688] : memref<10000x16xf32, #tpu.memory_space<vmem_shared>> -> memref<10000x16xf32, #tpu.memory_space<vmem_shared>>
        tpu.wait_indirect_dma semaphore(%arg24 : memref<!tpu.dma_semaphore, #tpu.memory_space<semaphore_mem>>) src(%dma_wait3A_683 : memref<125x16xf32, #tpu.memory_space<vmem>>) dst(%dma_wait3A_689 : memref<10000x16xf32, #tpu.memory_space<vmem_shared>>)
      } else {
      }
      %add3A_595 = arith.constant 5 : i32
      %add3A_596 = arith.addi %mul3A_496, %add3A_595 : i32
      %add3A_597 = arith.constant 8 : i32
      %add3A_598 = arith.addi %add3A_596, %add3A_597 : i32
      %sub3A_599 = arith.constant 1 : i32
      %sub3A_600 = arith.subi %add3A_598, %sub3A_599 : i32
      %lt3A_601 = arith.constant 80 : i32
      %lt3A_602 = arith.cmpi slt, %sub3A_600, %lt3A_601 : i32
      %convert_element_type3A_603 = arith.extui %lt3A_602 : i1 to i32
      %cond3A_604 = arith.constant 0 : i32
      %cond3A_605 = arith.cmpi ne, %convert_element_type3A_603, %cond3A_604 : i32
      scf.if %cond3A_605 {
        %dma_wait3A_655 = arith.constant 5 : i32
        %dma_wait3A_656 = arith.constant 0 : i32
        %dma_wait3A_657 = arith.constant 0 : i32
        %dma_wait3A_658 = tpu.memref_slice %arg11[%dma_wait3A_655, %dma_wait3A_656, %dma_wait3A_657] : memref<8x125x16xf32, #tpu.memory_space<vmem>> -> memref<1x125x16xf32, #tpu.memory_space<vmem>>
        %dma_wait3A_659 = tpu.memref_squeeze %dma_wait3A_658 : memref<1x125x16xf32, #tpu.memory_space<vmem>> -> memref<125x16xf32, #tpu.memory_space<vmem>>
        %dma_wait3A_660 = arith.constant 0 : i32
        %dma_wait3A_661 = tpu.memref_slice %arg9[%add3A_596, %dma_wait3A_660] : memref<80x125xi32, #tpu.memory_space<vmem>> -> memref<1x125xi32, #tpu.memory_space<vmem>>
        %dma_wait3A_662 = tpu.memref_squeeze %dma_wait3A_661 : memref<1x125xi32, #tpu.memory_space<vmem>> -> memref<125xi32, #tpu.memory_space<vmem>>
        %dma_wait3A_663 = arith.constant 0 : i32
        %dma_wait3A_664 = arith.constant 0 : i32
        %dma_wait3A_665 = tpu.memref_slice %arg2[%dma_wait3A_663, %dma_wait3A_664] : memref<10000x16xf32, #tpu.memory_space<hbm>> -> memref<10000x16xf32, #tpu.memory_space<hbm>>
        tpu.wait_indirect_dma semaphore(%arg18 : memref<!tpu.dma_semaphore, #tpu.memory_space<semaphore_mem>>) src(%dma_wait3A_665 : memref<10000x16xf32, #tpu.memory_space<hbm>>) dst(%dma_wait3A_659 : memref<125x16xf32, #tpu.memory_space<vmem>>)
        %dma_start3A_666 = arith.constant 5 : i32
        %dma_start3A_667 = arith.constant 0 : i32
        %dma_start3A_668 = arith.constant 0 : i32
        %dma_start3A_669 = tpu.memref_slice %arg11[%dma_start3A_666, %dma_start3A_667, %dma_start3A_668] : memref<8x125x16xf32, #tpu.memory_space<vmem>> -> memref<1x125x16xf32, #tpu.memory_space<vmem>>
        %dma_start3A_670 = tpu.memref_squeeze %dma_start3A_669 : memref<1x125x16xf32, #tpu.memory_space<vmem>> -> memref<125x16xf32, #tpu.memory_space<vmem>>
        %dma_start3A_671 = arith.constant 0 : i32
        %dma_start3A_672 = tpu.memref_slice %arg10[%add3A_596, %dma_start3A_671] : memref<80x125xi32, #tpu.memory_space<vmem>> -> memref<1x125xi32, #tpu.memory_space<vmem>>
        %dma_start3A_673 = tpu.memref_squeeze %dma_start3A_672 : memref<1x125xi32, #tpu.memory_space<vmem>> -> memref<125xi32, #tpu.memory_space<vmem>>
        %dma_start3A_674 = arith.constant 0 : i32
        %dma_start3A_675 = arith.constant 0 : i32
        %dma_start3A_676 = tpu.memref_slice %arg8[%dma_start3A_674, %dma_start3A_675] : memref<10000x16xf32, #tpu.memory_space<vmem_shared>> -> memref<10000x16xf32, #tpu.memory_space<vmem_shared>>
        tpu.enqueue_indirect_dma source(%dma_start3A_670 : memref<125x16xf32, #tpu.memory_space<vmem>>) target(%dma_start3A_676 : memref<10000x16xf32, #tpu.memory_space<vmem_shared>>) offsets(%dma_start3A_673 : memref<125xi32, #tpu.memory_space<vmem>>) semaphore(%arg26 : memref<!tpu.dma_semaphore, #tpu.memory_space<semaphore_mem>>) {add = true}
        %sub3A_677 = arith.constant 1 : i32
        %sub3A_678 = arith.subi %add3A_596, %sub3A_677 : i32
        %dma_wait3A_679 = arith.constant 4 : i32
        %dma_wait3A_680 = arith.constant 0 : i32
        %dma_wait3A_681 = arith.constant 0 : i32
        %dma_wait3A_682 = tpu.memref_slice %arg11[%dma_wait3A_679, %dma_wait3A_680, %dma_wait3A_681] : memref<8x125x16xf32, #tpu.memory_space<vmem>> -> memref<1x125x16xf32, #tpu.memory_space<vmem>>
        %dma_wait3A_683 = tpu.memref_squeeze %dma_wait3A_682 : memref<1x125x16xf32, #tpu.memory_space<vmem>> -> memref<125x16xf32, #tpu.memory_space<vmem>>
        %dma_wait3A_684 = arith.constant 0 : i32
        %dma_wait3A_685 = tpu.memref_slice %arg10[%sub3A_678, %dma_wait3A_684] : memref<80x125xi32, #tpu.memory_space<vmem>> -> memref<1x125xi32, #tpu.memory_space<vmem>>
        %dma_wait3A_686 = tpu.memref_squeeze %dma_wait3A_685 : memref<1x125xi32, #tpu.memory_space<vmem>> -> memref<125xi32, #tpu.memory_space<vmem>>
        %dma_wait3A_687 = arith.constant 0 : i32
        %dma_wait3A_688 = arith.constant 0 : i32
        %dma_wait3A_689 = tpu.memref_slice %arg8[%dma_wait3A_687, %dma_wait3A_688] : memref<10000x16xf32, #tpu.memory_space<vmem_shared>> -> memref<10000x16xf32, #tpu.memory_space<vmem_shared>>
        tpu.wait_indirect_dma semaphore(%arg25 : memref<!tpu.dma_semaphore, #tpu.memory_space<semaphore_mem>>) src(%dma_wait3A_683 : memref<125x16xf32, #tpu.memory_space<vmem>>) dst(%dma_wait3A_689 : memref<10000x16xf32, #tpu.memory_space<vmem_shared>>)
        %add3A_690 = arith.constant 8 : i32
        %add3A_691 = arith.addi %add3A_596, %add3A_690 : i32
        %sub3A_692 = arith.constant 1 : i32
        %sub3A_693 = arith.subi %add3A_691, %sub3A_692 : i32
        %dma_start3A_694 = arith.constant 4 : i32
        %dma_start3A_695 = arith.constant 0 : i32
        %dma_start3A_696 = arith.constant 0 : i32
        %dma_start3A_697 = tpu.memref_slice %arg11[%dma_start3A_694, %dma_start3A_695, %dma_start3A_696] : memref<8x125x16xf32, #tpu.memory_space<vmem>> -> memref<1x125x16xf32, #tpu.memory_space<vmem>>
        %dma_start3A_698 = tpu.memref_squeeze %dma_start3A_697 : memref<1x125x16xf32, #tpu.memory_space<vmem>> -> memref<125x16xf32, #tpu.memory_space<vmem>>
        %dma_start3A_699 = arith.constant 0 : i32
        %dma_start3A_700 = tpu.memref_slice %arg9[%sub3A_693, %dma_start3A_699] : memref<80x125xi32, #tpu.memory_space<vmem>> -> memref<1x125xi32, #tpu.memory_space<vmem>>
        %dma_start3A_701 = tpu.memref_squeeze %dma_start3A_700 : memref<1x125xi32, #tpu.memory_space<vmem>> -> memref<125xi32, #tpu.memory_space<vmem>>
        %dma_start3A_702 = arith.constant 0 : i32
        %dma_start3A_703 = arith.constant 0 : i32
        %dma_start3A_704 = tpu.memref_slice %arg2[%dma_start3A_702, %dma_start3A_703] : memref<10000x16xf32, #tpu.memory_space<hbm>> -> memref<10000x16xf32, #tpu.memory_space<hbm>>
        tpu.enqueue_indirect_dma source(%dma_start3A_704 : memref<10000x16xf32, #tpu.memory_space<hbm>>) target(%dma_start3A_698 : memref<125x16xf32, #tpu.memory_space<vmem>>) offsets(%dma_start3A_701 : memref<125xi32, #tpu.memory_space<vmem>>) semaphore(%arg17 : memref<!tpu.dma_semaphore, #tpu.memory_space<semaphore_mem>>)
      } else {
      }
      %add3A_606 = arith.constant 8 : i32
      %add3A_607 = arith.addi %add3A_596, %add3A_606 : i32
      %sub3A_608 = arith.constant 1 : i32
      %sub3A_609 = arith.subi %add3A_607, %sub3A_608 : i32
      %ge3A_610 = arith.constant 80 : i32
      %ge3A_611 = arith.cmpi sge, %sub3A_609, %ge3A_610 : i32
      %convert_element_type3A_612 = arith.extui %ge3A_611 : i1 to i32
      %cond3A_613 = arith.constant 0 : i32
      %cond3A_614 = arith.cmpi ne, %convert_element_type3A_612, %cond3A_613 : i32
      scf.if %cond3A_614 {
        %dma_wait3A_655 = arith.constant 5 : i32
        %dma_wait3A_656 = arith.constant 0 : i32
        %dma_wait3A_657 = arith.constant 0 : i32
        %dma_wait3A_658 = tpu.memref_slice %arg11[%dma_wait3A_655, %dma_wait3A_656, %dma_wait3A_657] : memref<8x125x16xf32, #tpu.memory_space<vmem>> -> memref<1x125x16xf32, #tpu.memory_space<vmem>>
        %dma_wait3A_659 = tpu.memref_squeeze %dma_wait3A_658 : memref<1x125x16xf32, #tpu.memory_space<vmem>> -> memref<125x16xf32, #tpu.memory_space<vmem>>
        %dma_wait3A_660 = arith.constant 0 : i32
        %dma_wait3A_661 = tpu.memref_slice %arg9[%add3A_596, %dma_wait3A_660] : memref<80x125xi32, #tpu.memory_space<vmem>> -> memref<1x125xi32, #tpu.memory_space<vmem>>
        %dma_wait3A_662 = tpu.memref_squeeze %dma_wait3A_661 : memref<1x125xi32, #tpu.memory_space<vmem>> -> memref<125xi32, #tpu.memory_space<vmem>>
        %dma_wait3A_663 = arith.constant 0 : i32
        %dma_wait3A_664 = arith.constant 0 : i32
        %dma_wait3A_665 = tpu.memref_slice %arg2[%dma_wait3A_663, %dma_wait3A_664] : memref<10000x16xf32, #tpu.memory_space<hbm>> -> memref<10000x16xf32, #tpu.memory_space<hbm>>
        tpu.wait_indirect_dma semaphore(%arg18 : memref<!tpu.dma_semaphore, #tpu.memory_space<semaphore_mem>>) src(%dma_wait3A_665 : memref<10000x16xf32, #tpu.memory_space<hbm>>) dst(%dma_wait3A_659 : memref<125x16xf32, #tpu.memory_space<vmem>>)
        %dma_start3A_666 = arith.constant 5 : i32
        %dma_start3A_667 = arith.constant 0 : i32
        %dma_start3A_668 = arith.constant 0 : i32
        %dma_start3A_669 = tpu.memref_slice %arg11[%dma_start3A_666, %dma_start3A_667, %dma_start3A_668] : memref<8x125x16xf32, #tpu.memory_space<vmem>> -> memref<1x125x16xf32, #tpu.memory_space<vmem>>
        %dma_start3A_670 = tpu.memref_squeeze %dma_start3A_669 : memref<1x125x16xf32, #tpu.memory_space<vmem>> -> memref<125x16xf32, #tpu.memory_space<vmem>>
        %dma_start3A_671 = arith.constant 0 : i32
        %dma_start3A_672 = tpu.memref_slice %arg10[%add3A_596, %dma_start3A_671] : memref<80x125xi32, #tpu.memory_space<vmem>> -> memref<1x125xi32, #tpu.memory_space<vmem>>
        %dma_start3A_673 = tpu.memref_squeeze %dma_start3A_672 : memref<1x125xi32, #tpu.memory_space<vmem>> -> memref<125xi32, #tpu.memory_space<vmem>>
        %dma_start3A_674 = arith.constant 0 : i32
        %dma_start3A_675 = arith.constant 0 : i32
        %dma_start3A_676 = tpu.memref_slice %arg8[%dma_start3A_674, %dma_start3A_675] : memref<10000x16xf32, #tpu.memory_space<vmem_shared>> -> memref<10000x16xf32, #tpu.memory_space<vmem_shared>>
        tpu.enqueue_indirect_dma source(%dma_start3A_670 : memref<125x16xf32, #tpu.memory_space<vmem>>) target(%dma_start3A_676 : memref<10000x16xf32, #tpu.memory_space<vmem_shared>>) offsets(%dma_start3A_673 : memref<125xi32, #tpu.memory_space<vmem>>) semaphore(%arg26 : memref<!tpu.dma_semaphore, #tpu.memory_space<semaphore_mem>>) {add = true}
        %sub3A_677 = arith.constant 1 : i32
        %sub3A_678 = arith.subi %add3A_596, %sub3A_677 : i32
        %dma_wait3A_679 = arith.constant 4 : i32
        %dma_wait3A_680 = arith.constant 0 : i32
        %dma_wait3A_681 = arith.constant 0 : i32
        %dma_wait3A_682 = tpu.memref_slice %arg11[%dma_wait3A_679, %dma_wait3A_680, %dma_wait3A_681] : memref<8x125x16xf32, #tpu.memory_space<vmem>> -> memref<1x125x16xf32, #tpu.memory_space<vmem>>
        %dma_wait3A_683 = tpu.memref_squeeze %dma_wait3A_682 : memref<1x125x16xf32, #tpu.memory_space<vmem>> -> memref<125x16xf32, #tpu.memory_space<vmem>>
        %dma_wait3A_684 = arith.constant 0 : i32
        %dma_wait3A_685 = tpu.memref_slice %arg10[%sub3A_678, %dma_wait3A_684] : memref<80x125xi32, #tpu.memory_space<vmem>> -> memref<1x125xi32, #tpu.memory_space<vmem>>
        %dma_wait3A_686 = tpu.memref_squeeze %dma_wait3A_685 : memref<1x125xi32, #tpu.memory_space<vmem>> -> memref<125xi32, #tpu.memory_space<vmem>>
        %dma_wait3A_687 = arith.constant 0 : i32
        %dma_wait3A_688 = arith.constant 0 : i32
        %dma_wait3A_689 = tpu.memref_slice %arg8[%dma_wait3A_687, %dma_wait3A_688] : memref<10000x16xf32, #tpu.memory_space<vmem_shared>> -> memref<10000x16xf32, #tpu.memory_space<vmem_shared>>
        tpu.wait_indirect_dma semaphore(%arg25 : memref<!tpu.dma_semaphore, #tpu.memory_space<semaphore_mem>>) src(%dma_wait3A_683 : memref<125x16xf32, #tpu.memory_space<vmem>>) dst(%dma_wait3A_689 : memref<10000x16xf32, #tpu.memory_space<vmem_shared>>)
      } else {
      }
      %add3A_615 = arith.constant 6 : i32
      %add3A_616 = arith.addi %mul3A_496, %add3A_615 : i32
      %add3A_617 = arith.constant 8 : i32
      %add3A_618 = arith.addi %add3A_616, %add3A_617 : i32
      %sub3A_619 = arith.constant 1 : i32
      %sub3A_620 = arith.subi %add3A_618, %sub3A_619 : i32
      %lt3A_621 = arith.constant 80 : i32
      %lt3A_622 = arith.cmpi slt, %sub3A_620, %lt3A_621 : i32
      %convert_element_type3A_623 = arith.extui %lt3A_622 : i1 to i32
      %cond3A_624 = arith.constant 0 : i32
      %cond3A_625 = arith.cmpi ne, %convert_element_type3A_623, %cond3A_624 : i32
      scf.if %cond3A_625 {
        %dma_wait3A_655 = arith.constant 6 : i32
        %dma_wait3A_656 = arith.constant 0 : i32
        %dma_wait3A_657 = arith.constant 0 : i32
        %dma_wait3A_658 = tpu.memref_slice %arg11[%dma_wait3A_655, %dma_wait3A_656, %dma_wait3A_657] : memref<8x125x16xf32, #tpu.memory_space<vmem>> -> memref<1x125x16xf32, #tpu.memory_space<vmem>>
        %dma_wait3A_659 = tpu.memref_squeeze %dma_wait3A_658 : memref<1x125x16xf32, #tpu.memory_space<vmem>> -> memref<125x16xf32, #tpu.memory_space<vmem>>
        %dma_wait3A_660 = arith.constant 0 : i32
        %dma_wait3A_661 = tpu.memref_slice %arg9[%add3A_616, %dma_wait3A_660] : memref<80x125xi32, #tpu.memory_space<vmem>> -> memref<1x125xi32, #tpu.memory_space<vmem>>
        %dma_wait3A_662 = tpu.memref_squeeze %dma_wait3A_661 : memref<1x125xi32, #tpu.memory_space<vmem>> -> memref<125xi32, #tpu.memory_space<vmem>>
        %dma_wait3A_663 = arith.constant 0 : i32
        %dma_wait3A_664 = arith.constant 0 : i32
        %dma_wait3A_665 = tpu.memref_slice %arg2[%dma_wait3A_663, %dma_wait3A_664] : memref<10000x16xf32, #tpu.memory_space<hbm>> -> memref<10000x16xf32, #tpu.memory_space<hbm>>
        tpu.wait_indirect_dma semaphore(%arg19 : memref<!tpu.dma_semaphore, #tpu.memory_space<semaphore_mem>>) src(%dma_wait3A_665 : memref<10000x16xf32, #tpu.memory_space<hbm>>) dst(%dma_wait3A_659 : memref<125x16xf32, #tpu.memory_space<vmem>>)
        %dma_start3A_666 = arith.constant 6 : i32
        %dma_start3A_667 = arith.constant 0 : i32
        %dma_start3A_668 = arith.constant 0 : i32
        %dma_start3A_669 = tpu.memref_slice %arg11[%dma_start3A_666, %dma_start3A_667, %dma_start3A_668] : memref<8x125x16xf32, #tpu.memory_space<vmem>> -> memref<1x125x16xf32, #tpu.memory_space<vmem>>
        %dma_start3A_670 = tpu.memref_squeeze %dma_start3A_669 : memref<1x125x16xf32, #tpu.memory_space<vmem>> -> memref<125x16xf32, #tpu.memory_space<vmem>>
        %dma_start3A_671 = arith.constant 0 : i32
        %dma_start3A_672 = tpu.memref_slice %arg10[%add3A_616, %dma_start3A_671] : memref<80x125xi32, #tpu.memory_space<vmem>> -> memref<1x125xi32, #tpu.memory_space<vmem>>
        %dma_start3A_673 = tpu.memref_squeeze %dma_start3A_672 : memref<1x125xi32, #tpu.memory_space<vmem>> -> memref<125xi32, #tpu.memory_space<vmem>>
        %dma_start3A_674 = arith.constant 0 : i32
        %dma_start3A_675 = arith.constant 0 : i32
        %dma_start3A_676 = tpu.memref_slice %arg8[%dma_start3A_674, %dma_start3A_675] : memref<10000x16xf32, #tpu.memory_space<vmem_shared>> -> memref<10000x16xf32, #tpu.memory_space<vmem_shared>>
        tpu.enqueue_indirect_dma source(%dma_start3A_670 : memref<125x16xf32, #tpu.memory_space<vmem>>) target(%dma_start3A_676 : memref<10000x16xf32, #tpu.memory_space<vmem_shared>>) offsets(%dma_start3A_673 : memref<125xi32, #tpu.memory_space<vmem>>) semaphore(%arg27 : memref<!tpu.dma_semaphore, #tpu.memory_space<semaphore_mem>>) {add = true}
        %sub3A_677 = arith.constant 1 : i32
        %sub3A_678 = arith.subi %add3A_616, %sub3A_677 : i32
        %dma_wait3A_679 = arith.constant 5 : i32
        %dma_wait3A_680 = arith.constant 0 : i32
        %dma_wait3A_681 = arith.constant 0 : i32
        %dma_wait3A_682 = tpu.memref_slice %arg11[%dma_wait3A_679, %dma_wait3A_680, %dma_wait3A_681] : memref<8x125x16xf32, #tpu.memory_space<vmem>> -> memref<1x125x16xf32, #tpu.memory_space<vmem>>
        %dma_wait3A_683 = tpu.memref_squeeze %dma_wait3A_682 : memref<1x125x16xf32, #tpu.memory_space<vmem>> -> memref<125x16xf32, #tpu.memory_space<vmem>>
        %dma_wait3A_684 = arith.constant 0 : i32
        %dma_wait3A_685 = tpu.memref_slice %arg10[%sub3A_678, %dma_wait3A_684] : memref<80x125xi32, #tpu.memory_space<vmem>> -> memref<1x125xi32, #tpu.memory_space<vmem>>
        %dma_wait3A_686 = tpu.memref_squeeze %dma_wait3A_685 : memref<1x125xi32, #tpu.memory_space<vmem>> -> memref<125xi32, #tpu.memory_space<vmem>>
        %dma_wait3A_687 = arith.constant 0 : i32
        %dma_wait3A_688 = arith.constant 0 : i32
        %dma_wait3A_689 = tpu.memref_slice %arg8[%dma_wait3A_687, %dma_wait3A_688] : memref<10000x16xf32, #tpu.memory_space<vmem_shared>> -> memref<10000x16xf32, #tpu.memory_space<vmem_shared>>
        tpu.wait_indirect_dma semaphore(%arg26 : memref<!tpu.dma_semaphore, #tpu.memory_space<semaphore_mem>>) src(%dma_wait3A_683 : memref<125x16xf32, #tpu.memory_space<vmem>>) dst(%dma_wait3A_689 : memref<10000x16xf32, #tpu.memory_space<vmem_shared>>)
        %add3A_690 = arith.constant 8 : i32
        %add3A_691 = arith.addi %add3A_616, %add3A_690 : i32
        %sub3A_692 = arith.constant 1 : i32
        %sub3A_693 = arith.subi %add3A_691, %sub3A_692 : i32
        %dma_start3A_694 = arith.constant 5 : i32
        %dma_start3A_695 = arith.constant 0 : i32
        %dma_start3A_696 = arith.constant 0 : i32
        %dma_start3A_697 = tpu.memref_slice %arg11[%dma_start3A_694, %dma_start3A_695, %dma_start3A_696] : memref<8x125x16xf32, #tpu.memory_space<vmem>> -> memref<1x125x16xf32, #tpu.memory_space<vmem>>
        %dma_start3A_698 = tpu.memref_squeeze %dma_start3A_697 : memref<1x125x16xf32, #tpu.memory_space<vmem>> -> memref<125x16xf32, #tpu.memory_space<vmem>>
        %dma_start3A_699 = arith.constant 0 : i32
        %dma_start3A_700 = tpu.memref_slice %arg9[%sub3A_693, %dma_start3A_699] : memref<80x125xi32, #tpu.memory_space<vmem>> -> memref<1x125xi32, #tpu.memory_space<vmem>>
        %dma_start3A_701 = tpu.memref_squeeze %dma_start3A_700 : memref<1x125xi32, #tpu.memory_space<vmem>> -> memref<125xi32, #tpu.memory_space<vmem>>
        %dma_start3A_702 = arith.constant 0 : i32
        %dma_start3A_703 = arith.constant 0 : i32
        %dma_start3A_704 = tpu.memref_slice %arg2[%dma_start3A_702, %dma_start3A_703] : memref<10000x16xf32, #tpu.memory_space<hbm>> -> memref<10000x16xf32, #tpu.memory_space<hbm>>
        tpu.enqueue_indirect_dma source(%dma_start3A_704 : memref<10000x16xf32, #tpu.memory_space<hbm>>) target(%dma_start3A_698 : memref<125x16xf32, #tpu.memory_space<vmem>>) offsets(%dma_start3A_701 : memref<125xi32, #tpu.memory_space<vmem>>) semaphore(%arg18 : memref<!tpu.dma_semaphore, #tpu.memory_space<semaphore_mem>>)
      } else {
      }
      %add3A_626 = arith.constant 8 : i32
      %add3A_627 = arith.addi %add3A_616, %add3A_626 : i32
      %sub3A_628 = arith.constant 1 : i32
      %sub3A_629 = arith.subi %add3A_627, %sub3A_628 : i32
      %ge3A_630 = arith.constant 80 : i32
      %ge3A_631 = arith.cmpi sge, %sub3A_629, %ge3A_630 : i32
      %convert_element_type3A_632 = arith.extui %ge3A_631 : i1 to i32
      %cond3A_633 = arith.constant 0 : i32
      %cond3A_634 = arith.cmpi ne, %convert_element_type3A_632, %cond3A_633 : i32
      scf.if %cond3A_634 {
        %dma_wait3A_655 = arith.constant 6 : i32
        %dma_wait3A_656 = arith.constant 0 : i32
        %dma_wait3A_657 = arith.constant 0 : i32
        %dma_wait3A_658 = tpu.memref_slice %arg11[%dma_wait3A_655, %dma_wait3A_656, %dma_wait3A_657] : memref<8x125x16xf32, #tpu.memory_space<vmem>> -> memref<1x125x16xf32, #tpu.memory_space<vmem>>
        %dma_wait3A_659 = tpu.memref_squeeze %dma_wait3A_658 : memref<1x125x16xf32, #tpu.memory_space<vmem>> -> memref<125x16xf32, #tpu.memory_space<vmem>>
        %dma_wait3A_660 = arith.constant 0 : i32
        %dma_wait3A_661 = tpu.memref_slice %arg9[%add3A_616, %dma_wait3A_660] : memref<80x125xi32, #tpu.memory_space<vmem>> -> memref<1x125xi32, #tpu.memory_space<vmem>>
        %dma_wait3A_662 = tpu.memref_squeeze %dma_wait3A_661 : memref<1x125xi32, #tpu.memory_space<vmem>> -> memref<125xi32, #tpu.memory_space<vmem>>
        %dma_wait3A_663 = arith.constant 0 : i32
        %dma_wait3A_664 = arith.constant 0 : i32
        %dma_wait3A_665 = tpu.memref_slice %arg2[%dma_wait3A_663, %dma_wait3A_664] : memref<10000x16xf32, #tpu.memory_space<hbm>> -> memref<10000x16xf32, #tpu.memory_space<hbm>>
        tpu.wait_indirect_dma semaphore(%arg19 : memref<!tpu.dma_semaphore, #tpu.memory_space<semaphore_mem>>) src(%dma_wait3A_665 : memref<10000x16xf32, #tpu.memory_space<hbm>>) dst(%dma_wait3A_659 : memref<125x16xf32, #tpu.memory_space<vmem>>)
        %dma_start3A_666 = arith.constant 6 : i32
        %dma_start3A_667 = arith.constant 0 : i32
        %dma_start3A_668 = arith.constant 0 : i32
        %dma_start3A_669 = tpu.memref_slice %arg11[%dma_start3A_666, %dma_start3A_667, %dma_start3A_668] : memref<8x125x16xf32, #tpu.memory_space<vmem>> -> memref<1x125x16xf32, #tpu.memory_space<vmem>>
        %dma_start3A_670 = tpu.memref_squeeze %dma_start3A_669 : memref<1x125x16xf32, #tpu.memory_space<vmem>> -> memref<125x16xf32, #tpu.memory_space<vmem>>
        %dma_start3A_671 = arith.constant 0 : i32
        %dma_start3A_672 = tpu.memref_slice %arg10[%add3A_616, %dma_start3A_671] : memref<80x125xi32, #tpu.memory_space<vmem>> -> memref<1x125xi32, #tpu.memory_space<vmem>>
        %dma_start3A_673 = tpu.memref_squeeze %dma_start3A_672 : memref<1x125xi32, #tpu.memory_space<vmem>> -> memref<125xi32, #tpu.memory_space<vmem>>
        %dma_start3A_674 = arith.constant 0 : i32
        %dma_start3A_675 = arith.constant 0 : i32
        %dma_start3A_676 = tpu.memref_slice %arg8[%dma_start3A_674, %dma_start3A_675] : memref<10000x16xf32, #tpu.memory_space<vmem_shared>> -> memref<10000x16xf32, #tpu.memory_space<vmem_shared>>
        tpu.enqueue_indirect_dma source(%dma_start3A_670 : memref<125x16xf32, #tpu.memory_space<vmem>>) target(%dma_start3A_676 : memref<10000x16xf32, #tpu.memory_space<vmem_shared>>) offsets(%dma_start3A_673 : memref<125xi32, #tpu.memory_space<vmem>>) semaphore(%arg27 : memref<!tpu.dma_semaphore, #tpu.memory_space<semaphore_mem>>) {add = true}
        %sub3A_677 = arith.constant 1 : i32
        %sub3A_678 = arith.subi %add3A_616, %sub3A_677 : i32
        %dma_wait3A_679 = arith.constant 5 : i32
        %dma_wait3A_680 = arith.constant 0 : i32
        %dma_wait3A_681 = arith.constant 0 : i32
        %dma_wait3A_682 = tpu.memref_slice %arg11[%dma_wait3A_679, %dma_wait3A_680, %dma_wait3A_681] : memref<8x125x16xf32, #tpu.memory_space<vmem>> -> memref<1x125x16xf32, #tpu.memory_space<vmem>>
        %dma_wait3A_683 = tpu.memref_squeeze %dma_wait3A_682 : memref<1x125x16xf32, #tpu.memory_space<vmem>> -> memref<125x16xf32, #tpu.memory_space<vmem>>
        %dma_wait3A_684 = arith.constant 0 : i32
        %dma_wait3A_685 = tpu.memref_slice %arg10[%sub3A_678, %dma_wait3A_684] : memref<80x125xi32, #tpu.memory_space<vmem>> -> memref<1x125xi32, #tpu.memory_space<vmem>>
        %dma_wait3A_686 = tpu.memref_squeeze %dma_wait3A_685 : memref<1x125xi32, #tpu.memory_space<vmem>> -> memref<125xi32, #tpu.memory_space<vmem>>
        %dma_wait3A_687 = arith.constant 0 : i32
        %dma_wait3A_688 = arith.constant 0 : i32
        %dma_wait3A_689 = tpu.memref_slice %arg8[%dma_wait3A_687, %dma_wait3A_688] : memref<10000x16xf32, #tpu.memory_space<vmem_shared>> -> memref<10000x16xf32, #tpu.memory_space<vmem_shared>>
        tpu.wait_indirect_dma semaphore(%arg26 : memref<!tpu.dma_semaphore, #tpu.memory_space<semaphore_mem>>) src(%dma_wait3A_683 : memref<125x16xf32, #tpu.memory_space<vmem>>) dst(%dma_wait3A_689 : memref<10000x16xf32, #tpu.memory_space<vmem_shared>>)
      } else {
      }
      %add3A_635 = arith.constant 7 : i32
      %add3A_636 = arith.addi %mul3A_496, %add3A_635 : i32
      %add3A_637 = arith.constant 8 : i32
      %add3A_638 = arith.addi %add3A_636, %add3A_637 : i32
      %sub3A_639 = arith.constant 1 : i32
      %sub3A_640 = arith.subi %add3A_638, %sub3A_639 : i32
      %lt3A_641 = arith.constant 80 : i32
      %lt3A_642 = arith.cmpi slt, %sub3A_640, %lt3A_641 : i32
      %convert_element_type3A_643 = arith.extui %lt3A_642 : i1 to i32
      %cond3A_644 = arith.constant 0 : i32
      %cond3A_645 = arith.cmpi ne, %convert_element_type3A_643, %cond3A_644 : i32
      scf.if %cond3A_645 {
        %dma_wait3A_655 = arith.constant 7 : i32
        %dma_wait3A_656 = arith.constant 0 : i32
        %dma_wait3A_657 = arith.constant 0 : i32
        %dma_wait3A_658 = tpu.memref_slice %arg11[%dma_wait3A_655, %dma_wait3A_656, %dma_wait3A_657] : memref<8x125x16xf32, #tpu.memory_space<vmem>> -> memref<1x125x16xf32, #tpu.memory_space<vmem>>
        %dma_wait3A_659 = tpu.memref_squeeze %dma_wait3A_658 : memref<1x125x16xf32, #tpu.memory_space<vmem>> -> memref<125x16xf32, #tpu.memory_space<vmem>>
        %dma_wait3A_660 = arith.constant 0 : i32
        %dma_wait3A_661 = tpu.memref_slice %arg9[%add3A_636, %dma_wait3A_660] : memref<80x125xi32, #tpu.memory_space<vmem>> -> memref<1x125xi32, #tpu.memory_space<vmem>>
        %dma_wait3A_662 = tpu.memref_squeeze %dma_wait3A_661 : memref<1x125xi32, #tpu.memory_space<vmem>> -> memref<125xi32, #tpu.memory_space<vmem>>
        %dma_wait3A_663 = arith.constant 0 : i32
        %dma_wait3A_664 = arith.constant 0 : i32
        %dma_wait3A_665 = tpu.memref_slice %arg2[%dma_wait3A_663, %dma_wait3A_664] : memref<10000x16xf32, #tpu.memory_space<hbm>> -> memref<10000x16xf32, #tpu.memory_space<hbm>>
        tpu.wait_indirect_dma semaphore(%arg20 : memref<!tpu.dma_semaphore, #tpu.memory_space<semaphore_mem>>) src(%dma_wait3A_665 : memref<10000x16xf32, #tpu.memory_space<hbm>>) dst(%dma_wait3A_659 : memref<125x16xf32, #tpu.memory_space<vmem>>)
        %dma_start3A_666 = arith.constant 7 : i32
        %dma_start3A_667 = arith.constant 0 : i32
        %dma_start3A_668 = arith.constant 0 : i32
        %dma_start3A_669 = tpu.memref_slice %arg11[%dma_start3A_666, %dma_start3A_667, %dma_start3A_668] : memref<8x125x16xf32, #tpu.memory_space<vmem>> -> memref<1x125x16xf32, #tpu.memory_space<vmem>>
        %dma_start3A_670 = tpu.memref_squeeze %dma_start3A_669 : memref<1x125x16xf32, #tpu.memory_space<vmem>> -> memref<125x16xf32, #tpu.memory_space<vmem>>
        %dma_start3A_671 = arith.constant 0 : i32
        %dma_start3A_672 = tpu.memref_slice %arg10[%add3A_636, %dma_start3A_671] : memref<80x125xi32, #tpu.memory_space<vmem>> -> memref<1x125xi32, #tpu.memory_space<vmem>>
        %dma_start3A_673 = tpu.memref_squeeze %dma_start3A_672 : memref<1x125xi32, #tpu.memory_space<vmem>> -> memref<125xi32, #tpu.memory_space<vmem>>
        %dma_start3A_674 = arith.constant 0 : i32
        %dma_start3A_675 = arith.constant 0 : i32
        %dma_start3A_676 = tpu.memref_slice %arg8[%dma_start3A_674, %dma_start3A_675] : memref<10000x16xf32, #tpu.memory_space<vmem_shared>> -> memref<10000x16xf32, #tpu.memory_space<vmem_shared>>
        tpu.enqueue_indirect_dma source(%dma_start3A_670 : memref<125x16xf32, #tpu.memory_space<vmem>>) target(%dma_start3A_676 : memref<10000x16xf32, #tpu.memory_space<vmem_shared>>) offsets(%dma_start3A_673 : memref<125xi32, #tpu.memory_space<vmem>>) semaphore(%arg28 : memref<!tpu.dma_semaphore, #tpu.memory_space<semaphore_mem>>) {add = true}
        %sub3A_677 = arith.constant 1 : i32
        %sub3A_678 = arith.subi %add3A_636, %sub3A_677 : i32
        %dma_wait3A_679 = arith.constant 6 : i32
        %dma_wait3A_680 = arith.constant 0 : i32
        %dma_wait3A_681 = arith.constant 0 : i32
        %dma_wait3A_682 = tpu.memref_slice %arg11[%dma_wait3A_679, %dma_wait3A_680, %dma_wait3A_681] : memref<8x125x16xf32, #tpu.memory_space<vmem>> -> memref<1x125x16xf32, #tpu.memory_space<vmem>>
        %dma_wait3A_683 = tpu.memref_squeeze %dma_wait3A_682 : memref<1x125x16xf32, #tpu.memory_space<vmem>> -> memref<125x16xf32, #tpu.memory_space<vmem>>
        %dma_wait3A_684 = arith.constant 0 : i32
        %dma_wait3A_685 = tpu.memref_slice %arg10[%sub3A_678, %dma_wait3A_684] : memref<80x125xi32, #tpu.memory_space<vmem>> -> memref<1x125xi32, #tpu.memory_space<vmem>>
        %dma_wait3A_686 = tpu.memref_squeeze %dma_wait3A_685 : memref<1x125xi32, #tpu.memory_space<vmem>> -> memref<125xi32, #tpu.memory_space<vmem>>
        %dma_wait3A_687 = arith.constant 0 : i32
        %dma_wait3A_688 = arith.constant 0 : i32
        %dma_wait3A_689 = tpu.memref_slice %arg8[%dma_wait3A_687, %dma_wait3A_688] : memref<10000x16xf32, #tpu.memory_space<vmem_shared>> -> memref<10000x16xf32, #tpu.memory_space<vmem_shared>>
        tpu.wait_indirect_dma semaphore(%arg27 : memref<!tpu.dma_semaphore, #tpu.memory_space<semaphore_mem>>) src(%dma_wait3A_683 : memref<125x16xf32, #tpu.memory_space<vmem>>) dst(%dma_wait3A_689 : memref<10000x16xf32, #tpu.memory_space<vmem_shared>>)
        %add3A_690 = arith.constant 8 : i32
        %add3A_691 = arith.addi %add3A_636, %add3A_690 : i32
        %sub3A_692 = arith.constant 1 : i32
        %sub3A_693 = arith.subi %add3A_691, %sub3A_692 : i32
        %dma_start3A_694 = arith.constant 6 : i32
        %dma_start3A_695 = arith.constant 0 : i32
        %dma_start3A_696 = arith.constant 0 : i32
        %dma_start3A_697 = tpu.memref_slice %arg11[%dma_start3A_694, %dma_start3A_695, %dma_start3A_696] : memref<8x125x16xf32, #tpu.memory_space<vmem>> -> memref<1x125x16xf32, #tpu.memory_space<vmem>>
        %dma_start3A_698 = tpu.memref_squeeze %dma_start3A_697 : memref<1x125x16xf32, #tpu.memory_space<vmem>> -> memref<125x16xf32, #tpu.memory_space<vmem>>
        %dma_start3A_699 = arith.constant 0 : i32
        %dma_start3A_700 = tpu.memref_slice %arg9[%sub3A_693, %dma_start3A_699] : memref<80x125xi32, #tpu.memory_space<vmem>> -> memref<1x125xi32, #tpu.memory_space<vmem>>
        %dma_start3A_701 = tpu.memref_squeeze %dma_start3A_700 : memref<1x125xi32, #tpu.memory_space<vmem>> -> memref<125xi32, #tpu.memory_space<vmem>>
        %dma_start3A_702 = arith.constant 0 : i32
        %dma_start3A_703 = arith.constant 0 : i32
        %dma_start3A_704 = tpu.memref_slice %arg2[%dma_start3A_702, %dma_start3A_703] : memref<10000x16xf32, #tpu.memory_space<hbm>> -> memref<10000x16xf32, #tpu.memory_space<hbm>>
        tpu.enqueue_indirect_dma source(%dma_start3A_704 : memref<10000x16xf32, #tpu.memory_space<hbm>>) target(%dma_start3A_698 : memref<125x16xf32, #tpu.memory_space<vmem>>) offsets(%dma_start3A_701 : memref<125xi32, #tpu.memory_space<vmem>>) semaphore(%arg19 : memref<!tpu.dma_semaphore, #tpu.memory_space<semaphore_mem>>)
      } else {
      }
      %add3A_646 = arith.constant 8 : i32
      %add3A_647 = arith.addi %add3A_636, %add3A_646 : i32
      %sub3A_648 = arith.constant 1 : i32
      %sub3A_649 = arith.subi %add3A_647, %sub3A_648 : i32
      %ge3A_650 = arith.constant 80 : i32
      %ge3A_651 = arith.cmpi sge, %sub3A_649, %ge3A_650 : i32
      %convert_element_type3A_652 = arith.extui %ge3A_651 : i1 to i32
      %cond3A_653 = arith.constant 0 : i32
      %cond3A_654 = arith.cmpi ne, %convert_element_type3A_652, %cond3A_653 : i32
      scf.if %cond3A_654 {
        %dma_wait3A_655 = arith.constant 7 : i32
        %dma_wait3A_656 = arith.constant 0 : i32
        %dma_wait3A_657 = arith.constant 0 : i32
        %dma_wait3A_658 = tpu.memref_slice %arg11[%dma_wait3A_655, %dma_wait3A_656, %dma_wait3A_657] : memref<8x125x16xf32, #tpu.memory_space<vmem>> -> memref<1x125x16xf32, #tpu.memory_space<vmem>>
        %dma_wait3A_659 = tpu.memref_squeeze %dma_wait3A_658 : memref<1x125x16xf32, #tpu.memory_space<vmem>> -> memref<125x16xf32, #tpu.memory_space<vmem>>
        %dma_wait3A_660 = arith.constant 0 : i32
        %dma_wait3A_661 = tpu.memref_slice %arg9[%add3A_636, %dma_wait3A_660] : memref<80x125xi32, #tpu.memory_space<vmem>> -> memref<1x125xi32, #tpu.memory_space<vmem>>
        %dma_wait3A_662 = tpu.memref_squeeze %dma_wait3A_661 : memref<1x125xi32, #tpu.memory_space<vmem>> -> memref<125xi32, #tpu.memory_space<vmem>>
        %dma_wait3A_663 = arith.constant 0 : i32
        %dma_wait3A_664 = arith.constant 0 : i32
        %dma_wait3A_665 = tpu.memref_slice %arg2[%dma_wait3A_663, %dma_wait3A_664] : memref<10000x16xf32, #tpu.memory_space<hbm>> -> memref<10000x16xf32, #tpu.memory_space<hbm>>
        tpu.wait_indirect_dma semaphore(%arg20 : memref<!tpu.dma_semaphore, #tpu.memory_space<semaphore_mem>>) src(%dma_wait3A_665 : memref<10000x16xf32, #tpu.memory_space<hbm>>) dst(%dma_wait3A_659 : memref<125x16xf32, #tpu.memory_space<vmem>>)
        %dma_start3A_666 = arith.constant 7 : i32
        %dma_start3A_667 = arith.constant 0 : i32
        %dma_start3A_668 = arith.constant 0 : i32
        %dma_start3A_669 = tpu.memref_slice %arg11[%dma_start3A_666, %dma_start3A_667, %dma_start3A_668] : memref<8x125x16xf32, #tpu.memory_space<vmem>> -> memref<1x125x16xf32, #tpu.memory_space<vmem>>
        %dma_start3A_670 = tpu.memref_squeeze %dma_start3A_669 : memref<1x125x16xf32, #tpu.memory_space<vmem>> -> memref<125x16xf32, #tpu.memory_space<vmem>>
        %dma_start3A_671 = arith.constant 0 : i32
        %dma_start3A_672 = tpu.memref_slice %arg10[%add3A_636, %dma_start3A_671] : memref<80x125xi32, #tpu.memory_space<vmem>> -> memref<1x125xi32, #tpu.memory_space<vmem>>
        %dma_start3A_673 = tpu.memref_squeeze %dma_start3A_672 : memref<1x125xi32, #tpu.memory_space<vmem>> -> memref<125xi32, #tpu.memory_space<vmem>>
        %dma_start3A_674 = arith.constant 0 : i32
        %dma_start3A_675 = arith.constant 0 : i32
        %dma_start3A_676 = tpu.memref_slice %arg8[%dma_start3A_674, %dma_start3A_675] : memref<10000x16xf32, #tpu.memory_space<vmem_shared>> -> memref<10000x16xf32, #tpu.memory_space<vmem_shared>>
        tpu.enqueue_indirect_dma source(%dma_start3A_670 : memref<125x16xf32, #tpu.memory_space<vmem>>) target(%dma_start3A_676 : memref<10000x16xf32, #tpu.memory_space<vmem_shared>>) offsets(%dma_start3A_673 : memref<125xi32, #tpu.memory_space<vmem>>) semaphore(%arg28 : memref<!tpu.dma_semaphore, #tpu.memory_space<semaphore_mem>>) {add = true}
        %sub3A_677 = arith.constant 1 : i32
        %sub3A_678 = arith.subi %add3A_636, %sub3A_677 : i32
        %dma_wait3A_679 = arith.constant 6 : i32
        %dma_wait3A_680 = arith.constant 0 : i32
        %dma_wait3A_681 = arith.constant 0 : i32
        %dma_wait3A_682 = tpu.memref_slice %arg11[%dma_wait3A_679, %dma_wait3A_680, %dma_wait3A_681] : memref<8x125x16xf32, #tpu.memory_space<vmem>> -> memref<1x125x16xf32, #tpu.memory_space<vmem>>
        %dma_wait3A_683 = tpu.memref_squeeze %dma_wait3A_682 : memref<1x125x16xf32, #tpu.memory_space<vmem>> -> memref<125x16xf32, #tpu.memory_space<vmem>>
        %dma_wait3A_684 = arith.constant 0 : i32
        %dma_wait3A_685 = tpu.memref_slice %arg10[%sub3A_678, %dma_wait3A_684] : memref<80x125xi32, #tpu.memory_space<vmem>> -> memref<1x125xi32, #tpu.memory_space<vmem>>
        %dma_wait3A_686 = tpu.memref_squeeze %dma_wait3A_685 : memref<1x125xi32, #tpu.memory_space<vmem>> -> memref<125xi32, #tpu.memory_space<vmem>>
        %dma_wait3A_687 = arith.constant 0 : i32
        %dma_wait3A_688 = arith.constant 0 : i32
        %dma_wait3A_689 = tpu.memref_slice %arg8[%dma_wait3A_687, %dma_wait3A_688] : memref<10000x16xf32, #tpu.memory_space<vmem_shared>> -> memref<10000x16xf32, #tpu.memory_space<vmem_shared>>
        tpu.wait_indirect_dma semaphore(%arg27 : memref<!tpu.dma_semaphore, #tpu.memory_space<semaphore_mem>>) src(%dma_wait3A_683 : memref<125x16xf32, #tpu.memory_space<vmem>>) dst(%dma_wait3A_689 : memref<10000x16xf32, #tpu.memory_space<vmem_shared>>)
      } else {
      }
    }
    %scan3A_470 = arith.constant 9 : i32
    %dma_wait3A_471 = arith.constant 7 : i32
    %dma_wait3A_472 = arith.constant 79 : i32
    %dma_wait3A_473 = arith.constant 0 : i32
    %dma_wait3A_474 = arith.constant 0 : i32
    %dma_wait3A_475 = tpu.memref_slice %arg11[%dma_wait3A_471, %dma_wait3A_473, %dma_wait3A_474] : memref<8x125x16xf32, #tpu.memory_space<vmem>> -> memref<1x125x16xf32, #tpu.memory_space<vmem>>
    %dma_wait3A_476 = tpu.memref_squeeze %dma_wait3A_475 : memref<1x125x16xf32, #tpu.memory_space<vmem>> -> memref<125x16xf32, #tpu.memory_space<vmem>>
    %dma_wait3A_477 = arith.constant 0 : i32
    %dma_wait3A_478 = tpu.memref_slice %arg10[%dma_wait3A_472, %dma_wait3A_477] : memref<80x125xi32, #tpu.memory_space<vmem>> -> memref<1x125xi32, #tpu.memory_space<vmem>>
    %dma_wait3A_479 = tpu.memref_squeeze %dma_wait3A_478 : memref<1x125xi32, #tpu.memory_space<vmem>> -> memref<125xi32, #tpu.memory_space<vmem>>
    %dma_wait3A_480 = arith.constant 0 : i32
    %dma_wait3A_481 = arith.constant 0 : i32
    %dma_wait3A_482 = tpu.memref_slice %arg8[%dma_wait3A_480, %dma_wait3A_481] : memref<10000x16xf32, #tpu.memory_space<vmem_shared>> -> memref<10000x16xf32, #tpu.memory_space<vmem_shared>>
    tpu.wait_indirect_dma semaphore(%arg28 : memref<!tpu.dma_semaphore, #tpu.memory_space<semaphore_mem>>) src(%dma_wait3A_476 : memref<125x16xf32, #tpu.memory_space<vmem>>) dst(%dma_wait3A_482 : memref<10000x16xf32, #tpu.memory_space<vmem_shared>>)
    %barrier3A_483 = arith.constant 0 : index
    tpu.barrier barrier_id(%barrier3A_483)
    %lt3A_484 = arith.constant 15 : i32
    %lt3A_485 = arith.cmpi slt, %arg1, %lt3A_484 : i32
    %convert_element_type3A_486 = arith.extui %lt3A_485 : i1 to i32
    %cond3A_487 = arith.constant 0 : i32
    %cond3A_488 = arith.cmpi ne, %convert_element_type3A_486, %cond3A_487 : i32
    scf.if %cond3A_488 {
      %mul3A_494 = arith.constant 624 : i32
      %mul3A_495 = arith.muli %arg1, %mul3A_494 : i32
      "tpu.region"() ({
        %run_scoped3A_501 = tpu.sem_alloc : memref<!tpu.dma_semaphore, #tpu.memory_space<semaphore_mem>>
        %dma_start3A_502 = arith.constant 0 : i32
        %dma_start3A_503 = arith.constant 0 : i32
        %dma_start3A_504 = tpu.memref_slice %arg12[%dma_start3A_502, %dma_start3A_503] : memref<640x16xf32, #tpu.memory_space<vmem>> -> memref<624x16xf32, #tpu.memory_space<vmem>>
        %dma_start3A_505 = arith.constant 0 : i32
        %dma_start3A_506 = tpu.memref_slice %arg8[%mul3A_495, %dma_start3A_505] : memref<10000x16xf32, #tpu.memory_space<vmem_shared>> -> memref<624x16xf32, #tpu.memory_space<vmem_shared>>
        %dma_start3A_507 = arith.constant 0 : i32
        %dma_start3A_508 = arith.constant 0 : i32
        %dma_start3A_509 = tpu.memref_slice %arg12[%dma_start3A_507, %dma_start3A_508] : memref<640x16xf32, #tpu.memory_space<vmem>> -> memref<624x16xf32, #tpu.memory_space<vmem>>
        %dma_start3A_510 = arith.constant 0 : i32
        %dma_start3A_511 = tpu.memref_slice %arg8[%mul3A_495, %dma_start3A_510] : memref<10000x16xf32, #tpu.memory_space<vmem_shared>> -> memref<624x16xf32, #tpu.memory_space<vmem_shared>>
        tpu.enqueue_dma source(%dma_start3A_511 : memref<624x16xf32, #tpu.memory_space<vmem_shared>>) target(%dma_start3A_509 : memref<624x16xf32, #tpu.memory_space<vmem>>) target_semaphore(%run_scoped3A_501 : memref<!tpu.dma_semaphore, #tpu.memory_space<semaphore_mem>>)
        %dma_wait3A_512 = arith.constant 0 : i32
        %dma_wait3A_513 = arith.constant 0 : i32
        %dma_wait3A_514 = tpu.memref_slice %arg12[%dma_wait3A_512, %dma_wait3A_513] : memref<640x16xf32, #tpu.memory_space<vmem>> -> memref<624x16xf32, #tpu.memory_space<vmem>>
        %dma_wait3A_515 = arith.constant 0 : i32
        %dma_wait3A_516 = tpu.memref_slice %arg8[%mul3A_495, %dma_wait3A_515] : memref<10000x16xf32, #tpu.memory_space<vmem_shared>> -> memref<624x16xf32, #tpu.memory_space<vmem_shared>>
        %dma_wait3A_517 = arith.constant 0 : i32
        %dma_wait3A_518 = arith.constant 0 : i32
        %dma_wait3A_519 = tpu.memref_slice %arg12[%dma_wait3A_517, %dma_wait3A_518] : memref<640x16xf32, #tpu.memory_space<vmem>> -> memref<624x16xf32, #tpu.memory_space<vmem>>
        %dma_wait3A_520 = arith.constant 0 : i32
        %dma_wait3A_521 = tpu.memref_slice %arg8[%mul3A_495, %dma_wait3A_520] : memref<10000x16xf32, #tpu.memory_space<vmem_shared>> -> memref<624x16xf32, #tpu.memory_space<vmem_shared>>
        tpu.wait_dma2 semaphore(%run_scoped3A_501 : memref<!tpu.dma_semaphore, #tpu.memory_space<semaphore_mem>>) src(%dma_wait3A_521 : memref<624x16xf32, #tpu.memory_space<vmem_shared>>) dst(%dma_wait3A_519 : memref<624x16xf32, #tpu.memory_space<vmem>>)
        tpu.yield
      }) : () -> ()
      %mul3A_496 = arith.constant 10000 : i32
      %mul3A_497 = arith.muli %arg0, %mul3A_496 : i32
      %mul3A_498 = arith.constant 624 : i32
      %mul3A_499 = arith.muli %arg1, %mul3A_498 : i32
      %add3A_500 = arith.addi %mul3A_497, %mul3A_499 : i32
      "tpu.region"() ({
        %run_scoped3A_501 = tpu.sem_alloc : memref<!tpu.dma_semaphore, #tpu.memory_space<semaphore_mem>>
        %dma_start3A_502 = arith.constant 0 : i32
        %dma_start3A_503 = arith.constant 0 : i32
        %dma_start3A_504 = tpu.memref_slice %arg12[%dma_start3A_502, %dma_start3A_503] : memref<640x16xf32, #tpu.memory_space<vmem>> -> memref<624x16xf32, #tpu.memory_space<vmem>>
        %dma_start3A_505 = arith.constant 0 : i32
        %dma_start3A_506 = tpu.memref_slice %arg7[%add3A_500, %dma_start3A_505] : memref<20000x16xf32, #tpu.memory_space<hbm>> -> memref<624x16xf32, #tpu.memory_space<hbm>>
        %dma_start3A_507 = arith.constant 0 : i32
        %dma_start3A_508 = tpu.memref_slice %arg7[%add3A_500, %dma_start3A_507] : memref<20000x16xf32, #tpu.memory_space<hbm>> -> memref<624x16xf32, #tpu.memory_space<hbm>>
        %dma_start3A_509 = arith.constant 0 : i32
        %dma_start3A_510 = arith.constant 0 : i32
        %dma_start3A_511 = tpu.memref_slice %arg12[%dma_start3A_509, %dma_start3A_510] : memref<640x16xf32, #tpu.memory_space<vmem>> -> memref<624x16xf32, #tpu.memory_space<vmem>>
        tpu.enqueue_dma source(%dma_start3A_511 : memref<624x16xf32, #tpu.memory_space<vmem>>) target(%dma_start3A_508 : memref<624x16xf32, #tpu.memory_space<hbm>>) target_semaphore(%run_scoped3A_501 : memref<!tpu.dma_semaphore, #tpu.memory_space<semaphore_mem>>)
        %dma_wait3A_512 = arith.constant 0 : i32
        %dma_wait3A_513 = arith.constant 0 : i32
        %dma_wait3A_514 = tpu.memref_slice %arg12[%dma_wait3A_512, %dma_wait3A_513] : memref<640x16xf32, #tpu.memory_space<vmem>> -> memref<624x16xf32, #tpu.memory_space<vmem>>
        %dma_wait3A_515 = arith.constant 0 : i32
        %dma_wait3A_516 = tpu.memref_slice %arg7[%add3A_500, %dma_wait3A_515] : memref<20000x16xf32, #tpu.memory_space<hbm>> -> memref<624x16xf32, #tpu.memory_space<hbm>>
        %dma_wait3A_517 = arith.constant 0 : i32
        %dma_wait3A_518 = tpu.memref_slice %arg7[%add3A_500, %dma_wait3A_517] : memref<20000x16xf32, #tpu.memory_space<hbm>> -> memref<624x16xf32, #tpu.memory_space<hbm>>
        %dma_wait3A_519 = arith.constant 0 : i32
        %dma_wait3A_520 = arith.constant 0 : i32
        %dma_wait3A_521 = tpu.memref_slice %arg12[%dma_wait3A_519, %dma_wait3A_520] : memref<640x16xf32, #tpu.memory_space<vmem>> -> memref<624x16xf32, #tpu.memory_space<vmem>>
        tpu.wait_dma2 semaphore(%run_scoped3A_501 : memref<!tpu.dma_semaphore, #tpu.memory_space<semaphore_mem>>) src(%dma_wait3A_521 : memref<624x16xf32, #tpu.memory_space<vmem>>) dst(%dma_wait3A_518 : memref<624x16xf32, #tpu.memory_space<hbm>>)
        tpu.yield
      }) : () -> ()
    } else {
    }
    %eq3A_489 = arith.constant 15 : i32
    %eq3A_490 = arith.cmpi eq, %arg1, %eq3A_489 : i32
    %convert_element_type3A_491 = arith.extui %eq3A_490 : i1 to i32
    %cond3A_492 = arith.constant 0 : i32
    %cond3A_493 = arith.cmpi ne, %convert_element_type3A_491, %cond3A_492 : i32
    scf.if %cond3A_493 {
      "tpu.region"() ({
        %run_scoped3A_498 = tpu.sem_alloc : memref<!tpu.dma_semaphore, #tpu.memory_space<semaphore_mem>>
        %dma_start3A_499 = arith.constant 9360 : i32
        %dma_start3A_500 = arith.constant 0 : i32
        %dma_start3A_501 = tpu.memref_slice %arg8[%dma_start3A_499, %dma_start3A_500] : memref<10000x16xf32, #tpu.memory_space<vmem_shared>> -> memref<640x16xf32, #tpu.memory_space<vmem_shared>>
        %dma_start3A_502 = arith.constant 9360 : i32
        %dma_start3A_503 = arith.constant 0 : i32
        %dma_start3A_504 = tpu.memref_slice %arg8[%dma_start3A_502, %dma_start3A_503] : memref<10000x16xf32, #tpu.memory_space<vmem_shared>> -> memref<640x16xf32, #tpu.memory_space<vmem_shared>>
        tpu.enqueue_dma source(%dma_start3A_504 : memref<640x16xf32, #tpu.memory_space<vmem_shared>>) target(%arg12 : memref<640x16xf32, #tpu.memory_space<vmem>>) target_semaphore(%run_scoped3A_498 : memref<!tpu.dma_semaphore, #tpu.memory_space<semaphore_mem>>)
        %dma_wait3A_505 = arith.constant 9360 : i32
        %dma_wait3A_506 = arith.constant 0 : i32
        %dma_wait3A_507 = tpu.memref_slice %arg8[%dma_wait3A_505, %dma_wait3A_506] : memref<10000x16xf32, #tpu.memory_space<vmem_shared>> -> memref<640x16xf32, #tpu.memory_space<vmem_shared>>
        %dma_wait3A_508 = arith.constant 9360 : i32
        %dma_wait3A_509 = arith.constant 0 : i32
        %dma_wait3A_510 = tpu.memref_slice %arg8[%dma_wait3A_508, %dma_wait3A_509] : memref<10000x16xf32, #tpu.memory_space<vmem_shared>> -> memref<640x16xf32, #tpu.memory_space<vmem_shared>>
        tpu.wait_dma2 semaphore(%run_scoped3A_498 : memref<!tpu.dma_semaphore, #tpu.memory_space<semaphore_mem>>) src(%dma_wait3A_510 : memref<640x16xf32, #tpu.memory_space<vmem_shared>>) dst(%arg12 : memref<640x16xf32, #tpu.memory_space<vmem>>)
        tpu.yield
      }) : () -> ()
      %mul3A_494 = arith.constant 10000 : i32
      %mul3A_495 = arith.muli %arg0, %mul3A_494 : i32
      %add3A_496 = arith.constant 9360 : i32
      %add3A_497 = arith.addi %mul3A_495, %add3A_496 : i32
      "tpu.region"() ({
        %run_scoped3A_498 = tpu.sem_alloc : memref<!tpu.dma_semaphore, #tpu.memory_space<semaphore_mem>>
        %dma_start3A_499 = arith.constant 0 : i32
        %dma_start3A_500 = tpu.memref_slice %arg7[%add3A_497, %dma_start3A_499] : memref<20000x16xf32, #tpu.memory_space<hbm>> -> memref<640x16xf32, #tpu.memory_space<hbm>>
        %dma_start3A_501 = arith.constant 0 : i32
        %dma_start3A_502 = tpu.memref_slice %arg7[%add3A_497, %dma_start3A_501] : memref<20000x16xf32, #tpu.memory_space<hbm>> -> memref<640x16xf32, #tpu.memory_space<hbm>>
        tpu.enqueue_dma source(%arg12 : memref<640x16xf32, #tpu.memory_space<vmem>>) target(%dma_start3A_502 : memref<640x16xf32, #tpu.memory_space<hbm>>) target_semaphore(%run_scoped3A_498 : memref<!tpu.dma_semaphore, #tpu.memory_space<semaphore_mem>>)
        %dma_wait3A_503 = arith.constant 0 : i32
        %dma_wait3A_504 = tpu.memref_slice %arg7[%add3A_497, %dma_wait3A_503] : memref<20000x16xf32, #tpu.memory_space<hbm>> -> memref<640x16xf32, #tpu.memory_space<hbm>>
        %dma_wait3A_505 = arith.constant 0 : i32
        %dma_wait3A_506 = tpu.memref_slice %arg7[%add3A_497, %dma_wait3A_505] : memref<20000x16xf32, #tpu.memory_space<hbm>> -> memref<640x16xf32, #tpu.memory_space<hbm>>
        tpu.wait_dma2 semaphore(%run_scoped3A_498 : memref<!tpu.dma_semaphore, #tpu.memory_space<semaphore_mem>>) src(%arg12 : memref<640x16xf32, #tpu.memory_space<vmem>>) dst(%dma_wait3A_506 : memref<640x16xf32, #tpu.memory_space<hbm>>)
        tpu.yield
      }) : () -> ()
    } else {
    }
    return
  }
}

module attributes {stable_mosaic.version = 14 : i64} {
  func.func @body(%arg0: memref<10000x128xf32, #tpu.memory_space<vmem>>, %arg1: memref<1024x128xf32, #tpu.memory_space<vmem>>, %arg2: memref<1024x128xf32, #tpu.memory_space<vmem>>, %arg3: memref<1250x128xf32, #tpu.memory_space<vmem>>, %arg4: memref<1250x128xf32, #tpu.memory_space<vmem>>) attributes {dimension_semantics = [], scalar_prefetch = 0 : i64, scratch_operands = 0 : i64, tpu.core_type = #tpu.core_type<tc>} {
    %get3A = arith.constant 0 : index
    %get3A_0 = arith.constant 0 : index
    %get3A_1 = vector.load %arg0[%get3A, %get3A_0] : memref<10000x128xf32, #tpu.memory_space<vmem>>, vector<10000x128xf32>
    %reshape3A = vector.shape_cast %get3A_1 : vector<10000x128xf32> to vector<1250x1024xf32>
    %get3A_2 = arith.constant 0 : index
    %get3A_3 = arith.constant 0 : index
    %get3A_4 = vector.load %arg1[%get3A_2, %get3A_3] : memref<1024x128xf32, #tpu.memory_space<vmem>>, vector<1024x128xf32>
    %dot_general3A = arith.constant dense<0.000000e+00> : vector<1250x128xf32>
    %dot_general3A_5 = tpu.matmul %reshape3A, %get3A_4, %dot_general3A {dimension_numbers = #tpu.dot_dimension_numbers<[1], [0], [0], [1], [0, 0, 1, 1], [], []>, transpose_lhs_hint = false} : vector<1250x1024xf32>, vector<1024x128xf32>, vector<1250x128xf32> -> vector<1250x128xf32>
    %swap3A = arith.constant 0 : index
    %swap3A_6 = arith.constant 0 : index
    %swap3A_7 = vector.load %arg3[%swap3A, %swap3A_6] : memref<1250x128xf32, #tpu.memory_space<vmem>>, vector<1250x128xf32>
    tpu.vector_store %arg3[%swap3A, %swap3A_6], %dot_general3A_5 {strides = array<i32>} : memref<1250x128xf32, #tpu.memory_space<vmem>>, vector<1250x128xf32>,
    %get3A_8 = arith.constant 0 : index
    %get3A_9 = arith.constant 0 : index
    %get3A_10 = vector.load %arg2[%get3A_8, %get3A_9] : memref<1024x128xf32, #tpu.memory_space<vmem>>, vector<1024x128xf32>
    %dot_general3A_11 = arith.constant dense<0.000000e+00> : vector<1250x128xf32>
    %dot_general3A_12 = tpu.matmul %reshape3A, %get3A_10, %dot_general3A_11 {dimension_numbers = #tpu.dot_dimension_numbers<[1], [0], [0], [1], [0, 0, 1, 1], [], []>, transpose_lhs_hint = false} : vector<1250x1024xf32>, vector<1024x128xf32>, vector<1250x128xf32> -> vector<1250x128xf32>
    %swap3A_13 = arith.constant 0 : index
    %swap3A_14 = arith.constant 0 : index
    %swap3A_15 = vector.load %arg4[%swap3A_13, %swap3A_14] : memref<1250x128xf32, #tpu.memory_space<vmem>>, vector<1250x128xf32>
    tpu.vector_store %arg4[%swap3A_13, %swap3A_14], %dot_general3A_12 {strides = array<i32>} : memref<1250x128xf32, #tpu.memory_space<vmem>>, vector<1250x128xf32>,
    return
  }
}

module attributes {stable_mosaic.version = 14 : i64} {
  func.func @body(%arg0: memref<2500x128xf32, #tpu.memory_space<vmem>>, %arg1: memref<2500x8xf32, #tpu.memory_space<vmem>>, %arg2: memref<1250x128xf32, #tpu.memory_space<vmem>>, %arg3: memref<1x128xf32, #tpu.memory_space<vmem>>, %arg4: memref<128x128xf32, #tpu.memory_space<vmem>>, %arg5: memref<128x128xf32, #tpu.memory_space<vmem>>, %arg6: memref<8x128xf32, #tpu.memory_space<vmem>>, %arg7: memref<1250x128xf32, #tpu.memory_space<vmem>>, %arg8: memref<1250x128xf32, #tpu.memory_space<vmem>>, %arg9: memref<1250x128xf32, #tpu.memory_space<vmem>>) attributes {dimension_semantics = [], scalar_prefetch = 0 : i64, scratch_operands = 0 : i64, tpu.core_type = #tpu.core_type<tc>} {
    %get3A = arith.constant 0 : index
    %get3A_0 = arith.constant 0 : index
    %get3A_1 = vector.load %arg0[%get3A, %get3A_0] : memref<2500x128xf32, #tpu.memory_space<vmem>>, vector<2500x128xf32>
    %slice3A = vector.extract_strided_slice %get3A_1 {offsets = [0, 0], sizes = [1250, 128], strides = [1, 1]} : vector<2500x128xf32> to vector<1250x128xf32>
    %slice3A_2 = vector.extract_strided_slice %get3A_1 {offsets = [1250, 0], sizes = [1250, 128], strides = [1, 1]} : vector<2500x128xf32> to vector<1250x128xf32>
    %add3A = arith.addf %slice3A, %slice3A_2 : vector<1250x128xf32>
    %get3A_3 = arith.constant 0 : index
    %get3A_4 = arith.constant 0 : index
    %get3A_5 = vector.load %arg1[%get3A_3, %get3A_4] : memref<2500x8xf32, #tpu.memory_space<vmem>>, vector<2500x8xf32>
    %slice3A_6 = vector.extract_strided_slice %get3A_5 {offsets = [0, 0], sizes = [1250, 8], strides = [1, 1]} : vector<2500x8xf32> to vector<1250x8xf32>
    %slice3A_7 = vector.extract_strided_slice %get3A_5 {offsets = [1250, 0], sizes = [1250, 8], strides = [1, 1]} : vector<2500x8xf32> to vector<1250x8xf32>
    %add3A_8 = arith.addf %slice3A_6, %slice3A_7 : vector<1250x8xf32>
    %max3A = arith.constant 1.000000e+00 : f32
    %max3A_9 = vector.broadcast %max3A : f32 to vector<1250x8xf32>
    %max3A_10 = arith.maximumf %add3A_8, %max3A_9 : vector<1250x8xf32>
    %div3A = arith.constant 1.000000e+00 : f32
    %div3A_11 = vector.broadcast %div3A : f32 to vector<1250x8xf32>
    %div3A_12 = arith.divf %div3A_11, %max3A_10 : vector<1250x8xf32>
    %get3A_13 = arith.constant 0 : index
    %get3A_14 = arith.constant 0 : index
    %get3A_15 = vector.load %arg6[%get3A_13, %get3A_14] : memref<8x128xf32, #tpu.memory_space<vmem>>, vector<8x128xf32>
    %dot_general3A = arith.constant dense<0.000000e+00> : vector<1250x128xf32>
    %dot_general3A_16 = tpu.matmul %div3A_12, %get3A_15, %dot_general3A {dimension_numbers = #tpu.dot_dimension_numbers<[1], [0], [0], [1], [0, 0, 1, 1], [], []>, transpose_lhs_hint = false} : vector<1250x8xf32>, vector<8x128xf32>, vector<1250x128xf32> -> vector<1250x128xf32>
    %mul3A = arith.mulf %add3A, %dot_general3A_16 : vector<1250x128xf32>
    %get3A_17 = arith.constant 0 : index
    %get3A_18 = arith.constant 0 : index
    %get3A_19 = vector.load %arg3[%get3A_17, %get3A_18] : memref<1x128xf32, #tpu.memory_space<vmem>>, vector<1x128xf32>
    %add3A_20 = vector.broadcast %get3A_19 : vector<1x128xf32> to vector<1250x128xf32>
    %add3A_21 = arith.addf %mul3A, %add3A_20 : vector<1250x128xf32>
    %get3A_22 = arith.constant 0 : index
    %get3A_23 = arith.constant 0 : index
    %get3A_24 = vector.load %arg2[%get3A_22, %get3A_23] : memref<1250x128xf32, #tpu.memory_space<vmem>>, vector<1250x128xf32>
    %add3A_25 = arith.addf %add3A_21, %get3A_24 : vector<1250x128xf32>
    %max3A_26 = arith.constant 0.000000e+00 : f32
    %max3A_27 = vector.broadcast %max3A_26 : f32 to vector<1250x128xf32>
    %max3A_28 = arith.maximumf %add3A_25, %max3A_27 : vector<1250x128xf32>
    %get3A_29 = arith.constant 0 : index
    %get3A_30 = arith.constant 0 : index
    %get3A_31 = vector.load %arg4[%get3A_29, %get3A_30] : memref<128x128xf32, #tpu.memory_space<vmem>>, vector<128x128xf32>
    %dot_general3A_32 = arith.constant dense<0.000000e+00> : vector<1250x128xf32>
    %dot_general3A_33 = tpu.matmul %max3A_28, %get3A_31, %dot_general3A_32 {dimension_numbers = #tpu.dot_dimension_numbers<[1], [0], [0], [1], [0, 0, 1, 1], [], []>, transpose_lhs_hint = false} : vector<1250x128xf32>, vector<128x128xf32>, vector<1250x128xf32> -> vector<1250x128xf32>
    %swap3A = arith.constant 0 : index
    %swap3A_34 = arith.constant 0 : index
    %swap3A_35 = vector.load %arg7[%swap3A, %swap3A_34] : memref<1250x128xf32, #tpu.memory_space<vmem>>, vector<1250x128xf32>
    tpu.vector_store %arg7[%swap3A, %swap3A_34], %dot_general3A_33 {strides = array<i32>} : memref<1250x128xf32, #tpu.memory_space<vmem>>, vector<1250x128xf32>,
    %get3A_36 = arith.constant 0 : index
    %get3A_37 = arith.constant 0 : index
    %get3A_38 = vector.load %arg5[%get3A_36, %get3A_37] : memref<128x128xf32, #tpu.memory_space<vmem>>, vector<128x128xf32>
    %dot_general3A_39 = arith.constant dense<0.000000e+00> : vector<1250x128xf32>
    %dot_general3A_40 = tpu.matmul %max3A_28, %get3A_38, %dot_general3A_39 {dimension_numbers = #tpu.dot_dimension_numbers<[1], [0], [0], [1], [0, 0, 1, 1], [], []>, transpose_lhs_hint = false} : vector<1250x128xf32>, vector<128x128xf32>, vector<1250x128xf32> -> vector<1250x128xf32>
    %swap3A_41 = arith.constant 0 : index
    %swap3A_42 = arith.constant 0 : index
    %swap3A_43 = vector.load %arg8[%swap3A_41, %swap3A_42] : memref<1250x128xf32, #tpu.memory_space<vmem>>, vector<1250x128xf32>
    tpu.vector_store %arg8[%swap3A_41, %swap3A_42], %dot_general3A_40 {strides = array<i32>} : memref<1250x128xf32, #tpu.memory_space<vmem>>, vector<1250x128xf32>,
    %swap3A_44 = arith.constant 0 : index
    %swap3A_45 = arith.constant 0 : index
    %swap3A_46 = vector.load %arg9[%swap3A_44, %swap3A_45] : memref<1250x128xf32, #tpu.memory_space<vmem>>, vector<1250x128xf32>
    tpu.vector_store %arg9[%swap3A_44, %swap3A_45], %dot_general3A_16 {strides = array<i32>} : memref<1250x128xf32, #tpu.memory_space<vmem>>, vector<1250x128xf32>,
    return
  }
}

module attributes {stable_mosaic.version = 14 : i64} {
  func.func @body(%arg0: memref<2500x128xf32, #tpu.memory_space<vmem>>, %arg1: memref<1250x128xf32, #tpu.memory_space<vmem>>, %arg2: memref<1250x128xf32, #tpu.memory_space<vmem>>, %arg3: memref<1x128xf32, #tpu.memory_space<vmem>>, %arg4: memref<8x1250xi32, #tpu.memory_space<vmem>>, %arg5: memref<16x16xf32, #tpu.memory_space<vmem>>, %arg6: memref<1x16xf32, #tpu.memory_space<vmem>>, %arg7: memref<64x16xf32, #tpu.memory_space<vmem>>) attributes {dimension_semantics = [], scalar_prefetch = 0 : i64, scratch_operands = 0 : i64, tpu.core_type = #tpu.core_type<tc>} {
    %get3A = arith.constant 0 : index
    %get3A_0 = arith.constant 0 : index
    %get3A_1 = vector.load %arg0[%get3A, %get3A_0] : memref<2500x128xf32, #tpu.memory_space<vmem>>, vector<2500x128xf32>
    %slice3A = vector.extract_strided_slice %get3A_1 {offsets = [0, 0], sizes = [1250, 128], strides = [1, 1]} : vector<2500x128xf32> to vector<1250x128xf32>
    %slice3A_2 = vector.extract_strided_slice %get3A_1 {offsets = [1250, 0], sizes = [1250, 128], strides = [1, 1]} : vector<2500x128xf32> to vector<1250x128xf32>
    %add3A = arith.addf %slice3A, %slice3A_2 : vector<1250x128xf32>
    %get3A_3 = arith.constant 0 : index
    %get3A_4 = arith.constant 0 : index
    %get3A_5 = vector.load %arg1[%get3A_3, %get3A_4] : memref<1250x128xf32, #tpu.memory_space<vmem>>, vector<1250x128xf32>
    %mul3A = arith.mulf %add3A, %get3A_5 : vector<1250x128xf32>
    %get3A_6 = arith.constant 0 : index
    %get3A_7 = arith.constant 0 : index
    %get3A_8 = vector.load %arg3[%get3A_6, %get3A_7] : memref<1x128xf32, #tpu.memory_space<vmem>>, vector<1x128xf32>
    %add3A_9 = vector.broadcast %get3A_8 : vector<1x128xf32> to vector<1250x128xf32>
    %add3A_10 = arith.addf %mul3A, %add3A_9 : vector<1250x128xf32>
    %get3A_11 = arith.constant 0 : index
    %get3A_12 = arith.constant 0 : index
    %get3A_13 = vector.load %arg2[%get3A_11, %get3A_12] : memref<1250x128xf32, #tpu.memory_space<vmem>>, vector<1250x128xf32>
    %add3A_14 = arith.addf %add3A_10, %get3A_13 : vector<1250x128xf32>
    %get3A_15 = arith.constant 0 : index
    %get3A_16 = arith.constant 0 : index
    %get3A_17 = vector.load %arg4[%get3A_15, %get3A_16] : memref<8x1250xi32, #tpu.memory_space<vmem>>, vector<8x1250xi32>
    %iota3A = tpu.iota {dimensions = array<i32: 0>} : vector<64x1250xi32>
    %broadcast_in_dim3A = arith.constant 0.000000e+00 : f32
    %broadcast_in_dim3A_18 = vector.broadcast %broadcast_in_dim3A : f32 to vector<64x16xf32>
    %broadcast_in_dim3A_19 = arith.constant 0.000000e+00 : f32
    %broadcast_in_dim3A_20 = vector.broadcast %broadcast_in_dim3A_19 : f32 to vector<64x1xf32>
    %slice3A_21 = vector.extract_strided_slice %get3A_17 {offsets = [0, 0], sizes = [1, 1250], strides = [1, 1]} : vector<8x1250xi32> to vector<1x1250xi32>
    %squeeze3A = vector.shape_cast %slice3A_21 : vector<1x1250xi32> to vector<1250xi32>
    %broadcast_in_dim3A_22 = vector.shape_cast %squeeze3A : vector<1250xi32> to vector<1x1250xi32>
    %eq3A = vector.broadcast %broadcast_in_dim3A_22 : vector<1x1250xi32> to vector<64x1250xi32>
    %eq3A_23 = arith.cmpi eq, %iota3A, %eq3A : vector<64x1250xi32>
    %jit3A = arith.constant 1.000000e+00 : f32
    %jit3A_24 = arith.constant 0.000000e+00 : f32
    %broadcast_in_dim3A_25 = vector.broadcast %jit3A : f32 to vector<64x1250xf32>
    %broadcast_in_dim3A_26 = vector.broadcast %jit3A_24 : f32 to vector<64x1250xf32>
    %select_n3A = arith.select %eq3A_23, %broadcast_in_dim3A_25, %broadcast_in_dim3A_26 : vector<64x1250xi1>, vector<64x1250xf32>
    %dot_general3A = arith.constant dense<0.000000e+00> : vector<64x128xf32>
    %dot_general3A_27 = tpu.matmul %select_n3A, %add3A_14, %dot_general3A {dimension_numbers = #tpu.dot_dimension_numbers<[1], [0], [0], [1], [0, 0, 1, 1], [], []>, transpose_lhs_hint = false} : vector<64x1250xf32>, vector<1250x128xf32>, vector<64x128xf32> -> vector<64x128xf32>
    %slice3A_28 = vector.extract_strided_slice %dot_general3A_27 {offsets = [0, 0], sizes = [64, 16], strides = [1, 1]} : vector<64x128xf32> to vector<64x16xf32>
    %add3A_29 = arith.addf %broadcast_in_dim3A_18, %slice3A_28 : vector<64x16xf32>
    %reduce_sum3A = arith.constant dense<0.000000e+00> : vector<64xf32>
    %reduce_sum3A_30 = vector.multi_reduction <add>, %select_n3A, %reduce_sum3A [1] : vector<64x1250xf32> to vector<64xf32>
    %broadcast_in_dim3A_31 = vector.shape_cast %reduce_sum3A_30 : vector<64xf32> to vector<64x1xf32>
    %add3A_32 = arith.addf %broadcast_in_dim3A_20, %broadcast_in_dim3A_31 : vector<64x1xf32>
    %slice3A_33 = vector.extract_strided_slice %get3A_17 {offsets = [1, 0], sizes = [1, 1250], strides = [1, 1]} : vector<8x1250xi32> to vector<1x1250xi32>
    %squeeze3A_34 = vector.shape_cast %slice3A_33 : vector<1x1250xi32> to vector<1250xi32>
    %broadcast_in_dim3A_35 = vector.shape_cast %squeeze3A_34 : vector<1250xi32> to vector<1x1250xi32>
    %eq3A_36 = vector.broadcast %broadcast_in_dim3A_35 : vector<1x1250xi32> to vector<64x1250xi32>
    %eq3A_37 = arith.cmpi eq, %iota3A, %eq3A_36 : vector<64x1250xi32>
    %jit3A_38 = arith.constant 1.000000e+00 : f32
    %jit3A_39 = arith.constant 0.000000e+00 : f32
    %broadcast_in_dim3A_40 = vector.broadcast %jit3A_38 : f32 to vector<64x1250xf32>
    %broadcast_in_dim3A_41 = vector.broadcast %jit3A_39 : f32 to vector<64x1250xf32>
    %select_n3A_42 = arith.select %eq3A_37, %broadcast_in_dim3A_40, %broadcast_in_dim3A_41 : vector<64x1250xi1>, vector<64x1250xf32>
    %dot_general3A_43 = arith.constant dense<0.000000e+00> : vector<64x128xf32>
    %dot_general3A_44 = tpu.matmul %select_n3A_42, %add3A_14, %dot_general3A_43 {dimension_numbers = #tpu.dot_dimension_numbers<[1], [0], [0], [1], [0, 0, 1, 1], [], []>, transpose_lhs_hint = false} : vector<64x1250xf32>, vector<1250x128xf32>, vector<64x128xf32> -> vector<64x128xf32>
    %slice3A_45 = vector.extract_strided_slice %dot_general3A_44 {offsets = [0, 16], sizes = [64, 16], strides = [1, 1]} : vector<64x128xf32> to vector<64x16xf32>
    %add3A_46 = arith.addf %add3A_29, %slice3A_45 : vector<64x16xf32>
    %reduce_sum3A_47 = arith.constant dense<0.000000e+00> : vector<64xf32>
    %reduce_sum3A_48 = vector.multi_reduction <add>, %select_n3A_42, %reduce_sum3A_47 [1] : vector<64x1250xf32> to vector<64xf32>
    %broadcast_in_dim3A_49 = vector.shape_cast %reduce_sum3A_48 : vector<64xf32> to vector<64x1xf32>
    %add3A_50 = arith.addf %add3A_32, %broadcast_in_dim3A_49 : vector<64x1xf32>
    %slice3A_51 = vector.extract_strided_slice %get3A_17 {offsets = [2, 0], sizes = [1, 1250], strides = [1, 1]} : vector<8x1250xi32> to vector<1x1250xi32>
    %squeeze3A_52 = vector.shape_cast %slice3A_51 : vector<1x1250xi32> to vector<1250xi32>
    %broadcast_in_dim3A_53 = vector.shape_cast %squeeze3A_52 : vector<1250xi32> to vector<1x1250xi32>
    %eq3A_54 = vector.broadcast %broadcast_in_dim3A_53 : vector<1x1250xi32> to vector<64x1250xi32>
    %eq3A_55 = arith.cmpi eq, %iota3A, %eq3A_54 : vector<64x1250xi32>
    %jit3A_56 = arith.constant 1.000000e+00 : f32
    %jit3A_57 = arith.constant 0.000000e+00 : f32
    %broadcast_in_dim3A_58 = vector.broadcast %jit3A_56 : f32 to vector<64x1250xf32>
    %broadcast_in_dim3A_59 = vector.broadcast %jit3A_57 : f32 to vector<64x1250xf32>
    %select_n3A_60 = arith.select %eq3A_55, %broadcast_in_dim3A_58, %broadcast_in_dim3A_59 : vector<64x1250xi1>, vector<64x1250xf32>
    %dot_general3A_61 = arith.constant dense<0.000000e+00> : vector<64x128xf32>
    %dot_general3A_62 = tpu.matmul %select_n3A_60, %add3A_14, %dot_general3A_61 {dimension_numbers = #tpu.dot_dimension_numbers<[1], [0], [0], [1], [0, 0, 1, 1], [], []>, transpose_lhs_hint = false} : vector<64x1250xf32>, vector<1250x128xf32>, vector<64x128xf32> -> vector<64x128xf32>
    %slice3A_63 = vector.extract_strided_slice %dot_general3A_62 {offsets = [0, 32], sizes = [64, 16], strides = [1, 1]} : vector<64x128xf32> to vector<64x16xf32>
    %add3A_64 = arith.addf %add3A_46, %slice3A_63 : vector<64x16xf32>
    %reduce_sum3A_65 = arith.constant dense<0.000000e+00> : vector<64xf32>
    %reduce_sum3A_66 = vector.multi_reduction <add>, %select_n3A_60, %reduce_sum3A_65 [1] : vector<64x1250xf32> to vector<64xf32>
    %broadcast_in_dim3A_67 = vector.shape_cast %reduce_sum3A_66 : vector<64xf32> to vector<64x1xf32>
    %add3A_68 = arith.addf %add3A_50, %broadcast_in_dim3A_67 : vector<64x1xf32>
    %slice3A_69 = vector.extract_strided_slice %get3A_17 {offsets = [3, 0], sizes = [1, 1250], strides = [1, 1]} : vector<8x1250xi32> to vector<1x1250xi32>
    %squeeze3A_70 = vector.shape_cast %slice3A_69 : vector<1x1250xi32> to vector<1250xi32>
    %broadcast_in_dim3A_71 = vector.shape_cast %squeeze3A_70 : vector<1250xi32> to vector<1x1250xi32>
    %eq3A_72 = vector.broadcast %broadcast_in_dim3A_71 : vector<1x1250xi32> to vector<64x1250xi32>
    %eq3A_73 = arith.cmpi eq, %iota3A, %eq3A_72 : vector<64x1250xi32>
    %jit3A_74 = arith.constant 1.000000e+00 : f32
    %jit3A_75 = arith.constant 0.000000e+00 : f32
    %broadcast_in_dim3A_76 = vector.broadcast %jit3A_74 : f32 to vector<64x1250xf32>
    %broadcast_in_dim3A_77 = vector.broadcast %jit3A_75 : f32 to vector<64x1250xf32>
    %select_n3A_78 = arith.select %eq3A_73, %broadcast_in_dim3A_76, %broadcast_in_dim3A_77 : vector<64x1250xi1>, vector<64x1250xf32>
    %dot_general3A_79 = arith.constant dense<0.000000e+00> : vector<64x128xf32>
    %dot_general3A_80 = tpu.matmul %select_n3A_78, %add3A_14, %dot_general3A_79 {dimension_numbers = #tpu.dot_dimension_numbers<[1], [0], [0], [1], [0, 0, 1, 1], [], []>, transpose_lhs_hint = false} : vector<64x1250xf32>, vector<1250x128xf32>, vector<64x128xf32> -> vector<64x128xf32>
    %slice3A_81 = vector.extract_strided_slice %dot_general3A_80 {offsets = [0, 48], sizes = [64, 16], strides = [1, 1]} : vector<64x128xf32> to vector<64x16xf32>
    %add3A_82 = arith.addf %add3A_64, %slice3A_81 : vector<64x16xf32>
    %reduce_sum3A_83 = arith.constant dense<0.000000e+00> : vector<64xf32>
    %reduce_sum3A_84 = vector.multi_reduction <add>, %select_n3A_78, %reduce_sum3A_83 [1] : vector<64x1250xf32> to vector<64xf32>
    %broadcast_in_dim3A_85 = vector.shape_cast %reduce_sum3A_84 : vector<64xf32> to vector<64x1xf32>
    %add3A_86 = arith.addf %add3A_68, %broadcast_in_dim3A_85 : vector<64x1xf32>
    %slice3A_87 = vector.extract_strided_slice %get3A_17 {offsets = [4, 0], sizes = [1, 1250], strides = [1, 1]} : vector<8x1250xi32> to vector<1x1250xi32>
    %squeeze3A_88 = vector.shape_cast %slice3A_87 : vector<1x1250xi32> to vector<1250xi32>
    %broadcast_in_dim3A_89 = vector.shape_cast %squeeze3A_88 : vector<1250xi32> to vector<1x1250xi32>
    %eq3A_90 = vector.broadcast %broadcast_in_dim3A_89 : vector<1x1250xi32> to vector<64x1250xi32>
    %eq3A_91 = arith.cmpi eq, %iota3A, %eq3A_90 : vector<64x1250xi32>
    %jit3A_92 = arith.constant 1.000000e+00 : f32
    %jit3A_93 = arith.constant 0.000000e+00 : f32
    %broadcast_in_dim3A_94 = vector.broadcast %jit3A_92 : f32 to vector<64x1250xf32>
    %broadcast_in_dim3A_95 = vector.broadcast %jit3A_93 : f32 to vector<64x1250xf32>
    %select_n3A_96 = arith.select %eq3A_91, %broadcast_in_dim3A_94, %broadcast_in_dim3A_95 : vector<64x1250xi1>, vector<64x1250xf32>
    %dot_general3A_97 = arith.constant dense<0.000000e+00> : vector<64x128xf32>
    %dot_general3A_98 = tpu.matmul %select_n3A_96, %add3A_14, %dot_general3A_97 {dimension_numbers = #tpu.dot_dimension_numbers<[1], [0], [0], [1], [0, 0, 1, 1], [], []>, transpose_lhs_hint = false} : vector<64x1250xf32>, vector<1250x128xf32>, vector<64x128xf32> -> vector<64x128xf32>
    %slice3A_99 = vector.extract_strided_slice %dot_general3A_98 {offsets = [0, 64], sizes = [64, 16], strides = [1, 1]} : vector<64x128xf32> to vector<64x16xf32>
    %add3A_100 = arith.addf %add3A_82, %slice3A_99 : vector<64x16xf32>
    %reduce_sum3A_101 = arith.constant dense<0.000000e+00> : vector<64xf32>
    %reduce_sum3A_102 = vector.multi_reduction <add>, %select_n3A_96, %reduce_sum3A_101 [1] : vector<64x1250xf32> to vector<64xf32>
    %broadcast_in_dim3A_103 = vector.shape_cast %reduce_sum3A_102 : vector<64xf32> to vector<64x1xf32>
    %add3A_104 = arith.addf %add3A_86, %broadcast_in_dim3A_103 : vector<64x1xf32>
    %slice3A_105 = vector.extract_strided_slice %get3A_17 {offsets = [5, 0], sizes = [1, 1250], strides = [1, 1]} : vector<8x1250xi32> to vector<1x1250xi32>
    %squeeze3A_106 = vector.shape_cast %slice3A_105 : vector<1x1250xi32> to vector<1250xi32>
    %broadcast_in_dim3A_107 = vector.shape_cast %squeeze3A_106 : vector<1250xi32> to vector<1x1250xi32>
    %eq3A_108 = vector.broadcast %broadcast_in_dim3A_107 : vector<1x1250xi32> to vector<64x1250xi32>
    %eq3A_109 = arith.cmpi eq, %iota3A, %eq3A_108 : vector<64x1250xi32>
    %jit3A_110 = arith.constant 1.000000e+00 : f32
    %jit3A_111 = arith.constant 0.000000e+00 : f32
    %broadcast_in_dim3A_112 = vector.broadcast %jit3A_110 : f32 to vector<64x1250xf32>
    %broadcast_in_dim3A_113 = vector.broadcast %jit3A_111 : f32 to vector<64x1250xf32>
    %select_n3A_114 = arith.select %eq3A_109, %broadcast_in_dim3A_112, %broadcast_in_dim3A_113 : vector<64x1250xi1>, vector<64x1250xf32>
    %dot_general3A_115 = arith.constant dense<0.000000e+00> : vector<64x128xf32>
    %dot_general3A_116 = tpu.matmul %select_n3A_114, %add3A_14, %dot_general3A_115 {dimension_numbers = #tpu.dot_dimension_numbers<[1], [0], [0], [1], [0, 0, 1, 1], [], []>, transpose_lhs_hint = false} : vector<64x1250xf32>, vector<1250x128xf32>, vector<64x128xf32> -> vector<64x128xf32>
    %slice3A_117 = vector.extract_strided_slice %dot_general3A_116 {offsets = [0, 80], sizes = [64, 16], strides = [1, 1]} : vector<64x128xf32> to vector<64x16xf32>
    %add3A_118 = arith.addf %add3A_100, %slice3A_117 : vector<64x16xf32>
    %reduce_sum3A_119 = arith.constant dense<0.000000e+00> : vector<64xf32>
    %reduce_sum3A_120 = vector.multi_reduction <add>, %select_n3A_114, %reduce_sum3A_119 [1] : vector<64x1250xf32> to vector<64xf32>
    %broadcast_in_dim3A_121 = vector.shape_cast %reduce_sum3A_120 : vector<64xf32> to vector<64x1xf32>
    %add3A_122 = arith.addf %add3A_104, %broadcast_in_dim3A_121 : vector<64x1xf32>
    %slice3A_123 = vector.extract_strided_slice %get3A_17 {offsets = [6, 0], sizes = [1, 1250], strides = [1, 1]} : vector<8x1250xi32> to vector<1x1250xi32>
    %squeeze3A_124 = vector.shape_cast %slice3A_123 : vector<1x1250xi32> to vector<1250xi32>
    %broadcast_in_dim3A_125 = vector.shape_cast %squeeze3A_124 : vector<1250xi32> to vector<1x1250xi32>
    %eq3A_126 = vector.broadcast %broadcast_in_dim3A_125 : vector<1x1250xi32> to vector<64x1250xi32>
    %eq3A_127 = arith.cmpi eq, %iota3A, %eq3A_126 : vector<64x1250xi32>
    %jit3A_128 = arith.constant 1.000000e+00 : f32
    %jit3A_129 = arith.constant 0.000000e+00 : f32
    %broadcast_in_dim3A_130 = vector.broadcast %jit3A_128 : f32 to vector<64x1250xf32>
    %broadcast_in_dim3A_131 = vector.broadcast %jit3A_129 : f32 to vector<64x1250xf32>
    %select_n3A_132 = arith.select %eq3A_127, %broadcast_in_dim3A_130, %broadcast_in_dim3A_131 : vector<64x1250xi1>, vector<64x1250xf32>
    %dot_general3A_133 = arith.constant dense<0.000000e+00> : vector<64x128xf32>
    %dot_general3A_134 = tpu.matmul %select_n3A_132, %add3A_14, %dot_general3A_133 {dimension_numbers = #tpu.dot_dimension_numbers<[1], [0], [0], [1], [0, 0, 1, 1], [], []>, transpose_lhs_hint = false} : vector<64x1250xf32>, vector<1250x128xf32>, vector<64x128xf32> -> vector<64x128xf32>
    %slice3A_135 = vector.extract_strided_slice %dot_general3A_134 {offsets = [0, 96], sizes = [64, 16], strides = [1, 1]} : vector<64x128xf32> to vector<64x16xf32>
    %add3A_136 = arith.addf %add3A_118, %slice3A_135 : vector<64x16xf32>
    %reduce_sum3A_137 = arith.constant dense<0.000000e+00> : vector<64xf32>
    %reduce_sum3A_138 = vector.multi_reduction <add>, %select_n3A_132, %reduce_sum3A_137 [1] : vector<64x1250xf32> to vector<64xf32>
    %broadcast_in_dim3A_139 = vector.shape_cast %reduce_sum3A_138 : vector<64xf32> to vector<64x1xf32>
    %add3A_140 = arith.addf %add3A_122, %broadcast_in_dim3A_139 : vector<64x1xf32>
    %slice3A_141 = vector.extract_strided_slice %get3A_17 {offsets = [7, 0], sizes = [1, 1250], strides = [1, 1]} : vector<8x1250xi32> to vector<1x1250xi32>
    %squeeze3A_142 = vector.shape_cast %slice3A_141 : vector<1x1250xi32> to vector<1250xi32>
    %broadcast_in_dim3A_143 = vector.shape_cast %squeeze3A_142 : vector<1250xi32> to vector<1x1250xi32>
    %eq3A_144 = vector.broadcast %broadcast_in_dim3A_143 : vector<1x1250xi32> to vector<64x1250xi32>
    %eq3A_145 = arith.cmpi eq, %iota3A, %eq3A_144 : vector<64x1250xi32>
    %jit3A_146 = arith.constant 1.000000e+00 : f32
    %jit3A_147 = arith.constant 0.000000e+00 : f32
    %broadcast_in_dim3A_148 = vector.broadcast %jit3A_146 : f32 to vector<64x1250xf32>
    %broadcast_in_dim3A_149 = vector.broadcast %jit3A_147 : f32 to vector<64x1250xf32>
    %select_n3A_150 = arith.select %eq3A_145, %broadcast_in_dim3A_148, %broadcast_in_dim3A_149 : vector<64x1250xi1>, vector<64x1250xf32>
    %dot_general3A_151 = arith.constant dense<0.000000e+00> : vector<64x128xf32>
    %dot_general3A_152 = tpu.matmul %select_n3A_150, %add3A_14, %dot_general3A_151 {dimension_numbers = #tpu.dot_dimension_numbers<[1], [0], [0], [1], [0, 0, 1, 1], [], []>, transpose_lhs_hint = false} : vector<64x1250xf32>, vector<1250x128xf32>, vector<64x128xf32> -> vector<64x128xf32>
    %slice3A_153 = vector.extract_strided_slice %dot_general3A_152 {offsets = [0, 112], sizes = [64, 16], strides = [1, 1]} : vector<64x128xf32> to vector<64x16xf32>
    %add3A_154 = arith.addf %add3A_136, %slice3A_153 : vector<64x16xf32>
    %reduce_sum3A_155 = arith.constant dense<0.000000e+00> : vector<64xf32>
    %reduce_sum3A_156 = vector.multi_reduction <add>, %select_n3A_150, %reduce_sum3A_155 [1] : vector<64x1250xf32> to vector<64xf32>
    %broadcast_in_dim3A_157 = vector.shape_cast %reduce_sum3A_156 : vector<64xf32> to vector<64x1xf32>
    %add3A_158 = arith.addf %add3A_140, %broadcast_in_dim3A_157 : vector<64x1xf32>
    %max3A = arith.constant 1.000000e+00 : f32
    %max3A_159 = vector.broadcast %max3A : f32 to vector<64x1xf32>
    %max3A_160 = arith.maximumf %add3A_158, %max3A_159 : vector<64x1xf32>
    %div3A = vector.broadcast %max3A_160 : vector<64x1xf32> to vector<64x16xf32>
    %div3A_161 = arith.divf %add3A_154, %div3A : vector<64x16xf32>
    %get3A_162 = arith.constant 0 : index
    %get3A_163 = arith.constant 0 : index
    %get3A_164 = vector.load %arg5[%get3A_162, %get3A_163] : memref<16x16xf32, #tpu.memory_space<vmem>>, vector<16x16xf32>
    %dot_general3A_165 = arith.constant dense<0.000000e+00> : vector<64x16xf32>
    %dot_general3A_166 = tpu.matmul %div3A_161, %get3A_164, %dot_general3A_165 {dimension_numbers = #tpu.dot_dimension_numbers<[1], [0], [0], [1], [0, 0, 1, 1], [], []>, transpose_lhs_hint = false} : vector<64x16xf32>, vector<16x16xf32>, vector<64x16xf32> -> vector<64x16xf32>
    %get3A_167 = arith.constant 0 : index
    %get3A_168 = arith.constant 0 : index
    %get3A_169 = vector.load %arg6[%get3A_167, %get3A_168] : memref<1x16xf32, #tpu.memory_space<vmem>>, vector<1x16xf32>
    %add3A_170 = vector.broadcast %get3A_169 : vector<1x16xf32> to vector<64x16xf32>
    %add3A_171 = arith.addf %dot_general3A_166, %add3A_170 : vector<64x16xf32>
    %reduce_max3A = arith.constant dense<0xFF800000> : vector<64xf32>
    %reduce_max3A_172 = vector.multi_reduction <maximumf>, %add3A_171, %reduce_max3A [1] : vector<64x16xf32> to vector<64xf32>
    %broadcast_in_dim3A_173 = vector.shape_cast %reduce_max3A_172 : vector<64xf32> to vector<64x1xf32>
    %sub3A = vector.broadcast %broadcast_in_dim3A_173 : vector<64x1xf32> to vector<64x16xf32>
    %sub3A_174 = arith.subf %add3A_171, %sub3A : vector<64x16xf32>
    %exp3A = math.exp %sub3A_174 : vector<64x16xf32>
    %reduce_sum3A_175 = arith.constant dense<0.000000e+00> : vector<64xf32>
    %reduce_sum3A_176 = vector.multi_reduction <add>, %exp3A, %reduce_sum3A_175 [1] : vector<64x16xf32> to vector<64xf32>
    %broadcast_in_dim3A_177 = vector.shape_cast %reduce_sum3A_176 : vector<64xf32> to vector<64x1xf32>
    %log3A = math.log %broadcast_in_dim3A_177 : vector<64x1xf32>
    %sub3A_178 = vector.broadcast %log3A : vector<64x1xf32> to vector<64x16xf32>
    %sub3A_179 = arith.subf %sub3A_174, %sub3A_178 : vector<64x16xf32>
    %swap3A = arith.constant 0 : index
    %swap3A_180 = arith.constant 0 : index
    %swap3A_181 = vector.load %arg7[%swap3A, %swap3A_180] : memref<64x16xf32, #tpu.memory_space<vmem>>, vector<64x16xf32>
    tpu.vector_store %arg7[%swap3A, %swap3A_180], %sub3A_179 {strides = array<i32>} : memref<64x16xf32, #tpu.memory_space<vmem>>, vector<64x16xf32>,
    return
  }
}

</mosaic_0001>

<sc_bundles>
// kernel: kernel.10.cloned.1.call-start
scs
__scs_entry_jumppad:
0x0: {  	(pc) =	sbr.rel $0x88, $3  }
0x1: {  	(tag) =	ssettag $0x0;
	lr =	simm.s32 $0x1  }
0x2: {  	[smem:$0x3F96] =	sst lr;
	_ =	strace $0xD0000000  }
0x3: {  	_ = 	snop  }
0x4: {  	_ = 	snop  }
0x5: {  	_ = 	snop  }
0x6: {  	_ = 	snop  }
0x7: {  	_ = 	snop  }
__scs_overlays_trampoline_lowered:
0x8: {  	[smem:$0x3FA5] =	sst s0  }
0x9: {  	[smem:$0x3FA6] =	sst s1  }
0xa: {  	[smem:$0x3FA7] =	sst s2  }
0xb: {  	[smem:$0x3FA8] =	sst s3  }
0xc: {  	[smem:$0x3FA9] =	sst s4  }
0xd: {  	[smem:$0x3FAA] =	sst s5  }
0xe: {  	[smem:$0x3FAB] =	sst s6  }
0xf: {  	[smem:$0x3FAC] =	sst s7  }
0x10: {  	[smem:$0x3FAD] =	sst s8  }
0x11: {  	[smem:$0x3FAE] =	sst s9;
	s0 =	simm.s32 @!p0 $0x0  }
0x12: {  	s1 =	sld [smem:$0x3F94];
	s0 =	simm.s32 @p0 $0x1  }
0x13: {  	[smem:$0x3FAF] =	sst s0;
	s0 =	simm.s32 @!p1 $0x0  }
0x14: {  	s2 =	sld [smem:$0x3F93];
	s0 =	simm.s32 @p1 $0x1  }
0x15: {  	[smem:$0x3FB0] =	sst s0;
	s0 =	simm.s32 @!p2 $0x0  }
0x16: {  	s3 =	sld [smem:$0x3FDB];
	s0 =	simm.s32 @p2 $0x1  }
0x17: {  	s4 =	simm.s32 $0x1BF5;
	[smem:$0x3FB2] =	sst s0  }
0x18: {  	s0 =	sld [smem:$0x3F95];
	_ =	swait.ge [sflag:s4], $0x0  }
0x19: {  	s7 =	sld [smem:$0x3F96]  }
0x1a: {  	s8 =	sadd.s32 $0xFFFFE003, lr  }
0x1b: {  	s9 =	sadd.s32 $0xFFFFFEF7, lr;
	s5 =	simm.s32 $0xFFFFFFFF;
	p2 =	slt.u32 s8, $0xFFFFF086  }
0x1c: {  	p1 =	slt.u32 s9, $0xF7A;
	s5 =	simm.s32 @!p2 $0x0  }
0x1d: {  	s5 =	simm.s32 @p1 $0x1;
	p0 =	seq.s32 s7, s2  }
0x1e: {  	s7 =	smul.u32 @!p0 $0xF7A, s2;
	p2 =	seq.s32 @!p0 s5, $0x0  }
0x1f: {  	s9 =	smul.u32 $0xF7A, s1;
	s8 =	simm.s32 @!p0 $0x1BF5;
	p2 =	por !p2, p0  }
0x20: {  	[sflag:s8] =	ssyncset.s32 @!p0 $0xFFFFF086;
	s6 =	sadd.s32 @!p0 s3, s7;
	s7 =	simm.s32 @!p0 $0x108  }
0x21: {  	s3 =	sadd.s32 s3, s9;
	s6 =	sadd.s32 @!p0 $0x88, s6;
	s7 =	simm.s32 @p2 $0x1082  }
0x22: {  	[simem:s7], [sflag:s8] =	dma.local @!p0 [hbm:s6], $0xF7A  }
0x23: {  	s9 =	sor.u32 $0xD0000000, s2;
	s6 =	simm.s32 $0x108;
	_ =	swait.ge @!p0 [sflag:s8], $0x0  }
0x24: {  	s3 =	sadd.s32 $0x88, s3;
	s6 =	simm.s32 @!p1 $0x1082;
	[sflag:s4] =	ssyncset.s32 $0xFFFFF086  }
0x25: {  	[simem:s6], [sflag:s4] =	dma.local [hbm:s3], $0xF7A  }
0x26: {  	[smem:$0x3F96] =	sst s1;
	(tag) =	ssettag s2;
	_ =	strace s9  }
0x27: {  	s1 =	sld [smem:$0x3FA6]  }
0x28: {  	s2 =	sld [smem:$0x3FA7]  }
0x29: {  	s4 =	sld [smem:$0x3FA9]  }
0x2a: {  	p0 =	seq.s32 s5, $0x0;
	s5 =	sld [smem:$0x3FAA]  }
0x2b: {  	s6 =	sld [smem:$0x3FAB]  }
0x2c: {  	s7 =	sld [smem:$0x3FAC]  }
0x2d: {  	s3 =	simm.s32 $0x108;
	s8 =	sld [smem:$0x3FAD]  }
0x2e: {  	s3 =	simm.s32 @!p0 $0x1082;
	s9 =	sld [smem:$0x3FAE]  }
0x2f: {  	lr =	sadd.s32 s0, s3;
	s0 =	sld [smem:$0x3FA5]  }
0x30: {  	s3 =	sld [smem:$0x3FA8]  }
0x31: {  	[smem:$0x3FB1] =	sst s10  }
0x32: {  	s10 =	sld [smem:$0x3FAF];
	_ =	sdelay $0x3  }
0x33: {  	p0 =	seq.s32 s10, $0x1;
	s10 =	sld [smem:$0x3FB1];
	_ =	sdelay $0x3  }
0x34: {  	[smem:$0x3FB1] =	sst s10  }
0x35: {  	s10 =	sld [smem:$0x3FB0];
	_ =	sdelay $0x3  }
0x36: {  	p1 =	seq.s32 s10, $0x1;
	s10 =	sld [smem:$0x3FB1];
	_ =	sdelay $0x3  }
0x37: {  	[smem:$0x3FB1] =	sst s10  }
0x38: {  	s10 =	sld [smem:$0x3FB2]  }
0x39: {  	_ = 	snop;
	(pc) =	sbr.ind lr, $3  }
0x3a: {  	_ = 	snop  }
0x3b: {  	_ = 	snop  }
0x3c: {  	p2 =	seq.s32 s10, $0x1;
	s10 =	sld [smem:$0x3FB1]  }
0x3d: {  	_ =	shalt  }
0x3e: {  	_ =	shalt  }
0x3f: {  	_ =	shalt  }
0x40: {  	_ =	shalt  }
0x41: {  	_ =	shalt  }
0x42: {  	_ =	shalt  }
0x43: {  	_ =	shalt  }
0x44: {  	_ =	shalt  }
0x45: {  	_ =	shalt  }
0x46: {  	_ =	shalt  }
0x47: {  	_ =	shalt  }
0x48: {  	_ =	shalt  }
0x49: {  	_ =	shalt  }
0x4a: {  	_ =	shalt  }
0x4b: {  	_ =	shalt  }
0x4c: {  	_ =	shalt  }
0x4d: {  	_ =	shalt  }
0x4e: {  	_ =	shalt  }
0x4f: {  	_ =	shalt  }
0x50: {  	_ =	shalt  }
0x51: {  	_ =	shalt  }
0x52: {  	_ =	shalt  }
0x53: {  	_ =	shalt  }
0x54: {  	_ =	shalt  }
0x55: {  	_ =	shalt  }
0x56: {  	_ =	shalt  }
0x57: {  	_ =	shalt  }
0x58: {  	_ =	shalt  }
0x59: {  	_ =	shalt  }
0x5a: {  	_ =	shalt  }
0x5b: {  	_ =	shalt  }
0x5c: {  	_ =	shalt  }
0x5d: {  	_ =	shalt  }
0x5e: {  	_ =	shalt  }
0x5f: {  	_ =	shalt  }
0x60: {  	_ =	shalt  }
0x61: {  	_ =	shalt  }
0x62: {  	_ =	shalt  }
0x63: {  	_ =	shalt  }
0x64: {  	_ =	shalt  }
0x65: {  	_ =	shalt  }
0x66: {  	_ =	shalt  }
0x67: {  	_ =	shalt  }
0x68: {  	_ =	shalt  }
0x69: {  	_ =	shalt  }
0x6a: {  	_ =	shalt  }
0x6b: {  	_ =	shalt  }
0x6c: {  	_ =	shalt  }
0x6d: {  	_ =	shalt  }
0x6e: {  	_ =	shalt  }
0x6f: {  	_ =	shalt  }
0x70: {  	_ =	shalt  }
0x71: {  	_ =	shalt  }
0x72: {  	_ =	shalt  }
0x73: {  	_ =	shalt  }
0x74: {  	_ =	shalt  }
0x75: {  	_ =	shalt  }
0x76: {  	_ =	shalt  }
0x77: {  	_ =	shalt  }
0x78: {  	_ =	shalt  }
0x79: {  	_ =	shalt  }
0x7a: {  	_ =	shalt  }
0x7b: {  	_ =	shalt  }
0x7c: {  	_ =	shalt  }
0x7d: {  	_ =	shalt  }
0x7e: {  	_ =	shalt  }
0x7f: {  	_ =	shalt  }
0x80: {  	_ =	shalt  }
0x81: {  	_ =	shalt  }
0x82: {  	_ =	shalt  }
0x83: {  	_ =	shalt  }
0x84: {  	_ =	shalt  }
0x85: {  	_ =	shalt  }
0x86: {  	_ =	shalt  }
0x87: {  	_ =	shalt  }
.Lfunc_end0:
.L_simem_size_0:
called_computation.1_lowered:
.L_overlay_start_0:
0x88: {  	s2 =	sld [smem:$0x3FD9]  }
0x89: {  	s3 =	sld [smem:$0x3FFE];
	_ =	sdelay $0x1  }
0x8a: {  	s1 =	srdreg.scid  }
0x8b: {  	s0 =	sand.u32 $0x1, s1  }
0x8c: {  	s16 =	sshll.u32 s0, $0xA;
	s2 =	sadd.s32 s3, s2  }
0x8d: {  	s2 =	sadd.s32 s2, s16  }
0x8e: {  	[smem:$0x3FBD] =	sst s2  }
0x8f: {  	_ = 	snop  }
0x90: {  	(tm) =	ssettm $0x1  }
0x91: {  	s17 =	sld [smem:$0x3FFB];
	_ =	sdelay $0x3  }
0x92: {  	_ =	strace s17  }
0x93: {  	s2 =	sld [smem:$0x3FFC];
	_ =	sdelay $0x3  }
0x94: {  	_ =	strace s2  }
0x95: {  	s2 =	sld [smem:$0x3FFD];
	_ =	sdelay $0x3  }
0x96: {  	_ =	strace s2  }
0x97: {  	_ =	strace $0x8FFFFFFF  }
0x98: {  	s18 =	sld [smem:$0x3FDB];
	_ =	sdelay $0x1  }
0x99: {  	s19 =	simm.s32 $_scs_section_size  }
0x9a: {  	s4 =	simm.s32 $_size__tile_overlayer_lowered;
	s5 =	simm.s32 $_tile_overlayer_lowered  }
0x9b: {  	s22 =	simm.s32 $0x1BFF;
	s21 =	sshll.u32 s5, $0x1;
	s2 =	sadd.s32 s19, s18  }
0x9c: {  	s6 =	simm.s32 $0x0;
	s20 =	sshll.u32 s4, $0x1;
	s4 =	sadd.s32 s21, s2  }
0x9d: {  	[timem:s6], [sflag:s22] =	dma.local [hbm:s4], s20  }
0x9e: {  	_ =	swait.ge [sflag:s22], s20  }
0x9f: {  	s3 =	ssub.s32 $0x0, s20;
	[sflag:s22] =	ssyncset.done $0x0  }
0xa0: {  	[sflag:s22] =	ssyncadd.s32 s3;
	_ =	sdelay $0x1  }
0xa1: {  	s23 =	simm.s32 $0x1B8B  }
0xa2: {  	_ =	swait.ge [sflag:s23], $0x1  }
0xa3: {  	[sflag:s23] =	ssyncset.done $0x0  }
0xa4: {  	s25 =	simm.s32 $0x1B8E;
	s24 =	sld [smem:$0x3FFE];
	[sflag:s23] =	ssyncadd.s32 $0xFFFFFFFF  }
0xa5: {  	s26 =	simm.s32 $execute0_lowered;
	[smem:$0x3FD2] =	sst s25  }
0xa6: {  	s4 =	sshll.u32 s26, $0x1;
	_ =	strace $0x80000049;
	[dreg:$0x1] =	wrdreg $0xFFFFFFFF  }
0xa7: {  	s28 =	simm.s32 $_size_execute0_lowered;
	s2 =	sadd.s32 s2, s4;
	[dreg:$0x0] =	wrdreg $0x0  }
0xa8: {  	s4 =	sshll.u32 s28, $0x1;
	[dreg:$0x2] =	wrdreg s2  }
0xa9: {  	[dreg:$0x3] =	wrdreg s4  }
0xaa: {  	[dreg:$0x4] =	wrdreg $0xC0  }
0xab: {  	_ =	task [dreg:s6], $0x5FFFF  }
0xac: {  	[dreg:$0x1] =	wrdreg $0xFFFFFFFF  }
0xad: {  	[dreg:$0x0] =	wrdreg $0x60  }
0xae: {  	[dreg:$0x2] =	wrdreg s24  }
0xaf: {  	[dreg:$0x3] =	wrdreg $0x0  }
0xb0: {  	[dreg:$0x4] =	wrdreg $0x9  }
0xb1: {  	_ =	task.clear_ibuf [dreg:s6], $0x5FFFF;
	_ =	strace $0x90000049  }
0xb2: {  	s29 =	simm.s32 $0x9;
	_ =	strace $0x8000004B  }
0xb3: {  	_ =	swait.ge [sflag:s29], $0x1  }
0xb4: {  	[sflag:s29] =	ssyncadd.s32 $0xFFFFFFFF  }
0xb5: {  	_ =	strace $0x9000004B  }
0xb6: {  	_ =	sfence  }
0xb7: {  	s30 =	sld [smem:$0x0];
	_ =	sdelay $0x2  }
0xb8: {  	s31 =	sshll.u32 s1, $0xD;
	s1 =	sshrl.u32 s1, $0x2  }
0xb9: {  	s3 =	sand.u32 $0x4000, s31;
	s1 =	sadd.s32 s1, s30  }
0xba: {  	s0 =	sor.u32 s3, s0;
	s1 =	sshll.u32 s1, $0x11  }
0xbb: {  	s0 =	sor.u32 s1, s0  }
0xbc: {  	s0 =	sadd.s32 $0x8F2B, s0  }
0xbd: {  	[sflag:s0] =	ssyncadd.remote.s32 $0x1  }
0xbe: {  	_ =	sfence.sel $0xFFFF  }
0xbf: {  	[dreg:$0x0] =	wrdreg $0xFFFFFFFF;
	(pc) =	sbr.abs _section_cstart, $3  }
0xc0: {  	[dreg:$0x1] =	wrdreg $0xFFFFFFFF  }
0xc1: {  	_ =	task.clear_ibuf [dreg:s6], $0x2FFFF;
	_ =	strace $0x9FFFFFFF  }
0xc2: {  	(tm) =	ssettm $0x7FFFFFFF  }
0xc3: {  	_ =	shalt  }
tec
execute0_lowered:
.L_overlay_start_1:
0x0: {  	(tag) =	ssettag $0x1  }
0x1: {  	s0 =	rddreg [dreg:$0x0]  }
0x2: {  	s1 =	rddreg [dreg:$0x1]  }
0x3: {  	s2 =	srdreg.scid;
	s4 =	simm.s32 $0x0;
	s10 =	stileid.u32  }
0x4: {  	s17 =	simm.s32 $0x7D;
	s20 =	simm.s32 $0x7EE0;
	s29 =	simm.s32 $0x9E20  }
0x5: {  	s31 =	simm.s32 $0xA5F0;
	s16 =	simm.s32 $0xADC0;
	s19 =	simm.s32 $0x2  }
0x6: {  	s28 =	simm.s32 $0x3;
	s30 =	simm.s32 $0x5;
	s13 =	simm.s32 $0x7  }
0x7: {  	s15 =	simm.s32 $0xE;
	s11 =	simm.s32 $0xF;
	s12 =	simm.s32 $0x10  }
0x8: {  	s2 =	sand.u32 $0x1, s2;
	[smem:$0x7FF] =	sst s4;
	s21 =	smul.u32 $0x9C00, s10  }
0x9: {  	s4 =	sadd.s32 $0x17400, s0;
	s5 =	sadd.s32 $0x1C400, s0;
	s9 =	smul.u32 $0x4E0, s10  }
0xa: {  	s25 =	sadd.s32 $0x24900, s1;
	p0 =	seq.s32 s10, $0xF;
	s3 =	sshll.u32 s2, $0x4  }
0xb: {  	_ =	strace $0x8000004A;
	[dreg:$0x3] =	wrdreg s5;
	s7 =	smul.u32 $0x4E20, s2  }
0xc: {  	s6 =	ssub.s32 $0x2, s2;
	s2 =	smul.u32 $0x27100, s2;
	[dreg:$0x7] =	wrdreg s25  }
0xd: {  	s25 =	simm.s32 $0x4;
	s5 =	simm.s32 $0xC;
	s3 =	sor.u32 s10, s3  }
0xe: {  	s8 =	sshrl.u32 s6, $0x1;
	s23 =	sshrl.u32 s21, $0x2;
	s21 =	simm.s32 $0xB  }
0xf: {  	s10 =	simm.s32 $0x8;
	s3 =	smul.u32 $0x2800, s3;
	s6 =	ssub.s32 s6, s8  }
0x10: {  	s14 =	sadd.s32 s23, s1;
	s24 =	sadd.s32 s9, s7;
	s2 =	sshrl.u32 s2, $0x3  }
0x11: {  	s23 =	simm.s32 $0x9;
	s7 =	simm.s32 $0xD;
	s3 =	sshrl.u32 s3, $0x3  }
0x12: {  	s26 =	smax.u32 s6, $0x1;
	[dreg:$0x6] =	wrdreg s14;
	s3 =	sadd.s32 s3, s0  }
0x13: {  	s9 =	simm.s32 $0x0;
	[dreg:$0xa] =	wrdreg s26;
	s22 =	sadd.s32 $0x3400, s3  }
0x14: {  	s6 =	simm.s32 $0x6;
	s3 =	sadd.s32 $0xD400, s3;
	[dreg:$0x4] =	wrdreg s22  }
0x15: {  	s26 =	simm.s32 $0x9650;
	s0 =	sadd.s32 $0x1CC00, s0;
	[dreg:$0x5] =	wrdreg s3  }
0x16: {  	s3 =	sadd.s32 s0, s24;
	s0 =	sadd.s32 s0, s2;
	s22 =	simm.s32 $0x86B0  }
0x17: {  	s24 =	simm.s32 $0x8E80;
	[dreg:$0x8] =	wrdreg s3;
	s0 =	sadd.s32 $0x4920, s0  }
0x18: {  	s2 =	simm.s32 $0xA;
	[dreg:$0x9] =	wrdreg s0;
	s0 =	simm.s32 $0x1  }
.LBB2_1:
0x19: {  	s3 =	simm.s32 $0x0;
	s8 =	rddreg [dreg:$0x4];
	s18 =	simm.s32 $0x2710  }
0x1a: {  	[tilespmem:s18], [sflag:$0x11] =	stream.linear.gather [hbm4b:s8+s3], $0x2800, $0x38;
	[tilespmem:$0xDD90] =	vst v63  }
0x1b: {  	[dreg:$0xb] =	wrdreg s9;
	s18 =	simm.s32 $0x11  }
0x1c: {  	_ =	swait.ge [sflag:s18], $0x2800  }
0x1d: {  	[sflag:s18] =	ssyncset.done $0x0  }
0x1e: {  	s9 =	simm.s32 $0x4F10;
	s8 =	rddreg [dreg:$0x5];
	[sflag:s18] =	ssyncadd.s32 $0xFFFFD800  }
0x1f: {  	[tilespmem:s9], [sflag:$0x11] =	stream.linear.gather [hbm4b:s8+s3], $0x2800, $0x38;
	[tilespmem:$0xDD90] =	vst v63  }
0x20: {  	_ =	swait.ge [sflag:s18], $0x2800  }
0x21: {  	[sflag:s18] =	ssyncset.done $0x0  }
0x22: {  	s9 =	simm.s32 $0xB590;
	s8 =	rddreg [dreg:$0x3];
	[sflag:s18] =	ssyncadd.s32 $0xFFFFD800  }
0x23: {  	[tilespmem:s9], [sflag:$0x11] =	stream.linear.gather [hbm4b:s8+s3], $0x2800, $0x38;
	[tilespmem:$0xDD90] =	vst v63  }
0x24: {  	_ =	swait.ge [sflag:s18], $0x2800  }
0x25: {  	[sflag:s18] =	ssyncset.done $0x0  }
0x26: {  	s3 =	simm.s32 @p0 $0xB590;
	s8 =	rddreg [dreg:$0x7];
	[sflag:s18] =	ssyncadd.s32 $0xFFFFD800  }
0x27: {  	[spmem:s8] =	stream.linear.scatter @p0 [tilespmem:s3], [sflag:$0x11], $0x2800, $0x38;
	[tilespmem:$0xDD90] =	vst v63  }
0x28: {  	s3 =	simm.s32 @p0 $0x11  }
0x29: {  	_ =	swait.ge @p0 [sflag:s3], $0x2800  }
0x2a: {  	[sflag:s3] =	ssyncset.done @p0 $0x0  }
0x2b: {  	[sflag:s3] =	ssyncadd.s32 @p0 $0xFFFFD800;
	s3 =	simm.s32 @!p0 $0xB590  }
0x2c: {  	[spmem:s14] =	stream.linear.scatter @!p0 [tilespmem:s3], [sflag:$0x11], $0x2700, $0x38;
	[tilespmem:$0xDD90] =	vst v63  }
0x2d: {  	s3 =	simm.s32 @!p0 $0x11  }
0x2e: {  	_ =	swait.ge @!p0 [sflag:s3], $0x2700  }
0x2f: {  	[sflag:s3] =	ssyncset.done @!p0 $0x0  }
0x30: {  	[sflag:s3] =	ssyncadd.s32 @!p0 $0xFFFFD900  }
0x31: {  	s8 =	simm.s32 $0x7710;
	s14 =	simm.s32 $0x2710;
	[bflag:$0x0] =	sbarrier.arrive $0xFFFF  }
0x32: {  	[tilespmem:s8], [sflag:$0x1] =	stream.indirect.gather [hbm4b:s4+s17], $0x10, s14, s17, $0xb8;
	[tilespmem:$0xDD90] =	vst v63  }
0x33: {  	s18 =	simm.s32 $0x2790  }
0x34: {  	[tilespmem:s20], [sflag:$0x2] =	stream.indirect.gather [hbm4b:s4+s17], $0x10, s18, s17, $0xb8;
	[tilespmem:$0xDD90] =	vst v63  }
0x35: {  	s9 =	simm.s32 $0x2810  }
0x36: {  	[tilespmem:s22], [sflag:$0x3] =	stream.indirect.gather [hbm4b:s4+s17], $0x10, s9, s17, $0xb8;
	[tilespmem:$0xDD90] =	vst v63  }
0x37: {  	s14 =	simm.s32 $0x2890  }
0x38: {  	[tilespmem:s24], [sflag:$0x4] =	stream.indirect.gather [hbm4b:s4+s17], $0x10, s14, s17, $0xb8;
	[tilespmem:$0xDD90] =	vst v63  }
0x39: {  	s18 =	simm.s32 $0x2910  }
0x3a: {  	[tilespmem:s26], [sflag:$0x5] =	stream.indirect.gather [hbm4b:s4+s17], $0x10, s18, s17, $0xb8;
	[tilespmem:$0xDD90] =	vst v63  }
0x3b: {  	s9 =	simm.s32 $0x2990  }
0x3c: {  	[tilespmem:s29], [sflag:$0x6] =	stream.indirect.gather [hbm4b:s4+s17], $0x10, s9, s17, $0xb8;
	[tilespmem:$0xDD90] =	vst v63  }
0x3d: {  	s14 =	simm.s32 $0x2A10  }
0x3e: {  	[tilespmem:s31], [sflag:$0x7] =	stream.indirect.gather [hbm4b:s4+s17], $0x10, s14, s17, $0xb8;
	[tilespmem:$0xDD90] =	vst v63  }
0x3f: {  	_ =	swait.ge [sflag:s0], $0x7D0  }
0x40: {  	[sflag:s0] =	ssyncset.done $0x0  }
0x41: {  	s18 =	simm.s32 $0x4F10;
	[sflag:s0] =	ssyncadd.s32 $0xFFFFF830  }
0x42: {  	[spmem:s1] =	stream.indirect.scatter.add.f32 [tilespmem:s8], [sflag:$0x9], $0x10, s18, s17, $0xb8;
	[tilespmem:$0xDD90] =	vst v63  }
0x43: {  	s9 =	simm.s32 $0x2A90  }
0x44: {  	[tilespmem:s16], [sflag:$0x8] =	stream.indirect.gather [hbm4b:s4+s17], $0x10, s9, s17, $0xb8;
	[tilespmem:$0xDD90] =	vst v63  }
0x45: {  	_ =	swait.ge [sflag:s19], $0x7D0  }
0x46: {  	[sflag:s19] =	ssyncset.done $0x0  }
0x47: {  	s14 =	simm.s32 $0x4F90;
	[sflag:s19] =	ssyncadd.s32 $0xFFFFF830  }
0x48: {  	[spmem:s1] =	stream.indirect.scatter.add.f32 [tilespmem:s20], [sflag:$0xA], $0x10, s14, s17, $0xb8;
	[tilespmem:$0xDD90] =	vst v63  }
0x49: {  	_ =	swait.ge [sflag:s23], $0x7D0  }
0x4a: {  	[sflag:s23] =	ssyncset.done $0x0  }
0x4b: {  	s18 =	simm.s32 $0x2B10;
	[sflag:s23] =	ssyncadd.s32 $0xFFFFF830  }
0x4c: {  	[tilespmem:s8], [sflag:$0x1] =	stream.indirect.gather [hbm4b:s4+s17], $0x10, s18, s17, $0xb8;
	[tilespmem:$0xDD90] =	vst v63  }
0x4d: {  	_ =	swait.ge [sflag:s28], $0x7D0  }
0x4e: {  	[sflag:s28] =	ssyncset.done $0x0  }
0x4f: {  	s9 =	simm.s32 $0x5010;
	[sflag:s28] =	ssyncadd.s32 $0xFFFFF830  }
0x50: {  	[spmem:s1] =	stream.indirect.scatter.add.f32 [tilespmem:s22], [sflag:$0xB], $0x10, s9, s17, $0xb8;
	[tilespmem:$0xDD90] =	vst v63  }
0x51: {  	_ =	swait.ge [sflag:s2], $0x7D0  }
0x52: {  	[sflag:s2] =	ssyncset.done $0x0  }
0x53: {  	s14 =	simm.s32 $0x2B90;
	[sflag:s2] =	ssyncadd.s32 $0xFFFFF830  }
0x54: {  	[tilespmem:s20], [sflag:$0x2] =	stream.indirect.gather [hbm4b:s4+s17], $0x10, s14, s17, $0xb8;
	[tilespmem:$0xDD90] =	vst v63  }
0x55: {  	_ =	swait.ge [sflag:s25], $0x7D0  }
0x56: {  	[sflag:s25] =	ssyncset.done $0x0  }
0x57: {  	s18 =	simm.s32 $0x5090;
	[sflag:s25] =	ssyncadd.s32 $0xFFFFF830  }
0x58: {  	[spmem:s1] =	stream.indirect.scatter.add.f32 [tilespmem:s24], [sflag:$0xC], $0x10, s18, s17, $0xb8;
	[tilespmem:$0xDD90] =	vst v63  }
0x59: {  	_ =	swait.ge [sflag:s21], $0x7D0  }
0x5a: {  	[sflag:s21] =	ssyncset.done $0x0  }
0x5b: {  	s9 =	simm.s32 $0x2C10;
	[sflag:s21] =	ssyncadd.s32 $0xFFFFF830  }
0x5c: {  	[tilespmem:s22], [sflag:$0x3] =	stream.indirect.gather [hbm4b:s4+s17], $0x10, s9, s17, $0xb8;
	[tilespmem:$0xDD90] =	vst v63  }
0x5d: {  	_ =	swait.ge [sflag:s30], $0x7D0  }
0x5e: {  	[sflag:s30] =	ssyncset.done $0x0  }
0x5f: {  	s14 =	simm.s32 $0x5110;
	[sflag:s30] =	ssyncadd.s32 $0xFFFFF830  }
0x60: {  	[spmem:s1] =	stream.indirect.scatter.add.f32 [tilespmem:s26], [sflag:$0xD], $0x10, s14, s17, $0xb8;
	[tilespmem:$0xDD90] =	vst v63  }
0x61: {  	_ =	swait.ge [sflag:s5], $0x7D0  }
0x62: {  	[sflag:s5] =	ssyncset.done $0x0  }
0x63: {  	s18 =	simm.s32 $0x2C90;
	[sflag:s5] =	ssyncadd.s32 $0xFFFFF830  }
0x64: {  	[tilespmem:s24], [sflag:$0x4] =	stream.indirect.gather [hbm4b:s4+s17], $0x10, s18, s17, $0xb8;
	[tilespmem:$0xDD90] =	vst v63  }
0x65: {  	_ =	swait.ge [sflag:s6], $0x7D0  }
0x66: {  	[sflag:s6] =	ssyncset.done $0x0  }
0x67: {  	s9 =	simm.s32 $0x5190;
	[sflag:s6] =	ssyncadd.s32 $0xFFFFF830  }
0x68: {  	[spmem:s1] =	stream.indirect.scatter.add.f32 [tilespmem:s29], [sflag:$0xE], $0x10, s9, s17, $0xb8;
	[tilespmem:$0xDD90] =	vst v63  }
0x69: {  	_ =	swait.ge [sflag:s7], $0x7D0  }
0x6a: {  	[sflag:s7] =	ssyncset.done $0x0  }
0x6b: {  	s14 =	simm.s32 $0x2D10;
	[sflag:s7] =	ssyncadd.s32 $0xFFFFF830  }
0x6c: {  	[tilespmem:s26], [sflag:$0x5] =	stream.indirect.gather [hbm4b:s4+s17], $0x10, s14, s17, $0xb8;
	[tilespmem:$0xDD90] =	vst v63  }
0x6d: {  	_ =	swait.ge [sflag:s13], $0x7D0  }
0x6e: {  	[sflag:s13] =	ssyncset.done $0x0  }
0x6f: {  	s18 =	simm.s32 $0x5210;
	[sflag:s13] =	ssyncadd.s32 $0xFFFFF830  }
0x70: {  	[spmem:s1] =	stream.indirect.scatter.add.f32 [tilespmem:s31], [sflag:$0xF], $0x10, s18, s17, $0xb8;
	[tilespmem:$0xDD90] =	vst v63  }
0x71: {  	_ =	swait.ge [sflag:s15], $0x7D0  }
0x72: {  	[sflag:s15] =	ssyncset.done $0x0  }
0x73: {  	s9 =	simm.s32 $0x2D90;
	[sflag:s15] =	ssyncadd.s32 $0xFFFFF830  }
0x74: {  	[tilespmem:s29], [sflag:$0x6] =	stream.indirect.gather [hbm4b:s4+s17], $0x10, s9, s17, $0xb8;
	[tilespmem:$0xDD90] =	vst v63  }
0x75: {  	_ =	swait.ge [sflag:s10], $0x7D0  }
0x76: {  	[sflag:s10] =	ssyncset.done $0x0  }
0x77: {  	s14 =	simm.s32 $0x5290;
	[sflag:s10] =	ssyncadd.s32 $0xFFFFF830  }
0x78: {  	[spmem:s1] =	stream.indirect.scatter.add.f32 [tilespmem:s16], [sflag:$0x10], $0x10, s14, s17, $0xb8;
	[tilespmem:$0xDD90] =	vst v63  }
0x79: {  	_ =	swait.ge [sflag:s11], $0x7D0  }
0x7a: {  	[sflag:s11] =	ssyncset.done $0x0  }
0x7b: {  	s18 =	simm.s32 $0x2E10;
	[sflag:s11] =	ssyncadd.s32 $0xFFFFF830  }
0x7c: {  	[tilespmem:s31], [sflag:$0x7] =	stream.indirect.gather [hbm4b:s4+s17], $0x10, s18, s17, $0xb8;
	[tilespmem:$0xDD90] =	vst v63  }
0x7d: {  	_ =	swait.ge [sflag:s0], $0x7D0  }
0x7e: {  	[sflag:s0] =	ssyncset.done $0x0  }
0x7f: {  	s9 =	simm.s32 $0x5310;
	[sflag:s0] =	ssyncadd.s32 $0xFFFFF830  }
0x80: {  	[spmem:s1] =	stream.indirect.scatter.add.f32 [tilespmem:s8], [sflag:$0x9], $0x10, s9, s17, $0xb8;
	[tilespmem:$0xDD90] =	vst v63  }
0x81: {  	_ =	swait.ge [sflag:s12], $0x7D0  }
0x82: {  	[sflag:s12] =	ssyncset.done $0x0  }
0x83: {  	s14 =	simm.s32 $0x2E90;
	[sflag:s12] =	ssyncadd.s32 $0xFFFFF830  }
0x84: {  	[tilespmem:s16], [sflag:$0x8] =	stream.indirect.gather [hbm4b:s4+s17], $0x10, s14, s17, $0xb8;
	[tilespmem:$0xDD90] =	vst v63  }
0x85: {  	_ =	swait.ge [sflag:s19], $0x7D0  }
0x86: {  	[sflag:s19] =	ssyncset.done $0x0  }
0x87: {  	s18 =	simm.s32 $0x5390;
	[sflag:s19] =	ssyncadd.s32 $0xFFFFF830  }
0x88: {  	[spmem:s1] =	stream.indirect.scatter.add.f32 [tilespmem:s20], [sflag:$0xA], $0x10, s18, s17, $0xb8;
	[tilespmem:$0xDD90] =	vst v63  }
0x89: {  	_ =	swait.ge [sflag:s23], $0x7D0  }
0x8a: {  	[sflag:s23] =	ssyncset.done $0x0  }
0x8b: {  	s9 =	simm.s32 $0x2F10;
	[sflag:s23] =	ssyncadd.s32 $0xFFFFF830  }
0x8c: {  	[tilespmem:s8], [sflag:$0x1] =	stream.indirect.gather [hbm4b:s4+s17], $0x10, s9, s17, $0xb8;
	[tilespmem:$0xDD90] =	vst v63  }
0x8d: {  	_ =	swait.ge [sflag:s28], $0x7D0  }
0x8e: {  	[sflag:s28] =	ssyncset.done $0x0  }
0x8f: {  	s14 =	simm.s32 $0x5410;
	[sflag:s28] =	ssyncadd.s32 $0xFFFFF830  }
0x90: {  	[spmem:s1] =	stream.indirect.scatter.add.f32 [tilespmem:s22], [sflag:$0xB], $0x10, s14, s17, $0xb8;
	[tilespmem:$0xDD90] =	vst v63  }
0x91: {  	_ =	swait.ge [sflag:s2], $0x7D0  }
0x92: {  	[sflag:s2] =	ssyncset.done $0x0  }
0x93: {  	s18 =	simm.s32 $0x2F90;
	[sflag:s2] =	ssyncadd.s32 $0xFFFFF830  }
0x94: {  	[tilespmem:s20], [sflag:$0x2] =	stream.indirect.gather [hbm4b:s4+s17], $0x10, s18, s17, $0xb8;
	[tilespmem:$0xDD90] =	vst v63  }
0x95: {  	_ =	swait.ge [sflag:s25], $0x7D0  }
0x96: {  	[sflag:s25] =	ssyncset.done $0x0  }
0x97: {  	s9 =	simm.s32 $0x5490;
	[sflag:s25] =	ssyncadd.s32 $0xFFFFF830  }
0x98: {  	[spmem:s1] =	stream.indirect.scatter.add.f32 [tilespmem:s24], [sflag:$0xC], $0x10, s9, s17, $0xb8;
	[tilespmem:$0xDD90] =	vst v63  }
0x99: {  	_ =	swait.ge [sflag:s21], $0x7D0  }
0x9a: {  	[sflag:s21] =	ssyncset.done $0x0  }
0x9b: {  	s14 =	simm.s32 $0x3010;
	[sflag:s21] =	ssyncadd.s32 $0xFFFFF830  }
0x9c: {  	[tilespmem:s22], [sflag:$0x3] =	stream.indirect.gather [hbm4b:s4+s17], $0x10, s14, s17, $0xb8;
	[tilespmem:$0xDD90] =	vst v63  }
0x9d: {  	_ =	swait.ge [sflag:s30], $0x7D0  }
0x9e: {  	[sflag:s30] =	ssyncset.done $0x0  }
0x9f: {  	s18 =	simm.s32 $0x5510;
	[sflag:s30] =	ssyncadd.s32 $0xFFFFF830  }
0xa0: {  	[spmem:s1] =	stream.indirect.scatter.add.f32 [tilespmem:s26], [sflag:$0xD], $0x10, s18, s17, $0xb8;
	[tilespmem:$0xDD90] =	vst v63  }
0xa1: {  	_ =	swait.ge [sflag:s5], $0x7D0  }
0xa2: {  	[sflag:s5] =	ssyncset.done $0x0  }
0xa3: {  	s9 =	simm.s32 $0x3090;
	[sflag:s5] =	ssyncadd.s32 $0xFFFFF830  }
0xa4: {  	[tilespmem:s24], [sflag:$0x4] =	stream.indirect.gather [hbm4b:s4+s17], $0x10, s9, s17, $0xb8;
	[tilespmem:$0xDD90] =	vst v63  }
0xa5: {  	_ =	swait.ge [sflag:s6], $0x7D0  }
0xa6: {  	[sflag:s6] =	ssyncset.done $0x0  }
0xa7: {  	s14 =	simm.s32 $0x5590;
	[sflag:s6] =	ssyncadd.s32 $0xFFFFF830  }
0xa8: {  	[spmem:s1] =	stream.indirect.scatter.add.f32 [tilespmem:s29], [sflag:$0xE], $0x10, s14, s17, $0xb8;
	[tilespmem:$0xDD90] =	vst v63  }
0xa9: {  	_ =	swait.ge [sflag:s7], $0x7D0  }
0xaa: {  	[sflag:s7] =	ssyncset.done $0x0  }
0xab: {  	s18 =	simm.s32 $0x3110;
	[sflag:s7] =	ssyncadd.s32 $0xFFFFF830  }
0xac: {  	[tilespmem:s26], [sflag:$0x5] =	stream.indirect.gather [hbm4b:s4+s17], $0x10, s18, s17, $0xb8;
	[tilespmem:$0xDD90] =	vst v63  }
0xad: {  	_ =	swait.ge [sflag:s13], $0x7D0  }
0xae: {  	[sflag:s13] =	ssyncset.done $0x0  }
0xaf: {  	s9 =	simm.s32 $0x5610;
	[sflag:s13] =	ssyncadd.s32 $0xFFFFF830  }
0xb0: {  	[spmem:s1] =	stream.indirect.scatter.add.f32 [tilespmem:s31], [sflag:$0xF], $0x10, s9, s17, $0xb8;
	[tilespmem:$0xDD90] =	vst v63  }
0xb1: {  	_ =	swait.ge [sflag:s15], $0x7D0  }
0xb2: {  	[sflag:s15] =	ssyncset.done $0x0  }
0xb3: {  	s14 =	simm.s32 $0x3190;
	[sflag:s15] =	ssyncadd.s32 $0xFFFFF830  }
0xb4: {  	[tilespmem:s29], [sflag:$0x6] =	stream.indirect.gather [hbm4b:s4+s17], $0x10, s14, s17, $0xb8;
	[tilespmem:$0xDD90] =	vst v63  }
0xb5: {  	_ =	swait.ge [sflag:s10], $0x7D0  }
0xb6: {  	[sflag:s10] =	ssyncset.done $0x0  }
0xb7: {  	s18 =	simm.s32 $0x5690;
	[sflag:s10] =	ssyncadd.s32 $0xFFFFF830  }
0xb8: {  	[spmem:s1] =	stream.indirect.scatter.add.f32 [tilespmem:s16], [sflag:$0x10], $0x10, s18, s17, $0xb8;
	[tilespmem:$0xDD90] =	vst v63  }
0xb9: {  	_ =	swait.ge [sflag:s11], $0x7D0  }
0xba: {  	[sflag:s11] =	ssyncset.done $0x0  }
0xbb: {  	s9 =	simm.s32 $0x3210;
	[sflag:s11] =	ssyncadd.s32 $0xFFFFF830  }
0xbc: {  	[tilespmem:s31], [sflag:$0x7] =	stream.indirect.gather [hbm4b:s4+s17], $0x10, s9, s17, $0xb8;
	[tilespmem:$0xDD90] =	vst v63  }
0xbd: {  	_ =	swait.ge [sflag:s0], $0x7D0  }
0xbe: {  	[sflag:s0] =	ssyncset.done $0x0  }
0xbf: {  	s14 =	simm.s32 $0x5710;
	[sflag:s0] =	ssyncadd.s32 $0xFFFFF830  }
0xc0: {  	[spmem:s1] =	stream.indirect.scatter.add.f32 [tilespmem:s8], [sflag:$0x9], $0x10, s14, s17, $0xb8;
	[tilespmem:$0xDD90] =	vst v63  }
0xc1: {  	_ =	swait.ge [sflag:s12], $0x7D0  }
0xc2: {  	[sflag:s12] =	ssyncset.done $0x0  }
0xc3: {  	s18 =	simm.s32 $0x3290;
	[sflag:s12] =	ssyncadd.s32 $0xFFFFF830  }
0xc4: {  	[tilespmem:s16], [sflag:$0x8] =	stream.indirect.gather [hbm4b:s4+s17], $0x10, s18, s17, $0xb8;
	[tilespmem:$0xDD90] =	vst v63  }
0xc5: {  	_ =	swait.ge [sflag:s19], $0x7D0  }
0xc6: {  	s9 =	simm.s32 $0x2000;
	s8 =	simm.s32 $0x400;
	[sflag:s19] =	ssyncset.done $0x0  }
.LBB2_2:
0xc7: {  	s18 =	sadd.s32 $0x5390, s8  }
0xc8: {  	[sflag:s19] =	ssyncadd.s32 $0xFFFFF830;
	s14 =	smov.u32 s9;
	s3 =	sadd.s32 $0x1000, s9  }
0xc9: {  	[spmem:s1] =	stream.indirect.scatter.add.f32 [tilespmem:s20], [sflag:$0xA], $0x10, s18, s17, $0xb8;
	[tilespmem:$0xDD90] =	vst v63  }
0xca: {  	p1 =	sne.s32 s9, $0x7000;
	_ =	swait.ge [sflag:s23], $0x7D0  }
0xcb: {  	[sflag:s23] =	ssyncset.done $0x0  }
0xcc: {  	s9 =	sadd.s32 $0x2F10, s8;
	s18 =	simm.s32 $0x7710;
	[sflag:s23] =	ssyncadd.s32 $0xFFFFF830  }
0xcd: {  	[tilespmem:s18], [sflag:$0x1] =	stream.indirect.gather [hbm4b:s4+s17], $0x10, s9, s17, $0xb8;
	[tilespmem:$0xDD90] =	vst v63  }
0xce: {  	_ =	swait.ge [sflag:s28], $0x7D0  }
0xcf: {  	[sflag:s28] =	ssyncset.done $0x0  }
0xd0: {  	s9 =	sadd.s32 $0x5410, s8;
	[sflag:s28] =	ssyncadd.s32 $0xFFFFF830  }
0xd1: {  	[spmem:s1] =	stream.indirect.scatter.add.f32 [tilespmem:s22], [sflag:$0xB], $0x10, s9, s17, $0xb8;
	[tilespmem:$0xDD90] =	vst v63  }
0xd2: {  	_ =	swait.ge [sflag:s2], $0x7D0  }
0xd3: {  	[sflag:s2] =	ssyncset.done $0x0  }
0xd4: {  	s9 =	sadd.s32 $0x2F90, s8;
	[sflag:s2] =	ssyncadd.s32 $0xFFFFF830  }
0xd5: {  	[tilespmem:s20], [sflag:$0x2] =	stream.indirect.gather [hbm4b:s4+s17], $0x10, s9, s17, $0xb8;
	[tilespmem:$0xDD90] =	vst v63  }
0xd6: {  	_ =	swait.ge [sflag:s25], $0x7D0  }
0xd7: {  	[sflag:s25] =	ssyncset.done $0x0  }
0xd8: {  	s9 =	sadd.s32 $0x5490, s8;
	[sflag:s25] =	ssyncadd.s32 $0xFFFFF830  }
0xd9: {  	[spmem:s1] =	stream.indirect.scatter.add.f32 [tilespmem:s24], [sflag:$0xC], $0x10, s9, s17, $0xb8;
	[tilespmem:$0xDD90] =	vst v63  }
0xda: {  	_ =	swait.ge [sflag:s21], $0x7D0  }
0xdb: {  	[sflag:s21] =	ssyncset.done $0x0  }
0xdc: {  	s9 =	sadd.s32 $0x3010, s8;
	[sflag:s21] =	ssyncadd.s32 $0xFFFFF830  }
0xdd: {  	[tilespmem:s22], [sflag:$0x3] =	stream.indirect.gather [hbm4b:s4+s17], $0x10, s9, s17, $0xb8;
	[tilespmem:$0xDD90] =	vst v63  }
0xde: {  	_ =	swait.ge [sflag:s30], $0x7D0  }
0xdf: {  	[sflag:s30] =	ssyncset.done $0x0  }
0xe0: {  	s9 =	sadd.s32 $0x5510, s8;
	[sflag:s30] =	ssyncadd.s32 $0xFFFFF830  }
0xe1: {  	[spmem:s1] =	stream.indirect.scatter.add.f32 [tilespmem:s26], [sflag:$0xD], $0x10, s9, s17, $0xb8;
	[tilespmem:$0xDD90] =	vst v63  }
0xe2: {  	_ =	swait.ge [sflag:s5], $0x7D0  }
0xe3: {  	[sflag:s5] =	ssyncset.done $0x0  }
0xe4: {  	s9 =	sadd.s32 $0x3090, s8;
	[sflag:s5] =	ssyncadd.s32 $0xFFFFF830  }
0xe5: {  	[tilespmem:s24], [sflag:$0x4] =	stream.indirect.gather [hbm4b:s4+s17], $0x10, s9, s17, $0xb8;
	[tilespmem:$0xDD90] =	vst v63  }
0xe6: {  	_ =	swait.ge [sflag:s6], $0x7D0  }
0xe7: {  	[sflag:s6] =	ssyncset.done $0x0  }
0xe8: {  	s9 =	sadd.s32 $0x5590, s8;
	[sflag:s6] =	ssyncadd.s32 $0xFFFFF830  }
0xe9: {  	[spmem:s1] =	stream.indirect.scatter.add.f32 [tilespmem:s29], [sflag:$0xE], $0x10, s9, s17, $0xb8;
	[tilespmem:$0xDD90] =	vst v63  }
0xea: {  	_ =	swait.ge [sflag:s7], $0x7D0  }
0xeb: {  	[sflag:s7] =	ssyncset.done $0x0  }
0xec: {  	s9 =	sadd.s32 $0x3110, s8;
	[sflag:s7] =	ssyncadd.s32 $0xFFFFF830  }
0xed: {  	[tilespmem:s26], [sflag:$0x5] =	stream.indirect.gather [hbm4b:s4+s17], $0x10, s9, s17, $0xb8;
	[tilespmem:$0xDD90] =	vst v63  }
0xee: {  	_ =	swait.ge [sflag:s13], $0x7D0  }
0xef: {  	[sflag:s13] =	ssyncset.done $0x0  }
0xf0: {  	s9 =	sadd.s32 $0x5610, s8;
	[sflag:s13] =	ssyncadd.s32 $0xFFFFF830  }
0xf1: {  	[spmem:s1] =	stream.indirect.scatter.add.f32 [tilespmem:s31], [sflag:$0xF], $0x10, s9, s17, $0xb8;
	[tilespmem:$0xDD90] =	vst v63  }
0xf2: {  	_ =	swait.ge [sflag:s15], $0x7D0  }
0xf3: {  	[sflag:s15] =	ssyncset.done $0x0  }
0xf4: {  	s9 =	sadd.s32 $0x3190, s8;
	[sflag:s15] =	ssyncadd.s32 $0xFFFFF830  }
0xf5: {  	[tilespmem:s29], [sflag:$0x6] =	stream.indirect.gather [hbm4b:s4+s17], $0x10, s9, s17, $0xb8;
	[tilespmem:$0xDD90] =	vst v63  }
0xf6: {  	_ =	swait.ge [sflag:s10], $0x7D0  }
0xf7: {  	[sflag:s10] =	ssyncset.done $0x0  }
0xf8: {  	s9 =	sadd.s32 $0x5690, s8;
	[sflag:s10] =	ssyncadd.s32 $0xFFFFF830  }
0xf9: {  	[spmem:s1] =	stream.indirect.scatter.add.f32 [tilespmem:s16], [sflag:$0x10], $0x10, s9, s17, $0xb8;
	[tilespmem:$0xDD90] =	vst v63  }
0xfa: {  	_ =	swait.ge [sflag:s11], $0x7D0  }
0xfb: {  	[sflag:s11] =	ssyncset.done $0x0  }
0xfc: {  	s9 =	sadd.s32 $0x3210, s8;
	[sflag:s11] =	ssyncadd.s32 $0xFFFFF830  }
0xfd: {  	[tilespmem:s31], [sflag:$0x7] =	stream.indirect.gather [hbm4b:s4+s17], $0x10, s9, s17, $0xb8;
	[tilespmem:$0xDD90] =	vst v63  }
0xfe: {  	_ =	swait.ge [sflag:s0], $0x7D0  }
0xff: {  	[sflag:s0] =	ssyncset.done $0x0  }
0x100: {  	s9 =	sadd.s32 $0x5710, s8;
	[sflag:s0] =	ssyncadd.s32 $0xFFFFF830  }
0x101: {  	[spmem:s1] =	stream.indirect.scatter.add.f32 [tilespmem:s18], [sflag:$0x9], $0x10, s9, s17, $0xb8;
	[tilespmem:$0xDD90] =	vst v63  }
0x102: {  	_ =	swait.ge [sflag:s12], $0x7D0  }
.Ltmp0:
0x103: {  	[sflag:s12] =	ssyncset.done $0x0;
	(pc) =	sbr.rel @p1 .LBB2_2-.Ltmp0, $4  }
0x104: {  	s8 =	sadd.s32 $0x3290, s8;
	[sflag:s12] =	ssyncadd.s32 $0xFFFFF830  }
0x105: {  	[tilespmem:s16], [sflag:$0x8] =	stream.indirect.gather [hbm4b:s4+s17], $0x10, s8, s17, $0xb8;
	[tilespmem:$0xDD90] =	vst v63  }
0x106: {  	_ =	swait.ge [sflag:s19], $0x7D0  }
0x107: {  	s9 =	smov.u32 s3;
	s8 =	sshra.s32 s14, $0x2;
	[sflag:s19] =	ssyncset.done $0x0  }
0x108: {  	s3 =	sadd.s32 $0x5390, s8;
	[sflag:s19] =	ssyncadd.s32 $0xFFFFF830  }
0x109: {  	[spmem:s1] =	stream.indirect.scatter.add.f32 [tilespmem:s20], [sflag:$0xA], $0x10, s3, s17, $0xb8;
	[tilespmem:$0xDD90] =	vst v63  }
0x10a: {  	_ =	swait.ge [sflag:s23], $0x7D0  }
0x10b: {  	[sflag:s23] =	ssyncset.done $0x0  }
0x10c: {  	s14 =	sadd.s32 $0x2F10, s8;
	s9 =	simm.s32 $0x7710;
	[sflag:s23] =	ssyncadd.s32 $0xFFFFF830  }
0x10d: {  	[tilespmem:s9], [sflag:$0x1] =	stream.indirect.gather [hbm4b:s4+s17], $0x10, s14, s17, $0xb8;
	[tilespmem:$0xDD90] =	vst v63  }
0x10e: {  	_ =	swait.ge [sflag:s28], $0x7D0  }
0x10f: {  	[sflag:s28] =	ssyncset.done $0x0  }
0x110: {  	s18 =	sadd.s32 $0x5410, s8;
	[sflag:s28] =	ssyncadd.s32 $0xFFFFF830  }
0x111: {  	[spmem:s1] =	stream.indirect.scatter.add.f32 [tilespmem:s22], [sflag:$0xB], $0x10, s18, s17, $0xb8;
	[tilespmem:$0xDD90] =	vst v63  }
0x112: {  	_ =	swait.ge [sflag:s2], $0x7D0  }
0x113: {  	[sflag:s2] =	ssyncset.done $0x0  }
0x114: {  	s14 =	sadd.s32 $0x2F90, s8;
	[sflag:s2] =	ssyncadd.s32 $0xFFFFF830  }
0x115: {  	[tilespmem:s20], [sflag:$0x2] =	stream.indirect.gather [hbm4b:s4+s17], $0x10, s14, s17, $0xb8;
	[tilespmem:$0xDD90] =	vst v63  }
0x116: {  	_ =	swait.ge [sflag:s25], $0x7D0  }
0x117: {  	[sflag:s25] =	ssyncset.done $0x0  }
0x118: {  	s18 =	sadd.s32 $0x5490, s8;
	[sflag:s25] =	ssyncadd.s32 $0xFFFFF830  }
0x119: {  	[spmem:s1] =	stream.indirect.scatter.add.f32 [tilespmem:s24], [sflag:$0xC], $0x10, s18, s17, $0xb8;
	[tilespmem:$0xDD90] =	vst v63  }
0x11a: {  	_ =	swait.ge [sflag:s21], $0x7D0  }
0x11b: {  	[sflag:s21] =	ssyncset.done $0x0  }
0x11c: {  	s14 =	sadd.s32 $0x3010, s8;
	[sflag:s21] =	ssyncadd.s32 $0xFFFFF830  }
0x11d: {  	[tilespmem:s22], [sflag:$0x3] =	stream.indirect.gather [hbm4b:s4+s17], $0x10, s14, s17, $0xb8;
	[tilespmem:$0xDD90] =	vst v63  }
0x11e: {  	_ =	swait.ge [sflag:s30], $0x7D0  }
0x11f: {  	[sflag:s30] =	ssyncset.done $0x0  }
0x120: {  	s18 =	sadd.s32 $0x5510, s8;
	[sflag:s30] =	ssyncadd.s32 $0xFFFFF830  }
0x121: {  	[spmem:s1] =	stream.indirect.scatter.add.f32 [tilespmem:s26], [sflag:$0xD], $0x10, s18, s17, $0xb8;
	[tilespmem:$0xDD90] =	vst v63  }
0x122: {  	_ =	swait.ge [sflag:s5], $0x7D0  }
0x123: {  	[sflag:s5] =	ssyncset.done $0x0  }
0x124: {  	s14 =	sadd.s32 $0x3090, s8;
	[sflag:s5] =	ssyncadd.s32 $0xFFFFF830  }
0x125: {  	[tilespmem:s24], [sflag:$0x4] =	stream.indirect.gather [hbm4b:s4+s17], $0x10, s14, s17, $0xb8;
	[tilespmem:$0xDD90] =	vst v63  }
0x126: {  	_ =	swait.ge [sflag:s6], $0x7D0  }
0x127: {  	[sflag:s6] =	ssyncset.done $0x0  }
0x128: {  	s18 =	sadd.s32 $0x5590, s8;
	[sflag:s6] =	ssyncadd.s32 $0xFFFFF830  }
0x129: {  	[spmem:s1] =	stream.indirect.scatter.add.f32 [tilespmem:s29], [sflag:$0xE], $0x10, s18, s17, $0xb8;
	[tilespmem:$0xDD90] =	vst v63  }
0x12a: {  	_ =	swait.ge [sflag:s7], $0x7D0  }
0x12b: {  	[sflag:s7] =	ssyncset.done $0x0  }
0x12c: {  	s14 =	sadd.s32 $0x3110, s8;
	[sflag:s7] =	ssyncadd.s32 $0xFFFFF830  }
0x12d: {  	[tilespmem:s26], [sflag:$0x5] =	stream.indirect.gather [hbm4b:s4+s17], $0x10, s14, s17, $0xb8;
	[tilespmem:$0xDD90] =	vst v63  }
0x12e: {  	_ =	swait.ge [sflag:s13], $0x7D0  }
0x12f: {  	[sflag:s13] =	ssyncset.done $0x0  }
0x130: {  	s18 =	sadd.s32 $0x5610, s8;
	[sflag:s13] =	ssyncadd.s32 $0xFFFFF830  }
0x131: {  	[spmem:s1] =	stream.indirect.scatter.add.f32 [tilespmem:s31], [sflag:$0xF], $0x10, s18, s17, $0xb8;
	[tilespmem:$0xDD90] =	vst v63  }
0x132: {  	_ =	swait.ge [sflag:s15], $0x7D0  }
0x133: {  	[sflag:s15] =	ssyncset.done $0x0  }
0x134: {  	s14 =	sadd.s32 $0x3190, s8;
	[sflag:s15] =	ssyncadd.s32 $0xFFFFF830  }
0x135: {  	[tilespmem:s29], [sflag:$0x6] =	stream.indirect.gather [hbm4b:s4+s17], $0x10, s14, s17, $0xb8;
	[tilespmem:$0xDD90] =	vst v63  }
0x136: {  	_ =	swait.ge [sflag:s10], $0x7D0  }
0x137: {  	[sflag:s10] =	ssyncset.done $0x0  }
0x138: {  	s18 =	sadd.s32 $0x5690, s8;
	[sflag:s10] =	ssyncadd.s32 $0xFFFFF830  }
0x139: {  	[spmem:s1] =	stream.indirect.scatter.add.f32 [tilespmem:s16], [sflag:$0x10], $0x10, s18, s17, $0xb8;
	[tilespmem:$0xDD90] =	vst v63  }
0x13a: {  	_ =	swait.ge [sflag:s11], $0x7D0  }
0x13b: {  	[sflag:s11] =	ssyncset.done $0x0  }
0x13c: {  	s14 =	sadd.s32 $0x3210, s8;
	[sflag:s11] =	ssyncadd.s32 $0xFFFFF830  }
0x13d: {  	[tilespmem:s31], [sflag:$0x7] =	stream.indirect.gather [hbm4b:s4+s17], $0x10, s14, s17, $0xb8;
	[tilespmem:$0xDD90] =	vst v63  }
0x13e: {  	_ =	swait.ge [sflag:s0], $0x7D0  }
0x13f: {  	[sflag:s0] =	ssyncset.done $0x0  }
0x140: {  	s18 =	sadd.s32 $0x5710, s8;
	[sflag:s0] =	ssyncadd.s32 $0xFFFFF830  }
0x141: {  	[spmem:s1] =	stream.indirect.scatter.add.f32 [tilespmem:s9], [sflag:$0x9], $0x10, s18, s17, $0xb8;
	[tilespmem:$0xDD90] =	vst v63  }
0x142: {  	_ =	swait.ge [sflag:s12], $0x7D0  }
0x143: {  	[sflag:s12] =	ssyncset.done $0x0  }
0x144: {  	s8 =	sadd.s32 $0x3290, s8;
	[sflag:s12] =	ssyncadd.s32 $0xFFFFF830  }
0x145: {  	[tilespmem:s16], [sflag:$0x8] =	stream.indirect.gather [hbm4b:s4+s17], $0x10, s8, s17, $0xb8;
	[tilespmem:$0xDD90] =	vst v63  }
0x146: {  	_ =	swait.ge [sflag:s19], $0x7D0  }
0x147: {  	[sflag:s19] =	ssyncset.done $0x0  }
0x148: {  	s9 =	simm.s32 $0x7390;
	[sflag:s19] =	ssyncadd.s32 $0xFFFFF830  }
0x149: {  	[spmem:s1] =	stream.indirect.scatter.add.f32 [tilespmem:s20], [sflag:$0xA], $0x10, s9, s17, $0xb8;
	[tilespmem:$0xDD90] =	vst v63  }
0x14a: {  	_ =	swait.ge [sflag:s23], $0x7D0  }
0x14b: {  	[sflag:s23] =	ssyncset.done $0x0  }
0x14c: {  	[sflag:s23] =	ssyncadd.s32 $0xFFFFF830  }
0x14d: {  	_ =	swait.ge [sflag:s28], $0x7D0  }
0x14e: {  	[sflag:s28] =	ssyncset.done $0x0  }
0x14f: {  	s14 =	simm.s32 $0x7410;
	[sflag:s28] =	ssyncadd.s32 $0xFFFFF830  }
0x150: {  	[spmem:s1] =	stream.indirect.scatter.add.f32 [tilespmem:s22], [sflag:$0xB], $0x10, s14, s17, $0xb8;
	[tilespmem:$0xDD90] =	vst v63  }
0x151: {  	_ =	swait.ge [sflag:s2], $0x7D0  }
0x152: {  	[sflag:s2] =	ssyncset.done $0x0  }
0x153: {  	[sflag:s2] =	ssyncadd.s32 $0xFFFFF830  }
0x154: {  	_ =	swait.ge [sflag:s25], $0x7D0  }
0x155: {  	[sflag:s25] =	ssyncset.done $0x0  }
0x156: {  	s18 =	simm.s32 $0x7490;
	[sflag:s25] =	ssyncadd.s32 $0xFFFFF830  }
0x157: {  	[spmem:s1] =	stream.indirect.scatter.add.f32 [tilespmem:s24], [sflag:$0xC], $0x10, s18, s17, $0xb8;
	[tilespmem:$0xDD90] =	vst v63  }
0x158: {  	_ =	swait.ge [sflag:s21], $0x7D0  }
0x159: {  	[sflag:s21] =	ssyncset.done $0x0  }
0x15a: {  	[sflag:s21] =	ssyncadd.s32 $0xFFFFF830  }
0x15b: {  	_ =	swait.ge [sflag:s30], $0x7D0  }
0x15c: {  	[sflag:s30] =	ssyncset.done $0x0  }
0x15d: {  	s8 =	simm.s32 $0x7510;
	[sflag:s30] =	ssyncadd.s32 $0xFFFFF830  }
0x15e: {  	[spmem:s1] =	stream.indirect.scatter.add.f32 [tilespmem:s26], [sflag:$0xD], $0x10, s8, s17, $0xb8;
	[tilespmem:$0xDD90] =	vst v63  }
0x15f: {  	_ =	swait.ge [sflag:s5], $0x7D0  }
0x160: {  	[sflag:s5] =	ssyncset.done $0x0  }
0x161: {  	[sflag:s5] =	ssyncadd.s32 $0xFFFFF830  }
0x162: {  	_ =	swait.ge [sflag:s6], $0x7D0  }
0x163: {  	[sflag:s6] =	ssyncset.done $0x0  }
0x164: {  	s9 =	simm.s32 $0x7590;
	[sflag:s6] =	ssyncadd.s32 $0xFFFFF830  }
0x165: {  	[spmem:s1] =	stream.indirect.scatter.add.f32 [tilespmem:s29], [sflag:$0xE], $0x10, s9, s17, $0xb8;
	[tilespmem:$0xDD90] =	vst v63  }
0x166: {  	_ =	swait.ge [sflag:s7], $0x7D0  }
0x167: {  	[sflag:s7] =	ssyncset.done $0x0  }
0x168: {  	[sflag:s7] =	ssyncadd.s32 $0xFFFFF830  }
0x169: {  	_ =	swait.ge [sflag:s13], $0x7D0  }
0x16a: {  	[sflag:s13] =	ssyncset.done $0x0  }
0x16b: {  	s14 =	simm.s32 $0x7610;
	[sflag:s13] =	ssyncadd.s32 $0xFFFFF830  }
0x16c: {  	[spmem:s1] =	stream.indirect.scatter.add.f32 [tilespmem:s31], [sflag:$0xF], $0x10, s14, s17, $0xb8;
	[tilespmem:$0xDD90] =	vst v63  }
0x16d: {  	_ =	swait.ge [sflag:s15], $0x7D0  }
0x16e: {  	[sflag:s15] =	ssyncset.done $0x0  }
0x16f: {  	[sflag:s15] =	ssyncadd.s32 $0xFFFFF830  }
0x170: {  	_ =	swait.ge [sflag:s10], $0x7D0  }
0x171: {  	[sflag:s10] =	ssyncset.done $0x0  }
0x172: {  	s18 =	simm.s32 $0x7690;
	[sflag:s10] =	ssyncadd.s32 $0xFFFFF830  }
0x173: {  	[spmem:s1] =	stream.indirect.scatter.add.f32 [tilespmem:s16], [sflag:$0x10], $0x10, s18, s17, $0xb8;
	[tilespmem:$0xDD90] =	vst v63  }
0x174: {  	_ =	swait.ge [sflag:s11], $0x7D0  }
0x175: {  	[sflag:s11] =	ssyncset.done $0x0  }
0x176: {  	[sflag:s11] =	ssyncadd.s32 $0xFFFFF830  }
0x177: {  	_ =	swait.ge [sflag:s12], $0x7D0  }
0x178: {  	[sflag:s12] =	ssyncset.done $0x0  }
0x179: {  	[sflag:s12] =	ssyncadd.s32 $0xFFFFF830  }
0x17a: {  	[bflag:$0x0] =	sbarrier.arrive $0xFFFF  }
0x17b: {  	s3 =	simm.s32 @p0 $0xB590;
	s8 =	rddreg [dreg:$0x7]  }
0x17c: {  	[tilespmem:s3], [sflag:$0x11] =	stream.linear.gather @p0 [spmem:s8], $0x2800, $0x38;
	[tilespmem:$0xDD90] =	vst v63  }
0x17d: {  	s8 =	simm.s32 @p0 $0x11  }
0x17e: {  	_ =	swait.ge @p0 [sflag:s8], $0x2800  }
0x17f: {  	[sflag:s8] =	ssyncset.done @p0 $0x0  }
0x180: {  	s9 =	simm.s32 @p0 $0x0;
	s14 =	rddreg [dreg:$0x9];
	[sflag:s8] =	ssyncadd.s32 @p0 $0xFFFFD800  }
0x181: {  	[hbm4b:s14+s9] =	stream.linear.scatter @p0 [tilespmem:s3], [sflag:$0x11], $0x2800, $0x38;
	[tilespmem:$0xDD90] =	vst v63  }
0x182: {  	_ =	swait.ge @p0 [sflag:s8], $0x2800  }
0x183: {  	s3 =	simm.s32 @!p0 $0xB590;
	[sflag:s8] =	ssyncset.done @p0 $0x0  }
0x184: {  	s14 =	rddreg [dreg:$0x6];
	[sflag:s8] =	ssyncadd.s32 @p0 $0xFFFFD800;
	s8 =	simm.s32 @!p0 $0x11  }
0x185: {  	[tilespmem:s3], [sflag:$0x11] =	stream.linear.gather @!p0 [spmem:s14], $0x2700, $0x38;
	[tilespmem:$0xDD90] =	vst v63  }
0x186: {  	_ =	swait.ge @!p0 [sflag:s8], $0x2700  }
0x187: {  	[sflag:s8] =	ssyncset.done @!p0 $0x0  }
0x188: {  	s9 =	simm.s32 @!p0 $0x0;
	s18 =	rddreg [dreg:$0x8];
	[sflag:s8] =	ssyncadd.s32 @!p0 $0xFFFFD900  }
0x189: {  	[hbm4b:s18+s9] =	stream.linear.scatter @!p0 [tilespmem:s3], [sflag:$0x11], $0x2700, $0x38;
	[tilespmem:$0xDD90] =	vst v63  }
0x18a: {  	_ =	swait.ge @!p0 [sflag:s8], $0x2700  }
0x18b: {  	s3 =	rddreg [dreg:$0xb]  }
0x18c: {  	s18 =	rddreg [dreg:$0xa];
	s9 =	sadd.s32 $0x1, s3  }
0x18d: {  	p1 =	sne.s32 s9, s18  }
.Ltmp1:
0x18e: {  	_ = 	snop;
	(pc) =	sbr.rel @p1 .LBB2_1-.Ltmp1, $3  }
0x18f: {  	_ =	sdelay $0x1  }
0x190: {  	[sflag:s8] =	ssyncset.done @!p0 $0x0  }
0x191: {  	[sflag:s8] =	ssyncadd.s32 @!p0 $0xFFFFD900  }
0x192: {  	_ =	sfence.sel $0x180000  }
0x193: {  	[bflag:$0x0] =	sbarrier.arrive $0xFFFF  }
0x194: {  	_ =	strace $0x9000004A  }
0x195: {  	s0 =	stileid.u32;
	[bflag:$0x2] =	sbarrier.arrive $0xFFFF  }
0x196: {  	p0 =	sne.s32 s0, $0x0;
	s0 =	rddreg [dreg:$0x2]  }
0x197: {  	s0 =	sadd.s32 @!p0 $0x100000, s0  }
0x198: {  	[sflag:s0] =	ssyncadd.tile.s32 @!p0 $0x1;
	_ =	shalt  }
.Lfunc_end2:
_tile_overlayer_lowered:
.L_overlay_start_2:
0x199: {  	(tag) =	ssettag $0x2  }
0x19a: {  	s0 =	rddreg [dreg:$0x0];
	s2 =	stileid.u32  }
0x19b: {  	s1 =	rddreg [dreg:$0x1];
	p0 =	sne.s32 s2, $0x0  }
0x19c: {  	s3 =	rddreg [dreg:$0x2];
	[bflag:$0x3] =	sbarrier.arrive $0xFFFF;
	s2 =	simm.s32 @!p0 $0x1C11  }
0x19d: {  	[timem:s3], [sflag:s2] =	dma.local @!p0 [hbm:s0], s1  }
0x19e: {  	s0 =	simm.s32 @!p0 $0x11  }
0x19f: {  	_ =	swait.ge @!p0 [sflag:s0], s1  }
0x1a0: {  	s1 =	ssub.s32 @!p0 $0x0, s1;
	[sflag:s0] =	ssyncset.done @!p0 $0x0  }
0x1a1: {  	[sflag:s0] =	ssyncadd.s32 @!p0 s1  }
0x1a2: {  	[bflag:$0x3] =	sbarrier.arrive $0xFFFF  }
0x1a3: {  	_ =	shalt  }

// kernel: kernel.7.cloned.1.call-start
scs
__scs_entry_jumppad:
0x0: {  	(pc) =	sbr.rel $0x88, $3  }
0x1: {  	(tag) =	ssettag $0x0;
	lr =	simm.s32 $0x1  }
0x2: {  	[smem:$0x3F96] =	sst lr;
	_ =	strace $0xD0000000  }
0x3: {  	_ = 	snop  }
0x4: {  	_ = 	snop  }
0x5: {  	_ = 	snop  }
0x6: {  	_ = 	snop  }
0x7: {  	_ = 	snop  }
__scs_overlays_trampoline_lowered:
0x8: {  	[smem:$0x3FA5] =	sst s0  }
0x9: {  	[smem:$0x3FA6] =	sst s1  }
0xa: {  	[smem:$0x3FA7] =	sst s2  }
0xb: {  	[smem:$0x3FA8] =	sst s3  }
0xc: {  	[smem:$0x3FA9] =	sst s4  }
0xd: {  	[smem:$0x3FAA] =	sst s5  }
0xe: {  	[smem:$0x3FAB] =	sst s6  }
0xf: {  	[smem:$0x3FAC] =	sst s7  }
0x10: {  	[smem:$0x3FAD] =	sst s8  }
0x11: {  	[smem:$0x3FAE] =	sst s9;
	s0 =	simm.s32 @!p0 $0x0  }
0x12: {  	s1 =	sld [smem:$0x3F94];
	s0 =	simm.s32 @p0 $0x1  }
0x13: {  	[smem:$0x3FAF] =	sst s0;
	s0 =	simm.s32 @!p1 $0x0  }
0x14: {  	s2 =	sld [smem:$0x3F93];
	s0 =	simm.s32 @p1 $0x1  }
0x15: {  	[smem:$0x3FB0] =	sst s0;
	s0 =	simm.s32 @!p2 $0x0  }
0x16: {  	s3 =	sld [smem:$0x3FDB];
	s0 =	simm.s32 @p2 $0x1  }
0x17: {  	s4 =	simm.s32 $0x1BF5;
	[smem:$0x3FB2] =	sst s0  }
0x18: {  	s0 =	sld [smem:$0x3F95];
	_ =	swait.ge [sflag:s4], $0x0  }
0x19: {  	s7 =	sld [smem:$0x3F96]  }
0x1a: {  	s8 =	sadd.s32 $0xFFFFE003, lr  }
0x1b: {  	s9 =	sadd.s32 $0xFFFFFEF7, lr;
	s5 =	simm.s32 $0xFFFFFFFF;
	p2 =	slt.u32 s8, $0xFFFFF086  }
0x1c: {  	p1 =	slt.u32 s9, $0xF7A;
	s5 =	simm.s32 @!p2 $0x0  }
0x1d: {  	s5 =	simm.s32 @p1 $0x1;
	p0 =	seq.s32 s7, s2  }
0x1e: {  	s7 =	smul.u32 @!p0 $0xF7A, s2;
	p2 =	seq.s32 @!p0 s5, $0x0  }
0x1f: {  	s9 =	smul.u32 $0xF7A, s1;
	s8 =	simm.s32 @!p0 $0x1BF5;
	p2 =	por !p2, p0  }
0x20: {  	[sflag:s8] =	ssyncset.s32 @!p0 $0xFFFFF086;
	s6 =	sadd.s32 @!p0 s3, s7;
	s7 =	simm.s32 @!p0 $0x108  }
0x21: {  	s3 =	sadd.s32 s3, s9;
	s6 =	sadd.s32 @!p0 $0x88, s6;
	s7 =	simm.s32 @p2 $0x1082  }
0x22: {  	[simem:s7], [sflag:s8] =	dma.local @!p0 [hbm:s6], $0xF7A  }
0x23: {  	s9 =	sor.u32 $0xD0000000, s2;
	s6 =	simm.s32 $0x108;
	_ =	swait.ge @!p0 [sflag:s8], $0x0  }
0x24: {  	s3 =	sadd.s32 $0x88, s3;
	s6 =	simm.s32 @!p1 $0x1082;
	[sflag:s4] =	ssyncset.s32 $0xFFFFF086  }
0x25: {  	[simem:s6], [sflag:s4] =	dma.local [hbm:s3], $0xF7A  }
0x26: {  	[smem:$0x3F96] =	sst s1;
	(tag) =	ssettag s2;
	_ =	strace s9  }
0x27: {  	s1 =	sld [smem:$0x3FA6]  }
0x28: {  	s2 =	sld [smem:$0x3FA7]  }
0x29: {  	s4 =	sld [smem:$0x3FA9]  }
0x2a: {  	p0 =	seq.s32 s5, $0x0;
	s5 =	sld [smem:$0x3FAA]  }
0x2b: {  	s6 =	sld [smem:$0x3FAB]  }
0x2c: {  	s7 =	sld [smem:$0x3FAC]  }
0x2d: {  	s3 =	simm.s32 $0x108;
	s8 =	sld [smem:$0x3FAD]  }
0x2e: {  	s3 =	simm.s32 @!p0 $0x1082;
	s9 =	sld [smem:$0x3FAE]  }
0x2f: {  	lr =	sadd.s32 s0, s3;
	s0 =	sld [smem:$0x3FA5]  }
0x30: {  	s3 =	sld [smem:$0x3FA8]  }
0x31: {  	[smem:$0x3FB1] =	sst s10  }
0x32: {  	s10 =	sld [smem:$0x3FAF];
	_ =	sdelay $0x3  }
0x33: {  	p0 =	seq.s32 s10, $0x1;
	s10 =	sld [smem:$0x3FB1];
	_ =	sdelay $0x3  }
0x34: {  	[smem:$0x3FB1] =	sst s10  }
0x35: {  	s10 =	sld [smem:$0x3FB0];
	_ =	sdelay $0x3  }
0x36: {  	p1 =	seq.s32 s10, $0x1;
	s10 =	sld [smem:$0x3FB1];
	_ =	sdelay $0x3  }
0x37: {  	[smem:$0x3FB1] =	sst s10  }
0x38: {  	s10 =	sld [smem:$0x3FB2]  }
0x39: {  	_ = 	snop;
	(pc) =	sbr.ind lr, $3  }
0x3a: {  	_ = 	snop  }
0x3b: {  	_ = 	snop  }
0x3c: {  	p2 =	seq.s32 s10, $0x1;
	s10 =	sld [smem:$0x3FB1]  }
0x3d: {  	_ =	shalt  }
0x3e: {  	_ =	shalt  }
0x3f: {  	_ =	shalt  }
0x40: {  	_ =	shalt  }
0x41: {  	_ =	shalt  }
0x42: {  	_ =	shalt  }
0x43: {  	_ =	shalt  }
0x44: {  	_ =	shalt  }
0x45: {  	_ =	shalt  }
0x46: {  	_ =	shalt  }
0x47: {  	_ =	shalt  }
0x48: {  	_ =	shalt  }
0x49: {  	_ =	shalt  }
0x4a: {  	_ =	shalt  }
0x4b: {  	_ =	shalt  }
0x4c: {  	_ =	shalt  }
0x4d: {  	_ =	shalt  }
0x4e: {  	_ =	shalt  }
0x4f: {  	_ =	shalt  }
0x50: {  	_ =	shalt  }
0x51: {  	_ =	shalt  }
0x52: {  	_ =	shalt  }
0x53: {  	_ =	shalt  }
0x54: {  	_ =	shalt  }
0x55: {  	_ =	shalt  }
0x56: {  	_ =	shalt  }
0x57: {  	_ =	shalt  }
0x58: {  	_ =	shalt  }
0x59: {  	_ =	shalt  }
0x5a: {  	_ =	shalt  }
0x5b: {  	_ =	shalt  }
0x5c: {  	_ =	shalt  }
0x5d: {  	_ =	shalt  }
0x5e: {  	_ =	shalt  }
0x5f: {  	_ =	shalt  }
0x60: {  	_ =	shalt  }
0x61: {  	_ =	shalt  }
0x62: {  	_ =	shalt  }
0x63: {  	_ =	shalt  }
0x64: {  	_ =	shalt  }
0x65: {  	_ =	shalt  }
0x66: {  	_ =	shalt  }
0x67: {  	_ =	shalt  }
0x68: {  	_ =	shalt  }
0x69: {  	_ =	shalt  }
0x6a: {  	_ =	shalt  }
0x6b: {  	_ =	shalt  }
0x6c: {  	_ =	shalt  }
0x6d: {  	_ =	shalt  }
0x6e: {  	_ =	shalt  }
0x6f: {  	_ =	shalt  }
0x70: {  	_ =	shalt  }
0x71: {  	_ =	shalt  }
0x72: {  	_ =	shalt  }
0x73: {  	_ =	shalt  }
0x74: {  	_ =	shalt  }
0x75: {  	_ =	shalt  }
0x76: {  	_ =	shalt  }
0x77: {  	_ =	shalt  }
0x78: {  	_ =	shalt  }
0x79: {  	_ =	shalt  }
0x7a: {  	_ =	shalt  }
0x7b: {  	_ =	shalt  }
0x7c: {  	_ =	shalt  }
0x7d: {  	_ =	shalt  }
0x7e: {  	_ =	shalt  }
0x7f: {  	_ =	shalt  }
0x80: {  	_ =	shalt  }
0x81: {  	_ =	shalt  }
0x82: {  	_ =	shalt  }
0x83: {  	_ =	shalt  }
0x84: {  	_ =	shalt  }
0x85: {  	_ =	shalt  }
0x86: {  	_ =	shalt  }
0x87: {  	_ =	shalt  }
.Lfunc_end0:
.L_simem_size_0:
called_computation_lowered:
.L_overlay_start_0:
0x88: {  	s2 =	sld [smem:$0x3FD9]  }
0x89: {  	s3 =	sld [smem:$0x3FFE];
	_ =	sdelay $0x1  }
0x8a: {  	s1 =	srdreg.scid  }
0x8b: {  	s0 =	sand.u32 $0x1, s1  }
0x8c: {  	s17 =	sshll.u32 s0, $0xA;
	s2 =	sadd.s32 s3, s2  }
0x8d: {  	s2 =	sadd.s32 s2, s17  }
0x8e: {  	[smem:$0x3FBD] =	sst s2  }
0x8f: {  	_ = 	snop  }
0x90: {  	s2 =	sld [smem:$0x3FD0];
	(tm) =	ssettm $0x1  }
0x91: {  	s18 =	sld [smem:$0x3FFB];
	_ =	sdelay $0x3  }
0x92: {  	_ =	strace s18  }
0x93: {  	s3 =	sld [smem:$0x3FFC];
	_ =	sdelay $0x3  }
0x94: {  	_ =	strace s3  }
0x95: {  	s3 =	sld [smem:$0x3FFD];
	_ =	sdelay $0x3  }
0x96: {  	_ =	strace s3  }
0x97: {  	_ =	strace $0x8FFFFFFF  }
0x98: {  	s19 =	sld [smem:$0x3FDB];
	_ =	sdelay $0x1  }
0x99: {  	s4 =	simm.s32 $_scs_section_size  }
0x9a: {  	s5 =	simm.s32 $_size__tile_overlayer_lowered;
	s6 =	simm.s32 $_tile_overlayer_lowered  }
0x9b: {  	s22 =	simm.s32 $0x1BFF;
	s21 =	sshll.u32 s6, $0x1;
	s3 =	sadd.s32 s4, s19  }
0x9c: {  	s7 =	simm.s32 $0x0;
	s20 =	sshll.u32 s5, $0x1;
	s5 =	sadd.s32 s21, s3  }
0x9d: {  	[timem:s7], [sflag:s22] =	dma.local [hbm:s5], s20  }
0x9e: {  	_ =	swait.ge [sflag:s22], s20  }
0x9f: {  	s4 =	ssub.s32 $0x0, s20;
	[sflag:s22] =	ssyncset.done $0x0  }
0xa0: {  	[sflag:s22] =	ssyncadd.s32 s4;
	_ =	sdelay $0x1  }
0xa1: {  	s23 =	simm.s32 $0x1B8B  }
0xa2: {  	_ =	swait.ge [sflag:s23], $0x1  }
0xa3: {  	[sflag:s23] =	ssyncset.done $0x0  }
0xa4: {  	s25 =	simm.s32 $0x1B8E;
	s24 =	sld [smem:$0x3FFE];
	[sflag:s23] =	ssyncadd.s32 $0xFFFFFFFF  }
0xa5: {  	s26 =	simm.s32 $execute0_lowered;
	[smem:$0x3FD2] =	sst s25  }
0xa6: {  	s5 =	sshll.u32 s26, $0x1;
	_ =	strace $0x80000046;
	[dreg:$0x1] =	wrdreg $0xFFFFFFFF  }
0xa7: {  	s28 =	simm.s32 $_size_execute0_lowered;
	s3 =	sadd.s32 s3, s5;
	[dreg:$0x0] =	wrdreg $0x0  }
0xa8: {  	s5 =	sshll.u32 s28, $0x1;
	[dreg:$0x2] =	wrdreg s3  }
0xa9: {  	[dreg:$0x3] =	wrdreg s5  }
0xaa: {  	[dreg:$0x4] =	wrdreg $0xC0  }
0xab: {  	_ =	task [dreg:s7], $0x5FFFF  }
0xac: {  	[dreg:$0x1] =	wrdreg $0xFFFFFFFF  }
0xad: {  	[dreg:$0x0] =	wrdreg $0x60  }
0xae: {  	[dreg:$0x2] =	wrdreg s24  }
0xaf: {  	[dreg:$0x3] =	wrdreg s2  }
0xb0: {  	[dreg:$0x4] =	wrdreg $0x0  }
0xb1: {  	[dreg:$0x5] =	wrdreg $0xDD900  }
0xb2: {  	[dreg:$0x6] =	wrdreg $0x9  }
0xb3: {  	_ =	task.clear_ibuf [dreg:s7], $0x7FFFF;
	_ =	strace $0x90000046  }
0xb4: {  	s29 =	simm.s32 $0x9;
	_ =	strace $0x80000048  }
0xb5: {  	_ =	swait.ge [sflag:s29], $0x1  }
0xb6: {  	[sflag:s29] =	ssyncadd.s32 $0xFFFFFFFF  }
0xb7: {  	_ =	strace $0x90000048  }
0xb8: {  	_ =	sfence  }
0xb9: {  	s30 =	sld [smem:$0x0];
	_ =	sdelay $0x2  }
0xba: {  	s31 =	sshll.u32 s1, $0xD;
	s1 =	sshrl.u32 s1, $0x2  }
0xbb: {  	s3 =	sand.u32 $0x4000, s31;
	s1 =	sadd.s32 s1, s30  }
0xbc: {  	s0 =	sor.u32 s3, s0;
	s1 =	sshll.u32 s1, $0x11  }
0xbd: {  	s0 =	sor.u32 s1, s0  }
0xbe: {  	s0 =	sadd.s32 $0x8F2B, s0  }
0xbf: {  	[sflag:s0] =	ssyncadd.remote.s32 $0x1  }
0xc0: {  	_ =	sfence.sel $0xFFFF  }
0xc1: {  	[dreg:$0x0] =	wrdreg $0xFFFFFFFF;
	(pc) =	sbr.abs _section_cstart, $3  }
0xc2: {  	[dreg:$0x1] =	wrdreg $0xFFFFFFFF  }
0xc3: {  	_ =	task.clear_ibuf [dreg:s7], $0x2FFFF;
	_ =	strace $0x9FFFFFFF  }
0xc4: {  	(tm) =	ssettm $0x7FFFFFFF  }
0xc5: {  	_ =	shalt  }
tec
execute0_lowered:
.L_overlay_start_1:
0x0: {  	(tag) =	ssettag $0x1  }
0x1: {  	s0 =	rddreg [dreg:$0x0]  }
0x2: {  	s1 =	srdreg.scid;
	s3 =	rddreg [dreg:$0x2]  }
0x3: {  	s4 =	rddreg [dreg:$0x3];
	s12 =	stileid.u32  }
0x4: {  	s5 =	simm.s32 $0x0;
	s28 =	simm.s32 $0x7D;
	s29 =	simm.s32 $0x16  }
0x5: {  	s31 =	simm.s32 $0x8;
	s30 =	simm.s32 $0x10;
	s1 =	sand.u32 $0x1, s1  }
0x6: {  	[smem:$0x7FF] =	sst s5;
	s6 =	sadd.s32 $0x17400, s0;
	s14 =	smul.u32 $0x9C00, s12  }
0x7: {  	s13 =	sadd.s32 $0x1C400, s0;
	s7 =	sadd.s32 $0x1CA00, s0;
	s15 =	smul.u32 $0x9C0, s12  }
0x8: {  	s8 =	sadd.s32 $0x1D600, s0;
	s10 =	smul.u32 $0x270, s12;
	p0 =	seq.s32 s12, $0xF  }
0x9: {  	s5 =	simm.s32 $0x7;
	_ =	strace $0x80000047;
	[dreg:$0x5] =	wrdreg s13  }
0xa: {  	s2 =	sshll.u32 s1, $0x4;
	[dreg:$0x6] =	wrdreg s7;
	s9 =	ssub.s32 $0x2, s1  }
0xb: {  	s1 =	smul.u32 $0x2710, s1;
	s13 =	simm.s32 $0xD;
	s2 =	sor.u32 s12, s2  }
0xc: {  	s11 =	sshrl.u32 s9, $0x1;
	s17 =	sshrl.u32 s14, $0x2;
	s18 =	sshrl.u32 s15, $0x2  }
0xd: {  	s15 =	sadd.s32 $0x24900, s3;
	s22 =	sadd.s32 s10, s4;
	s14 =	simm.s32 $0x15  }
0xe: {  	s2 =	smul.u32 $0x2800, s2;
	s9 =	ssub.s32 s9, s11;
	s19 =	sadd.s32 s10, s1  }
0xf: {  	s25 =	sadd.s32 s17, s3;
	s20 =	sadd.s32 s18, s4;
	s17 =	sadd.s32 $0x2490, s4  }
0x10: {  	[dreg:$0xe] =	wrdreg s22;
	s1 =	sadd.s32 $0x2490, s1;
	s18 =	simm.s32 $0x4  }
0x11: {  	s11 =	simm.s32 $0x6;
	s22 =	simm.s32 $0xE;
	[dreg:$0xb] =	wrdreg s15  }
0x12: {  	[dreg:$0xa] =	wrdreg s20;
	s21 =	sshll.u32 s19, $0x1;
	s23 =	sshrl.u32 s19, $0x3  }
0x13: {  	s24 =	sshll.u32 s1, $0x1;
	s1 =	sshrl.u32 s1, $0x3;
	s26 =	smax.u32 s9, $0x1  }
0x14: {  	s20 =	simm.s32 $0xB;
	[dreg:$0x9] =	wrdreg s25;
	s2 =	sshrl.u32 s2, $0x3  }
0x15: {  	s9 =	simm.s32 $0x13;
	[dreg:$0xc] =	wrdreg s17;
	s2 =	sadd.s32 s2, s0  }
0x16: {  	s19 =	simm.s32 $0xC;
	[dreg:$0x12] =	wrdreg s26;
	s16 =	sadd.s32 $0x3400, s2  }
0x17: {  	s26 =	simm.s32 $0xE008;
	s2 =	sadd.s32 $0xD400, s2;
	[dreg:$0x7] =	wrdreg s16  }
0x18: {  	s0 =	sadd.s32 $0x1CC00, s0;
	[dreg:$0x8] =	wrdreg s2;
	s2 =	sadd.s32 s8, s21  }
.Ltmp0:
0x19: {  	s21 =	simm.s32 $0x9;
	s16 =	simm.s32 $0x5;
	(pc) =	sbr.rel .LBB2_1-.Ltmp0, $4  }
0x1a: {  	[dreg:$0xd] =	wrdreg s2;
	s2 =	sadd.s32 s0, s23;
	s0 =	sadd.s32 s0, s1  }
0x1b: {  	s23 =	simm.s32 $0x14;
	[dreg:$0xf] =	wrdreg s2;
	s2 =	sadd.s32 s8, s24  }
0x1c: {  	[dreg:$0x11] =	wrdreg s0;
	s24 =	simm.s32 $0x17;
	s0 =	simm.s32 $0x18  }
0x1d: {  	s8 =	simm.s32 $0x0;
	[dreg:$0x10] =	wrdreg s2;
	s2 =	simm.s32 $0xF  }
.LBB2_4:
0x1e: {  	s1 =	simm.s32 $0x7EE0;
	s7 =	simm.s32 $0x7390  }
0x1f: {  	[spmem:s3] =	stream.indirect.scatter.add.f32 [tilespmem:s1], [sflag:$0xA], $0x10, s7, s28, $0xb8;
	[tilespmem:$0xE308] =	vst v63  }
0x20: {  	s21 =	simm.s32 $0x9  }
0x21: {  	[spmem:s4] =	stream.indirect.scatter.add.f32 [tilespmem:s26], [sflag:$0x12], $0x1, s7, s28, $0xb8;
	[tilespmem:$0xE308] =	vst v63  }
0x22: {  	_ =	swait.ge [sflag:s21], $0x7D0  }
0x23: {  	[sflag:s21] =	ssyncset.done $0x0  }
0x24: {  	s15 =	simm.s32 $0x11;
	[sflag:s21] =	ssyncadd.s32 $0xFFFFF830  }
0x25: {  	_ =	swait.ge [sflag:s15], $0x7D  }
0x26: {  	[sflag:s15] =	ssyncset.done $0x0  }
0x27: {  	s25 =	simm.s32 $0x3;
	[sflag:s15] =	ssyncadd.s32 $0xFFFFFF83  }
0x28: {  	_ =	swait.ge [sflag:s25], $0x7D0  }
0x29: {  	[sflag:s25] =	ssyncset.done $0x0  }
0x2a: {  	s8 =	simm.s32 $0x7410;
	s7 =	simm.s32 $0x86B0;
	[sflag:s25] =	ssyncadd.s32 $0xFFFFF830  }
0x2b: {  	[spmem:s3] =	stream.indirect.scatter.add.f32 [tilespmem:s7], [sflag:$0xB], $0x10, s8, s28, $0xb8;
	[tilespmem:$0xE308] =	vst v63  }
0x2c: {  	s15 =	simm.s32 $0xA  }
0x2d: {  	[spmem:s4] =	stream.indirect.scatter.add.f32 [tilespmem:s26], [sflag:$0x13], $0x1, s8, s28, $0xb8;
	[tilespmem:$0xE308] =	vst v63  }
0x2e: {  	_ =	swait.ge [sflag:s15], $0x7D0  }
0x2f: {  	[sflag:s15] =	ssyncset.done $0x0  }
0x30: {  	s25 =	simm.s32 $0x12;
	[sflag:s15] =	ssyncadd.s32 $0xFFFFF830  }
0x31: {  	_ =	swait.ge [sflag:s25], $0x7D  }
0x32: {  	[sflag:s25] =	ssyncset.done $0x0  }
0x33: {  	[sflag:s25] =	ssyncadd.s32 $0xFFFFFF83  }
0x34: {  	_ =	swait.ge [sflag:s18], $0x7D0  }
0x35: {  	[sflag:s18] =	ssyncset.done $0x0  }
0x36: {  	s7 =	simm.s32 $0x7490;
	[sflag:s18] =	ssyncadd.s32 $0xFFFFF830  }
0x37: {  	[spmem:s3] =	stream.indirect.scatter.add.f32 [tilespmem:s10], [sflag:$0xC], $0x10, s7, s28, $0xb8;
	[tilespmem:$0xE308] =	vst v63  }
0x38: {  	_ = 	snop  }
0x39: {  	[spmem:s4] =	stream.indirect.scatter.add.f32 [tilespmem:s26], [sflag:$0x14], $0x1, s7, s28, $0xb8;
	[tilespmem:$0xE308] =	vst v63  }
0x3a: {  	_ =	swait.ge [sflag:s20], $0x7D0  }
0x3b: {  	[sflag:s20] =	ssyncset.done $0x0  }
0x3c: {  	[sflag:s20] =	ssyncadd.s32 $0xFFFFF830  }
0x3d: {  	_ =	swait.ge [sflag:s9], $0x7D  }
0x3e: {  	[sflag:s9] =	ssyncset.done $0x0  }
0x3f: {  	[sflag:s9] =	ssyncadd.s32 $0xFFFFFF83  }
0x40: {  	_ =	swait.ge [sflag:s16], $0x7D0  }
0x41: {  	[sflag:s16] =	ssyncset.done $0x0  }
0x42: {  	s8 =	simm.s32 $0x7510;
	[sflag:s16] =	ssyncadd.s32 $0xFFFFF830  }
0x43: {  	[spmem:s3] =	stream.indirect.scatter.add.f32 [tilespmem:s12], [sflag:$0xD], $0x10, s8, s28, $0xb8;
	[tilespmem:$0xE308] =	vst v63  }
0x44: {  	_ = 	snop  }
0x45: {  	[spmem:s4] =	stream.indirect.scatter.add.f32 [tilespmem:s26], [sflag:$0x15], $0x1, s8, s28, $0xb8;
	[tilespmem:$0xE308] =	vst v63  }
0x46: {  	_ =	swait.ge [sflag:s19], $0x7D0  }
0x47: {  	[sflag:s19] =	ssyncset.done $0x0  }
0x48: {  	[sflag:s19] =	ssyncadd.s32 $0xFFFFF830  }
0x49: {  	_ =	swait.ge [sflag:s23], $0x7D  }
0x4a: {  	[sflag:s23] =	ssyncset.done $0x0  }
0x4b: {  	[sflag:s23] =	ssyncadd.s32 $0xFFFFFF83  }
0x4c: {  	_ =	swait.ge [sflag:s11], $0x7D0  }
0x4d: {  	[sflag:s11] =	ssyncset.done $0x0  }
0x4e: {  	s10 =	simm.s32 $0x9E20;
	s12 =	simm.s32 $0x7590;
	[sflag:s11] =	ssyncadd.s32 $0xFFFFF830  }
0x4f: {  	[spmem:s3] =	stream.indirect.scatter.add.f32 [tilespmem:s10], [sflag:$0xE], $0x10, s12, s28, $0xb8;
	[tilespmem:$0xE308] =	vst v63  }
0x50: {  	_ = 	snop  }
0x51: {  	[spmem:s4] =	stream.indirect.scatter.add.f32 [tilespmem:s26], [sflag:$0x16], $0x1, s12, s28, $0xb8;
	[tilespmem:$0xE308] =	vst v63  }
0x52: {  	_ =	swait.ge [sflag:s13], $0x7D0  }
0x53: {  	[sflag:s13] =	ssyncset.done $0x0  }
0x54: {  	[sflag:s13] =	ssyncadd.s32 $0xFFFFF830  }
0x55: {  	_ =	swait.ge [sflag:s14], $0x7D  }
0x56: {  	[sflag:s14] =	ssyncset.done $0x0  }
0x57: {  	[sflag:s14] =	ssyncadd.s32 $0xFFFFFF83  }
0x58: {  	_ =	swait.ge [sflag:s5], $0x7D0  }
0x59: {  	[sflag:s5] =	ssyncset.done $0x0  }
0x5a: {  	s15 =	simm.s32 $0xA5F0;
	s25 =	simm.s32 $0x7610;
	[sflag:s5] =	ssyncadd.s32 $0xFFFFF830  }
0x5b: {  	[spmem:s3] =	stream.indirect.scatter.add.f32 [tilespmem:s15], [sflag:$0xF], $0x10, s25, s28, $0xb8;
	[tilespmem:$0xE308] =	vst v63  }
0x5c: {  	_ = 	snop  }
0x5d: {  	[spmem:s4] =	stream.indirect.scatter.add.f32 [tilespmem:s26], [sflag:$0x17], $0x1, s25, s28, $0xb8;
	[tilespmem:$0xE308] =	vst v63  }
0x5e: {  	_ =	swait.ge [sflag:s22], $0x7D0  }
0x5f: {  	[sflag:s22] =	ssyncset.done $0x0  }
0x60: {  	[sflag:s22] =	ssyncadd.s32 $0xFFFFF830  }
0x61: {  	_ =	swait.ge [sflag:s29], $0x7D  }
0x62: {  	[sflag:s29] =	ssyncset.done $0x0  }
0x63: {  	[sflag:s29] =	ssyncadd.s32 $0xFFFFFF83  }
0x64: {  	_ =	swait.ge [sflag:s31], $0x7D0  }
0x65: {  	[sflag:s31] =	ssyncset.done $0x0  }
0x66: {  	s8 =	simm.s32 $0x7690;
	[sflag:s31] =	ssyncadd.s32 $0xFFFFF830  }
0x67: {  	[spmem:s3] =	stream.indirect.scatter.add.f32 [tilespmem:s17], [sflag:$0x10], $0x10, s8, s28, $0xb8;
	[tilespmem:$0xE308] =	vst v63  }
0x68: {  	_ = 	snop  }
0x69: {  	[spmem:s4] =	stream.indirect.scatter.add.f32 [tilespmem:s26], [sflag:$0x18], $0x1, s8, s28, $0xb8;
	[tilespmem:$0xE308] =	vst v63  }
0x6a: {  	_ =	swait.ge [sflag:s2], $0x7D0  }
0x6b: {  	[sflag:s2] =	ssyncset.done $0x0  }
0x6c: {  	[sflag:s2] =	ssyncadd.s32 $0xFFFFF830  }
0x6d: {  	_ =	swait.ge [sflag:s24], $0x7D  }
0x6e: {  	[sflag:s24] =	ssyncset.done $0x0  }
0x6f: {  	[sflag:s24] =	ssyncadd.s32 $0xFFFFFF83  }
0x70: {  	_ =	swait.ge [sflag:s30], $0x7D0  }
0x71: {  	[sflag:s30] =	ssyncset.done $0x0  }
0x72: {  	[sflag:s30] =	ssyncadd.s32 $0xFFFFF830  }
0x73: {  	_ =	swait.ge [sflag:s0], $0x7D  }
0x74: {  	[sflag:s0] =	ssyncset.done $0x0  }
0x75: {  	[sflag:s0] =	ssyncadd.s32 $0xFFFFFF83  }
0x76: {  	[bflag:$0x0] =	sbarrier.arrive $0xFFFF  }
0x77: {  	s1 =	simm.s32 @p0 $0xB590;
	s7 =	simm.s32 @p0 $0x19;
	s15 =	rddreg [dreg:$0xb]  }
0x78: {  	[tilespmem:s1], [sflag:$0x19] =	stream.linear.gather @p0 [spmem:s15], $0x2800, $0x38;
	[tilespmem:$0xE308] =	vst v63  }
0x79: {  	_ =	swait.ge @p0 [sflag:s7], $0x2800  }
0x7a: {  	[sflag:s7] =	ssyncset.done @p0 $0x0  }
0x7b: {  	s8 =	simm.s32 @p0 $0x0;
	s25 =	rddreg [dreg:$0x10];
	[sflag:s7] =	ssyncadd.s32 @p0 $0xFFFFD800  }
0x7c: {  	[hbm4b:s25+s8] =	stream.linear.scatter @p0 [tilespmem:s1], [sflag:$0x19], $0x2800, $0x38;
	[tilespmem:$0xE308] =	vst v63  }
0x7d: {  	_ =	swait.ge @p0 [sflag:s7], $0x2800  }
0x7e: {  	[sflag:s7] =	ssyncset.done @p0 $0x0  }
0x7f: {  	s1 =	simm.s32 @p0 $0xE088;
	s17 =	rddreg [dreg:$0xc];
	[sflag:s7] =	ssyncadd.s32 @p0 $0xFFFFD800  }
0x80: {  	[tilespmem:s1], [sflag:$0x19] =	stream.linear.gather @p0 [spmem:s17], $0x280, $0x38;
	[tilespmem:$0xE308] =	vst v63  }
0x81: {  	_ =	swait.ge @p0 [sflag:s7], $0x280  }
0x82: {  	[sflag:s7] =	ssyncset.done @p0 $0x0  }
0x83: {  	s25 =	rddreg [dreg:$0x11];
	[sflag:s7] =	ssyncadd.s32 @p0 $0xFFFFFD80  }
0x84: {  	[hbm4b:s25+s8] =	stream.linear.scatter @p0 [tilespmem:s1], [sflag:$0x19], $0x280, $0x38;
	[tilespmem:$0xE308] =	vst v63  }
0x85: {  	_ =	swait.ge @p0 [sflag:s7], $0x280  }
0x86: {  	s10 =	simm.s32 @!p0 $0xB590;
	[sflag:s7] =	ssyncset.done @p0 $0x0  }
0x87: {  	s25 =	rddreg [dreg:$0x9];
	[sflag:s7] =	ssyncadd.s32 @p0 $0xFFFFFD80;
	s7 =	simm.s32 @!p0 $0x19  }
0x88: {  	[tilespmem:s10], [sflag:$0x19] =	stream.linear.gather @!p0 [spmem:s25], $0x2700, $0x38;
	[tilespmem:$0xE308] =	vst v63  }
0x89: {  	_ =	swait.ge @!p0 [sflag:s7], $0x2700  }
0x8a: {  	[sflag:s7] =	ssyncset.done @!p0 $0x0  }
0x8b: {  	s8 =	simm.s32 @!p0 $0x0;
	s1 =	rddreg [dreg:$0xd];
	[sflag:s7] =	ssyncadd.s32 @!p0 $0xFFFFD900  }
0x8c: {  	[hbm4b:s1+s8] =	stream.linear.scatter @!p0 [tilespmem:s10], [sflag:$0x19], $0x2700, $0x38;
	[tilespmem:$0xE308] =	vst v63  }
0x8d: {  	_ =	swait.ge @!p0 [sflag:s7], $0x2700  }
0x8e: {  	[sflag:s7] =	ssyncset.done @!p0 $0x0  }
0x8f: {  	s10 =	simm.s32 @!p0 $0xE088;
	s1 =	rddreg [dreg:$0xe];
	[sflag:s7] =	ssyncadd.s32 @!p0 $0xFFFFD900  }
0x90: {  	[tilespmem:s10], [sflag:$0x19] =	stream.linear.gather @!p0 [spmem:s1], $0x270, $0x38;
	[tilespmem:$0xE308] =	vst v63  }
0x91: {  	_ =	swait.ge @!p0 [sflag:s7], $0x270  }
0x92: {  	[sflag:s7] =	ssyncset.done @!p0 $0x0  }
0x93: {  	s1 =	rddreg [dreg:$0xf];
	[sflag:s7] =	ssyncadd.s32 @!p0 $0xFFFFFD90  }
0x94: {  	[hbm4b:s1+s8] =	stream.linear.scatter @!p0 [tilespmem:s10], [sflag:$0x19], $0x270, $0x38;
	[tilespmem:$0xE308] =	vst v63  }
0x95: {  	_ =	swait.ge @!p0 [sflag:s7], $0x270  }
0x96: {  	s10 =	rddreg [dreg:$0x13]  }
0x97: {  	s12 =	rddreg [dreg:$0x12];
	s8 =	sadd.s32 $0x1, s10  }
0x98: {  	p1 =	sne.s32 s8, s12  }
.Ltmp1:
0x99: {  	_ = 	snop;
	(pc) =	sbr.rel @!p1 .LBB2_5-.Ltmp1, $3  }
0x9a: {  	_ =	sdelay $0x1  }
0x9b: {  	[sflag:s7] =	ssyncset.done @!p0 $0x0  }
0x9c: {  	[sflag:s7] =	ssyncadd.s32 @!p0 $0xFFFFFD90  }
.LBB2_1:
0x9d: {  	[dreg:$0x13] =	wrdreg s8;
	s10 =	smov.u32 s25;
	s25 =	simm.s32 $0x0  }
0x9e: {  	s1 =	rddreg [dreg:$0x7];
	s7 =	simm.s32 $0x2710;
	s8 =	simm.s32 $0x19  }
0x9f: {  	[tilespmem:s7], [sflag:$0x19] =	stream.linear.gather [hbm4b:s1+s25], $0x2800, $0x38;
	[tilespmem:$0xE308] =	vst v63  }
0xa0: {  	_ =	swait.ge [sflag:s8], $0x2800  }
0xa1: {  	[sflag:s8] =	ssyncset.done $0x0  }
0xa2: {  	s7 =	simm.s32 $0x4F10;
	s1 =	rddreg [dreg:$0x8];
	[sflag:s8] =	ssyncadd.s32 $0xFFFFD800  }
0xa3: {  	[tilespmem:s7], [sflag:$0x19] =	stream.linear.gather [hbm4b:s1+s25], $0x2800, $0x38;
	[tilespmem:$0xE308] =	vst v63  }
0xa4: {  	_ =	swait.ge [sflag:s8], $0x2800  }
0xa5: {  	[sflag:s8] =	ssyncset.done $0x0  }
0xa6: {  	s7 =	simm.s32 $0xB590;
	s1 =	rddreg [dreg:$0x5];
	[sflag:s8] =	ssyncadd.s32 $0xFFFFD800  }
0xa7: {  	[tilespmem:s7], [sflag:$0x19] =	stream.linear.gather [hbm4b:s1+s25], $0x2800, $0x38;
	[tilespmem:$0xE308] =	vst v63  }
0xa8: {  	_ =	swait.ge [sflag:s8], $0x2800  }
0xa9: {  	[sflag:s8] =	ssyncset.done $0x0  }
0xaa: {  	[sflag:s8] =	ssyncadd.s32 $0xFFFFD800  }
0xab: {  	s7 =	simm.s32 $0xE088;
	s1 =	rddreg [dreg:$0x1]  }
0xac: {  	[tilespmem:s7], [sflag:$0x19] =	stream.linear.gather [hbm4b:s1+s25], $0x280, $0x38;
	[tilespmem:$0xE308] =	vst v63  }
0xad: {  	_ =	swait.ge [sflag:s8], $0x280  }
0xae: {  	[sflag:s8] =	ssyncset.done $0x0  }
0xaf: {  	s7 =	rddreg [dreg:$0x6];
	[sflag:s8] =	ssyncadd.s32 $0xFFFFFD80  }
0xb0: {  	[tilespmem:s26], [sflag:$0x19] =	stream.linear.gather [hbm4b:s7+s25], $0x80, $0x38;
	[tilespmem:$0xE308] =	vst v63  }
0xb1: {  	_ =	swait.ge [sflag:s8], $0x80  }
0xb2: {  	[sflag:s8] =	ssyncset.done $0x0  }
0xb3: {  	s1 =	simm.s32 @p0 $0xB590;
	[sflag:s8] =	ssyncadd.s32 $0xFFFFFF80  }
0xb4: {  	[spmem:s15] =	stream.linear.scatter @p0 [tilespmem:s1], [sflag:$0x19], $0x2800, $0x38;
	[tilespmem:$0xE308] =	vst v63  }
0xb5: {  	s1 =	simm.s32 @p0 $0x19  }
0xb6: {  	_ =	swait.ge @p0 [sflag:s1], $0x2800  }
0xb7: {  	[sflag:s1] =	ssyncset.done @p0 $0x0  }
0xb8: {  	s7 =	simm.s32 @p0 $0xE088;
	[sflag:s1] =	ssyncadd.s32 @p0 $0xFFFFD800  }
0xb9: {  	[spmem:s17] =	stream.linear.scatter @p0 [tilespmem:s7], [sflag:$0x19], $0x280, $0x38;
	[tilespmem:$0xE308] =	vst v63  }
0xba: {  	_ =	swait.ge @p0 [sflag:s1], $0x280  }
0xbb: {  	[sflag:s1] =	ssyncset.done @p0 $0x0  }
0xbc: {  	[sflag:s1] =	ssyncadd.s32 @p0 $0xFFFFFD80;
	s1 =	simm.s32 @!p0 $0xB590  }
0xbd: {  	[spmem:s10] =	stream.linear.scatter @!p0 [tilespmem:s1], [sflag:$0x19], $0x2700, $0x38;
	[tilespmem:$0xE308] =	vst v63  }
0xbe: {  	s1 =	simm.s32 @!p0 $0x19  }
0xbf: {  	_ =	swait.ge @!p0 [sflag:s1], $0x2700  }
0xc0: {  	[sflag:s1] =	ssyncset.done @!p0 $0x0  }
0xc1: {  	s7 =	simm.s32 @!p0 $0xE088;
	s25 =	rddreg [dreg:$0xa];
	[sflag:s1] =	ssyncadd.s32 @!p0 $0xFFFFD900  }
0xc2: {  	[spmem:s25] =	stream.linear.scatter @!p0 [tilespmem:s7], [sflag:$0x19], $0x270, $0x38;
	[tilespmem:$0xE308] =	vst v63  }
0xc3: {  	_ =	swait.ge @!p0 [sflag:s1], $0x270  }
0xc4: {  	[sflag:s1] =	ssyncset.done @!p0 $0x0  }
0xc5: {  	[sflag:s1] =	ssyncadd.s32 @!p0 $0xFFFFFD90  }
0xc6: {  	s8 =	simm.s32 $0x7710;
	s17 =	simm.s32 $0x2710;
	[bflag:$0x0] =	sbarrier.arrive $0xFFFF  }
0xc7: {  	[tilespmem:s8], [sflag:$0x1] =	stream.indirect.gather [hbm4b:s6+s28], $0x10, s17, s28, $0xb8;
	[tilespmem:$0xE308] =	vst v63  }
0xc8: {  	s25 =	simm.s32 $0x2790;
	s17 =	simm.s32 $0x7EE0  }
0xc9: {  	[tilespmem:s17], [sflag:$0x2] =	stream.indirect.gather [hbm4b:s6+s28], $0x10, s25, s28, $0xb8;
	[tilespmem:$0xE308] =	vst v63  }
0xca: {  	s10 =	simm.s32 $0x86B0;
	s7 =	simm.s32 $0x2810  }
0xcb: {  	[tilespmem:s10], [sflag:$0x3] =	stream.indirect.gather [hbm4b:s6+s28], $0x10, s7, s28, $0xb8;
	[tilespmem:$0xE308] =	vst v63  }
0xcc: {  	s15 =	simm.s32 $0x2890;
	s25 =	simm.s32 $0x8E80  }
0xcd: {  	[tilespmem:s25], [sflag:$0x4] =	stream.indirect.gather [hbm4b:s6+s28], $0x10, s15, s28, $0xb8;
	[tilespmem:$0xE308] =	vst v63  }
0xce: {  	s7 =	simm.s32 $0x2910;
	s15 =	simm.s32 $0x9650  }
0xcf: {  	[tilespmem:s15], [sflag:$0x5] =	stream.indirect.gather [hbm4b:s6+s28], $0x10, s7, s28, $0xb8;
	[tilespmem:$0xE308] =	vst v63  }
0xd0: {  	s25 =	simm.s32 $0x2990;
	s15 =	simm.s32 $0x9E20  }
0xd1: {  	[tilespmem:s15], [sflag:$0x6] =	stream.indirect.gather [hbm4b:s6+s28], $0x10, s25, s28, $0xb8;
	[tilespmem:$0xE308] =	vst v63  }
0xd2: {  	s7 =	simm.s32 $0x2A10;
	s25 =	simm.s32 $0xA5F0  }
0xd3: {  	[tilespmem:s25], [sflag:$0x7] =	stream.indirect.gather [hbm4b:s6+s28], $0x10, s7, s28, $0xb8;
	[tilespmem:$0xE308] =	vst v63  }
0xd4: {  	s25 =	simm.s32 $0x1  }
0xd5: {  	_ =	swait.ge [sflag:s25], $0x7D0  }
0xd6: {  	[sflag:s25] =	ssyncset.done $0x0  }
0xd7: {  	s7 =	simm.s32 $0x4F10;
	[sflag:s25] =	ssyncadd.s32 $0xFFFFF830  }
0xd8: {  	[spmem:s3] =	stream.indirect.scatter.add.f32 [tilespmem:s8], [sflag:$0x9], $0x10, s7, s28, $0xb8;
	[tilespmem:$0xE308] =	vst v63  }
0xd9: {  	_ = 	snop  }
0xda: {  	[spmem:s4] =	stream.indirect.scatter.add.f32 [tilespmem:s26], [sflag:$0x11], $0x1, s7, s28, $0xb8;
	[tilespmem:$0xE308] =	vst v63  }
0xdb: {  	s25 =	simm.s32 $0x2A90;
	s7 =	simm.s32 $0xADC0  }
0xdc: {  	[tilespmem:s7], [sflag:$0x8] =	stream.indirect.gather [hbm4b:s6+s28], $0x10, s25, s28, $0xb8;
	[tilespmem:$0xE308] =	vst v63  }
0xdd: {  	s25 =	simm.s32 $0x2  }
0xde: {  	_ =	swait.ge [sflag:s25], $0x7D0  }
0xdf: {  	[sflag:s25] =	ssyncset.done $0x0  }
0xe0: {  	s1 =	simm.s32 $0x4F90;
	[sflag:s25] =	ssyncadd.s32 $0xFFFFF830  }
0xe1: {  	[spmem:s3] =	stream.indirect.scatter.add.f32 [tilespmem:s17], [sflag:$0xA], $0x10, s1, s28, $0xb8;
	[tilespmem:$0xE308] =	vst v63  }
0xe2: {  	_ = 	snop  }
0xe3: {  	[spmem:s4] =	stream.indirect.scatter.add.f32 [tilespmem:s26], [sflag:$0x12], $0x1, s1, s28, $0xb8;
	[tilespmem:$0xE308] =	vst v63  }
0xe4: {  	_ =	swait.ge [sflag:s21], $0x7D0  }
0xe5: {  	[sflag:s21] =	ssyncset.done $0x0  }
0xe6: {  	s12 =	simm.s32 $0x11;
	[sflag:s21] =	ssyncadd.s32 $0xFFFFF830  }
0xe7: {  	_ =	swait.ge [sflag:s12], $0x7D  }
0xe8: {  	[sflag:s12] =	ssyncset.done $0x0  }
0xe9: {  	s17 =	simm.s32 $0x2B10;
	s21 =	simm.s32 $0x3;
	[sflag:s12] =	ssyncadd.s32 $0xFFFFFF83  }
0xea: {  	[tilespmem:s8], [sflag:$0x1] =	stream.indirect.gather [hbm4b:s6+s28], $0x10, s17, s28, $0xb8;
	[tilespmem:$0xE308] =	vst v63  }
0xeb: {  	_ =	swait.ge [sflag:s21], $0x7D0  }
0xec: {  	[sflag:s21] =	ssyncset.done $0x0  }
0xed: {  	s12 =	simm.s32 $0x5010;
	[sflag:s21] =	ssyncadd.s32 $0xFFFFF830  }
0xee: {  	[spmem:s3] =	stream.indirect.scatter.add.f32 [tilespmem:s10], [sflag:$0xB], $0x10, s12, s28, $0xb8;
	[tilespmem:$0xE308] =	vst v63  }
0xef: {  	s21 =	simm.s32 $0xA  }
0xf0: {  	[spmem:s4] =	stream.indirect.scatter.add.f32 [tilespmem:s26], [sflag:$0x13], $0x1, s12, s28, $0xb8;
	[tilespmem:$0xE308] =	vst v63  }
0xf1: {  	_ =	swait.ge [sflag:s21], $0x7D0  }
0xf2: {  	[sflag:s21] =	ssyncset.done $0x0  }
0xf3: {  	s10 =	simm.s32 $0x12;
	[sflag:s21] =	ssyncadd.s32 $0xFFFFF830  }
0xf4: {  	_ =	swait.ge [sflag:s10], $0x7D  }
0xf5: {  	[sflag:s10] =	ssyncset.done $0x0  }
0xf6: {  	s25 =	simm.s32 $0x7EE0;
	s12 =	simm.s32 $0x2B90;
	[sflag:s10] =	ssyncadd.s32 $0xFFFFFF83  }
0xf7: {  	[tilespmem:s25], [sflag:$0x2] =	stream.indirect.gather [hbm4b:s6+s28], $0x10, s12, s28, $0xb8;
	[tilespmem:$0xE308] =	vst v63  }
0xf8: {  	_ =	swait.ge [sflag:s18], $0x7D0  }
0xf9: {  	[sflag:s18] =	ssyncset.done $0x0  }
0xfa: {  	s21 =	simm.s32 $0x8E80;
	s25 =	simm.s32 $0x5090;
	[sflag:s18] =	ssyncadd.s32 $0xFFFFF830  }
0xfb: {  	[spmem:s3] =	stream.indirect.scatter.add.f32 [tilespmem:s21], [sflag:$0xC], $0x10, s25, s28, $0xb8;
	[tilespmem:$0xE308] =	vst v63  }
0xfc: {  	_ = 	snop  }
0xfd: {  	[spmem:s4] =	stream.indirect.scatter.add.f32 [tilespmem:s26], [sflag:$0x14], $0x1, s25, s28, $0xb8;
	[tilespmem:$0xE308] =	vst v63  }
0xfe: {  	_ =	swait.ge [sflag:s20], $0x7D0  }
0xff: {  	[sflag:s20] =	ssyncset.done $0x0  }
0x100: {  	[sflag:s20] =	ssyncadd.s32 $0xFFFFF830  }
0x101: {  	_ =	swait.ge [sflag:s9], $0x7D  }
0x102: {  	[sflag:s9] =	ssyncset.done $0x0  }
0x103: {  	s17 =	simm.s32 $0x86B0;
	s10 =	simm.s32 $0x2C10;
	[sflag:s9] =	ssyncadd.s32 $0xFFFFFF83  }
0x104: {  	[tilespmem:s17], [sflag:$0x3] =	stream.indirect.gather [hbm4b:s6+s28], $0x10, s10, s28, $0xb8;
	[tilespmem:$0xE308] =	vst v63  }
0x105: {  	_ =	swait.ge [sflag:s16], $0x7D0  }
0x106: {  	[sflag:s16] =	ssyncset.done $0x0  }
0x107: {  	s12 =	simm.s32 $0x9650;
	s17 =	simm.s32 $0x5110;
	[sflag:s16] =	ssyncadd.s32 $0xFFFFF830  }
0x108: {  	[spmem:s3] =	stream.indirect.scatter.add.f32 [tilespmem:s12], [sflag:$0xD], $0x10, s17, s28, $0xb8;
	[tilespmem:$0xE308] =	vst v63  }
0x109: {  	_ = 	snop  }
0x10a: {  	[spmem:s4] =	stream.indirect.scatter.add.f32 [tilespmem:s26], [sflag:$0x15], $0x1, s17, s28, $0xb8;
	[tilespmem:$0xE308] =	vst v63  }
0x10b: {  	_ =	swait.ge [sflag:s19], $0x7D0  }
0x10c: {  	[sflag:s19] =	ssyncset.done $0x0  }
0x10d: {  	[sflag:s19] =	ssyncadd.s32 $0xFFFFF830  }
0x10e: {  	_ =	swait.ge [sflag:s23], $0x7D  }
0x10f: {  	[sflag:s23] =	ssyncset.done $0x0  }
0x110: {  	s21 =	simm.s32 $0x2C90;
	s10 =	simm.s32 $0x8E80;
	[sflag:s23] =	ssyncadd.s32 $0xFFFFFF83  }
0x111: {  	[tilespmem:s10], [sflag:$0x4] =	stream.indirect.gather [hbm4b:s6+s28], $0x10, s21, s28, $0xb8;
	[tilespmem:$0xE308] =	vst v63  }
0x112: {  	_ =	swait.ge [sflag:s11], $0x7D0  }
0x113: {  	[sflag:s11] =	ssyncset.done $0x0  }
0x114: {  	s25 =	simm.s32 $0x5190;
	[sflag:s11] =	ssyncadd.s32 $0xFFFFF830  }
0x115: {  	[spmem:s3] =	stream.indirect.scatter.add.f32 [tilespmem:s15], [sflag:$0xE], $0x10, s25, s28, $0xb8;
	[tilespmem:$0xE308] =	vst v63  }
0x116: {  	_ = 	snop  }
0x117: {  	[spmem:s4] =	stream.indirect.scatter.add.f32 [tilespmem:s26], [sflag:$0x16], $0x1, s25, s28, $0xb8;
	[tilespmem:$0xE308] =	vst v63  }
0x118: {  	_ =	swait.ge [sflag:s13], $0x7D0  }
0x119: {  	[sflag:s13] =	ssyncset.done $0x0  }
0x11a: {  	[sflag:s13] =	ssyncadd.s32 $0xFFFFF830  }
0x11b: {  	_ =	swait.ge [sflag:s14], $0x7D  }
0x11c: {  	[sflag:s14] =	ssyncset.done $0x0  }
0x11d: {  	s15 =	simm.s32 $0x2D10;
	[sflag:s14] =	ssyncadd.s32 $0xFFFFFF83  }
0x11e: {  	[tilespmem:s12], [sflag:$0x5] =	stream.indirect.gather [hbm4b:s6+s28], $0x10, s15, s28, $0xb8;
	[tilespmem:$0xE308] =	vst v63  }
0x11f: {  	_ =	swait.ge [sflag:s5], $0x7D0  }
0x120: {  	[sflag:s5] =	ssyncset.done $0x0  }
0x121: {  	s21 =	simm.s32 $0x5210;
	s15 =	simm.s32 $0xA5F0;
	[sflag:s5] =	ssyncadd.s32 $0xFFFFF830  }
0x122: {  	[spmem:s3] =	stream.indirect.scatter.add.f32 [tilespmem:s15], [sflag:$0xF], $0x10, s21, s28, $0xb8;
	[tilespmem:$0xE308] =	vst v63  }
0x123: {  	_ = 	snop  }
0x124: {  	[spmem:s4] =	stream.indirect.scatter.add.f32 [tilespmem:s26], [sflag:$0x17], $0x1, s21, s28, $0xb8;
	[tilespmem:$0xE308] =	vst v63  }
0x125: {  	_ =	swait.ge [sflag:s22], $0x7D0  }
0x126: {  	[sflag:s22] =	ssyncset.done $0x0  }
0x127: {  	[sflag:s22] =	ssyncadd.s32 $0xFFFFF830  }
0x128: {  	_ =	swait.ge [sflag:s29], $0x7D  }
0x129: {  	[sflag:s29] =	ssyncset.done $0x0  }
0x12a: {  	s17 =	simm.s32 $0x9E20;
	s25 =	simm.s32 $0x2D90;
	[sflag:s29] =	ssyncadd.s32 $0xFFFFFF83  }
0x12b: {  	[tilespmem:s17], [sflag:$0x6] =	stream.indirect.gather [hbm4b:s6+s28], $0x10, s25, s28, $0xb8;
	[tilespmem:$0xE308] =	vst v63  }
0x12c: {  	_ =	swait.ge [sflag:s31], $0x7D0  }
0x12d: {  	[sflag:s31] =	ssyncset.done $0x0  }
0x12e: {  	s21 =	simm.s32 $0x5290;
	[sflag:s31] =	ssyncadd.s32 $0xFFFFF830  }
0x12f: {  	[spmem:s3] =	stream.indirect.scatter.add.f32 [tilespmem:s7], [sflag:$0x10], $0x10, s21, s28, $0xb8;
	[tilespmem:$0xE308] =	vst v63  }
0x130: {  	_ = 	snop  }
0x131: {  	[spmem:s4] =	stream.indirect.scatter.add.f32 [tilespmem:s26], [sflag:$0x18], $0x1, s21, s28, $0xb8;
	[tilespmem:$0xE308] =	vst v63  }
0x132: {  	_ =	swait.ge [sflag:s2], $0x7D0  }
0x133: {  	[sflag:s2] =	ssyncset.done $0x0  }
0x134: {  	[sflag:s2] =	ssyncadd.s32 $0xFFFFF830  }
0x135: {  	_ =	swait.ge [sflag:s24], $0x7D  }
0x136: {  	s1 =	simm.s32 $0x0;
	[sflag:s24] =	ssyncset.done $0x0  }
0x137: {  	s17 =	simm.s32 $0xADC0;
	s25 =	simm.s32 $0x2E10;
	[sflag:s24] =	ssyncadd.s32 $0xFFFFFF83  }
0x138: {  	[tilespmem:s15], [sflag:$0x7] =	stream.indirect.gather [hbm4b:s6+s28], $0x10, s25, s28, $0xb8;
	[tilespmem:$0xE308] =	vst v63  }
.LBB2_2:
0x139: {  	s15 =	simm.s32 $0x1  }
0x13a: {  	_ =	swait.ge [sflag:s15], $0x7D0  }
0x13b: {  	s7 =	sshra.s32 s1, $0x2;
	[sflag:s15] =	ssyncset.done $0x0  }
0x13c: {  	s25 =	sadd.s32 $0x5310, s7;
	[sflag:s15] =	ssyncadd.s32 $0xFFFFF830  }
0x13d: {  	[spmem:s3] =	stream.indirect.scatter.add.f32 [tilespmem:s8], [sflag:$0x9], $0x10, s25, s28, $0xb8;
	[tilespmem:$0xE308] =	vst v63  }
0x13e: {  	_ = 	snop  }
0x13f: {  	[spmem:s4] =	stream.indirect.scatter.add.f32 [tilespmem:s26], [sflag:$0x11], $0x1, s25, s28, $0xb8;
	[tilespmem:$0xE308] =	vst v63  }
0x140: {  	_ =	swait.ge [sflag:s30], $0x7D0  }
0x141: {  	[sflag:s30] =	ssyncset.done $0x0  }
0x142: {  	[sflag:s30] =	ssyncadd.s32 $0xFFFFF830  }
0x143: {  	_ =	swait.ge [sflag:s0], $0x7D  }
0x144: {  	p1 =	seq.s32 s1, $0x8000;
	s21 =	sadd.s32 $0x2E90, s7;
	[sflag:s0] =	ssyncset.done $0x0  }
.Ltmp2:
0x145: {  	s25 =	simm.s32 $0x2;
	[sflag:s0] =	ssyncadd.s32 $0xFFFFFF83;
	(pc) =	sbr.rel @p1 .LBB2_4-.Ltmp2, $4  }
0x146: {  	[tilespmem:s17], [sflag:$0x8] =	stream.indirect.gather [hbm4b:s6+s28], $0x10, s21, s28, $0xb8;
	[tilespmem:$0xE308] =	vst v63  }
0x147: {  	_ =	swait.ge [sflag:s25], $0x7D0  }
0x148: {  	[sflag:s25] =	ssyncset.done $0x0  }
0x149: {  	[sflag:s25] =	ssyncadd.s32 $0xFFFFF830  }
0x14a: {  	s25 =	sadd.s32 $0x5390, s7;
	s10 =	simm.s32 $0x7EE0  }
0x14b: {  	[spmem:s3] =	stream.indirect.scatter.add.f32 [tilespmem:s10], [sflag:$0xA], $0x10, s25, s28, $0xb8;
	[tilespmem:$0xE308] =	vst v63  }
0x14c: {  	s12 =	simm.s32 $0x9  }
0x14d: {  	[spmem:s4] =	stream.indirect.scatter.add.f32 [tilespmem:s26], [sflag:$0x12], $0x1, s25, s28, $0xb8;
	[tilespmem:$0xE308] =	vst v63  }
0x14e: {  	_ =	swait.ge [sflag:s12], $0x7D0  }
0x14f: {  	[sflag:s12] =	ssyncset.done $0x0  }
0x150: {  	s25 =	simm.s32 $0x11;
	[sflag:s12] =	ssyncadd.s32 $0xFFFFF830  }
0x151: {  	_ =	swait.ge [sflag:s25], $0x7D  }
0x152: {  	[sflag:s25] =	ssyncset.done $0x0  }
0x153: {  	s15 =	simm.s32 $0x3;
	s12 =	sadd.s32 $0x2F10, s7;
	[sflag:s25] =	ssyncadd.s32 $0xFFFFFF83  }
0x154: {  	[tilespmem:s8], [sflag:$0x1] =	stream.indirect.gather [hbm4b:s6+s28], $0x10, s12, s28, $0xb8;
	[tilespmem:$0xE308] =	vst v63  }
0x155: {  	_ =	swait.ge [sflag:s15], $0x7D0  }
0x156: {  	[sflag:s15] =	ssyncset.done $0x0  }
0x157: {  	s21 =	sadd.s32 $0x5410, s7;
	s12 =	simm.s32 $0x86B0;
	[sflag:s15] =	ssyncadd.s32 $0xFFFFF830  }
0x158: {  	[spmem:s3] =	stream.indirect.scatter.add.f32 [tilespmem:s12], [sflag:$0xB], $0x10, s21, s28, $0xb8;
	[tilespmem:$0xE308] =	vst v63  }
0x159: {  	s15 =	simm.s32 $0xA  }
0x15a: {  	[spmem:s4] =	stream.indirect.scatter.add.f32 [tilespmem:s26], [sflag:$0x13], $0x1, s21, s28, $0xb8;
	[tilespmem:$0xE308] =	vst v63  }
0x15b: {  	_ =	swait.ge [sflag:s15], $0x7D0  }
0x15c: {  	[sflag:s15] =	ssyncset.done $0x0  }
0x15d: {  	s25 =	simm.s32 $0x12;
	[sflag:s15] =	ssyncadd.s32 $0xFFFFF830  }
0x15e: {  	_ =	swait.ge [sflag:s25], $0x7D  }
0x15f: {  	[sflag:s25] =	ssyncset.done $0x0  }
0x160: {  	s15 =	sadd.s32 $0x2F90, s7;
	[sflag:s25] =	ssyncadd.s32 $0xFFFFFF83  }
0x161: {  	[tilespmem:s10], [sflag:$0x2] =	stream.indirect.gather [hbm4b:s6+s28], $0x10, s15, s28, $0xb8;
	[tilespmem:$0xE308] =	vst v63  }
0x162: {  	_ =	swait.ge [sflag:s18], $0x7D0  }
0x163: {  	[sflag:s18] =	ssyncset.done $0x0  }
0x164: {  	s21 =	sadd.s32 $0x5490, s7;
	s10 =	simm.s32 $0x8E80;
	[sflag:s18] =	ssyncadd.s32 $0xFFFFF830  }
0x165: {  	[spmem:s3] =	stream.indirect.scatter.add.f32 [tilespmem:s10], [sflag:$0xC], $0x10, s21, s28, $0xb8;
	[tilespmem:$0xE308] =	vst v63  }
0x166: {  	_ = 	snop  }
0x167: {  	[spmem:s4] =	stream.indirect.scatter.add.f32 [tilespmem:s26], [sflag:$0x14], $0x1, s21, s28, $0xb8;
	[tilespmem:$0xE308] =	vst v63  }
0x168: {  	_ =	swait.ge [sflag:s20], $0x7D0  }
0x169: {  	[sflag:s20] =	ssyncset.done $0x0  }
0x16a: {  	[sflag:s20] =	ssyncadd.s32 $0xFFFFF830  }
0x16b: {  	_ =	swait.ge [sflag:s9], $0x7D  }
0x16c: {  	[sflag:s9] =	ssyncset.done $0x0  }
0x16d: {  	s15 =	sadd.s32 $0x3010, s7;
	[sflag:s9] =	ssyncadd.s32 $0xFFFFFF83  }
0x16e: {  	[tilespmem:s12], [sflag:$0x3] =	stream.indirect.gather [hbm4b:s6+s28], $0x10, s15, s28, $0xb8;
	[tilespmem:$0xE308] =	vst v63  }
0x16f: {  	_ =	swait.ge [sflag:s16], $0x7D0  }
0x170: {  	[sflag:s16] =	ssyncset.done $0x0  }
0x171: {  	s21 =	sadd.s32 $0x5510, s7;
	s12 =	simm.s32 $0x9650;
	[sflag:s16] =	ssyncadd.s32 $0xFFFFF830  }
0x172: {  	[spmem:s3] =	stream.indirect.scatter.add.f32 [tilespmem:s12], [sflag:$0xD], $0x10, s21, s28, $0xb8;
	[tilespmem:$0xE308] =	vst v63  }
0x173: {  	_ = 	snop  }
0x174: {  	[spmem:s4] =	stream.indirect.scatter.add.f32 [tilespmem:s26], [sflag:$0x15], $0x1, s21, s28, $0xb8;
	[tilespmem:$0xE308] =	vst v63  }
0x175: {  	_ =	swait.ge [sflag:s19], $0x7D0  }
0x176: {  	[sflag:s19] =	ssyncset.done $0x0  }
0x177: {  	[sflag:s19] =	ssyncadd.s32 $0xFFFFF830  }
0x178: {  	_ =	swait.ge [sflag:s23], $0x7D  }
0x179: {  	[sflag:s23] =	ssyncset.done $0x0  }
0x17a: {  	s15 =	sadd.s32 $0x3090, s7;
	[sflag:s23] =	ssyncadd.s32 $0xFFFFFF83  }
0x17b: {  	[tilespmem:s10], [sflag:$0x4] =	stream.indirect.gather [hbm4b:s6+s28], $0x10, s15, s28, $0xb8;
	[tilespmem:$0xE308] =	vst v63  }
0x17c: {  	_ =	swait.ge [sflag:s11], $0x7D0  }
0x17d: {  	[sflag:s11] =	ssyncset.done $0x0  }
0x17e: {  	s21 =	sadd.s32 $0x5590, s7;
	s15 =	simm.s32 $0x9E20;
	[sflag:s11] =	ssyncadd.s32 $0xFFFFF830  }
0x17f: {  	[spmem:s3] =	stream.indirect.scatter.add.f32 [tilespmem:s15], [sflag:$0xE], $0x10, s21, s28, $0xb8;
	[tilespmem:$0xE308] =	vst v63  }
0x180: {  	_ = 	snop  }
0x181: {  	[spmem:s4] =	stream.indirect.scatter.add.f32 [tilespmem:s26], [sflag:$0x16], $0x1, s21, s28, $0xb8;
	[tilespmem:$0xE308] =	vst v63  }
0x182: {  	_ =	swait.ge [sflag:s13], $0x7D0  }
0x183: {  	[sflag:s13] =	ssyncset.done $0x0  }
0x184: {  	[sflag:s13] =	ssyncadd.s32 $0xFFFFF830  }
0x185: {  	_ =	swait.ge [sflag:s14], $0x7D  }
0x186: {  	[sflag:s14] =	ssyncset.done $0x0  }
0x187: {  	s21 =	sadd.s32 $0x3110, s7;
	[sflag:s14] =	ssyncadd.s32 $0xFFFFFF83  }
0x188: {  	[tilespmem:s12], [sflag:$0x5] =	stream.indirect.gather [hbm4b:s6+s28], $0x10, s21, s28, $0xb8;
	[tilespmem:$0xE308] =	vst v63  }
0x189: {  	_ =	swait.ge [sflag:s5], $0x7D0  }
0x18a: {  	[sflag:s5] =	ssyncset.done $0x0  }
0x18b: {  	s25 =	sadd.s32 $0x5610, s7;
	s21 =	simm.s32 $0xA5F0;
	[sflag:s5] =	ssyncadd.s32 $0xFFFFF830  }
0x18c: {  	[spmem:s3] =	stream.indirect.scatter.add.f32 [tilespmem:s21], [sflag:$0xF], $0x10, s25, s28, $0xb8;
	[tilespmem:$0xE308] =	vst v63  }
0x18d: {  	_ = 	snop  }
0x18e: {  	[spmem:s4] =	stream.indirect.scatter.add.f32 [tilespmem:s26], [sflag:$0x17], $0x1, s25, s28, $0xb8;
	[tilespmem:$0xE308] =	vst v63  }
0x18f: {  	_ =	swait.ge [sflag:s22], $0x7D0  }
0x190: {  	[sflag:s22] =	ssyncset.done $0x0  }
0x191: {  	[sflag:s22] =	ssyncadd.s32 $0xFFFFF830  }
0x192: {  	_ =	swait.ge [sflag:s29], $0x7D  }
0x193: {  	[sflag:s29] =	ssyncset.done $0x0  }
0x194: {  	s25 =	sadd.s32 $0x3190, s7;
	[sflag:s29] =	ssyncadd.s32 $0xFFFFFF83  }
0x195: {  	[tilespmem:s15], [sflag:$0x6] =	stream.indirect.gather [hbm4b:s6+s28], $0x10, s25, s28, $0xb8;
	[tilespmem:$0xE308] =	vst v63  }
0x196: {  	_ =	swait.ge [sflag:s31], $0x7D0  }
0x197: {  	[sflag:s31] =	ssyncset.done $0x0  }
0x198: {  	s15 =	sadd.s32 $0x5690, s7;
	[sflag:s31] =	ssyncadd.s32 $0xFFFFF830  }
0x199: {  	[spmem:s3] =	stream.indirect.scatter.add.f32 [tilespmem:s17], [sflag:$0x10], $0x10, s15, s28, $0xb8;
	[tilespmem:$0xE308] =	vst v63  }
0x19a: {  	_ = 	snop  }
0x19b: {  	[spmem:s4] =	stream.indirect.scatter.add.f32 [tilespmem:s26], [sflag:$0x18], $0x1, s15, s28, $0xb8;
	[tilespmem:$0xE308] =	vst v63  }
0x19c: {  	_ =	swait.ge [sflag:s2], $0x7D0  }
0x19d: {  	[sflag:s2] =	ssyncset.done $0x0  }
.Ltmp3:
0x19e: {  	[sflag:s2] =	ssyncadd.s32 $0xFFFFF830;
	(pc) =	sbr.rel .LBB2_2-.Ltmp3, $4  }
0x19f: {  	_ =	swait.ge [sflag:s24], $0x7D  }
0x1a0: {  	[sflag:s24] =	ssyncset.done $0x0  }
0x1a1: {  	s1 =	sadd.s32 $0x1000, s1;
	s25 =	sadd.s32 $0x3210, s7;
	[sflag:s24] =	ssyncadd.s32 $0xFFFFFF83  }
0x1a2: {  	[tilespmem:s21], [sflag:$0x7] =	stream.indirect.gather [hbm4b:s6+s28], $0x10, s25, s28, $0xb8;
	[tilespmem:$0xE308] =	vst v63  }
.LBB2_5:
0x1a3: {  	_ =	sfence.sel $0x180000  }
0x1a4: {  	[bflag:$0x0] =	sbarrier.arrive $0xFFFF  }
0x1a5: {  	_ =	strace $0x90000047  }
0x1a6: {  	s0 =	stileid.u32;
	[bflag:$0x2] =	sbarrier.arrive $0xFFFF  }
0x1a7: {  	p0 =	sne.s32 s0, $0x0;
	s0 =	rddreg [dreg:$0x4]  }
0x1a8: {  	s0 =	sadd.s32 @!p0 $0x100000, s0  }
0x1a9: {  	[sflag:s0] =	ssyncadd.tile.s32 @!p0 $0x1;
	_ =	shalt  }
.Lfunc_end2:
_tile_overlayer_lowered:
.L_overlay_start_2:
0x1aa: {  	(tag) =	ssettag $0x2  }
0x1ab: {  	s0 =	rddreg [dreg:$0x0];
	s2 =	stileid.u32  }
0x1ac: {  	s1 =	rddreg [dreg:$0x1];
	p0 =	sne.s32 s2, $0x0  }
0x1ad: {  	s3 =	rddreg [dreg:$0x2];
	[bflag:$0x3] =	sbarrier.arrive $0xFFFF;
	s2 =	simm.s32 @!p0 $0x1C19  }
0x1ae: {  	[timem:s3], [sflag:s2] =	dma.local @!p0 [hbm:s0], s1  }
0x1af: {  	s0 =	simm.s32 @!p0 $0x19  }
0x1b0: {  	_ =	swait.ge @!p0 [sflag:s0], s1  }
0x1b1: {  	s1 =	ssub.s32 @!p0 $0x0, s1;
	[sflag:s0] =	ssyncset.done @!p0 $0x0  }
0x1b2: {  	[sflag:s0] =	ssyncadd.s32 @!p0 s1  }
0x1b3: {  	[bflag:$0x3] =	sbarrier.arrive $0xFFFF  }
0x1b4: {  	_ =	shalt  }

</sc_bundles>
